<compile_context>
chip_gen: v7x
topology: tpu7x:2x2x1
jax: 0.10.2.dev20260603
libtpu: 0.0.44.dev20260713+nightly
codegen_flags: <defaults>
</compile_context>

<pallas_src>
import functools

import jax
import jax.numpy as jnp
from jax import lax
from jax.experimental import pallas as pl
from jax.experimental.pallas import tpu as pltpu
from jax.experimental.pallas import tpu_sc as plsc

N = 10000
E = 320000
D_IN, D_HID, D_OUT = 128, 64, 32

NC, NS = 2, 16
NW = NC * NS
CHUNK = 128
CHUNKS = 80
EPT = CHUNKS * CHUNK
E_PAD = NW * EPT
NP = 10240
RPT = NP // NS
DEGC = 16


def _mesh():
    return plsc.VectorSubcoreMesh(
        core_axis_name="c", subcore_axis_name="s", num_cores=NC, num_subcores=NS
    )


def _make_deg():
    @functools.partial(
        pl.kernel,
        out_type=jax.ShapeDtypeStruct((NC, NP, DEGC), jnp.float32),
        mesh=_mesh(),
        compiler_params=pltpu.CompilerParams(use_tc_tiling_on_sc=False),
        scratch_types=[
            pltpu.VMEM((EPT,), jnp.int32),
            pltpu.VMEM((RPT, DEGC), jnp.float32),
            pltpu.VMEM((CHUNK, DEGC), jnp.float32),
            pltpu.VMEM_SHARED((NP, DEGC), jnp.float32),
        ],
    )
    def deg(dst_hbm, out_hbm, dst_v, obuf, ones_v, acc):
        c = lax.axis_index("c")
        s = lax.axis_index("s")
        wid = c * NS + s
        last = wid == NW - 1

        @pl.when(jnp.logical_not(last))
        def _():
            pltpu.sync_copy(dst_hbm.at[pl.ds(wid * EPT, EPT)], dst_v)

        @pl.when(last)
        def _():
            pltpu.sync_copy(dst_hbm.at[pl.ds(wid * EPT, LAST_EPT)],
                            dst_v.at[pl.ds(0, LAST_EPT)])

        nchunks = jnp.where(last, LAST_CHUNKS, CHUNKS)

        def fill_obuf(i, carry):
            obuf[i] = jnp.ones((DEGC,), jnp.float32)
            return carry

        lax.fori_loop(0, RPT, fill_obuf, 0)

        def fill_ones(i, carry):
            ones_v[i] = jnp.ones((DEGC,), jnp.float32)
            return carry

        lax.fori_loop(0, CHUNK, fill_ones, 0)

        r0 = s * RPT
        pltpu.sync_copy(obuf, acc.at[pl.ds(r0, RPT)])
        plsc.subcore_barrier()

        def body(j, carry):
            pltpu.sync_copy(
                ones_v, acc.at[dst_v.at[pl.ds(j * CHUNK, CHUNK)]], add=True)
            return carry

        lax.fori_loop(0, nchunks, body, 0)
        plsc.subcore_barrier()
        pltpu.sync_copy(acc.at[pl.ds(r0, RPT)], obuf)
        pltpu.sync_copy(obuf, out_hbm.at[c, pl.ds(r0, RPT)])

    return deg


NBUF = 4
RING_STEPS = CHUNKS // NBUF
LAST_EPT = E - (NW - 1) * EPT
LAST_CHUNKS = LAST_EPT // CHUNK
LAST_STEPS = LAST_CHUNKS // NBUF


def _make_agg(D):
    @functools.partial(
        pl.kernel,
        out_type=jax.ShapeDtypeStruct((NC, NP, D), jnp.float32),
        mesh=_mesh(),
        compiler_params=pltpu.CompilerParams(use_tc_tiling_on_sc=False),
        scratch_types=[
            pltpu.VMEM((EPT,), jnp.int32),
            pltpu.VMEM((EPT,), jnp.int32),
            pltpu.VMEM((NBUF, CHUNK, D), jnp.float32),
            pltpu.VMEM_SHARED((NP, D), jnp.float32),
            pltpu.SemaphoreType.DMA((NBUF,)),
            pltpu.SemaphoreType.DMA((NBUF,)),
        ],
    )
    def agg(src_hbm, dst_hbm, table_hbm, out_hbm, src_v, dst_v, gbuf,
            acc, gsem, ssem):
        c = lax.axis_index("c")
        s = lax.axis_index("s")
        wid = c * NS + s
        last = wid == NW - 1

        @pl.when(jnp.logical_not(last))
        def _():
            pltpu.sync_copy(src_hbm.at[pl.ds(wid * EPT, EPT)], src_v)
            pltpu.sync_copy(dst_hbm.at[pl.ds(wid * EPT, EPT)], dst_v)

        @pl.when(last)
        def _():
            pltpu.sync_copy(src_hbm.at[pl.ds(wid * EPT, LAST_EPT)],
                            src_v.at[pl.ds(0, LAST_EPT)])
            pltpu.sync_copy(dst_hbm.at[pl.ds(wid * EPT, LAST_EPT)],
                            dst_v.at[pl.ds(0, LAST_EPT)])

        steps = jnp.where(last, LAST_STEPS, RING_STEPS)

        def g_start(j, b):
            pltpu.async_copy(table_hbm.at[src_v.at[pl.ds(j * CHUNK, CHUNK)]],
                             gbuf.at[b], gsem.at[b])

        def g_wait(j, b):
            pltpu.make_async_copy(
                table_hbm.at[src_v.at[pl.ds(j * CHUNK, CHUNK)]],
                gbuf.at[b], gsem.at[b]).wait()

        def s_start(j, b):
            pltpu.async_copy(gbuf.at[b],
                             acc.at[dst_v.at[pl.ds(j * CHUNK, CHUNK)]],
                             ssem.at[b], add=True)

        def s_wait(j, b):
            pltpu.make_async_copy(
                gbuf.at[b], acc.at[dst_v.at[pl.ds(j * CHUNK, CHUNK)]],
                ssem.at[b]).wait()

        g_start(0, 0)
        r0 = s * RPT
        pltpu.sync_copy(table_hbm.at[pl.ds(r0, RPT)], acc.at[pl.ds(r0, RPT)])
        plsc.subcore_barrier()

        def body(g, carry):
            j0 = g * NBUF
            for b in range(NBUF):
                j = j0 + b
                nb = (b + 1) % NBUF
                g_wait(j, b)
                if b == NBUF - 1:
                    s_wait(j - (NBUF - 1), nb)
                else:
                    @pl.when(g > 0)
                    def _():
                        s_wait(j - (NBUF - 1), nb)
                s_start(j, b)
                if b == NBUF - 1:
                    @pl.when(g < steps - 1)
                    def _():
                        g_start(j + 1, nb)
                else:
                    g_start(j + 1, nb)
            return carry

        lax.fori_loop(0, steps, body, 0)
        for b in range(1, NBUF):
            s_wait(0, b)
        plsc.subcore_barrier()
        pltpu.sync_copy(acc.at[pl.ds(r0, RPT)], out_hbm.at[c, pl.ds(r0, RPT)])

    return agg


@functools.lru_cache(maxsize=None)
def _get_deg():
    return _make_deg()


@functools.lru_cache(maxsize=None)
def _get_agg(D):
    return _make_agg(D)


def _tcmm_body(x_ref, w_ref, y_ref):
    y_ref[0:N, :] = jnp.dot(x_ref[...], w_ref[...],
                            preferred_element_type=jnp.float32)
    y_ref[N:NP, :] = jnp.zeros((NP - N, D_HID), jnp.float32)


def _tcmm(x, W1):
    return pl.pallas_call(
        _tcmm_body,
        out_shape=jax.ShapeDtypeStruct((NP, D_HID), jnp.float32),
    )(x, W1)


def _tcscale_body(y_ref, d0_ref, d1_ref, dinv_ref, ht_ref):
    deg = d0_ref[:, 0:1] + d1_ref[:, 0:1] - 1.0
    dinv = lax.rsqrt(deg)
    dinv_ref[...] = dinv
    ht_ref[...] = dinv * y_ref[...]


def _tcscale(y, d):
    return pl.pallas_call(
        _tcscale_body,
        out_shape=[
            jax.ShapeDtypeStruct((NP, 1), jnp.float32),
            jax.ShapeDtypeStruct((NP, D_HID), jnp.float32),
        ],
    )(y, d[0], d[1])


def _comb_body(p_ref, ht_ref, dinv_ref, b_ref, w_ref, out_ref):
    dinv = dinv_ref[...]
    t = p_ref[0] + p_ref[1] - ht_ref[...]
    h = jnp.maximum(dinv * t + b_ref[...], 0.0)
    out_ref[...] = dinv * jnp.dot(
        h, w_ref[...], preferred_element_type=jnp.float32
    )


def _comb(p, ht, dinv, b, W, D_next):
    return pl.pallas_call(
        _comb_body,
        out_shape=jax.ShapeDtypeStruct((NP, D_next), jnp.float32),
    )(p, ht, dinv, b, W)


def _final_body(p_ref, ht_ref, dinv_ref, b_ref, out_ref):
    dinv = dinv_ref[...]
    t = p_ref[0] + p_ref[1] - ht_ref[...]
    h = jnp.maximum(dinv * t + b_ref[...], 0.0)
    out_ref[...] = jnp.sum(h[0:N], axis=0, keepdims=True) * (1.0 / N)


def _final(p, ht, dinv, b):
    return pl.pallas_call(
        _final_body,
        out_shape=jax.ShapeDtypeStruct((1, D_OUT), jnp.float32),
    )(p, ht, dinv, b)


def kernel(x, edge_index, last_rej_rate, W1, b1, W2, b2, W3, b3):
    srcp = edge_index[0]
    dstp = edge_index[1]
    d = _get_deg()(dstp)
    y1 = _tcmm(x, W1)
    dinv, ht1 = _tcscale(y1, d)
    p1 = _get_agg(D_HID)(srcp, dstp, ht1)
    ht2 = _comb(p1, ht1, dinv, b1.reshape(1, -1), W2, D_HID)
    p2 = _get_agg(D_HID)(srcp, dstp, ht2)
    ht3 = _comb(p2, ht2, dinv, b2.reshape(1, -1), W3, D_OUT)
    p3 = _get_agg(D_OUT)(srcp, dstp, ht3)
    pooled = _final(p3, ht3, dinv, b3.reshape(1, -1))
    rej = jnp.reshape(last_rej_rate, (1, 1)).astype(jnp.float32)
    return jnp.concatenate([pooled, rej], axis=-1)

# --- scband reference (transcript-rebuilt; emitter-appended) ---
"""Pipeline reference for scband-gnn-encoder-21715354648908 (READ-ONLY COPY).

The authoritative reference and input builder live on the scoring server;
editing this copy changes nothing except your own understanding.
"""

import jax, jax.numpy as jnp
import numpy as np

N = 10000
E = 320000
D_IN = 128
D_HID = 64
D_OUT = 32


def setup_inputs(seed: int = 0) -> dict:
    key = jax.random.key(seed)
    ks = jax.random.split(key, 9)
    x = jax.random.normal(ks[0], (N, D_IN), dtype=jnp.float32)
    edge_index = jax.random.randint(ks[1], (2, E), 0, N, dtype=jnp.int32)
    last_rej_rate = jax.random.uniform(ks[2], (), dtype=jnp.float32)
    W1 = jax.random.normal(ks[3], (D_IN, D_HID), dtype=jnp.float32) * (1.0 / np.sqrt(D_IN))
    b1 = jnp.zeros((D_HID,), dtype=jnp.float32)
    W2 = jax.random.normal(ks[4], (D_HID, D_HID), dtype=jnp.float32) * (1.0 / np.sqrt(D_HID))
    b2 = jnp.zeros((D_HID,), dtype=jnp.float32)
    W3 = jax.random.normal(ks[5], (D_HID, D_OUT), dtype=jnp.float32) * (1.0 / np.sqrt(D_HID))
    b3 = jnp.zeros((D_OUT,), dtype=jnp.float32)
    return {"x": x, "edge_index": edge_index, "last_rej_rate": last_rej_rate,
            "W1": W1, "b1": b1, "W2": W2, "b2": b2, "W3": W3, "b3": b3}


def _gcn_layer(h, W, b, src, dst, norm):
    h = h @ W
    msgs = h[src] * norm[:, None]
    out = jax.ops.segment_sum(msgs, dst, num_segments=N)
    return out + b


def reference(x, edge_index, last_rej_rate, W1, b1, W2, b2, W3, b3):
    # GCNConv semantics (PyG): add self-loops, symmetric D^-1/2 (A+I) D^-1/2 normalization
    loop = jnp.arange(N, dtype=edge_index.dtype)
    src = jnp.concatenate([edge_index[0], loop])
    dst = jnp.concatenate([edge_index[1], loop])
    deg = jax.ops.segment_sum(jnp.ones_like(src, dtype=jnp.float32), dst, num_segments=N)
    deg_inv_sqrt = jnp.where(deg > 0, 1.0 / jnp.sqrt(deg), 0.0)
    norm = deg_inv_sqrt[src] * deg_inv_sqrt[dst]

    h = jax.nn.relu(_gcn_layer(x, W1, b1, src, dst, norm))
    h = jax.nn.relu(_gcn_layer(h, W2, b2, src, dst, norm))
    h = jax.nn.relu(_gcn_layer(h, W3, b3, src, dst, norm))

    # global_mean_pool with a single graph (batch vector of zeros) -> [1, D_OUT]
    pooled = jnp.mean(h, axis=0, keepdims=True)
    rej = jnp.broadcast_to(jnp.reshape(last_rej_rate, (1, 1)), (pooled.shape[0], 1)).astype(jnp.float32)
    out = jnp.concatenate([pooled, rej], axis=-1)
    return out

if __name__ == "__main__":
    import jax
    _d = setup_inputs()
    print(jax.jit(kernel)(*tuple(_d.values())))

</pallas_src>

<mosaic_0001>
#map = affine_map<(d0, d1) -> (0)>
#map1 = affine_map<(d0, d1) -> (0, 0)>
#map2 = affine_map<(d0, d1) -> (0, 0, 0)>
module attributes {stable_mosaic.version = 14 : i64} {
  func.func @agg(%arg0: i32, %arg1: i32, %arg2: memref<320000xi32, #tpu.memory_space<hbm>>, %arg3: memref<320000xi32, #tpu.memory_space<hbm>>, %arg4: memref<10240x32xf32, #tpu.memory_space<hbm>>, %arg5: memref<2x10240x32xf32, #tpu.memory_space<hbm>>, %arg6: memref<10240xi32, #tpu.memory_space<vmem>>, %arg7: memref<10240xi32, #tpu.memory_space<vmem>>, %arg8: memref<4x128x32xf32, #tpu.memory_space<vmem>>, %arg9: memref<10240x32xf32, #tpu.memory_space<vmem_shared>>, %arg10: memref<4x!tpu.dma_semaphore, #tpu.memory_space<semaphore_mem>>, %arg11: memref<4x!tpu.dma_semaphore, #tpu.memory_space<semaphore_mem>>) attributes {dimension_semantics = [#tpu.dimension_semantics<core_parallel>, #tpu.dimension_semantics<subcore_parallel>], iteration_bounds = array<i64: 2, 16>, scalar_prefetch = 0 : i64, scratch_operands = 6 : i64, tpu.core_type = #tpu.core_type<sc_vector_subcore>, window_params = [{transform_indices = #map}, {transform_indices = #map}, {transform_indices = #map1}, {transform_indices = #map2}]} {
    %mul3A = arith.constant 16 : i32
    %mul3A_0 = arith.muli %arg0, %mul3A : i32
    %add3A = arith.addi %mul3A_0, %arg1 : i32
    %eq3A = arith.constant 31 : i32
    %eq3A_1 = arith.cmpi eq, %add3A, %eq3A : i32
    %not3A = arith.constant true
    %not3A_2 = arith.xori %eq3A_1, %not3A : i1
    %convert_element_type3A = arith.extui %not3A_2 : i1 to i32
    %cond3A = arith.constant 0 : i32
    %cond3A_3 = arith.cmpi ne, %convert_element_type3A, %cond3A : i32
    scf.if %cond3A_3 {
      %mul3A_70 = arith.constant 10240 : i32
      %mul3A_71 = arith.muli %add3A, %mul3A_70 : i32
      "tpu.region"() ({
        %run_scoped3A = tpu.sem_alloc : memref<!tpu.dma_semaphore, #tpu.memory_space<semaphore_mem>>
        %dma_start3A_74 = tpu.memref_slice %arg2[%mul3A_71] : memref<320000xi32, #tpu.memory_space<hbm>> -> memref<10240xi32, #tpu.memory_space<hbm>>
        %dma_start3A_75 = tpu.memref_slice %arg2[%mul3A_71] : memref<320000xi32, #tpu.memory_space<hbm>> -> memref<10240xi32, #tpu.memory_space<hbm>>
        tpu.enqueue_dma source(%dma_start3A_75 : memref<10240xi32, #tpu.memory_space<hbm>>) target(%arg6 : memref<10240xi32, #tpu.memory_space<vmem>>) target_semaphore(%run_scoped3A : memref<!tpu.dma_semaphore, #tpu.memory_space<semaphore_mem>>)
        %dma_wait3A_76 = tpu.memref_slice %arg2[%mul3A_71] : memref<320000xi32, #tpu.memory_space<hbm>> -> memref<10240xi32, #tpu.memory_space<hbm>>
        %dma_wait3A_77 = tpu.memref_slice %arg2[%mul3A_71] : memref<320000xi32, #tpu.memory_space<hbm>> -> memref<10240xi32, #tpu.memory_space<hbm>>
        tpu.wait_dma2 semaphore(%run_scoped3A : memref<!tpu.dma_semaphore, #tpu.memory_space<semaphore_mem>>) src(%dma_wait3A_77 : memref<10240xi32, #tpu.memory_space<hbm>>) dst(%arg6 : memref<10240xi32, #tpu.memory_space<vmem>>)
        tpu.yield
      }) : () -> ()
      %mul3A_72 = arith.constant 10240 : i32
      %mul3A_73 = arith.muli %add3A, %mul3A_72 : i32
      "tpu.region"() ({
        %run_scoped3A = tpu.sem_alloc : memref<!tpu.dma_semaphore, #tpu.memory_space<semaphore_mem>>
        %dma_start3A_74 = tpu.memref_slice %arg3[%mul3A_73] : memref<320000xi32, #tpu.memory_space<hbm>> -> memref<10240xi32, #tpu.memory_space<hbm>>
        %dma_start3A_75 = tpu.memref_slice %arg3[%mul3A_73] : memref<320000xi32, #tpu.memory_space<hbm>> -> memref<10240xi32, #tpu.memory_space<hbm>>
        tpu.enqueue_dma source(%dma_start3A_75 : memref<10240xi32, #tpu.memory_space<hbm>>) target(%arg7 : memref<10240xi32, #tpu.memory_space<vmem>>) target_semaphore(%run_scoped3A : memref<!tpu.dma_semaphore, #tpu.memory_space<semaphore_mem>>)
        %dma_wait3A_76 = tpu.memref_slice %arg3[%mul3A_73] : memref<320000xi32, #tpu.memory_space<hbm>> -> memref<10240xi32, #tpu.memory_space<hbm>>
        %dma_wait3A_77 = tpu.memref_slice %arg3[%mul3A_73] : memref<320000xi32, #tpu.memory_space<hbm>> -> memref<10240xi32, #tpu.memory_space<hbm>>
        tpu.wait_dma2 semaphore(%run_scoped3A : memref<!tpu.dma_semaphore, #tpu.memory_space<semaphore_mem>>) src(%dma_wait3A_77 : memref<10240xi32, #tpu.memory_space<hbm>>) dst(%arg7 : memref<10240xi32, #tpu.memory_space<vmem>>)
        tpu.yield
      }) : () -> ()
    } else {
    }
    %convert_element_type3A_4 = arith.extui %eq3A_1 : i1 to i32
    %cond3A_5 = arith.constant 0 : i32
    %cond3A_6 = arith.cmpi ne, %convert_element_type3A_4, %cond3A_5 : i32
    scf.if %cond3A_6 {
      %mul3A_70 = arith.constant 10240 : i32
      %mul3A_71 = arith.muli %add3A, %mul3A_70 : i32
      "tpu.region"() ({
        %run_scoped3A = tpu.sem_alloc : memref<!tpu.dma_semaphore, #tpu.memory_space<semaphore_mem>>
        %dma_start3A_74 = arith.constant 0 : i32
        %dma_start3A_75 = tpu.memref_slice %arg6[%dma_start3A_74] : memref<10240xi32, #tpu.memory_space<vmem>> -> memref<2560xi32, #tpu.memory_space<vmem>>
        %dma_start3A_76 = tpu.memref_slice %arg2[%mul3A_71] : memref<320000xi32, #tpu.memory_space<hbm>> -> memref<2560xi32, #tpu.memory_space<hbm>>
        %dma_start3A_77 = arith.constant 0 : i32
        %dma_start3A_78 = tpu.memref_slice %arg6[%dma_start3A_77] : memref<10240xi32, #tpu.memory_space<vmem>> -> memref<2560xi32, #tpu.memory_space<vmem>>
        %dma_start3A_79 = tpu.memref_slice %arg2[%mul3A_71] : memref<320000xi32, #tpu.memory_space<hbm>> -> memref<2560xi32, #tpu.memory_space<hbm>>
        tpu.enqueue_dma source(%dma_start3A_79 : memref<2560xi32, #tpu.memory_space<hbm>>) target(%dma_start3A_78 : memref<2560xi32, #tpu.memory_space<vmem>>) target_semaphore(%run_scoped3A : memref<!tpu.dma_semaphore, #tpu.memory_space<semaphore_mem>>)
        %dma_wait3A_80 = arith.constant 0 : i32
        %dma_wait3A_81 = tpu.memref_slice %arg6[%dma_wait3A_80] : memref<10240xi32, #tpu.memory_space<vmem>> -> memref<2560xi32, #tpu.memory_space<vmem>>
        %dma_wait3A_82 = tpu.memref_slice %arg2[%mul3A_71] : memref<320000xi32, #tpu.memory_space<hbm>> -> memref<2560xi32, #tpu.memory_space<hbm>>
        %dma_wait3A_83 = arith.constant 0 : i32
        %dma_wait3A_84 = tpu.memref_slice %arg6[%dma_wait3A_83] : memref<10240xi32, #tpu.memory_space<vmem>> -> memref<2560xi32, #tpu.memory_space<vmem>>
        %dma_wait3A_85 = tpu.memref_slice %arg2[%mul3A_71] : memref<320000xi32, #tpu.memory_space<hbm>> -> memref<2560xi32, #tpu.memory_space<hbm>>
        tpu.wait_dma2 semaphore(%run_scoped3A : memref<!tpu.dma_semaphore, #tpu.memory_space<semaphore_mem>>) src(%dma_wait3A_85 : memref<2560xi32, #tpu.memory_space<hbm>>) dst(%dma_wait3A_84 : memref<2560xi32, #tpu.memory_space<vmem>>)
        tpu.yield
      }) : () -> ()
      %mul3A_72 = arith.constant 10240 : i32
      %mul3A_73 = arith.muli %add3A, %mul3A_72 : i32
      "tpu.region"() ({
        %run_scoped3A = tpu.sem_alloc : memref<!tpu.dma_semaphore, #tpu.memory_space<semaphore_mem>>
        %dma_start3A_74 = arith.constant 0 : i32
        %dma_start3A_75 = tpu.memref_slice %arg7[%dma_start3A_74] : memref<10240xi32, #tpu.memory_space<vmem>> -> memref<2560xi32, #tpu.memory_space<vmem>>
        %dma_start3A_76 = tpu.memref_slice %arg3[%mul3A_73] : memref<320000xi32, #tpu.memory_space<hbm>> -> memref<2560xi32, #tpu.memory_space<hbm>>
        %dma_start3A_77 = arith.constant 0 : i32
        %dma_start3A_78 = tpu.memref_slice %arg7[%dma_start3A_77] : memref<10240xi32, #tpu.memory_space<vmem>> -> memref<2560xi32, #tpu.memory_space<vmem>>
        %dma_start3A_79 = tpu.memref_slice %arg3[%mul3A_73] : memref<320000xi32, #tpu.memory_space<hbm>> -> memref<2560xi32, #tpu.memory_space<hbm>>
        tpu.enqueue_dma source(%dma_start3A_79 : memref<2560xi32, #tpu.memory_space<hbm>>) target(%dma_start3A_78 : memref<2560xi32, #tpu.memory_space<vmem>>) target_semaphore(%run_scoped3A : memref<!tpu.dma_semaphore, #tpu.memory_space<semaphore_mem>>)
        %dma_wait3A_80 = arith.constant 0 : i32
        %dma_wait3A_81 = tpu.memref_slice %arg7[%dma_wait3A_80] : memref<10240xi32, #tpu.memory_space<vmem>> -> memref<2560xi32, #tpu.memory_space<vmem>>
        %dma_wait3A_82 = tpu.memref_slice %arg3[%mul3A_73] : memref<320000xi32, #tpu.memory_space<hbm>> -> memref<2560xi32, #tpu.memory_space<hbm>>
        %dma_wait3A_83 = arith.constant 0 : i32
        %dma_wait3A_84 = tpu.memref_slice %arg7[%dma_wait3A_83] : memref<10240xi32, #tpu.memory_space<vmem>> -> memref<2560xi32, #tpu.memory_space<vmem>>
        %dma_wait3A_85 = tpu.memref_slice %arg3[%mul3A_73] : memref<320000xi32, #tpu.memory_space<hbm>> -> memref<2560xi32, #tpu.memory_space<hbm>>
        tpu.wait_dma2 semaphore(%run_scoped3A : memref<!tpu.dma_semaphore, #tpu.memory_space<semaphore_mem>>) src(%dma_wait3A_85 : memref<2560xi32, #tpu.memory_space<hbm>>) dst(%dma_wait3A_84 : memref<2560xi32, #tpu.memory_space<vmem>>)
        tpu.yield
      }) : () -> ()
    } else {
    }
    %jit3A = arith.constant 5 : i32
    %jit3A_7 = arith.constant 20 : i32
    %select_n3A = arith.select %eq3A_1, %jit3A, %jit3A_7 : i32
    %dma_start3A = arith.constant 0 : i32
    %dma_start3A_8 = arith.constant 0 : i32
    %dma_start3A_9 = arith.constant 0 : i32
    %dma_start3A_10 = arith.constant 0 : i32
    %dma_start3A_11 = tpu.memref_slice %arg8[%dma_start3A, %dma_start3A_9, %dma_start3A_10] : memref<4x128x32xf32, #tpu.memory_space<vmem>> -> memref<1x128x32xf32, #tpu.memory_space<vmem>>
    %dma_start3A_12 = tpu.memref_squeeze %dma_start3A_11 : memref<1x128x32xf32, #tpu.memory_space<vmem>> -> memref<128x32xf32, #tpu.memory_space<vmem>>
    %dma_start3A_13 = arith.constant 0 : i32
    %dma_start3A_14 = tpu.memref_slice %arg6[%dma_start3A_13] : memref<10240xi32, #tpu.memory_space<vmem>> -> memref<128xi32, #tpu.memory_space<vmem>>
    %dma_start3A_15 = arith.constant 0 : i32
    %dma_start3A_16 = arith.constant 0 : i32
    %dma_start3A_17 = tpu.memref_slice %arg4[%dma_start3A_15, %dma_start3A_16] : memref<10240x32xf32, #tpu.memory_space<hbm>> -> memref<10240x32xf32, #tpu.memory_space<hbm>>
    %dma_start3A_18 = tpu.memref_slice %arg10[%dma_start3A_8] : memref<4x!tpu.dma_semaphore, #tpu.memory_space<semaphore_mem>> -> memref<1x!tpu.dma_semaphore, #tpu.memory_space<semaphore_mem>>
    %dma_start3A_19 = tpu.memref_squeeze %dma_start3A_18 : memref<1x!tpu.dma_semaphore, #tpu.memory_space<semaphore_mem>> -> memref<!tpu.dma_semaphore, #tpu.memory_space<semaphore_mem>>
    tpu.enqueue_indirect_dma source(%dma_start3A_17 : memref<10240x32xf32, #tpu.memory_space<hbm>>) target(%dma_start3A_12 : memref<128x32xf32, #tpu.memory_space<vmem>>) offsets(%dma_start3A_14 : memref<128xi32, #tpu.memory_space<vmem>>) semaphore(%dma_start3A_19 : memref<!tpu.dma_semaphore, #tpu.memory_space<semaphore_mem>>)
    %mul3A_20 = arith.constant 640 : i32
    %mul3A_21 = arith.muli %arg1, %mul3A_20 : i32
    "tpu.region"() ({
      %run_scoped3A = tpu.sem_alloc : memref<!tpu.dma_semaphore, #tpu.memory_space<semaphore_mem>>
      %dma_start3A_70 = arith.constant 0 : i32
      %dma_start3A_71 = tpu.memref_slice %arg9[%mul3A_21, %dma_start3A_70] : memref<10240x32xf32, #tpu.memory_space<vmem_shared>> -> memref<640x32xf32, #tpu.memory_space<vmem_shared>>
      %dma_start3A_72 = arith.constant 0 : i32
      %dma_start3A_73 = tpu.memref_slice %arg4[%mul3A_21, %dma_start3A_72] : memref<10240x32xf32, #tpu.memory_space<hbm>> -> memref<640x32xf32, #tpu.memory_space<hbm>>
      tpu.enqueue_dma source(%dma_start3A_73 : memref<640x32xf32, #tpu.memory_space<hbm>>) target(%dma_start3A_71 : memref<640x32xf32, #tpu.memory_space<vmem_shared>>) target_semaphore(%run_scoped3A : memref<!tpu.dma_semaphore, #tpu.memory_space<semaphore_mem>>)
      %dma_wait3A_74 = arith.constant 0 : i32
      %dma_wait3A_75 = tpu.memref_slice %arg9[%mul3A_21, %dma_wait3A_74] : memref<10240x32xf32, #tpu.memory_space<vmem_shared>> -> memref<640x32xf32, #tpu.memory_space<vmem_shared>>
      %dma_wait3A_76 = arith.constant 0 : i32
      %dma_wait3A_77 = tpu.memref_slice %arg4[%mul3A_21, %dma_wait3A_76] : memref<10240x32xf32, #tpu.memory_space<hbm>> -> memref<640x32xf32, #tpu.memory_space<hbm>>
      tpu.wait_dma2 semaphore(%run_scoped3A : memref<!tpu.dma_semaphore, #tpu.memory_space<semaphore_mem>>) src(%dma_wait3A_77 : memref<640x32xf32, #tpu.memory_space<hbm>>) dst(%dma_wait3A_75 : memref<640x32xf32, #tpu.memory_space<vmem_shared>>)
      tpu.yield
    }) : () -> ()
    %barrier3A = arith.constant 0 : index
    tpu.barrier barrier_id(%barrier3A)
    %while3A = arith.constant 0 : i32
    %while3A_22 = arith.constant 0 : i32
    %while3A_23 = arith.subi %select_n3A, %while3A_22 : i32
    %while3A_24 = arith.addi %while3A_22, %while3A_23 : i32
    %while3A_25 = arith.constant 1 : i32
    %while3A_26 = arith.divsi %while3A_23, %while3A_25 : i32
    %while3A_27 = arith.muli %while3A_26, %while3A_25 : i32
    %while3A_28 = arith.addi %while3A_22, %while3A_27 : i32
    %while3A_29 = arith.constant 1 : i32
    scf.for %while3A_70 = %while3A_22 to %while3A_28 step %while3A_29  : i32 {
      %mul3A_71 = arith.constant 4 : i32
      %mul3A_72 = arith.muli %while3A_70, %mul3A_71 : i32
      %add3A_73 = arith.constant 0 : i32
      %add3A_74 = arith.addi %mul3A_72, %add3A_73 : i32
      %mul3A_75 = arith.constant 128 : i32
      %mul3A_76 = arith.muli %add3A_74, %mul3A_75 : i32
      %dma_wait3A_77 = arith.constant 0 : i32
      %dma_wait3A_78 = arith.constant 0 : i32
      %dma_wait3A_79 = arith.constant 0 : i32
      %dma_wait3A_80 = arith.constant 0 : i32
      %dma_wait3A_81 = tpu.memref_slice %arg8[%dma_wait3A_77, %dma_wait3A_79, %dma_wait3A_80] : memref<4x128x32xf32, #tpu.memory_space<vmem>> -> memref<1x128x32xf32, #tpu.memory_space<vmem>>
      %dma_wait3A_82 = tpu.memref_squeeze %dma_wait3A_81 : memref<1x128x32xf32, #tpu.memory_space<vmem>> -> memref<128x32xf32, #tpu.memory_space<vmem>>
      %dma_wait3A_83 = tpu.memref_slice %arg6[%mul3A_76] : memref<10240xi32, #tpu.memory_space<vmem>> -> memref<128xi32, #tpu.memory_space<vmem>>
      %dma_wait3A_84 = arith.constant 0 : i32
      %dma_wait3A_85 = arith.constant 0 : i32
      %dma_wait3A_86 = tpu.memref_slice %arg4[%dma_wait3A_84, %dma_wait3A_85] : memref<10240x32xf32, #tpu.memory_space<hbm>> -> memref<10240x32xf32, #tpu.memory_space<hbm>>
      %dma_wait3A_87 = tpu.memref_slice %arg10[%dma_wait3A_78] : memref<4x!tpu.dma_semaphore, #tpu.memory_space<semaphore_mem>> -> memref<1x!tpu.dma_semaphore, #tpu.memory_space<semaphore_mem>>
      %dma_wait3A_88 = tpu.memref_squeeze %dma_wait3A_87 : memref<1x!tpu.dma_semaphore, #tpu.memory_space<semaphore_mem>> -> memref<!tpu.dma_semaphore, #tpu.memory_space<semaphore_mem>>
      tpu.wait_indirect_dma semaphore(%dma_wait3A_88 : memref<!tpu.dma_semaphore, #tpu.memory_space<semaphore_mem>>) src(%dma_wait3A_86 : memref<10240x32xf32, #tpu.memory_space<hbm>>) dst(%dma_wait3A_82 : memref<128x32xf32, #tpu.memory_space<vmem>>)
      %gt3A = arith.constant 0 : i32
      %gt3A_89 = arith.cmpi sgt, %while3A_70, %gt3A : i32
      %convert_element_type3A_90 = arith.extui %gt3A_89 : i1 to i32
      %cond3A_91 = arith.constant 0 : i32
      %cond3A_92 = arith.cmpi ne, %convert_element_type3A_90, %cond3A_91 : i32
      scf.if %cond3A_92 {
        %sub3A_275 = arith.constant 3 : i32
        %sub3A_276 = arith.subi %add3A_74, %sub3A_275 : i32
        %mul3A_277 = arith.constant 128 : i32
        %mul3A_278 = arith.muli %sub3A_276, %mul3A_277 : i32
        %dma_wait3A_279 = arith.constant 1 : i32
        %dma_wait3A_280 = arith.constant 1 : i32
        %dma_wait3A_281 = arith.constant 0 : i32
        %dma_wait3A_282 = arith.constant 0 : i32
        %dma_wait3A_283 = tpu.memref_slice %arg8[%dma_wait3A_279, %dma_wait3A_281, %dma_wait3A_282] : memref<4x128x32xf32, #tpu.memory_space<vmem>> -> memref<1x128x32xf32, #tpu.memory_space<vmem>>
        %dma_wait3A_284 = tpu.memref_squeeze %dma_wait3A_283 : memref<1x128x32xf32, #tpu.memory_space<vmem>> -> memref<128x32xf32, #tpu.memory_space<vmem>>
        %dma_wait3A_285 = tpu.memref_slice %arg7[%mul3A_278] : memref<10240xi32, #tpu.memory_space<vmem>> -> memref<128xi32, #tpu.memory_space<vmem>>
        %dma_wait3A_286 = arith.constant 0 : i32
        %dma_wait3A_287 = arith.constant 0 : i32
        %dma_wait3A_288 = tpu.memref_slice %arg9[%dma_wait3A_286, %dma_wait3A_287] : memref<10240x32xf32, #tpu.memory_space<vmem_shared>> -> memref<10240x32xf32, #tpu.memory_space<vmem_shared>>
        %dma_wait3A_289 = tpu.memref_slice %arg11[%dma_wait3A_280] : memref<4x!tpu.dma_semaphore, #tpu.memory_space<semaphore_mem>> -> memref<1x!tpu.dma_semaphore, #tpu.memory_space<semaphore_mem>>
        %dma_wait3A_290 = tpu.memref_squeeze %dma_wait3A_289 : memref<1x!tpu.dma_semaphore, #tpu.memory_space<semaphore_mem>> -> memref<!tpu.dma_semaphore, #tpu.memory_space<semaphore_mem>>
        tpu.wait_indirect_dma semaphore(%dma_wait3A_290 : memref<!tpu.dma_semaphore, #tpu.memory_space<semaphore_mem>>) src(%dma_wait3A_284 : memref<128x32xf32, #tpu.memory_space<vmem>>) dst(%dma_wait3A_288 : memref<10240x32xf32, #tpu.memory_space<vmem_shared>>)
      } else {
      }
      %mul3A_93 = arith.constant 128 : i32
      %mul3A_94 = arith.muli %add3A_74, %mul3A_93 : i32
      %dma_start3A_95 = arith.constant 0 : i32
      %dma_start3A_96 = arith.constant 0 : i32
      %dma_start3A_97 = arith.constant 0 : i32
      %dma_start3A_98 = arith.constant 0 : i32
      %dma_start3A_99 = tpu.memref_slice %arg8[%dma_start3A_95, %dma_start3A_97, %dma_start3A_98] : memref<4x128x32xf32, #tpu.memory_space<vmem>> -> memref<1x128x32xf32, #tpu.memory_space<vmem>>
      %dma_start3A_100 = tpu.memref_squeeze %dma_start3A_99 : memref<1x128x32xf32, #tpu.memory_space<vmem>> -> memref<128x32xf32, #tpu.memory_space<vmem>>
      %dma_start3A_101 = tpu.memref_slice %arg7[%mul3A_94] : memref<10240xi32, #tpu.memory_space<vmem>> -> memref<128xi32, #tpu.memory_space<vmem>>
      %dma_start3A_102 = arith.constant 0 : i32
      %dma_start3A_103 = arith.constant 0 : i32
      %dma_start3A_104 = tpu.memref_slice %arg9[%dma_start3A_102, %dma_start3A_103] : memref<10240x32xf32, #tpu.memory_space<vmem_shared>> -> memref<10240x32xf32, #tpu.memory_space<vmem_shared>>
      %dma_start3A_105 = tpu.memref_slice %arg11[%dma_start3A_96] : memref<4x!tpu.dma_semaphore, #tpu.memory_space<semaphore_mem>> -> memref<1x!tpu.dma_semaphore, #tpu.memory_space<semaphore_mem>>
      %dma_start3A_106 = tpu.memref_squeeze %dma_start3A_105 : memref<1x!tpu.dma_semaphore, #tpu.memory_space<semaphore_mem>> -> memref<!tpu.dma_semaphore, #tpu.memory_space<semaphore_mem>>
      tpu.enqueue_indirect_dma source(%dma_start3A_100 : memref<128x32xf32, #tpu.memory_space<vmem>>) target(%dma_start3A_104 : memref<10240x32xf32, #tpu.memory_space<vmem_shared>>) offsets(%dma_start3A_101 : memref<128xi32, #tpu.memory_space<vmem>>) semaphore(%dma_start3A_106 : memref<!tpu.dma_semaphore, #tpu.memory_space<semaphore_mem>>) {add = true}
      %add3A_107 = arith.constant 1 : i32
      %add3A_108 = arith.addi %add3A_74, %add3A_107 : i32
      %mul3A_109 = arith.constant 128 : i32
      %mul3A_110 = arith.muli %add3A_108, %mul3A_109 : i32
      %dma_start3A_111 = arith.constant 1 : i32
      %dma_start3A_112 = arith.constant 1 : i32
      %dma_start3A_113 = arith.constant 0 : i32
      %dma_start3A_114 = arith.constant 0 : i32
      %dma_start3A_115 = tpu.memref_slice %arg8[%dma_start3A_111, %dma_start3A_113, %dma_start3A_114] : memref<4x128x32xf32, #tpu.memory_space<vmem>> -> memref<1x128x32xf32, #tpu.memory_space<vmem>>
      %dma_start3A_116 = tpu.memref_squeeze %dma_start3A_115 : memref<1x128x32xf32, #tpu.memory_space<vmem>> -> memref<128x32xf32, #tpu.memory_space<vmem>>
      %dma_start3A_117 = tpu.memref_slice %arg6[%mul3A_110] : memref<10240xi32, #tpu.memory_space<vmem>> -> memref<128xi32, #tpu.memory_space<vmem>>
      %dma_start3A_118 = arith.constant 0 : i32
      %dma_start3A_119 = arith.constant 0 : i32
      %dma_start3A_120 = tpu.memref_slice %arg4[%dma_start3A_118, %dma_start3A_119] : memref<10240x32xf32, #tpu.memory_space<hbm>> -> memref<10240x32xf32, #tpu.memory_space<hbm>>
      %dma_start3A_121 = tpu.memref_slice %arg10[%dma_start3A_112] : memref<4x!tpu.dma_semaphore, #tpu.memory_space<semaphore_mem>> -> memref<1x!tpu.dma_semaphore, #tpu.memory_space<semaphore_mem>>
      %dma_start3A_122 = tpu.memref_squeeze %dma_start3A_121 : memref<1x!tpu.dma_semaphore, #tpu.memory_space<semaphore_mem>> -> memref<!tpu.dma_semaphore, #tpu.memory_space<semaphore_mem>>
      tpu.enqueue_indirect_dma source(%dma_start3A_120 : memref<10240x32xf32, #tpu.memory_space<hbm>>) target(%dma_start3A_116 : memref<128x32xf32, #tpu.memory_space<vmem>>) offsets(%dma_start3A_117 : memref<128xi32, #tpu.memory_space<vmem>>) semaphore(%dma_start3A_122 : memref<!tpu.dma_semaphore, #tpu.memory_space<semaphore_mem>>)
      %add3A_123 = arith.constant 1 : i32
      %add3A_124 = arith.addi %mul3A_72, %add3A_123 : i32
      %mul3A_125 = arith.constant 128 : i32
      %mul3A_126 = arith.muli %add3A_124, %mul3A_125 : i32
      %dma_wait3A_127 = arith.constant 1 : i32
      %dma_wait3A_128 = arith.constant 1 : i32
      %dma_wait3A_129 = arith.constant 0 : i32
      %dma_wait3A_130 = arith.constant 0 : i32
      %dma_wait3A_131 = tpu.memref_slice %arg8[%dma_wait3A_127, %dma_wait3A_129, %dma_wait3A_130] : memref<4x128x32xf32, #tpu.memory_space<vmem>> -> memref<1x128x32xf32, #tpu.memory_space<vmem>>
      %dma_wait3A_132 = tpu.memref_squeeze %dma_wait3A_131 : memref<1x128x32xf32, #tpu.memory_space<vmem>> -> memref<128x32xf32, #tpu.memory_space<vmem>>
      %dma_wait3A_133 = tpu.memref_slice %arg6[%mul3A_126] : memref<10240xi32, #tpu.memory_space<vmem>> -> memref<128xi32, #tpu.memory_space<vmem>>
      %dma_wait3A_134 = arith.constant 0 : i32
      %dma_wait3A_135 = arith.constant 0 : i32
      %dma_wait3A_136 = tpu.memref_slice %arg4[%dma_wait3A_134, %dma_wait3A_135] : memref<10240x32xf32, #tpu.memory_space<hbm>> -> memref<10240x32xf32, #tpu.memory_space<hbm>>
      %dma_wait3A_137 = tpu.memref_slice %arg10[%dma_wait3A_128] : memref<4x!tpu.dma_semaphore, #tpu.memory_space<semaphore_mem>> -> memref<1x!tpu.dma_semaphore, #tpu.memory_space<semaphore_mem>>
      %dma_wait3A_138 = tpu.memref_squeeze %dma_wait3A_137 : memref<1x!tpu.dma_semaphore, #tpu.memory_space<semaphore_mem>> -> memref<!tpu.dma_semaphore, #tpu.memory_space<semaphore_mem>>
      tpu.wait_indirect_dma semaphore(%dma_wait3A_138 : memref<!tpu.dma_semaphore, #tpu.memory_space<semaphore_mem>>) src(%dma_wait3A_136 : memref<10240x32xf32, #tpu.memory_space<hbm>>) dst(%dma_wait3A_132 : memref<128x32xf32, #tpu.memory_space<vmem>>)
      %gt3A_139 = arith.constant 0 : i32
      %gt3A_140 = arith.cmpi sgt, %while3A_70, %gt3A_139 : i32
      %convert_element_type3A_141 = arith.extui %gt3A_140 : i1 to i32
      %cond3A_142 = arith.constant 0 : i32
      %cond3A_143 = arith.cmpi ne, %convert_element_type3A_141, %cond3A_142 : i32
      scf.if %cond3A_143 {
        %sub3A_275 = arith.constant 3 : i32
        %sub3A_276 = arith.subi %add3A_124, %sub3A_275 : i32
        %mul3A_277 = arith.constant 128 : i32
        %mul3A_278 = arith.muli %sub3A_276, %mul3A_277 : i32
        %dma_wait3A_279 = arith.constant 2 : i32
        %dma_wait3A_280 = arith.constant 2 : i32
        %dma_wait3A_281 = arith.constant 0 : i32
        %dma_wait3A_282 = arith.constant 0 : i32
        %dma_wait3A_283 = tpu.memref_slice %arg8[%dma_wait3A_279, %dma_wait3A_281, %dma_wait3A_282] : memref<4x128x32xf32, #tpu.memory_space<vmem>> -> memref<1x128x32xf32, #tpu.memory_space<vmem>>
        %dma_wait3A_284 = tpu.memref_squeeze %dma_wait3A_283 : memref<1x128x32xf32, #tpu.memory_space<vmem>> -> memref<128x32xf32, #tpu.memory_space<vmem>>
        %dma_wait3A_285 = tpu.memref_slice %arg7[%mul3A_278] : memref<10240xi32, #tpu.memory_space<vmem>> -> memref<128xi32, #tpu.memory_space<vmem>>
        %dma_wait3A_286 = arith.constant 0 : i32
        %dma_wait3A_287 = arith.constant 0 : i32
        %dma_wait3A_288 = tpu.memref_slice %arg9[%dma_wait3A_286, %dma_wait3A_287] : memref<10240x32xf32, #tpu.memory_space<vmem_shared>> -> memref<10240x32xf32, #tpu.memory_space<vmem_shared>>
        %dma_wait3A_289 = tpu.memref_slice %arg11[%dma_wait3A_280] : memref<4x!tpu.dma_semaphore, #tpu.memory_space<semaphore_mem>> -> memref<1x!tpu.dma_semaphore, #tpu.memory_space<semaphore_mem>>
        %dma_wait3A_290 = tpu.memref_squeeze %dma_wait3A_289 : memref<1x!tpu.dma_semaphore, #tpu.memory_space<semaphore_mem>> -> memref<!tpu.dma_semaphore, #tpu.memory_space<semaphore_mem>>
        tpu.wait_indirect_dma semaphore(%dma_wait3A_290 : memref<!tpu.dma_semaphore, #tpu.memory_space<semaphore_mem>>) src(%dma_wait3A_284 : memref<128x32xf32, #tpu.memory_space<vmem>>) dst(%dma_wait3A_288 : memref<10240x32xf32, #tpu.memory_space<vmem_shared>>)
      } else {
      }
      %mul3A_144 = arith.constant 128 : i32
      %mul3A_145 = arith.muli %add3A_124, %mul3A_144 : i32
      %dma_start3A_146 = arith.constant 1 : i32
      %dma_start3A_147 = arith.constant 1 : i32
      %dma_start3A_148 = arith.constant 0 : i32
      %dma_start3A_149 = arith.constant 0 : i32
      %dma_start3A_150 = tpu.memref_slice %arg8[%dma_start3A_146, %dma_start3A_148, %dma_start3A_149] : memref<4x128x32xf32, #tpu.memory_space<vmem>> -> memref<1x128x32xf32, #tpu.memory_space<vmem>>
      %dma_start3A_151 = tpu.memref_squeeze %dma_start3A_150 : memref<1x128x32xf32, #tpu.memory_space<vmem>> -> memref<128x32xf32, #tpu.memory_space<vmem>>
      %dma_start3A_152 = tpu.memref_slice %arg7[%mul3A_145] : memref<10240xi32, #tpu.memory_space<vmem>> -> memref<128xi32, #tpu.memory_space<vmem>>
      %dma_start3A_153 = arith.constant 0 : i32
      %dma_start3A_154 = arith.constant 0 : i32
      %dma_start3A_155 = tpu.memref_slice %arg9[%dma_start3A_153, %dma_start3A_154] : memref<10240x32xf32, #tpu.memory_space<vmem_shared>> -> memref<10240x32xf32, #tpu.memory_space<vmem_shared>>
      %dma_start3A_156 = tpu.memref_slice %arg11[%dma_start3A_147] : memref<4x!tpu.dma_semaphore, #tpu.memory_space<semaphore_mem>> -> memref<1x!tpu.dma_semaphore, #tpu.memory_space<semaphore_mem>>
      %dma_start3A_157 = tpu.memref_squeeze %dma_start3A_156 : memref<1x!tpu.dma_semaphore, #tpu.memory_space<semaphore_mem>> -> memref<!tpu.dma_semaphore, #tpu.memory_space<semaphore_mem>>
      tpu.enqueue_indirect_dma source(%dma_start3A_151 : memref<128x32xf32, #tpu.memory_space<vmem>>) target(%dma_start3A_155 : memref<10240x32xf32, #tpu.memory_space<vmem_shared>>) offsets(%dma_start3A_152 : memref<128xi32, #tpu.memory_space<vmem>>) semaphore(%dma_start3A_157 : memref<!tpu.dma_semaphore, #tpu.memory_space<semaphore_mem>>) {add = true}
      %add3A_158 = arith.constant 1 : i32
      %add3A_159 = arith.addi %add3A_124, %add3A_158 : i32
      %mul3A_160 = arith.constant 128 : i32
      %mul3A_161 = arith.muli %add3A_159, %mul3A_160 : i32
      %dma_start3A_162 = arith.constant 2 : i32
      %dma_start3A_163 = arith.constant 2 : i32
      %dma_start3A_164 = arith.constant 0 : i32
      %dma_start3A_165 = arith.constant 0 : i32
      %dma_start3A_166 = tpu.memref_slice %arg8[%dma_start3A_162, %dma_start3A_164, %dma_start3A_165] : memref<4x128x32xf32, #tpu.memory_space<vmem>> -> memref<1x128x32xf32, #tpu.memory_space<vmem>>
      %dma_start3A_167 = tpu.memref_squeeze %dma_start3A_166 : memref<1x128x32xf32, #tpu.memory_space<vmem>> -> memref<128x32xf32, #tpu.memory_space<vmem>>
      %dma_start3A_168 = tpu.memref_slice %arg6[%mul3A_161] : memref<10240xi32, #tpu.memory_space<vmem>> -> memref<128xi32, #tpu.memory_space<vmem>>
      %dma_start3A_169 = arith.constant 0 : i32
      %dma_start3A_170 = arith.constant 0 : i32
      %dma_start3A_171 = tpu.memref_slice %arg4[%dma_start3A_169, %dma_start3A_170] : memref<10240x32xf32, #tpu.memory_space<hbm>> -> memref<10240x32xf32, #tpu.memory_space<hbm>>
      %dma_start3A_172 = tpu.memref_slice %arg10[%dma_start3A_163] : memref<4x!tpu.dma_semaphore, #tpu.memory_space<semaphore_mem>> -> memref<1x!tpu.dma_semaphore, #tpu.memory_space<semaphore_mem>>
      %dma_start3A_173 = tpu.memref_squeeze %dma_start3A_172 : memref<1x!tpu.dma_semaphore, #tpu.memory_space<semaphore_mem>> -> memref<!tpu.dma_semaphore, #tpu.memory_space<semaphore_mem>>
      tpu.enqueue_indirect_dma source(%dma_start3A_171 : memref<10240x32xf32, #tpu.memory_space<hbm>>) target(%dma_start3A_167 : memref<128x32xf32, #tpu.memory_space<vmem>>) offsets(%dma_start3A_168 : memref<128xi32, #tpu.memory_space<vmem>>) semaphore(%dma_start3A_173 : memref<!tpu.dma_semaphore, #tpu.memory_space<semaphore_mem>>)
      %add3A_174 = arith.constant 2 : i32
      %add3A_175 = arith.addi %mul3A_72, %add3A_174 : i32
      %mul3A_176 = arith.constant 128 : i32
      %mul3A_177 = arith.muli %add3A_175, %mul3A_176 : i32
      %dma_wait3A_178 = arith.constant 2 : i32
      %dma_wait3A_179 = arith.constant 2 : i32
      %dma_wait3A_180 = arith.constant 0 : i32
      %dma_wait3A_181 = arith.constant 0 : i32
      %dma_wait3A_182 = tpu.memref_slice %arg8[%dma_wait3A_178, %dma_wait3A_180, %dma_wait3A_181] : memref<4x128x32xf32, #tpu.memory_space<vmem>> -> memref<1x128x32xf32, #tpu.memory_space<vmem>>
      %dma_wait3A_183 = tpu.memref_squeeze %dma_wait3A_182 : memref<1x128x32xf32, #tpu.memory_space<vmem>> -> memref<128x32xf32, #tpu.memory_space<vmem>>
      %dma_wait3A_184 = tpu.memref_slice %arg6[%mul3A_177] : memref<10240xi32, #tpu.memory_space<vmem>> -> memref<128xi32, #tpu.memory_space<vmem>>
      %dma_wait3A_185 = arith.constant 0 : i32
      %dma_wait3A_186 = arith.constant 0 : i32
      %dma_wait3A_187 = tpu.memref_slice %arg4[%dma_wait3A_185, %dma_wait3A_186] : memref<10240x32xf32, #tpu.memory_space<hbm>> -> memref<10240x32xf32, #tpu.memory_space<hbm>>
      %dma_wait3A_188 = tpu.memref_slice %arg10[%dma_wait3A_179] : memref<4x!tpu.dma_semaphore, #tpu.memory_space<semaphore_mem>> -> memref<1x!tpu.dma_semaphore, #tpu.memory_space<semaphore_mem>>
      %dma_wait3A_189 = tpu.memref_squeeze %dma_wait3A_188 : memref<1x!tpu.dma_semaphore, #tpu.memory_space<semaphore_mem>> -> memref<!tpu.dma_semaphore, #tpu.memory_space<semaphore_mem>>
      tpu.wait_indirect_dma semaphore(%dma_wait3A_189 : memref<!tpu.dma_semaphore, #tpu.memory_space<semaphore_mem>>) src(%dma_wait3A_187 : memref<10240x32xf32, #tpu.memory_space<hbm>>) dst(%dma_wait3A_183 : memref<128x32xf32, #tpu.memory_space<vmem>>)
      %gt3A_190 = arith.constant 0 : i32
      %gt3A_191 = arith.cmpi sgt, %while3A_70, %gt3A_190 : i32
      %convert_element_type3A_192 = arith.extui %gt3A_191 : i1 to i32
      %cond3A_193 = arith.constant 0 : i32
      %cond3A_194 = arith.cmpi ne, %convert_element_type3A_192, %cond3A_193 : i32
      scf.if %cond3A_194 {
        %sub3A_275 = arith.constant 3 : i32
        %sub3A_276 = arith.subi %add3A_175, %sub3A_275 : i32
        %mul3A_277 = arith.constant 128 : i32
        %mul3A_278 = arith.muli %sub3A_276, %mul3A_277 : i32
        %dma_wait3A_279 = arith.constant 3 : i32
        %dma_wait3A_280 = arith.constant 3 : i32
        %dma_wait3A_281 = arith.constant 0 : i32
        %dma_wait3A_282 = arith.constant 0 : i32
        %dma_wait3A_283 = tpu.memref_slice %arg8[%dma_wait3A_279, %dma_wait3A_281, %dma_wait3A_282] : memref<4x128x32xf32, #tpu.memory_space<vmem>> -> memref<1x128x32xf32, #tpu.memory_space<vmem>>
        %dma_wait3A_284 = tpu.memref_squeeze %dma_wait3A_283 : memref<1x128x32xf32, #tpu.memory_space<vmem>> -> memref<128x32xf32, #tpu.memory_space<vmem>>
        %dma_wait3A_285 = tpu.memref_slice %arg7[%mul3A_278] : memref<10240xi32, #tpu.memory_space<vmem>> -> memref<128xi32, #tpu.memory_space<vmem>>
        %dma_wait3A_286 = arith.constant 0 : i32
        %dma_wait3A_287 = arith.constant 0 : i32
        %dma_wait3A_288 = tpu.memref_slice %arg9[%dma_wait3A_286, %dma_wait3A_287] : memref<10240x32xf32, #tpu.memory_space<vmem_shared>> -> memref<10240x32xf32, #tpu.memory_space<vmem_shared>>
        %dma_wait3A_289 = tpu.memref_slice %arg11[%dma_wait3A_280] : memref<4x!tpu.dma_semaphore, #tpu.memory_space<semaphore_mem>> -> memref<1x!tpu.dma_semaphore, #tpu.memory_space<semaphore_mem>>
        %dma_wait3A_290 = tpu.memref_squeeze %dma_wait3A_289 : memref<1x!tpu.dma_semaphore, #tpu.memory_space<semaphore_mem>> -> memref<!tpu.dma_semaphore, #tpu.memory_space<semaphore_mem>>
        tpu.wait_indirect_dma semaphore(%dma_wait3A_290 : memref<!tpu.dma_semaphore, #tpu.memory_space<semaphore_mem>>) src(%dma_wait3A_284 : memref<128x32xf32, #tpu.memory_space<vmem>>) dst(%dma_wait3A_288 : memref<10240x32xf32, #tpu.memory_space<vmem_shared>>)
      } else {
      }
      %mul3A_195 = arith.constant 128 : i32
      %mul3A_196 = arith.muli %add3A_175, %mul3A_195 : i32
      %dma_start3A_197 = arith.constant 2 : i32
      %dma_start3A_198 = arith.constant 2 : i32
      %dma_start3A_199 = arith.constant 0 : i32
      %dma_start3A_200 = arith.constant 0 : i32
      %dma_start3A_201 = tpu.memref_slice %arg8[%dma_start3A_197, %dma_start3A_199, %dma_start3A_200] : memref<4x128x32xf32, #tpu.memory_space<vmem>> -> memref<1x128x32xf32, #tpu.memory_space<vmem>>
      %dma_start3A_202 = tpu.memref_squeeze %dma_start3A_201 : memref<1x128x32xf32, #tpu.memory_space<vmem>> -> memref<128x32xf32, #tpu.memory_space<vmem>>
      %dma_start3A_203 = tpu.memref_slice %arg7[%mul3A_196] : memref<10240xi32, #tpu.memory_space<vmem>> -> memref<128xi32, #tpu.memory_space<vmem>>
      %dma_start3A_204 = arith.constant 0 : i32
      %dma_start3A_205 = arith.constant 0 : i32
      %dma_start3A_206 = tpu.memref_slice %arg9[%dma_start3A_204, %dma_start3A_205] : memref<10240x32xf32, #tpu.memory_space<vmem_shared>> -> memref<10240x32xf32, #tpu.memory_space<vmem_shared>>
      %dma_start3A_207 = tpu.memref_slice %arg11[%dma_start3A_198] : memref<4x!tpu.dma_semaphore, #tpu.memory_space<semaphore_mem>> -> memref<1x!tpu.dma_semaphore, #tpu.memory_space<semaphore_mem>>
      %dma_start3A_208 = tpu.memref_squeeze %dma_start3A_207 : memref<1x!tpu.dma_semaphore, #tpu.memory_space<semaphore_mem>> -> memref<!tpu.dma_semaphore, #tpu.memory_space<semaphore_mem>>
      tpu.enqueue_indirect_dma source(%dma_start3A_202 : memref<128x32xf32, #tpu.memory_space<vmem>>) target(%dma_start3A_206 : memref<10240x32xf32, #tpu.memory_space<vmem_shared>>) offsets(%dma_start3A_203 : memref<128xi32, #tpu.memory_space<vmem>>) semaphore(%dma_start3A_208 : memref<!tpu.dma_semaphore, #tpu.memory_space<semaphore_mem>>) {add = true}
      %add3A_209 = arith.constant 1 : i32
      %add3A_210 = arith.addi %add3A_175, %add3A_209 : i32
      %mul3A_211 = arith.constant 128 : i32
      %mul3A_212 = arith.muli %add3A_210, %mul3A_211 : i32
      %dma_start3A_213 = arith.constant 3 : i32
      %dma_start3A_214 = arith.constant 3 : i32
      %dma_start3A_215 = arith.constant 0 : i32
      %dma_start3A_216 = arith.constant 0 : i32
      %dma_start3A_217 = tpu.memref_slice %arg8[%dma_start3A_213, %dma_start3A_215, %dma_start3A_216] : memref<4x128x32xf32, #tpu.memory_space<vmem>> -> memref<1x128x32xf32, #tpu.memory_space<vmem>>
      %dma_start3A_218 = tpu.memref_squeeze %dma_start3A_217 : memref<1x128x32xf32, #tpu.memory_space<vmem>> -> memref<128x32xf32, #tpu.memory_space<vmem>>
      %dma_start3A_219 = tpu.memref_slice %arg6[%mul3A_212] : memref<10240xi32, #tpu.memory_space<vmem>> -> memref<128xi32, #tpu.memory_space<vmem>>
      %dma_start3A_220 = arith.constant 0 : i32
      %dma_start3A_221 = arith.constant 0 : i32
      %dma_start3A_222 = tpu.memref_slice %arg4[%dma_start3A_220, %dma_start3A_221] : memref<10240x32xf32, #tpu.memory_space<hbm>> -> memref<10240x32xf32, #tpu.memory_space<hbm>>
      %dma_start3A_223 = tpu.memref_slice %arg10[%dma_start3A_214] : memref<4x!tpu.dma_semaphore, #tpu.memory_space<semaphore_mem>> -> memref<1x!tpu.dma_semaphore, #tpu.memory_space<semaphore_mem>>
      %dma_start3A_224 = tpu.memref_squeeze %dma_start3A_223 : memref<1x!tpu.dma_semaphore, #tpu.memory_space<semaphore_mem>> -> memref<!tpu.dma_semaphore, #tpu.memory_space<semaphore_mem>>
      tpu.enqueue_indirect_dma source(%dma_start3A_222 : memref<10240x32xf32, #tpu.memory_space<hbm>>) target(%dma_start3A_218 : memref<128x32xf32, #tpu.memory_space<vmem>>) offsets(%dma_start3A_219 : memref<128xi32, #tpu.memory_space<vmem>>) semaphore(%dma_start3A_224 : memref<!tpu.dma_semaphore, #tpu.memory_space<semaphore_mem>>)
      %add3A_225 = arith.constant 3 : i32
      %add3A_226 = arith.addi %mul3A_72, %add3A_225 : i32
      %mul3A_227 = arith.constant 128 : i32
      %mul3A_228 = arith.muli %add3A_226, %mul3A_227 : i32
      %dma_wait3A_229 = arith.constant 3 : i32
      %dma_wait3A_230 = arith.constant 3 : i32
      %dma_wait3A_231 = arith.constant 0 : i32
      %dma_wait3A_232 = arith.constant 0 : i32
      %dma_wait3A_233 = tpu.memref_slice %arg8[%dma_wait3A_229, %dma_wait3A_231, %dma_wait3A_232] : memref<4x128x32xf32, #tpu.memory_space<vmem>> -> memref<1x128x32xf32, #tpu.memory_space<vmem>>
      %dma_wait3A_234 = tpu.memref_squeeze %dma_wait3A_233 : memref<1x128x32xf32, #tpu.memory_space<vmem>> -> memref<128x32xf32, #tpu.memory_space<vmem>>
      %dma_wait3A_235 = tpu.memref_slice %arg6[%mul3A_228] : memref<10240xi32, #tpu.memory_space<vmem>> -> memref<128xi32, #tpu.memory_space<vmem>>
      %dma_wait3A_236 = arith.constant 0 : i32
      %dma_wait3A_237 = arith.constant 0 : i32
      %dma_wait3A_238 = tpu.memref_slice %arg4[%dma_wait3A_236, %dma_wait3A_237] : memref<10240x32xf32, #tpu.memory_space<hbm>> -> memref<10240x32xf32, #tpu.memory_space<hbm>>
      %dma_wait3A_239 = tpu.memref_slice %arg10[%dma_wait3A_230] : memref<4x!tpu.dma_semaphore, #tpu.memory_space<semaphore_mem>> -> memref<1x!tpu.dma_semaphore, #tpu.memory_space<semaphore_mem>>
      %dma_wait3A_240 = tpu.memref_squeeze %dma_wait3A_239 : memref<1x!tpu.dma_semaphore, #tpu.memory_space<semaphore_mem>> -> memref<!tpu.dma_semaphore, #tpu.memory_space<semaphore_mem>>
      tpu.wait_indirect_dma semaphore(%dma_wait3A_240 : memref<!tpu.dma_semaphore, #tpu.memory_space<semaphore_mem>>) src(%dma_wait3A_238 : memref<10240x32xf32, #tpu.memory_space<hbm>>) dst(%dma_wait3A_234 : memref<128x32xf32, #tpu.memory_space<vmem>>)
      %sub3A = arith.constant 3 : i32
      %sub3A_241 = arith.subi %add3A_226, %sub3A : i32
      %mul3A_242 = arith.constant 128 : i32
      %mul3A_243 = arith.muli %sub3A_241, %mul3A_242 : i32
      %dma_wait3A_244 = arith.constant 0 : i32
      %dma_wait3A_245 = arith.constant 0 : i32
      %dma_wait3A_246 = arith.constant 0 : i32
      %dma_wait3A_247 = arith.constant 0 : i32
      %dma_wait3A_248 = tpu.memref_slice %arg8[%dma_wait3A_244, %dma_wait3A_246, %dma_wait3A_247] : memref<4x128x32xf32, #tpu.memory_space<vmem>> -> memref<1x128x32xf32, #tpu.memory_space<vmem>>
      %dma_wait3A_249 = tpu.memref_squeeze %dma_wait3A_248 : memref<1x128x32xf32, #tpu.memory_space<vmem>> -> memref<128x32xf32, #tpu.memory_space<vmem>>
      %dma_wait3A_250 = tpu.memref_slice %arg7[%mul3A_243] : memref<10240xi32, #tpu.memory_space<vmem>> -> memref<128xi32, #tpu.memory_space<vmem>>
      %dma_wait3A_251 = arith.constant 0 : i32
      %dma_wait3A_252 = arith.constant 0 : i32
      %dma_wait3A_253 = tpu.memref_slice %arg9[%dma_wait3A_251, %dma_wait3A_252] : memref<10240x32xf32, #tpu.memory_space<vmem_shared>> -> memref<10240x32xf32, #tpu.memory_space<vmem_shared>>
      %dma_wait3A_254 = tpu.memref_slice %arg11[%dma_wait3A_245] : memref<4x!tpu.dma_semaphore, #tpu.memory_space<semaphore_mem>> -> memref<1x!tpu.dma_semaphore, #tpu.memory_space<semaphore_mem>>
      %dma_wait3A_255 = tpu.memref_squeeze %dma_wait3A_254 : memref<1x!tpu.dma_semaphore, #tpu.memory_space<semaphore_mem>> -> memref<!tpu.dma_semaphore, #tpu.memory_space<semaphore_mem>>
      tpu.wait_indirect_dma semaphore(%dma_wait3A_255 : memref<!tpu.dma_semaphore, #tpu.memory_space<semaphore_mem>>) src(%dma_wait3A_249 : memref<128x32xf32, #tpu.memory_space<vmem>>) dst(%dma_wait3A_253 : memref<10240x32xf32, #tpu.memory_space<vmem_shared>>)
      %mul3A_256 = arith.constant 128 : i32
      %mul3A_257 = arith.muli %add3A_226, %mul3A_256 : i32
      %dma_start3A_258 = arith.constant 3 : i32
      %dma_start3A_259 = arith.constant 3 : i32
      %dma_start3A_260 = arith.constant 0 : i32
      %dma_start3A_261 = arith.constant 0 : i32
      %dma_start3A_262 = tpu.memref_slice %arg8[%dma_start3A_258, %dma_start3A_260, %dma_start3A_261] : memref<4x128x32xf32, #tpu.memory_space<vmem>> -> memref<1x128x32xf32, #tpu.memory_space<vmem>>
      %dma_start3A_263 = tpu.memref_squeeze %dma_start3A_262 : memref<1x128x32xf32, #tpu.memory_space<vmem>> -> memref<128x32xf32, #tpu.memory_space<vmem>>
      %dma_start3A_264 = tpu.memref_slice %arg7[%mul3A_257] : memref<10240xi32, #tpu.memory_space<vmem>> -> memref<128xi32, #tpu.memory_space<vmem>>
      %dma_start3A_265 = arith.constant 0 : i32
      %dma_start3A_266 = arith.constant 0 : i32
      %dma_start3A_267 = tpu.memref_slice %arg9[%dma_start3A_265, %dma_start3A_266] : memref<10240x32xf32, #tpu.memory_space<vmem_shared>> -> memref<10240x32xf32, #tpu.memory_space<vmem_shared>>
      %dma_start3A_268 = tpu.memref_slice %arg11[%dma_start3A_259] : memref<4x!tpu.dma_semaphore, #tpu.memory_space<semaphore_mem>> -> memref<1x!tpu.dma_semaphore, #tpu.memory_space<semaphore_mem>>
      %dma_start3A_269 = tpu.memref_squeeze %dma_start3A_268 : memref<1x!tpu.dma_semaphore, #tpu.memory_space<semaphore_mem>> -> memref<!tpu.dma_semaphore, #tpu.memory_space<semaphore_mem>>
      tpu.enqueue_indirect_dma source(%dma_start3A_263 : memref<128x32xf32, #tpu.memory_space<vmem>>) target(%dma_start3A_267 : memref<10240x32xf32, #tpu.memory_space<vmem_shared>>) offsets(%dma_start3A_264 : memref<128xi32, #tpu.memory_space<vmem>>) semaphore(%dma_start3A_269 : memref<!tpu.dma_semaphore, #tpu.memory_space<semaphore_mem>>) {add = true}
      %sub3A_270 = arith.constant 1 : i32
      %sub3A_271 = arith.subi %select_n3A, %sub3A_270 : i32
      %lt3A = arith.cmpi slt, %while3A_70, %sub3A_271 : i32
      %convert_element_type3A_272 = arith.extui %lt3A : i1 to i32
      %cond3A_273 = arith.constant 0 : i32
      %cond3A_274 = arith.cmpi ne, %convert_element_type3A_272, %cond3A_273 : i32
      scf.if %cond3A_274 {
        %add3A_275 = arith.constant 1 : i32
        %add3A_276 = arith.addi %add3A_226, %add3A_275 : i32
        %mul3A_277 = arith.constant 128 : i32
        %mul3A_278 = arith.muli %add3A_276, %mul3A_277 : i32
        %dma_start3A_279 = arith.constant 0 : i32
        %dma_start3A_280 = arith.constant 0 : i32
        %dma_start3A_281 = arith.constant 0 : i32
        %dma_start3A_282 = arith.constant 0 : i32
        %dma_start3A_283 = tpu.memref_slice %arg8[%dma_start3A_279, %dma_start3A_281, %dma_start3A_282] : memref<4x128x32xf32, #tpu.memory_space<vmem>> -> memref<1x128x32xf32, #tpu.memory_space<vmem>>
        %dma_start3A_284 = tpu.memref_squeeze %dma_start3A_283 : memref<1x128x32xf32, #tpu.memory_space<vmem>> -> memref<128x32xf32, #tpu.memory_space<vmem>>
        %dma_start3A_285 = tpu.memref_slice %arg6[%mul3A_278] : memref<10240xi32, #tpu.memory_space<vmem>> -> memref<128xi32, #tpu.memory_space<vmem>>
        %dma_start3A_286 = arith.constant 0 : i32
        %dma_start3A_287 = arith.constant 0 : i32
        %dma_start3A_288 = tpu.memref_slice %arg4[%dma_start3A_286, %dma_start3A_287] : memref<10240x32xf32, #tpu.memory_space<hbm>> -> memref<10240x32xf32, #tpu.memory_space<hbm>>
        %dma_start3A_289 = tpu.memref_slice %arg10[%dma_start3A_280] : memref<4x!tpu.dma_semaphore, #tpu.memory_space<semaphore_mem>> -> memref<1x!tpu.dma_semaphore, #tpu.memory_space<semaphore_mem>>
        %dma_start3A_290 = tpu.memref_squeeze %dma_start3A_289 : memref<1x!tpu.dma_semaphore, #tpu.memory_space<semaphore_mem>> -> memref<!tpu.dma_semaphore, #tpu.memory_space<semaphore_mem>>
        tpu.enqueue_indirect_dma source(%dma_start3A_288 : memref<10240x32xf32, #tpu.memory_space<hbm>>) target(%dma_start3A_284 : memref<128x32xf32, #tpu.memory_space<vmem>>) offsets(%dma_start3A_285 : memref<128xi32, #tpu.memory_space<vmem>>) semaphore(%dma_start3A_290 : memref<!tpu.dma_semaphore, #tpu.memory_space<semaphore_mem>>)
      } else {
      }
    }
    %while3A_30 = arith.constant 1 : i32
    scf.for %while3A_70 = %while3A_28 to %while3A_24 step %while3A_30  : i32 {
      %mul3A_71 = arith.constant 4 : i32
      %mul3A_72 = arith.muli %while3A_70, %mul3A_71 : i32
      %add3A_73 = arith.constant 0 : i32
      %add3A_74 = arith.addi %mul3A_72, %add3A_73 : i32
      %mul3A_75 = arith.constant 128 : i32
      %mul3A_76 = arith.muli %add3A_74, %mul3A_75 : i32
      %dma_wait3A_77 = arith.constant 0 : i32
      %dma_wait3A_78 = arith.constant 0 : i32
      %dma_wait3A_79 = arith.constant 0 : i32
      %dma_wait3A_80 = arith.constant 0 : i32
      %dma_wait3A_81 = tpu.memref_slice %arg8[%dma_wait3A_77, %dma_wait3A_79, %dma_wait3A_80] : memref<4x128x32xf32, #tpu.memory_space<vmem>> -> memref<1x128x32xf32, #tpu.memory_space<vmem>>
      %dma_wait3A_82 = tpu.memref_squeeze %dma_wait3A_81 : memref<1x128x32xf32, #tpu.memory_space<vmem>> -> memref<128x32xf32, #tpu.memory_space<vmem>>
      %dma_wait3A_83 = tpu.memref_slice %arg6[%mul3A_76] : memref<10240xi32, #tpu.memory_space<vmem>> -> memref<128xi32, #tpu.memory_space<vmem>>
      %dma_wait3A_84 = arith.constant 0 : i32
      %dma_wait3A_85 = arith.constant 0 : i32
      %dma_wait3A_86 = tpu.memref_slice %arg4[%dma_wait3A_84, %dma_wait3A_85] : memref<10240x32xf32, #tpu.memory_space<hbm>> -> memref<10240x32xf32, #tpu.memory_space<hbm>>
      %dma_wait3A_87 = tpu.memref_slice %arg10[%dma_wait3A_78] : memref<4x!tpu.dma_semaphore, #tpu.memory_space<semaphore_mem>> -> memref<1x!tpu.dma_semaphore, #tpu.memory_space<semaphore_mem>>
      %dma_wait3A_88 = tpu.memref_squeeze %dma_wait3A_87 : memref<1x!tpu.dma_semaphore, #tpu.memory_space<semaphore_mem>> -> memref<!tpu.dma_semaphore, #tpu.memory_space<semaphore_mem>>
      tpu.wait_indirect_dma semaphore(%dma_wait3A_88 : memref<!tpu.dma_semaphore, #tpu.memory_space<semaphore_mem>>) src(%dma_wait3A_86 : memref<10240x32xf32, #tpu.memory_space<hbm>>) dst(%dma_wait3A_82 : memref<128x32xf32, #tpu.memory_space<vmem>>)
      %gt3A = arith.constant 0 : i32
      %gt3A_89 = arith.cmpi sgt, %while3A_70, %gt3A : i32
      %convert_element_type3A_90 = arith.extui %gt3A_89 : i1 to i32
      %cond3A_91 = arith.constant 0 : i32
      %cond3A_92 = arith.cmpi ne, %convert_element_type3A_90, %cond3A_91 : i32
      scf.if %cond3A_92 {
        %sub3A_275 = arith.constant 3 : i32
        %sub3A_276 = arith.subi %add3A_74, %sub3A_275 : i32
        %mul3A_277 = arith.constant 128 : i32
        %mul3A_278 = arith.muli %sub3A_276, %mul3A_277 : i32
        %dma_wait3A_279 = arith.constant 1 : i32
        %dma_wait3A_280 = arith.constant 1 : i32
        %dma_wait3A_281 = arith.constant 0 : i32
        %dma_wait3A_282 = arith.constant 0 : i32
        %dma_wait3A_283 = tpu.memref_slice %arg8[%dma_wait3A_279, %dma_wait3A_281, %dma_wait3A_282] : memref<4x128x32xf32, #tpu.memory_space<vmem>> -> memref<1x128x32xf32, #tpu.memory_space<vmem>>
        %dma_wait3A_284 = tpu.memref_squeeze %dma_wait3A_283 : memref<1x128x32xf32, #tpu.memory_space<vmem>> -> memref<128x32xf32, #tpu.memory_space<vmem>>
        %dma_wait3A_285 = tpu.memref_slice %arg7[%mul3A_278] : memref<10240xi32, #tpu.memory_space<vmem>> -> memref<128xi32, #tpu.memory_space<vmem>>
        %dma_wait3A_286 = arith.constant 0 : i32
        %dma_wait3A_287 = arith.constant 0 : i32
        %dma_wait3A_288 = tpu.memref_slice %arg9[%dma_wait3A_286, %dma_wait3A_287] : memref<10240x32xf32, #tpu.memory_space<vmem_shared>> -> memref<10240x32xf32, #tpu.memory_space<vmem_shared>>
        %dma_wait3A_289 = tpu.memref_slice %arg11[%dma_wait3A_280] : memref<4x!tpu.dma_semaphore, #tpu.memory_space<semaphore_mem>> -> memref<1x!tpu.dma_semaphore, #tpu.memory_space<semaphore_mem>>
        %dma_wait3A_290 = tpu.memref_squeeze %dma_wait3A_289 : memref<1x!tpu.dma_semaphore, #tpu.memory_space<semaphore_mem>> -> memref<!tpu.dma_semaphore, #tpu.memory_space<semaphore_mem>>
        tpu.wait_indirect_dma semaphore(%dma_wait3A_290 : memref<!tpu.dma_semaphore, #tpu.memory_space<semaphore_mem>>) src(%dma_wait3A_284 : memref<128x32xf32, #tpu.memory_space<vmem>>) dst(%dma_wait3A_288 : memref<10240x32xf32, #tpu.memory_space<vmem_shared>>)
      } else {
      }
      %mul3A_93 = arith.constant 128 : i32
      %mul3A_94 = arith.muli %add3A_74, %mul3A_93 : i32
      %dma_start3A_95 = arith.constant 0 : i32
      %dma_start3A_96 = arith.constant 0 : i32
      %dma_start3A_97 = arith.constant 0 : i32
      %dma_start3A_98 = arith.constant 0 : i32
      %dma_start3A_99 = tpu.memref_slice %arg8[%dma_start3A_95, %dma_start3A_97, %dma_start3A_98] : memref<4x128x32xf32, #tpu.memory_space<vmem>> -> memref<1x128x32xf32, #tpu.memory_space<vmem>>
      %dma_start3A_100 = tpu.memref_squeeze %dma_start3A_99 : memref<1x128x32xf32, #tpu.memory_space<vmem>> -> memref<128x32xf32, #tpu.memory_space<vmem>>
      %dma_start3A_101 = tpu.memref_slice %arg7[%mul3A_94] : memref<10240xi32, #tpu.memory_space<vmem>> -> memref<128xi32, #tpu.memory_space<vmem>>
      %dma_start3A_102 = arith.constant 0 : i32
      %dma_start3A_103 = arith.constant 0 : i32
      %dma_start3A_104 = tpu.memref_slice %arg9[%dma_start3A_102, %dma_start3A_103] : memref<10240x32xf32, #tpu.memory_space<vmem_shared>> -> memref<10240x32xf32, #tpu.memory_space<vmem_shared>>
      %dma_start3A_105 = tpu.memref_slice %arg11[%dma_start3A_96] : memref<4x!tpu.dma_semaphore, #tpu.memory_space<semaphore_mem>> -> memref<1x!tpu.dma_semaphore, #tpu.memory_space<semaphore_mem>>
      %dma_start3A_106 = tpu.memref_squeeze %dma_start3A_105 : memref<1x!tpu.dma_semaphore, #tpu.memory_space<semaphore_mem>> -> memref<!tpu.dma_semaphore, #tpu.memory_space<semaphore_mem>>
      tpu.enqueue_indirect_dma source(%dma_start3A_100 : memref<128x32xf32, #tpu.memory_space<vmem>>) target(%dma_start3A_104 : memref<10240x32xf32, #tpu.memory_space<vmem_shared>>) offsets(%dma_start3A_101 : memref<128xi32, #tpu.memory_space<vmem>>) semaphore(%dma_start3A_106 : memref<!tpu.dma_semaphore, #tpu.memory_space<semaphore_mem>>) {add = true}
      %add3A_107 = arith.constant 1 : i32
      %add3A_108 = arith.addi %add3A_74, %add3A_107 : i32
      %mul3A_109 = arith.constant 128 : i32
      %mul3A_110 = arith.muli %add3A_108, %mul3A_109 : i32
      %dma_start3A_111 = arith.constant 1 : i32
      %dma_start3A_112 = arith.constant 1 : i32
      %dma_start3A_113 = arith.constant 0 : i32
      %dma_start3A_114 = arith.constant 0 : i32
      %dma_start3A_115 = tpu.memref_slice %arg8[%dma_start3A_111, %dma_start3A_113, %dma_start3A_114] : memref<4x128x32xf32, #tpu.memory_space<vmem>> -> memref<1x128x32xf32, #tpu.memory_space<vmem>>
      %dma_start3A_116 = tpu.memref_squeeze %dma_start3A_115 : memref<1x128x32xf32, #tpu.memory_space<vmem>> -> memref<128x32xf32, #tpu.memory_space<vmem>>
      %dma_start3A_117 = tpu.memref_slice %arg6[%mul3A_110] : memref<10240xi32, #tpu.memory_space<vmem>> -> memref<128xi32, #tpu.memory_space<vmem>>
      %dma_start3A_118 = arith.constant 0 : i32
      %dma_start3A_119 = arith.constant 0 : i32
      %dma_start3A_120 = tpu.memref_slice %arg4[%dma_start3A_118, %dma_start3A_119] : memref<10240x32xf32, #tpu.memory_space<hbm>> -> memref<10240x32xf32, #tpu.memory_space<hbm>>
      %dma_start3A_121 = tpu.memref_slice %arg10[%dma_start3A_112] : memref<4x!tpu.dma_semaphore, #tpu.memory_space<semaphore_mem>> -> memref<1x!tpu.dma_semaphore, #tpu.memory_space<semaphore_mem>>
      %dma_start3A_122 = tpu.memref_squeeze %dma_start3A_121 : memref<1x!tpu.dma_semaphore, #tpu.memory_space<semaphore_mem>> -> memref<!tpu.dma_semaphore, #tpu.memory_space<semaphore_mem>>
      tpu.enqueue_indirect_dma source(%dma_start3A_120 : memref<10240x32xf32, #tpu.memory_space<hbm>>) target(%dma_start3A_116 : memref<128x32xf32, #tpu.memory_space<vmem>>) offsets(%dma_start3A_117 : memref<128xi32, #tpu.memory_space<vmem>>) semaphore(%dma_start3A_122 : memref<!tpu.dma_semaphore, #tpu.memory_space<semaphore_mem>>)
      %add3A_123 = arith.constant 1 : i32
      %add3A_124 = arith.addi %mul3A_72, %add3A_123 : i32
      %mul3A_125 = arith.constant 128 : i32
      %mul3A_126 = arith.muli %add3A_124, %mul3A_125 : i32
      %dma_wait3A_127 = arith.constant 1 : i32
      %dma_wait3A_128 = arith.constant 1 : i32
      %dma_wait3A_129 = arith.constant 0 : i32
      %dma_wait3A_130 = arith.constant 0 : i32
      %dma_wait3A_131 = tpu.memref_slice %arg8[%dma_wait3A_127, %dma_wait3A_129, %dma_wait3A_130] : memref<4x128x32xf32, #tpu.memory_space<vmem>> -> memref<1x128x32xf32, #tpu.memory_space<vmem>>
      %dma_wait3A_132 = tpu.memref_squeeze %dma_wait3A_131 : memref<1x128x32xf32, #tpu.memory_space<vmem>> -> memref<128x32xf32, #tpu.memory_space<vmem>>
      %dma_wait3A_133 = tpu.memref_slice %arg6[%mul3A_126] : memref<10240xi32, #tpu.memory_space<vmem>> -> memref<128xi32, #tpu.memory_space<vmem>>
      %dma_wait3A_134 = arith.constant 0 : i32
      %dma_wait3A_135 = arith.constant 0 : i32
      %dma_wait3A_136 = tpu.memref_slice %arg4[%dma_wait3A_134, %dma_wait3A_135] : memref<10240x32xf32, #tpu.memory_space<hbm>> -> memref<10240x32xf32, #tpu.memory_space<hbm>>
      %dma_wait3A_137 = tpu.memref_slice %arg10[%dma_wait3A_128] : memref<4x!tpu.dma_semaphore, #tpu.memory_space<semaphore_mem>> -> memref<1x!tpu.dma_semaphore, #tpu.memory_space<semaphore_mem>>
      %dma_wait3A_138 = tpu.memref_squeeze %dma_wait3A_137 : memref<1x!tpu.dma_semaphore, #tpu.memory_space<semaphore_mem>> -> memref<!tpu.dma_semaphore, #tpu.memory_space<semaphore_mem>>
      tpu.wait_indirect_dma semaphore(%dma_wait3A_138 : memref<!tpu.dma_semaphore, #tpu.memory_space<semaphore_mem>>) src(%dma_wait3A_136 : memref<10240x32xf32, #tpu.memory_space<hbm>>) dst(%dma_wait3A_132 : memref<128x32xf32, #tpu.memory_space<vmem>>)
      %gt3A_139 = arith.constant 0 : i32
      %gt3A_140 = arith.cmpi sgt, %while3A_70, %gt3A_139 : i32
      %convert_element_type3A_141 = arith.extui %gt3A_140 : i1 to i32
      %cond3A_142 = arith.constant 0 : i32
      %cond3A_143 = arith.cmpi ne, %convert_element_type3A_141, %cond3A_142 : i32
      scf.if %cond3A_143 {
        %sub3A_275 = arith.constant 3 : i32
        %sub3A_276 = arith.subi %add3A_124, %sub3A_275 : i32
        %mul3A_277 = arith.constant 128 : i32
        %mul3A_278 = arith.muli %sub3A_276, %mul3A_277 : i32
        %dma_wait3A_279 = arith.constant 2 : i32
        %dma_wait3A_280 = arith.constant 2 : i32
        %dma_wait3A_281 = arith.constant 0 : i32
        %dma_wait3A_282 = arith.constant 0 : i32
        %dma_wait3A_283 = tpu.memref_slice %arg8[%dma_wait3A_279, %dma_wait3A_281, %dma_wait3A_282] : memref<4x128x32xf32, #tpu.memory_space<vmem>> -> memref<1x128x32xf32, #tpu.memory_space<vmem>>
        %dma_wait3A_284 = tpu.memref_squeeze %dma_wait3A_283 : memref<1x128x32xf32, #tpu.memory_space<vmem>> -> memref<128x32xf32, #tpu.memory_space<vmem>>
        %dma_wait3A_285 = tpu.memref_slice %arg7[%mul3A_278] : memref<10240xi32, #tpu.memory_space<vmem>> -> memref<128xi32, #tpu.memory_space<vmem>>
        %dma_wait3A_286 = arith.constant 0 : i32
        %dma_wait3A_287 = arith.constant 0 : i32
        %dma_wait3A_288 = tpu.memref_slice %arg9[%dma_wait3A_286, %dma_wait3A_287] : memref<10240x32xf32, #tpu.memory_space<vmem_shared>> -> memref<10240x32xf32, #tpu.memory_space<vmem_shared>>
        %dma_wait3A_289 = tpu.memref_slice %arg11[%dma_wait3A_280] : memref<4x!tpu.dma_semaphore, #tpu.memory_space<semaphore_mem>> -> memref<1x!tpu.dma_semaphore, #tpu.memory_space<semaphore_mem>>
        %dma_wait3A_290 = tpu.memref_squeeze %dma_wait3A_289 : memref<1x!tpu.dma_semaphore, #tpu.memory_space<semaphore_mem>> -> memref<!tpu.dma_semaphore, #tpu.memory_space<semaphore_mem>>
        tpu.wait_indirect_dma semaphore(%dma_wait3A_290 : memref<!tpu.dma_semaphore, #tpu.memory_space<semaphore_mem>>) src(%dma_wait3A_284 : memref<128x32xf32, #tpu.memory_space<vmem>>) dst(%dma_wait3A_288 : memref<10240x32xf32, #tpu.memory_space<vmem_shared>>)
      } else {
      }
      %mul3A_144 = arith.constant 128 : i32
      %mul3A_145 = arith.muli %add3A_124, %mul3A_144 : i32
      %dma_start3A_146 = arith.constant 1 : i32
      %dma_start3A_147 = arith.constant 1 : i32
      %dma_start3A_148 = arith.constant 0 : i32
      %dma_start3A_149 = arith.constant 0 : i32
      %dma_start3A_150 = tpu.memref_slice %arg8[%dma_start3A_146, %dma_start3A_148, %dma_start3A_149] : memref<4x128x32xf32, #tpu.memory_space<vmem>> -> memref<1x128x32xf32, #tpu.memory_space<vmem>>
      %dma_start3A_151 = tpu.memref_squeeze %dma_start3A_150 : memref<1x128x32xf32, #tpu.memory_space<vmem>> -> memref<128x32xf32, #tpu.memory_space<vmem>>
      %dma_start3A_152 = tpu.memref_slice %arg7[%mul3A_145] : memref<10240xi32, #tpu.memory_space<vmem>> -> memref<128xi32, #tpu.memory_space<vmem>>
      %dma_start3A_153 = arith.constant 0 : i32
      %dma_start3A_154 = arith.constant 0 : i32
      %dma_start3A_155 = tpu.memref_slice %arg9[%dma_start3A_153, %dma_start3A_154] : memref<10240x32xf32, #tpu.memory_space<vmem_shared>> -> memref<10240x32xf32, #tpu.memory_space<vmem_shared>>
      %dma_start3A_156 = tpu.memref_slice %arg11[%dma_start3A_147] : memref<4x!tpu.dma_semaphore, #tpu.memory_space<semaphore_mem>> -> memref<1x!tpu.dma_semaphore, #tpu.memory_space<semaphore_mem>>
      %dma_start3A_157 = tpu.memref_squeeze %dma_start3A_156 : memref<1x!tpu.dma_semaphore, #tpu.memory_space<semaphore_mem>> -> memref<!tpu.dma_semaphore, #tpu.memory_space<semaphore_mem>>
      tpu.enqueue_indirect_dma source(%dma_start3A_151 : memref<128x32xf32, #tpu.memory_space<vmem>>) target(%dma_start3A_155 : memref<10240x32xf32, #tpu.memory_space<vmem_shared>>) offsets(%dma_start3A_152 : memref<128xi32, #tpu.memory_space<vmem>>) semaphore(%dma_start3A_157 : memref<!tpu.dma_semaphore, #tpu.memory_space<semaphore_mem>>) {add = true}
      %add3A_158 = arith.constant 1 : i32
      %add3A_159 = arith.addi %add3A_124, %add3A_158 : i32
      %mul3A_160 = arith.constant 128 : i32
      %mul3A_161 = arith.muli %add3A_159, %mul3A_160 : i32
      %dma_start3A_162 = arith.constant 2 : i32
      %dma_start3A_163 = arith.constant 2 : i32
      %dma_start3A_164 = arith.constant 0 : i32
      %dma_start3A_165 = arith.constant 0 : i32
      %dma_start3A_166 = tpu.memref_slice %arg8[%dma_start3A_162, %dma_start3A_164, %dma_start3A_165] : memref<4x128x32xf32, #tpu.memory_space<vmem>> -> memref<1x128x32xf32, #tpu.memory_space<vmem>>
      %dma_start3A_167 = tpu.memref_squeeze %dma_start3A_166 : memref<1x128x32xf32, #tpu.memory_space<vmem>> -> memref<128x32xf32, #tpu.memory_space<vmem>>
      %dma_start3A_168 = tpu.memref_slice %arg6[%mul3A_161] : memref<10240xi32, #tpu.memory_space<vmem>> -> memref<128xi32, #tpu.memory_space<vmem>>
      %dma_start3A_169 = arith.constant 0 : i32
      %dma_start3A_170 = arith.constant 0 : i32
      %dma_start3A_171 = tpu.memref_slice %arg4[%dma_start3A_169, %dma_start3A_170] : memref<10240x32xf32, #tpu.memory_space<hbm>> -> memref<10240x32xf32, #tpu.memory_space<hbm>>
      %dma_start3A_172 = tpu.memref_slice %arg10[%dma_start3A_163] : memref<4x!tpu.dma_semaphore, #tpu.memory_space<semaphore_mem>> -> memref<1x!tpu.dma_semaphore, #tpu.memory_space<semaphore_mem>>
      %dma_start3A_173 = tpu.memref_squeeze %dma_start3A_172 : memref<1x!tpu.dma_semaphore, #tpu.memory_space<semaphore_mem>> -> memref<!tpu.dma_semaphore, #tpu.memory_space<semaphore_mem>>
      tpu.enqueue_indirect_dma source(%dma_start3A_171 : memref<10240x32xf32, #tpu.memory_space<hbm>>) target(%dma_start3A_167 : memref<128x32xf32, #tpu.memory_space<vmem>>) offsets(%dma_start3A_168 : memref<128xi32, #tpu.memory_space<vmem>>) semaphore(%dma_start3A_173 : memref<!tpu.dma_semaphore, #tpu.memory_space<semaphore_mem>>)
      %add3A_174 = arith.constant 2 : i32
      %add3A_175 = arith.addi %mul3A_72, %add3A_174 : i32
      %mul3A_176 = arith.constant 128 : i32
      %mul3A_177 = arith.muli %add3A_175, %mul3A_176 : i32
      %dma_wait3A_178 = arith.constant 2 : i32
      %dma_wait3A_179 = arith.constant 2 : i32
      %dma_wait3A_180 = arith.constant 0 : i32
      %dma_wait3A_181 = arith.constant 0 : i32
      %dma_wait3A_182 = tpu.memref_slice %arg8[%dma_wait3A_178, %dma_wait3A_180, %dma_wait3A_181] : memref<4x128x32xf32, #tpu.memory_space<vmem>> -> memref<1x128x32xf32, #tpu.memory_space<vmem>>
      %dma_wait3A_183 = tpu.memref_squeeze %dma_wait3A_182 : memref<1x128x32xf32, #tpu.memory_space<vmem>> -> memref<128x32xf32, #tpu.memory_space<vmem>>
      %dma_wait3A_184 = tpu.memref_slice %arg6[%mul3A_177] : memref<10240xi32, #tpu.memory_space<vmem>> -> memref<128xi32, #tpu.memory_space<vmem>>
      %dma_wait3A_185 = arith.constant 0 : i32
      %dma_wait3A_186 = arith.constant 0 : i32
      %dma_wait3A_187 = tpu.memref_slice %arg4[%dma_wait3A_185, %dma_wait3A_186] : memref<10240x32xf32, #tpu.memory_space<hbm>> -> memref<10240x32xf32, #tpu.memory_space<hbm>>
      %dma_wait3A_188 = tpu.memref_slice %arg10[%dma_wait3A_179] : memref<4x!tpu.dma_semaphore, #tpu.memory_space<semaphore_mem>> -> memref<1x!tpu.dma_semaphore, #tpu.memory_space<semaphore_mem>>
      %dma_wait3A_189 = tpu.memref_squeeze %dma_wait3A_188 : memref<1x!tpu.dma_semaphore, #tpu.memory_space<semaphore_mem>> -> memref<!tpu.dma_semaphore, #tpu.memory_space<semaphore_mem>>
      tpu.wait_indirect_dma semaphore(%dma_wait3A_189 : memref<!tpu.dma_semaphore, #tpu.memory_space<semaphore_mem>>) src(%dma_wait3A_187 : memref<10240x32xf32, #tpu.memory_space<hbm>>) dst(%dma_wait3A_183 : memref<128x32xf32, #tpu.memory_space<vmem>>)
      %gt3A_190 = arith.constant 0 : i32
      %gt3A_191 = arith.cmpi sgt, %while3A_70, %gt3A_190 : i32
      %convert_element_type3A_192 = arith.extui %gt3A_191 : i1 to i32
      %cond3A_193 = arith.constant 0 : i32
      %cond3A_194 = arith.cmpi ne, %convert_element_type3A_192, %cond3A_193 : i32
      scf.if %cond3A_194 {
        %sub3A_275 = arith.constant 3 : i32
        %sub3A_276 = arith.subi %add3A_175, %sub3A_275 : i32
        %mul3A_277 = arith.constant 128 : i32
        %mul3A_278 = arith.muli %sub3A_276, %mul3A_277 : i32
        %dma_wait3A_279 = arith.constant 3 : i32
        %dma_wait3A_280 = arith.constant 3 : i32
        %dma_wait3A_281 = arith.constant 0 : i32
        %dma_wait3A_282 = arith.constant 0 : i32
        %dma_wait3A_283 = tpu.memref_slice %arg8[%dma_wait3A_279, %dma_wait3A_281, %dma_wait3A_282] : memref<4x128x32xf32, #tpu.memory_space<vmem>> -> memref<1x128x32xf32, #tpu.memory_space<vmem>>
        %dma_wait3A_284 = tpu.memref_squeeze %dma_wait3A_283 : memref<1x128x32xf32, #tpu.memory_space<vmem>> -> memref<128x32xf32, #tpu.memory_space<vmem>>
        %dma_wait3A_285 = tpu.memref_slice %arg7[%mul3A_278] : memref<10240xi32, #tpu.memory_space<vmem>> -> memref<128xi32, #tpu.memory_space<vmem>>
        %dma_wait3A_286 = arith.constant 0 : i32
        %dma_wait3A_287 = arith.constant 0 : i32
        %dma_wait3A_288 = tpu.memref_slice %arg9[%dma_wait3A_286, %dma_wait3A_287] : memref<10240x32xf32, #tpu.memory_space<vmem_shared>> -> memref<10240x32xf32, #tpu.memory_space<vmem_shared>>
        %dma_wait3A_289 = tpu.memref_slice %arg11[%dma_wait3A_280] : memref<4x!tpu.dma_semaphore, #tpu.memory_space<semaphore_mem>> -> memref<1x!tpu.dma_semaphore, #tpu.memory_space<semaphore_mem>>
        %dma_wait3A_290 = tpu.memref_squeeze %dma_wait3A_289 : memref<1x!tpu.dma_semaphore, #tpu.memory_space<semaphore_mem>> -> memref<!tpu.dma_semaphore, #tpu.memory_space<semaphore_mem>>
        tpu.wait_indirect_dma semaphore(%dma_wait3A_290 : memref<!tpu.dma_semaphore, #tpu.memory_space<semaphore_mem>>) src(%dma_wait3A_284 : memref<128x32xf32, #tpu.memory_space<vmem>>) dst(%dma_wait3A_288 : memref<10240x32xf32, #tpu.memory_space<vmem_shared>>)
      } else {
      }
      %mul3A_195 = arith.constant 128 : i32
      %mul3A_196 = arith.muli %add3A_175, %mul3A_195 : i32
      %dma_start3A_197 = arith.constant 2 : i32
      %dma_start3A_198 = arith.constant 2 : i32
      %dma_start3A_199 = arith.constant 0 : i32
      %dma_start3A_200 = arith.constant 0 : i32
      %dma_start3A_201 = tpu.memref_slice %arg8[%dma_start3A_197, %dma_start3A_199, %dma_start3A_200] : memref<4x128x32xf32, #tpu.memory_space<vmem>> -> memref<1x128x32xf32, #tpu.memory_space<vmem>>
      %dma_start3A_202 = tpu.memref_squeeze %dma_start3A_201 : memref<1x128x32xf32, #tpu.memory_space<vmem>> -> memref<128x32xf32, #tpu.memory_space<vmem>>
      %dma_start3A_203 = tpu.memref_slice %arg7[%mul3A_196] : memref<10240xi32, #tpu.memory_space<vmem>> -> memref<128xi32, #tpu.memory_space<vmem>>
      %dma_start3A_204 = arith.constant 0 : i32
      %dma_start3A_205 = arith.constant 0 : i32
      %dma_start3A_206 = tpu.memref_slice %arg9[%dma_start3A_204, %dma_start3A_205] : memref<10240x32xf32, #tpu.memory_space<vmem_shared>> -> memref<10240x32xf32, #tpu.memory_space<vmem_shared>>
      %dma_start3A_207 = tpu.memref_slice %arg11[%dma_start3A_198] : memref<4x!tpu.dma_semaphore, #tpu.memory_space<semaphore_mem>> -> memref<1x!tpu.dma_semaphore, #tpu.memory_space<semaphore_mem>>
      %dma_start3A_208 = tpu.memref_squeeze %dma_start3A_207 : memref<1x!tpu.dma_semaphore, #tpu.memory_space<semaphore_mem>> -> memref<!tpu.dma_semaphore, #tpu.memory_space<semaphore_mem>>
      tpu.enqueue_indirect_dma source(%dma_start3A_202 : memref<128x32xf32, #tpu.memory_space<vmem>>) target(%dma_start3A_206 : memref<10240x32xf32, #tpu.memory_space<vmem_shared>>) offsets(%dma_start3A_203 : memref<128xi32, #tpu.memory_space<vmem>>) semaphore(%dma_start3A_208 : memref<!tpu.dma_semaphore, #tpu.memory_space<semaphore_mem>>) {add = true}
      %add3A_209 = arith.constant 1 : i32
      %add3A_210 = arith.addi %add3A_175, %add3A_209 : i32
      %mul3A_211 = arith.constant 128 : i32
      %mul3A_212 = arith.muli %add3A_210, %mul3A_211 : i32
      %dma_start3A_213 = arith.constant 3 : i32
      %dma_start3A_214 = arith.constant 3 : i32
      %dma_start3A_215 = arith.constant 0 : i32
      %dma_start3A_216 = arith.constant 0 : i32
      %dma_start3A_217 = tpu.memref_slice %arg8[%dma_start3A_213, %dma_start3A_215, %dma_start3A_216] : memref<4x128x32xf32, #tpu.memory_space<vmem>> -> memref<1x128x32xf32, #tpu.memory_space<vmem>>
      %dma_start3A_218 = tpu.memref_squeeze %dma_start3A_217 : memref<1x128x32xf32, #tpu.memory_space<vmem>> -> memref<128x32xf32, #tpu.memory_space<vmem>>
      %dma_start3A_219 = tpu.memref_slice %arg6[%mul3A_212] : memref<10240xi32, #tpu.memory_space<vmem>> -> memref<128xi32, #tpu.memory_space<vmem>>
      %dma_start3A_220 = arith.constant 0 : i32
      %dma_start3A_221 = arith.constant 0 : i32
      %dma_start3A_222 = tpu.memref_slice %arg4[%dma_start3A_220, %dma_start3A_221] : memref<10240x32xf32, #tpu.memory_space<hbm>> -> memref<10240x32xf32, #tpu.memory_space<hbm>>
      %dma_start3A_223 = tpu.memref_slice %arg10[%dma_start3A_214] : memref<4x!tpu.dma_semaphore, #tpu.memory_space<semaphore_mem>> -> memref<1x!tpu.dma_semaphore, #tpu.memory_space<semaphore_mem>>
      %dma_start3A_224 = tpu.memref_squeeze %dma_start3A_223 : memref<1x!tpu.dma_semaphore, #tpu.memory_space<semaphore_mem>> -> memref<!tpu.dma_semaphore, #tpu.memory_space<semaphore_mem>>
      tpu.enqueue_indirect_dma source(%dma_start3A_222 : memref<10240x32xf32, #tpu.memory_space<hbm>>) target(%dma_start3A_218 : memref<128x32xf32, #tpu.memory_space<vmem>>) offsets(%dma_start3A_219 : memref<128xi32, #tpu.memory_space<vmem>>) semaphore(%dma_start3A_224 : memref<!tpu.dma_semaphore, #tpu.memory_space<semaphore_mem>>)
      %add3A_225 = arith.constant 3 : i32
      %add3A_226 = arith.addi %mul3A_72, %add3A_225 : i32
      %mul3A_227 = arith.constant 128 : i32
      %mul3A_228 = arith.muli %add3A_226, %mul3A_227 : i32
      %dma_wait3A_229 = arith.constant 3 : i32
      %dma_wait3A_230 = arith.constant 3 : i32
      %dma_wait3A_231 = arith.constant 0 : i32
      %dma_wait3A_232 = arith.constant 0 : i32
      %dma_wait3A_233 = tpu.memref_slice %arg8[%dma_wait3A_229, %dma_wait3A_231, %dma_wait3A_232] : memref<4x128x32xf32, #tpu.memory_space<vmem>> -> memref<1x128x32xf32, #tpu.memory_space<vmem>>
      %dma_wait3A_234 = tpu.memref_squeeze %dma_wait3A_233 : memref<1x128x32xf32, #tpu.memory_space<vmem>> -> memref<128x32xf32, #tpu.memory_space<vmem>>
      %dma_wait3A_235 = tpu.memref_slice %arg6[%mul3A_228] : memref<10240xi32, #tpu.memory_space<vmem>> -> memref<128xi32, #tpu.memory_space<vmem>>
      %dma_wait3A_236 = arith.constant 0 : i32
      %dma_wait3A_237 = arith.constant 0 : i32
      %dma_wait3A_238 = tpu.memref_slice %arg4[%dma_wait3A_236, %dma_wait3A_237] : memref<10240x32xf32, #tpu.memory_space<hbm>> -> memref<10240x32xf32, #tpu.memory_space<hbm>>
      %dma_wait3A_239 = tpu.memref_slice %arg10[%dma_wait3A_230] : memref<4x!tpu.dma_semaphore, #tpu.memory_space<semaphore_mem>> -> memref<1x!tpu.dma_semaphore, #tpu.memory_space<semaphore_mem>>
      %dma_wait3A_240 = tpu.memref_squeeze %dma_wait3A_239 : memref<1x!tpu.dma_semaphore, #tpu.memory_space<semaphore_mem>> -> memref<!tpu.dma_semaphore, #tpu.memory_space<semaphore_mem>>
      tpu.wait_indirect_dma semaphore(%dma_wait3A_240 : memref<!tpu.dma_semaphore, #tpu.memory_space<semaphore_mem>>) src(%dma_wait3A_238 : memref<10240x32xf32, #tpu.memory_space<hbm>>) dst(%dma_wait3A_234 : memref<128x32xf32, #tpu.memory_space<vmem>>)
      %sub3A = arith.constant 3 : i32
      %sub3A_241 = arith.subi %add3A_226, %sub3A : i32
      %mul3A_242 = arith.constant 128 : i32
      %mul3A_243 = arith.muli %sub3A_241, %mul3A_242 : i32
      %dma_wait3A_244 = arith.constant 0 : i32
      %dma_wait3A_245 = arith.constant 0 : i32
      %dma_wait3A_246 = arith.constant 0 : i32
      %dma_wait3A_247 = arith.constant 0 : i32
      %dma_wait3A_248 = tpu.memref_slice %arg8[%dma_wait3A_244, %dma_wait3A_246, %dma_wait3A_247] : memref<4x128x32xf32, #tpu.memory_space<vmem>> -> memref<1x128x32xf32, #tpu.memory_space<vmem>>
      %dma_wait3A_249 = tpu.memref_squeeze %dma_wait3A_248 : memref<1x128x32xf32, #tpu.memory_space<vmem>> -> memref<128x32xf32, #tpu.memory_space<vmem>>
      %dma_wait3A_250 = tpu.memref_slice %arg7[%mul3A_243] : memref<10240xi32, #tpu.memory_space<vmem>> -> memref<128xi32, #tpu.memory_space<vmem>>
      %dma_wait3A_251 = arith.constant 0 : i32
      %dma_wait3A_252 = arith.constant 0 : i32
      %dma_wait3A_253 = tpu.memref_slice %arg9[%dma_wait3A_251, %dma_wait3A_252] : memref<10240x32xf32, #tpu.memory_space<vmem_shared>> -> memref<10240x32xf32, #tpu.memory_space<vmem_shared>>
      %dma_wait3A_254 = tpu.memref_slice %arg11[%dma_wait3A_245] : memref<4x!tpu.dma_semaphore, #tpu.memory_space<semaphore_mem>> -> memref<1x!tpu.dma_semaphore, #tpu.memory_space<semaphore_mem>>
      %dma_wait3A_255 = tpu.memref_squeeze %dma_wait3A_254 : memref<1x!tpu.dma_semaphore, #tpu.memory_space<semaphore_mem>> -> memref<!tpu.dma_semaphore, #tpu.memory_space<semaphore_mem>>
      tpu.wait_indirect_dma semaphore(%dma_wait3A_255 : memref<!tpu.dma_semaphore, #tpu.memory_space<semaphore_mem>>) src(%dma_wait3A_249 : memref<128x32xf32, #tpu.memory_space<vmem>>) dst(%dma_wait3A_253 : memref<10240x32xf32, #tpu.memory_space<vmem_shared>>)
      %mul3A_256 = arith.constant 128 : i32
      %mul3A_257 = arith.muli %add3A_226, %mul3A_256 : i32
      %dma_start3A_258 = arith.constant 3 : i32
      %dma_start3A_259 = arith.constant 3 : i32
      %dma_start3A_260 = arith.constant 0 : i32
      %dma_start3A_261 = arith.constant 0 : i32
      %dma_start3A_262 = tpu.memref_slice %arg8[%dma_start3A_258, %dma_start3A_260, %dma_start3A_261] : memref<4x128x32xf32, #tpu.memory_space<vmem>> -> memref<1x128x32xf32, #tpu.memory_space<vmem>>
      %dma_start3A_263 = tpu.memref_squeeze %dma_start3A_262 : memref<1x128x32xf32, #tpu.memory_space<vmem>> -> memref<128x32xf32, #tpu.memory_space<vmem>>
      %dma_start3A_264 = tpu.memref_slice %arg7[%mul3A_257] : memref<10240xi32, #tpu.memory_space<vmem>> -> memref<128xi32, #tpu.memory_space<vmem>>
      %dma_start3A_265 = arith.constant 0 : i32
      %dma_start3A_266 = arith.constant 0 : i32
      %dma_start3A_267 = tpu.memref_slice %arg9[%dma_start3A_265, %dma_start3A_266] : memref<10240x32xf32, #tpu.memory_space<vmem_shared>> -> memref<10240x32xf32, #tpu.memory_space<vmem_shared>>
      %dma_start3A_268 = tpu.memref_slice %arg11[%dma_start3A_259] : memref<4x!tpu.dma_semaphore, #tpu.memory_space<semaphore_mem>> -> memref<1x!tpu.dma_semaphore, #tpu.memory_space<semaphore_mem>>
      %dma_start3A_269 = tpu.memref_squeeze %dma_start3A_268 : memref<1x!tpu.dma_semaphore, #tpu.memory_space<semaphore_mem>> -> memref<!tpu.dma_semaphore, #tpu.memory_space<semaphore_mem>>
      tpu.enqueue_indirect_dma source(%dma_start3A_263 : memref<128x32xf32, #tpu.memory_space<vmem>>) target(%dma_start3A_267 : memref<10240x32xf32, #tpu.memory_space<vmem_shared>>) offsets(%dma_start3A_264 : memref<128xi32, #tpu.memory_space<vmem>>) semaphore(%dma_start3A_269 : memref<!tpu.dma_semaphore, #tpu.memory_space<semaphore_mem>>) {add = true}
      %sub3A_270 = arith.constant 1 : i32
      %sub3A_271 = arith.subi %select_n3A, %sub3A_270 : i32
      %lt3A = arith.cmpi slt, %while3A_70, %sub3A_271 : i32
      %convert_element_type3A_272 = arith.extui %lt3A : i1 to i32
      %cond3A_273 = arith.constant 0 : i32
      %cond3A_274 = arith.cmpi ne, %convert_element_type3A_272, %cond3A_273 : i32
      scf.if %cond3A_274 {
        %add3A_275 = arith.constant 1 : i32
        %add3A_276 = arith.addi %add3A_226, %add3A_275 : i32
        %mul3A_277 = arith.constant 128 : i32
        %mul3A_278 = arith.muli %add3A_276, %mul3A_277 : i32
        %dma_start3A_279 = arith.constant 0 : i32
        %dma_start3A_280 = arith.constant 0 : i32
        %dma_start3A_281 = arith.constant 0 : i32
        %dma_start3A_282 = arith.constant 0 : i32
        %dma_start3A_283 = tpu.memref_slice %arg8[%dma_start3A_279, %dma_start3A_281, %dma_start3A_282] : memref<4x128x32xf32, #tpu.memory_space<vmem>> -> memref<1x128x32xf32, #tpu.memory_space<vmem>>
        %dma_start3A_284 = tpu.memref_squeeze %dma_start3A_283 : memref<1x128x32xf32, #tpu.memory_space<vmem>> -> memref<128x32xf32, #tpu.memory_space<vmem>>
        %dma_start3A_285 = tpu.memref_slice %arg6[%mul3A_278] : memref<10240xi32, #tpu.memory_space<vmem>> -> memref<128xi32, #tpu.memory_space<vmem>>
        %dma_start3A_286 = arith.constant 0 : i32
        %dma_start3A_287 = arith.constant 0 : i32
        %dma_start3A_288 = tpu.memref_slice %arg4[%dma_start3A_286, %dma_start3A_287] : memref<10240x32xf32, #tpu.memory_space<hbm>> -> memref<10240x32xf32, #tpu.memory_space<hbm>>
        %dma_start3A_289 = tpu.memref_slice %arg10[%dma_start3A_280] : memref<4x!tpu.dma_semaphore, #tpu.memory_space<semaphore_mem>> -> memref<1x!tpu.dma_semaphore, #tpu.memory_space<semaphore_mem>>
        %dma_start3A_290 = tpu.memref_squeeze %dma_start3A_289 : memref<1x!tpu.dma_semaphore, #tpu.memory_space<semaphore_mem>> -> memref<!tpu.dma_semaphore, #tpu.memory_space<semaphore_mem>>
        tpu.enqueue_indirect_dma source(%dma_start3A_288 : memref<10240x32xf32, #tpu.memory_space<hbm>>) target(%dma_start3A_284 : memref<128x32xf32, #tpu.memory_space<vmem>>) offsets(%dma_start3A_285 : memref<128xi32, #tpu.memory_space<vmem>>) semaphore(%dma_start3A_290 : memref<!tpu.dma_semaphore, #tpu.memory_space<semaphore_mem>>)
      } else {
      }
    }
    %dma_wait3A = arith.constant 1 : i32
    %dma_wait3A_31 = arith.constant 1 : i32
    %dma_wait3A_32 = arith.constant 0 : i32
    %dma_wait3A_33 = arith.constant 0 : i32
    %dma_wait3A_34 = tpu.memref_slice %arg8[%dma_wait3A, %dma_wait3A_32, %dma_wait3A_33] : memref<4x128x32xf32, #tpu.memory_space<vmem>> -> memref<1x128x32xf32, #tpu.memory_space<vmem>>
    %dma_wait3A_35 = tpu.memref_squeeze %dma_wait3A_34 : memref<1x128x32xf32, #tpu.memory_space<vmem>> -> memref<128x32xf32, #tpu.memory_space<vmem>>
    %dma_wait3A_36 = arith.constant 0 : i32
    %dma_wait3A_37 = tpu.memref_slice %arg7[%dma_wait3A_36] : memref<10240xi32, #tpu.memory_space<vmem>> -> memref<128xi32, #tpu.memory_space<vmem>>
    %dma_wait3A_38 = arith.constant 0 : i32
    %dma_wait3A_39 = arith.constant 0 : i32
    %dma_wait3A_40 = tpu.memref_slice %arg9[%dma_wait3A_38, %dma_wait3A_39] : memref<10240x32xf32, #tpu.memory_space<vmem_shared>> -> memref<10240x32xf32, #tpu.memory_space<vmem_shared>>
    %dma_wait3A_41 = tpu.memref_slice %arg11[%dma_wait3A_31] : memref<4x!tpu.dma_semaphore, #tpu.memory_space<semaphore_mem>> -> memref<1x!tpu.dma_semaphore, #tpu.memory_space<semaphore_mem>>
    %dma_wait3A_42 = tpu.memref_squeeze %dma_wait3A_41 : memref<1x!tpu.dma_semaphore, #tpu.memory_space<semaphore_mem>> -> memref<!tpu.dma_semaphore, #tpu.memory_space<semaphore_mem>>
    tpu.wait_indirect_dma semaphore(%dma_wait3A_42 : memref<!tpu.dma_semaphore, #tpu.memory_space<semaphore_mem>>) src(%dma_wait3A_35 : memref<128x32xf32, #tpu.memory_space<vmem>>) dst(%dma_wait3A_40 : memref<10240x32xf32, #tpu.memory_space<vmem_shared>>)
    %dma_wait3A_43 = arith.constant 2 : i32
    %dma_wait3A_44 = arith.constant 2 : i32
    %dma_wait3A_45 = arith.constant 0 : i32
    %dma_wait3A_46 = arith.constant 0 : i32
    %dma_wait3A_47 = tpu.memref_slice %arg8[%dma_wait3A_43, %dma_wait3A_45, %dma_wait3A_46] : memref<4x128x32xf32, #tpu.memory_space<vmem>> -> memref<1x128x32xf32, #tpu.memory_space<vmem>>
    %dma_wait3A_48 = tpu.memref_squeeze %dma_wait3A_47 : memref<1x128x32xf32, #tpu.memory_space<vmem>> -> memref<128x32xf32, #tpu.memory_space<vmem>>
    %dma_wait3A_49 = arith.constant 0 : i32
    %dma_wait3A_50 = tpu.memref_slice %arg7[%dma_wait3A_49] : memref<10240xi32, #tpu.memory_space<vmem>> -> memref<128xi32, #tpu.memory_space<vmem>>
    %dma_wait3A_51 = arith.constant 0 : i32
    %dma_wait3A_52 = arith.constant 0 : i32
    %dma_wait3A_53 = tpu.memref_slice %arg9[%dma_wait3A_51, %dma_wait3A_52] : memref<10240x32xf32, #tpu.memory_space<vmem_shared>> -> memref<10240x32xf32, #tpu.memory_space<vmem_shared>>
    %dma_wait3A_54 = tpu.memref_slice %arg11[%dma_wait3A_44] : memref<4x!tpu.dma_semaphore, #tpu.memory_space<semaphore_mem>> -> memref<1x!tpu.dma_semaphore, #tpu.memory_space<semaphore_mem>>
    %dma_wait3A_55 = tpu.memref_squeeze %dma_wait3A_54 : memref<1x!tpu.dma_semaphore, #tpu.memory_space<semaphore_mem>> -> memref<!tpu.dma_semaphore, #tpu.memory_space<semaphore_mem>>
    tpu.wait_indirect_dma semaphore(%dma_wait3A_55 : memref<!tpu.dma_semaphore, #tpu.memory_space<semaphore_mem>>) src(%dma_wait3A_48 : memref<128x32xf32, #tpu.memory_space<vmem>>) dst(%dma_wait3A_53 : memref<10240x32xf32, #tpu.memory_space<vmem_shared>>)
    %dma_wait3A_56 = arith.constant 3 : i32
    %dma_wait3A_57 = arith.constant 3 : i32
    %dma_wait3A_58 = arith.constant 0 : i32
    %dma_wait3A_59 = arith.constant 0 : i32
    %dma_wait3A_60 = tpu.memref_slice %arg8[%dma_wait3A_56, %dma_wait3A_58, %dma_wait3A_59] : memref<4x128x32xf32, #tpu.memory_space<vmem>> -> memref<1x128x32xf32, #tpu.memory_space<vmem>>
    %dma_wait3A_61 = tpu.memref_squeeze %dma_wait3A_60 : memref<1x128x32xf32, #tpu.memory_space<vmem>> -> memref<128x32xf32, #tpu.memory_space<vmem>>
    %dma_wait3A_62 = arith.constant 0 : i32
    %dma_wait3A_63 = tpu.memref_slice %arg7[%dma_wait3A_62] : memref<10240xi32, #tpu.memory_space<vmem>> -> memref<128xi32, #tpu.memory_space<vmem>>
    %dma_wait3A_64 = arith.constant 0 : i32
    %dma_wait3A_65 = arith.constant 0 : i32
    %dma_wait3A_66 = tpu.memref_slice %arg9[%dma_wait3A_64, %dma_wait3A_65] : memref<10240x32xf32, #tpu.memory_space<vmem_shared>> -> memref<10240x32xf32, #tpu.memory_space<vmem_shared>>
    %dma_wait3A_67 = tpu.memref_slice %arg11[%dma_wait3A_57] : memref<4x!tpu.dma_semaphore, #tpu.memory_space<semaphore_mem>> -> memref<1x!tpu.dma_semaphore, #tpu.memory_space<semaphore_mem>>
    %dma_wait3A_68 = tpu.memref_squeeze %dma_wait3A_67 : memref<1x!tpu.dma_semaphore, #tpu.memory_space<semaphore_mem>> -> memref<!tpu.dma_semaphore, #tpu.memory_space<semaphore_mem>>
    tpu.wait_indirect_dma semaphore(%dma_wait3A_68 : memref<!tpu.dma_semaphore, #tpu.memory_space<semaphore_mem>>) src(%dma_wait3A_61 : memref<128x32xf32, #tpu.memory_space<vmem>>) dst(%dma_wait3A_66 : memref<10240x32xf32, #tpu.memory_space<vmem_shared>>)
    %barrier3A_69 = arith.constant 0 : index
    tpu.barrier barrier_id(%barrier3A_69)
    "tpu.region"() ({
      %run_scoped3A = tpu.sem_alloc : memref<!tpu.dma_semaphore, #tpu.memory_space<semaphore_mem>>
      %dma_start3A_70 = arith.constant 0 : i32
      %dma_start3A_71 = tpu.memref_slice %arg5[%arg0, %mul3A_21, %dma_start3A_70] : memref<2x10240x32xf32, #tpu.memory_space<hbm>> -> memref<1x640x32xf32, #tpu.memory_space<hbm>>
      %dma_start3A_72 = tpu.memref_squeeze %dma_start3A_71 : memref<1x640x32xf32, #tpu.memory_space<hbm>> -> memref<640x32xf32, #tpu.memory_space<hbm>>
      %dma_start3A_73 = arith.constant 0 : i32
      %dma_start3A_74 = tpu.memref_slice %arg9[%mul3A_21, %dma_start3A_73] : memref<10240x32xf32, #tpu.memory_space<vmem_shared>> -> memref<640x32xf32, #tpu.memory_space<vmem_shared>>
      tpu.enqueue_dma source(%dma_start3A_74 : memref<640x32xf32, #tpu.memory_space<vmem_shared>>) target(%dma_start3A_72 : memref<640x32xf32, #tpu.memory_space<hbm>>) target_semaphore(%run_scoped3A : memref<!tpu.dma_semaphore, #tpu.memory_space<semaphore_mem>>)
      %dma_wait3A_75 = arith.constant 0 : i32
      %dma_wait3A_76 = tpu.memref_slice %arg5[%arg0, %mul3A_21, %dma_wait3A_75] : memref<2x10240x32xf32, #tpu.memory_space<hbm>> -> memref<1x640x32xf32, #tpu.memory_space<hbm>>
      %dma_wait3A_77 = tpu.memref_squeeze %dma_wait3A_76 : memref<1x640x32xf32, #tpu.memory_space<hbm>> -> memref<640x32xf32, #tpu.memory_space<hbm>>
      %dma_wait3A_78 = arith.constant 0 : i32
      %dma_wait3A_79 = tpu.memref_slice %arg9[%mul3A_21, %dma_wait3A_78] : memref<10240x32xf32, #tpu.memory_space<vmem_shared>> -> memref<640x32xf32, #tpu.memory_space<vmem_shared>>
      tpu.wait_dma2 semaphore(%run_scoped3A : memref<!tpu.dma_semaphore, #tpu.memory_space<semaphore_mem>>) src(%dma_wait3A_79 : memref<640x32xf32, #tpu.memory_space<vmem_shared>>) dst(%dma_wait3A_77 : memref<640x32xf32, #tpu.memory_space<hbm>>)
      tpu.yield
    }) : () -> ()
    return
  }
}

#map = affine_map<(d0, d1) -> (0)>
#map1 = affine_map<(d0, d1) -> (0, 0, 0)>
module attributes {stable_mosaic.version = 14 : i64} {
  func.func @deg(%arg0: i32, %arg1: i32, %arg2: memref<320000xi32, #tpu.memory_space<hbm>>, %arg3: memref<2x10240x16xf32, #tpu.memory_space<hbm>>, %arg4: memref<10240xi32, #tpu.memory_space<vmem>>, %arg5: memref<640x16xf32, #tpu.memory_space<vmem>>, %arg6: memref<128x16xf32, #tpu.memory_space<vmem>>, %arg7: memref<10240x16xf32, #tpu.memory_space<vmem_shared>>) attributes {dimension_semantics = [#tpu.dimension_semantics<core_parallel>, #tpu.dimension_semantics<subcore_parallel>], iteration_bounds = array<i64: 2, 16>, scalar_prefetch = 0 : i64, scratch_operands = 4 : i64, tpu.core_type = #tpu.core_type<sc_vector_subcore>, window_params = [{transform_indices = #map}, {transform_indices = #map1}]} {
    %mul3A = arith.constant 16 : i32
    %mul3A_0 = arith.muli %arg0, %mul3A : i32
    %add3A = arith.addi %mul3A_0, %arg1 : i32
    %eq3A = arith.constant 31 : i32
    %eq3A_1 = arith.cmpi eq, %add3A, %eq3A : i32
    %not3A = arith.constant true
    %not3A_2 = arith.xori %eq3A_1, %not3A : i1
    %convert_element_type3A = arith.extui %not3A_2 : i1 to i32
    %cond3A = arith.constant 0 : i32
    %cond3A_3 = arith.cmpi ne, %convert_element_type3A, %cond3A : i32
    scf.if %cond3A_3 {
      %mul3A_31 = arith.constant 10240 : i32
      %mul3A_32 = arith.muli %add3A, %mul3A_31 : i32
      "tpu.region"() ({
        %run_scoped3A = tpu.sem_alloc : memref<!tpu.dma_semaphore, #tpu.memory_space<semaphore_mem>>
        %dma_start3A = tpu.memref_slice %arg2[%mul3A_32] : memref<320000xi32, #tpu.memory_space<hbm>> -> memref<10240xi32, #tpu.memory_space<hbm>>
        %dma_start3A_33 = tpu.memref_slice %arg2[%mul3A_32] : memref<320000xi32, #tpu.memory_space<hbm>> -> memref<10240xi32, #tpu.memory_space<hbm>>
        tpu.enqueue_dma source(%dma_start3A_33 : memref<10240xi32, #tpu.memory_space<hbm>>) target(%arg4 : memref<10240xi32, #tpu.memory_space<vmem>>) target_semaphore(%run_scoped3A : memref<!tpu.dma_semaphore, #tpu.memory_space<semaphore_mem>>)
        %dma_wait3A = tpu.memref_slice %arg2[%mul3A_32] : memref<320000xi32, #tpu.memory_space<hbm>> -> memref<10240xi32, #tpu.memory_space<hbm>>
        %dma_wait3A_34 = tpu.memref_slice %arg2[%mul3A_32] : memref<320000xi32, #tpu.memory_space<hbm>> -> memref<10240xi32, #tpu.memory_space<hbm>>
        tpu.wait_dma2 semaphore(%run_scoped3A : memref<!tpu.dma_semaphore, #tpu.memory_space<semaphore_mem>>) src(%dma_wait3A_34 : memref<10240xi32, #tpu.memory_space<hbm>>) dst(%arg4 : memref<10240xi32, #tpu.memory_space<vmem>>)
        tpu.yield
      }) : () -> ()
    } else {
    }
    %convert_element_type3A_4 = arith.extui %eq3A_1 : i1 to i32
    %cond3A_5 = arith.constant 0 : i32
    %cond3A_6 = arith.cmpi ne, %convert_element_type3A_4, %cond3A_5 : i32
    scf.if %cond3A_6 {
      %mul3A_31 = arith.constant 10240 : i32
      %mul3A_32 = arith.muli %add3A, %mul3A_31 : i32
      "tpu.region"() ({
        %run_scoped3A = tpu.sem_alloc : memref<!tpu.dma_semaphore, #tpu.memory_space<semaphore_mem>>
        %dma_start3A = arith.constant 0 : i32
        %dma_start3A_33 = tpu.memref_slice %arg4[%dma_start3A] : memref<10240xi32, #tpu.memory_space<vmem>> -> memref<2560xi32, #tpu.memory_space<vmem>>
        %dma_start3A_34 = tpu.memref_slice %arg2[%mul3A_32] : memref<320000xi32, #tpu.memory_space<hbm>> -> memref<2560xi32, #tpu.memory_space<hbm>>
        %dma_start3A_35 = arith.constant 0 : i32
        %dma_start3A_36 = tpu.memref_slice %arg4[%dma_start3A_35] : memref<10240xi32, #tpu.memory_space<vmem>> -> memref<2560xi32, #tpu.memory_space<vmem>>
        %dma_start3A_37 = tpu.memref_slice %arg2[%mul3A_32] : memref<320000xi32, #tpu.memory_space<hbm>> -> memref<2560xi32, #tpu.memory_space<hbm>>
        tpu.enqueue_dma source(%dma_start3A_37 : memref<2560xi32, #tpu.memory_space<hbm>>) target(%dma_start3A_36 : memref<2560xi32, #tpu.memory_space<vmem>>) target_semaphore(%run_scoped3A : memref<!tpu.dma_semaphore, #tpu.memory_space<semaphore_mem>>)
        %dma_wait3A = arith.constant 0 : i32
        %dma_wait3A_38 = tpu.memref_slice %arg4[%dma_wait3A] : memref<10240xi32, #tpu.memory_space<vmem>> -> memref<2560xi32, #tpu.memory_space<vmem>>
        %dma_wait3A_39 = tpu.memref_slice %arg2[%mul3A_32] : memref<320000xi32, #tpu.memory_space<hbm>> -> memref<2560xi32, #tpu.memory_space<hbm>>
        %dma_wait3A_40 = arith.constant 0 : i32
        %dma_wait3A_41 = tpu.memref_slice %arg4[%dma_wait3A_40] : memref<10240xi32, #tpu.memory_space<vmem>> -> memref<2560xi32, #tpu.memory_space<vmem>>
        %dma_wait3A_42 = tpu.memref_slice %arg2[%mul3A_32] : memref<320000xi32, #tpu.memory_space<hbm>> -> memref<2560xi32, #tpu.memory_space<hbm>>
        tpu.wait_dma2 semaphore(%run_scoped3A : memref<!tpu.dma_semaphore, #tpu.memory_space<semaphore_mem>>) src(%dma_wait3A_42 : memref<2560xi32, #tpu.memory_space<hbm>>) dst(%dma_wait3A_41 : memref<2560xi32, #tpu.memory_space<vmem>>)
        tpu.yield
      }) : () -> ()
    } else {
    }
    %jit3A = arith.constant 20 : i32
    %jit3A_7 = arith.constant 80 : i32
    %select_n3A = arith.select %eq3A_1, %jit3A, %jit3A_7 : i32
    %scan3A = arith.constant 0 : i32
    %scan3A_8 = arith.constant 0 : i32
    %scan3A_9 = arith.constant 640 : i32
    %scan3A_10 = arith.addi %scan3A_8, %scan3A_9 : i32
    %scan3A_11 = arith.constant 1 : i32
    scf.for %scan3A_31 = %scan3A_8 to %scan3A_10 step %scan3A_11  : i32 {
      %broadcast_in_dim3A = arith.constant 1.000000e+00 : f32
      %broadcast_in_dim3A_32 = vector.broadcast %broadcast_in_dim3A : f32 to vector<16xf32>
      %swap3A = arith.index_cast %scan3A_31 : i32 to index
      %swap3A_33 = arith.constant 0 : index
      %swap3A_34 = tpu.vector_load %arg5[%swap3A, %swap3A_33] {strides = array<i32>} : memref<640x16xf32, #tpu.memory_space<vmem>>, vector<1x16xf32>,
      %swap3A_35 = vector.shape_cast %swap3A_34 : vector<1x16xf32> to vector<16xf32>
      %swap3A_36 = vector.shape_cast %broadcast_in_dim3A_32 : vector<16xf32> to vector<1x16xf32>
      tpu.vector_store %arg5[%swap3A, %swap3A_33], %swap3A_36 {strides = array<i32>} : memref<640x16xf32, #tpu.memory_space<vmem>>, vector<1x16xf32>,
    }
    %scan3A_12 = arith.constant 640 : i32
    %scan3A_13 = arith.constant 0 : i32
    %scan3A_14 = arith.constant 0 : i32
    %scan3A_15 = arith.constant 128 : i32
    %scan3A_16 = arith.addi %scan3A_14, %scan3A_15 : i32
    %scan3A_17 = arith.constant 1 : i32
    scf.for %scan3A_31 = %scan3A_14 to %scan3A_16 step %scan3A_17  : i32 {
      %broadcast_in_dim3A = arith.constant 1.000000e+00 : f32
      %broadcast_in_dim3A_32 = vector.broadcast %broadcast_in_dim3A : f32 to vector<16xf32>
      %swap3A = arith.index_cast %scan3A_31 : i32 to index
      %swap3A_33 = arith.constant 0 : index
      %swap3A_34 = tpu.vector_load %arg6[%swap3A, %swap3A_33] {strides = array<i32>} : memref<128x16xf32, #tpu.memory_space<vmem>>, vector<1x16xf32>,
      %swap3A_35 = vector.shape_cast %swap3A_34 : vector<1x16xf32> to vector<16xf32>
      %swap3A_36 = vector.shape_cast %broadcast_in_dim3A_32 : vector<16xf32> to vector<1x16xf32>
      tpu.vector_store %arg6[%swap3A, %swap3A_33], %swap3A_36 {strides = array<i32>} : memref<128x16xf32, #tpu.memory_space<vmem>>, vector<1x16xf32>,
    }
    %scan3A_18 = arith.constant 128 : i32
    %mul3A_19 = arith.constant 640 : i32
    %mul3A_20 = arith.muli %arg1, %mul3A_19 : i32
    "tpu.region"() ({
      %run_scoped3A = tpu.sem_alloc : memref<!tpu.dma_semaphore, #tpu.memory_space<semaphore_mem>>
      %dma_start3A = arith.constant 0 : i32
      %dma_start3A_31 = tpu.memref_slice %arg7[%mul3A_20, %dma_start3A] : memref<10240x16xf32, #tpu.memory_space<vmem_shared>> -> memref<640x16xf32, #tpu.memory_space<vmem_shared>>
      %dma_start3A_32 = arith.constant 0 : i32
      %dma_start3A_33 = tpu.memref_slice %arg7[%mul3A_20, %dma_start3A_32] : memref<10240x16xf32, #tpu.memory_space<vmem_shared>> -> memref<640x16xf32, #tpu.memory_space<vmem_shared>>
      tpu.enqueue_dma source(%arg5 : memref<640x16xf32, #tpu.memory_space<vmem>>) target(%dma_start3A_33 : memref<640x16xf32, #tpu.memory_space<vmem_shared>>) target_semaphore(%run_scoped3A : memref<!tpu.dma_semaphore, #tpu.memory_space<semaphore_mem>>)
      %dma_wait3A = arith.constant 0 : i32
      %dma_wait3A_34 = tpu.memref_slice %arg7[%mul3A_20, %dma_wait3A] : memref<10240x16xf32, #tpu.memory_space<vmem_shared>> -> memref<640x16xf32, #tpu.memory_space<vmem_shared>>
      %dma_wait3A_35 = arith.constant 0 : i32
      %dma_wait3A_36 = tpu.memref_slice %arg7[%mul3A_20, %dma_wait3A_35] : memref<10240x16xf32, #tpu.memory_space<vmem_shared>> -> memref<640x16xf32, #tpu.memory_space<vmem_shared>>
      tpu.wait_dma2 semaphore(%run_scoped3A : memref<!tpu.dma_semaphore, #tpu.memory_space<semaphore_mem>>) src(%arg5 : memref<640x16xf32, #tpu.memory_space<vmem>>) dst(%dma_wait3A_36 : memref<640x16xf32, #tpu.memory_space<vmem_shared>>)
      tpu.yield
    }) : () -> ()
    %barrier3A = arith.constant 0 : index
    tpu.barrier barrier_id(%barrier3A)
    %while3A = arith.constant 0 : i32
    %while3A_21 = arith.constant 0 : i32
    %while3A_22 = arith.subi %select_n3A, %while3A_21 : i32
    %while3A_23 = arith.addi %while3A_21, %while3A_22 : i32
    %while3A_24 = arith.constant 1 : i32
    %while3A_25 = arith.divsi %while3A_22, %while3A_24 : i32
    %while3A_26 = arith.muli %while3A_25, %while3A_24 : i32
    %while3A_27 = arith.addi %while3A_21, %while3A_26 : i32
    %while3A_28 = arith.constant 1 : i32
    scf.for %while3A_31 = %while3A_21 to %while3A_27 step %while3A_28  : i32 {
      %mul3A_32 = arith.constant 128 : i32
      %mul3A_33 = arith.muli %while3A_31, %mul3A_32 : i32
      "tpu.region"() ({
        %run_scoped3A = tpu.sem_alloc : memref<!tpu.dma_semaphore, #tpu.memory_space<semaphore_mem>>
        %dma_start3A = tpu.memref_slice %arg4[%mul3A_33] : memref<10240xi32, #tpu.memory_space<vmem>> -> memref<128xi32, #tpu.memory_space<vmem>>
        %dma_start3A_34 = arith.constant 0 : i32
        %dma_start3A_35 = arith.constant 0 : i32
        %dma_start3A_36 = tpu.memref_slice %arg7[%dma_start3A_34, %dma_start3A_35] : memref<10240x16xf32, #tpu.memory_space<vmem_shared>> -> memref<10240x16xf32, #tpu.memory_space<vmem_shared>>
        tpu.enqueue_indirect_dma source(%arg6 : memref<128x16xf32, #tpu.memory_space<vmem>>) target(%dma_start3A_36 : memref<10240x16xf32, #tpu.memory_space<vmem_shared>>) offsets(%dma_start3A : memref<128xi32, #tpu.memory_space<vmem>>) semaphore(%run_scoped3A : memref<!tpu.dma_semaphore, #tpu.memory_space<semaphore_mem>>) {add = true}
        %dma_wait3A = tpu.memref_slice %arg4[%mul3A_33] : memref<10240xi32, #tpu.memory_space<vmem>> -> memref<128xi32, #tpu.memory_space<vmem>>
        %dma_wait3A_37 = arith.constant 0 : i32
        %dma_wait3A_38 = arith.constant 0 : i32
        %dma_wait3A_39 = tpu.memref_slice %arg7[%dma_wait3A_37, %dma_wait3A_38] : memref<10240x16xf32, #tpu.memory_space<vmem_shared>> -> memref<10240x16xf32, #tpu.memory_space<vmem_shared>>
        tpu.wait_indirect_dma semaphore(%run_scoped3A : memref<!tpu.dma_semaphore, #tpu.memory_space<semaphore_mem>>) src(%arg6 : memref<128x16xf32, #tpu.memory_space<vmem>>) dst(%dma_wait3A_39 : memref<10240x16xf32, #tpu.memory_space<vmem_shared>>)
        tpu.yield
      }) : () -> ()
    }
    %while3A_29 = arith.constant 1 : i32
    scf.for %while3A_31 = %while3A_27 to %while3A_23 step %while3A_29  : i32 {
      %mul3A_32 = arith.constant 128 : i32
      %mul3A_33 = arith.muli %while3A_31, %mul3A_32 : i32
      "tpu.region"() ({
        %run_scoped3A = tpu.sem_alloc : memref<!tpu.dma_semaphore, #tpu.memory_space<semaphore_mem>>
        %dma_start3A = tpu.memref_slice %arg4[%mul3A_33] : memref<10240xi32, #tpu.memory_space<vmem>> -> memref<128xi32, #tpu.memory_space<vmem>>
        %dma_start3A_34 = arith.constant 0 : i32
        %dma_start3A_35 = arith.constant 0 : i32
        %dma_start3A_36 = tpu.memref_slice %arg7[%dma_start3A_34, %dma_start3A_35] : memref<10240x16xf32, #tpu.memory_space<vmem_shared>> -> memref<10240x16xf32, #tpu.memory_space<vmem_shared>>
        tpu.enqueue_indirect_dma source(%arg6 : memref<128x16xf32, #tpu.memory_space<vmem>>) target(%dma_start3A_36 : memref<10240x16xf32, #tpu.memory_space<vmem_shared>>) offsets(%dma_start3A : memref<128xi32, #tpu.memory_space<vmem>>) semaphore(%run_scoped3A : memref<!tpu.dma_semaphore, #tpu.memory_space<semaphore_mem>>) {add = true}
        %dma_wait3A = tpu.memref_slice %arg4[%mul3A_33] : memref<10240xi32, #tpu.memory_space<vmem>> -> memref<128xi32, #tpu.memory_space<vmem>>
        %dma_wait3A_37 = arith.constant 0 : i32
        %dma_wait3A_38 = arith.constant 0 : i32
        %dma_wait3A_39 = tpu.memref_slice %arg7[%dma_wait3A_37, %dma_wait3A_38] : memref<10240x16xf32, #tpu.memory_space<vmem_shared>> -> memref<10240x16xf32, #tpu.memory_space<vmem_shared>>
        tpu.wait_indirect_dma semaphore(%run_scoped3A : memref<!tpu.dma_semaphore, #tpu.memory_space<semaphore_mem>>) src(%arg6 : memref<128x16xf32, #tpu.memory_space<vmem>>) dst(%dma_wait3A_39 : memref<10240x16xf32, #tpu.memory_space<vmem_shared>>)
        tpu.yield
      }) : () -> ()
    }
    %barrier3A_30 = arith.constant 0 : index
    tpu.barrier barrier_id(%barrier3A_30)
    "tpu.region"() ({
      %run_scoped3A = tpu.sem_alloc : memref<!tpu.dma_semaphore, #tpu.memory_space<semaphore_mem>>
      %dma_start3A = arith.constant 0 : i32
      %dma_start3A_31 = tpu.memref_slice %arg7[%mul3A_20, %dma_start3A] : memref<10240x16xf32, #tpu.memory_space<vmem_shared>> -> memref<640x16xf32, #tpu.memory_space<vmem_shared>>
      %dma_start3A_32 = arith.constant 0 : i32
      %dma_start3A_33 = tpu.memref_slice %arg7[%mul3A_20, %dma_start3A_32] : memref<10240x16xf32, #tpu.memory_space<vmem_shared>> -> memref<640x16xf32, #tpu.memory_space<vmem_shared>>
      tpu.enqueue_dma source(%dma_start3A_33 : memref<640x16xf32, #tpu.memory_space<vmem_shared>>) target(%arg5 : memref<640x16xf32, #tpu.memory_space<vmem>>) target_semaphore(%run_scoped3A : memref<!tpu.dma_semaphore, #tpu.memory_space<semaphore_mem>>)
      %dma_wait3A = arith.constant 0 : i32
      %dma_wait3A_34 = tpu.memref_slice %arg7[%mul3A_20, %dma_wait3A] : memref<10240x16xf32, #tpu.memory_space<vmem_shared>> -> memref<640x16xf32, #tpu.memory_space<vmem_shared>>
      %dma_wait3A_35 = arith.constant 0 : i32
      %dma_wait3A_36 = tpu.memref_slice %arg7[%mul3A_20, %dma_wait3A_35] : memref<10240x16xf32, #tpu.memory_space<vmem_shared>> -> memref<640x16xf32, #tpu.memory_space<vmem_shared>>
      tpu.wait_dma2 semaphore(%run_scoped3A : memref<!tpu.dma_semaphore, #tpu.memory_space<semaphore_mem>>) src(%dma_wait3A_36 : memref<640x16xf32, #tpu.memory_space<vmem_shared>>) dst(%arg5 : memref<640x16xf32, #tpu.memory_space<vmem>>)
      tpu.yield
    }) : () -> ()
    "tpu.region"() ({
      %run_scoped3A = tpu.sem_alloc : memref<!tpu.dma_semaphore, #tpu.memory_space<semaphore_mem>>
      %dma_start3A = arith.constant 0 : i32
      %dma_start3A_31 = tpu.memref_slice %arg3[%arg0, %mul3A_20, %dma_start3A] : memref<2x10240x16xf32, #tpu.memory_space<hbm>> -> memref<1x640x16xf32, #tpu.memory_space<hbm>>
      %dma_start3A_32 = tpu.memref_squeeze %dma_start3A_31 : memref<1x640x16xf32, #tpu.memory_space<hbm>> -> memref<640x16xf32, #tpu.memory_space<hbm>>
      %dma_start3A_33 = arith.constant 0 : i32
      %dma_start3A_34 = tpu.memref_slice %arg3[%arg0, %mul3A_20, %dma_start3A_33] : memref<2x10240x16xf32, #tpu.memory_space<hbm>> -> memref<1x640x16xf32, #tpu.memory_space<hbm>>
      %dma_start3A_35 = tpu.memref_squeeze %dma_start3A_34 : memref<1x640x16xf32, #tpu.memory_space<hbm>> -> memref<640x16xf32, #tpu.memory_space<hbm>>
      tpu.enqueue_dma source(%arg5 : memref<640x16xf32, #tpu.memory_space<vmem>>) target(%dma_start3A_35 : memref<640x16xf32, #tpu.memory_space<hbm>>) target_semaphore(%run_scoped3A : memref<!tpu.dma_semaphore, #tpu.memory_space<semaphore_mem>>)
      %dma_wait3A = arith.constant 0 : i32
      %dma_wait3A_36 = tpu.memref_slice %arg3[%arg0, %mul3A_20, %dma_wait3A] : memref<2x10240x16xf32, #tpu.memory_space<hbm>> -> memref<1x640x16xf32, #tpu.memory_space<hbm>>
      %dma_wait3A_37 = tpu.memref_squeeze %dma_wait3A_36 : memref<1x640x16xf32, #tpu.memory_space<hbm>> -> memref<640x16xf32, #tpu.memory_space<hbm>>
      %dma_wait3A_38 = arith.constant 0 : i32
      %dma_wait3A_39 = tpu.memref_slice %arg3[%arg0, %mul3A_20, %dma_wait3A_38] : memref<2x10240x16xf32, #tpu.memory_space<hbm>> -> memref<1x640x16xf32, #tpu.memory_space<hbm>>
      %dma_wait3A_40 = tpu.memref_squeeze %dma_wait3A_39 : memref<1x640x16xf32, #tpu.memory_space<hbm>> -> memref<640x16xf32, #tpu.memory_space<hbm>>
      tpu.wait_dma2 semaphore(%run_scoped3A : memref<!tpu.dma_semaphore, #tpu.memory_space<semaphore_mem>>) src(%arg5 : memref<640x16xf32, #tpu.memory_space<vmem>>) dst(%dma_wait3A_40 : memref<640x16xf32, #tpu.memory_space<hbm>>)
      tpu.yield
    }) : () -> ()
    return
  }
}

#map = affine_map<(d0, d1) -> (0)>
#map1 = affine_map<(d0, d1) -> (0, 0)>
#map2 = affine_map<(d0, d1) -> (0, 0, 0)>
module attributes {stable_mosaic.version = 14 : i64} {
  func.func @agg(%arg0: i32, %arg1: i32, %arg2: memref<320000xi32, #tpu.memory_space<hbm>>, %arg3: memref<320000xi32, #tpu.memory_space<hbm>>, %arg4: memref<10240x64xf32, #tpu.memory_space<hbm>>, %arg5: memref<2x10240x64xf32, #tpu.memory_space<hbm>>, %arg6: memref<10240xi32, #tpu.memory_space<vmem>>, %arg7: memref<10240xi32, #tpu.memory_space<vmem>>, %arg8: memref<4x128x64xf32, #tpu.memory_space<vmem>>, %arg9: memref<10240x64xf32, #tpu.memory_space<vmem_shared>>, %arg10: memref<4x!tpu.dma_semaphore, #tpu.memory_space<semaphore_mem>>, %arg11: memref<4x!tpu.dma_semaphore, #tpu.memory_space<semaphore_mem>>) attributes {dimension_semantics = [#tpu.dimension_semantics<core_parallel>, #tpu.dimension_semantics<subcore_parallel>], iteration_bounds = array<i64: 2, 16>, scalar_prefetch = 0 : i64, scratch_operands = 6 : i64, tpu.core_type = #tpu.core_type<sc_vector_subcore>, window_params = [{transform_indices = #map}, {transform_indices = #map}, {transform_indices = #map1}, {transform_indices = #map2}]} {
    %mul3A = arith.constant 16 : i32
    %mul3A_0 = arith.muli %arg0, %mul3A : i32
    %add3A = arith.addi %mul3A_0, %arg1 : i32
    %eq3A = arith.constant 31 : i32
    %eq3A_1 = arith.cmpi eq, %add3A, %eq3A : i32
    %not3A = arith.constant true
    %not3A_2 = arith.xori %eq3A_1, %not3A : i1
    %convert_element_type3A = arith.extui %not3A_2 : i1 to i32
    %cond3A = arith.constant 0 : i32
    %cond3A_3 = arith.cmpi ne, %convert_element_type3A, %cond3A : i32
    scf.if %cond3A_3 {
      %mul3A_70 = arith.constant 10240 : i32
      %mul3A_71 = arith.muli %add3A, %mul3A_70 : i32
      "tpu.region"() ({
        %run_scoped3A = tpu.sem_alloc : memref<!tpu.dma_semaphore, #tpu.memory_space<semaphore_mem>>
        %dma_start3A_74 = tpu.memref_slice %arg2[%mul3A_71] : memref<320000xi32, #tpu.memory_space<hbm>> -> memref<10240xi32, #tpu.memory_space<hbm>>
        %dma_start3A_75 = tpu.memref_slice %arg2[%mul3A_71] : memref<320000xi32, #tpu.memory_space<hbm>> -> memref<10240xi32, #tpu.memory_space<hbm>>
        tpu.enqueue_dma source(%dma_start3A_75 : memref<10240xi32, #tpu.memory_space<hbm>>) target(%arg6 : memref<10240xi32, #tpu.memory_space<vmem>>) target_semaphore(%run_scoped3A : memref<!tpu.dma_semaphore, #tpu.memory_space<semaphore_mem>>)
        %dma_wait3A_76 = tpu.memref_slice %arg2[%mul3A_71] : memref<320000xi32, #tpu.memory_space<hbm>> -> memref<10240xi32, #tpu.memory_space<hbm>>
        %dma_wait3A_77 = tpu.memref_slice %arg2[%mul3A_71] : memref<320000xi32, #tpu.memory_space<hbm>> -> memref<10240xi32, #tpu.memory_space<hbm>>
        tpu.wait_dma2 semaphore(%run_scoped3A : memref<!tpu.dma_semaphore, #tpu.memory_space<semaphore_mem>>) src(%dma_wait3A_77 : memref<10240xi32, #tpu.memory_space<hbm>>) dst(%arg6 : memref<10240xi32, #tpu.memory_space<vmem>>)
        tpu.yield
      }) : () -> ()
      %mul3A_72 = arith.constant 10240 : i32
      %mul3A_73 = arith.muli %add3A, %mul3A_72 : i32
      "tpu.region"() ({
        %run_scoped3A = tpu.sem_alloc : memref<!tpu.dma_semaphore, #tpu.memory_space<semaphore_mem>>
        %dma_start3A_74 = tpu.memref_slice %arg3[%mul3A_73] : memref<320000xi32, #tpu.memory_space<hbm>> -> memref<10240xi32, #tpu.memory_space<hbm>>
        %dma_start3A_75 = tpu.memref_slice %arg3[%mul3A_73] : memref<320000xi32, #tpu.memory_space<hbm>> -> memref<10240xi32, #tpu.memory_space<hbm>>
        tpu.enqueue_dma source(%dma_start3A_75 : memref<10240xi32, #tpu.memory_space<hbm>>) target(%arg7 : memref<10240xi32, #tpu.memory_space<vmem>>) target_semaphore(%run_scoped3A : memref<!tpu.dma_semaphore, #tpu.memory_space<semaphore_mem>>)
        %dma_wait3A_76 = tpu.memref_slice %arg3[%mul3A_73] : memref<320000xi32, #tpu.memory_space<hbm>> -> memref<10240xi32, #tpu.memory_space<hbm>>
        %dma_wait3A_77 = tpu.memref_slice %arg3[%mul3A_73] : memref<320000xi32, #tpu.memory_space<hbm>> -> memref<10240xi32, #tpu.memory_space<hbm>>
        tpu.wait_dma2 semaphore(%run_scoped3A : memref<!tpu.dma_semaphore, #tpu.memory_space<semaphore_mem>>) src(%dma_wait3A_77 : memref<10240xi32, #tpu.memory_space<hbm>>) dst(%arg7 : memref<10240xi32, #tpu.memory_space<vmem>>)
        tpu.yield
      }) : () -> ()
    } else {
    }
    %convert_element_type3A_4 = arith.extui %eq3A_1 : i1 to i32
    %cond3A_5 = arith.constant 0 : i32
    %cond3A_6 = arith.cmpi ne, %convert_element_type3A_4, %cond3A_5 : i32
    scf.if %cond3A_6 {
      %mul3A_70 = arith.constant 10240 : i32
      %mul3A_71 = arith.muli %add3A, %mul3A_70 : i32
      "tpu.region"() ({
        %run_scoped3A = tpu.sem_alloc : memref<!tpu.dma_semaphore, #tpu.memory_space<semaphore_mem>>
        %dma_start3A_74 = arith.constant 0 : i32
        %dma_start3A_75 = tpu.memref_slice %arg6[%dma_start3A_74] : memref<10240xi32, #tpu.memory_space<vmem>> -> memref<2560xi32, #tpu.memory_space<vmem>>
        %dma_start3A_76 = tpu.memref_slice %arg2[%mul3A_71] : memref<320000xi32, #tpu.memory_space<hbm>> -> memref<2560xi32, #tpu.memory_space<hbm>>
        %dma_start3A_77 = arith.constant 0 : i32
        %dma_start3A_78 = tpu.memref_slice %arg6[%dma_start3A_77] : memref<10240xi32, #tpu.memory_space<vmem>> -> memref<2560xi32, #tpu.memory_space<vmem>>
        %dma_start3A_79 = tpu.memref_slice %arg2[%mul3A_71] : memref<320000xi32, #tpu.memory_space<hbm>> -> memref<2560xi32, #tpu.memory_space<hbm>>
        tpu.enqueue_dma source(%dma_start3A_79 : memref<2560xi32, #tpu.memory_space<hbm>>) target(%dma_start3A_78 : memref<2560xi32, #tpu.memory_space<vmem>>) target_semaphore(%run_scoped3A : memref<!tpu.dma_semaphore, #tpu.memory_space<semaphore_mem>>)
        %dma_wait3A_80 = arith.constant 0 : i32
        %dma_wait3A_81 = tpu.memref_slice %arg6[%dma_wait3A_80] : memref<10240xi32, #tpu.memory_space<vmem>> -> memref<2560xi32, #tpu.memory_space<vmem>>
        %dma_wait3A_82 = tpu.memref_slice %arg2[%mul3A_71] : memref<320000xi32, #tpu.memory_space<hbm>> -> memref<2560xi32, #tpu.memory_space<hbm>>
        %dma_wait3A_83 = arith.constant 0 : i32
        %dma_wait3A_84 = tpu.memref_slice %arg6[%dma_wait3A_83] : memref<10240xi32, #tpu.memory_space<vmem>> -> memref<2560xi32, #tpu.memory_space<vmem>>
        %dma_wait3A_85 = tpu.memref_slice %arg2[%mul3A_71] : memref<320000xi32, #tpu.memory_space<hbm>> -> memref<2560xi32, #tpu.memory_space<hbm>>
        tpu.wait_dma2 semaphore(%run_scoped3A : memref<!tpu.dma_semaphore, #tpu.memory_space<semaphore_mem>>) src(%dma_wait3A_85 : memref<2560xi32, #tpu.memory_space<hbm>>) dst(%dma_wait3A_84 : memref<2560xi32, #tpu.memory_space<vmem>>)
        tpu.yield
      }) : () -> ()
      %mul3A_72 = arith.constant 10240 : i32
      %mul3A_73 = arith.muli %add3A, %mul3A_72 : i32
      "tpu.region"() ({
        %run_scoped3A = tpu.sem_alloc : memref<!tpu.dma_semaphore, #tpu.memory_space<semaphore_mem>>
        %dma_start3A_74 = arith.constant 0 : i32
        %dma_start3A_75 = tpu.memref_slice %arg7[%dma_start3A_74] : memref<10240xi32, #tpu.memory_space<vmem>> -> memref<2560xi32, #tpu.memory_space<vmem>>
        %dma_start3A_76 = tpu.memref_slice %arg3[%mul3A_73] : memref<320000xi32, #tpu.memory_space<hbm>> -> memref<2560xi32, #tpu.memory_space<hbm>>
        %dma_start3A_77 = arith.constant 0 : i32
        %dma_start3A_78 = tpu.memref_slice %arg7[%dma_start3A_77] : memref<10240xi32, #tpu.memory_space<vmem>> -> memref<2560xi32, #tpu.memory_space<vmem>>
        %dma_start3A_79 = tpu.memref_slice %arg3[%mul3A_73] : memref<320000xi32, #tpu.memory_space<hbm>> -> memref<2560xi32, #tpu.memory_space<hbm>>
        tpu.enqueue_dma source(%dma_start3A_79 : memref<2560xi32, #tpu.memory_space<hbm>>) target(%dma_start3A_78 : memref<2560xi32, #tpu.memory_space<vmem>>) target_semaphore(%run_scoped3A : memref<!tpu.dma_semaphore, #tpu.memory_space<semaphore_mem>>)
        %dma_wait3A_80 = arith.constant 0 : i32
        %dma_wait3A_81 = tpu.memref_slice %arg7[%dma_wait3A_80] : memref<10240xi32, #tpu.memory_space<vmem>> -> memref<2560xi32, #tpu.memory_space<vmem>>
        %dma_wait3A_82 = tpu.memref_slice %arg3[%mul3A_73] : memref<320000xi32, #tpu.memory_space<hbm>> -> memref<2560xi32, #tpu.memory_space<hbm>>
        %dma_wait3A_83 = arith.constant 0 : i32
        %dma_wait3A_84 = tpu.memref_slice %arg7[%dma_wait3A_83] : memref<10240xi32, #tpu.memory_space<vmem>> -> memref<2560xi32, #tpu.memory_space<vmem>>
        %dma_wait3A_85 = tpu.memref_slice %arg3[%mul3A_73] : memref<320000xi32, #tpu.memory_space<hbm>> -> memref<2560xi32, #tpu.memory_space<hbm>>
        tpu.wait_dma2 semaphore(%run_scoped3A : memref<!tpu.dma_semaphore, #tpu.memory_space<semaphore_mem>>) src(%dma_wait3A_85 : memref<2560xi32, #tpu.memory_space<hbm>>) dst(%dma_wait3A_84 : memref<2560xi32, #tpu.memory_space<vmem>>)
        tpu.yield
      }) : () -> ()
    } else {
    }
    %jit3A = arith.constant 5 : i32
    %jit3A_7 = arith.constant 20 : i32
    %select_n3A = arith.select %eq3A_1, %jit3A, %jit3A_7 : i32
    %dma_start3A = arith.constant 0 : i32
    %dma_start3A_8 = arith.constant 0 : i32
    %dma_start3A_9 = arith.constant 0 : i32
    %dma_start3A_10 = arith.constant 0 : i32
    %dma_start3A_11 = tpu.memref_slice %arg8[%dma_start3A, %dma_start3A_9, %dma_start3A_10] : memref<4x128x64xf32, #tpu.memory_space<vmem>> -> memref<1x128x64xf32, #tpu.memory_space<vmem>>
    %dma_start3A_12 = tpu.memref_squeeze %dma_start3A_11 : memref<1x128x64xf32, #tpu.memory_space<vmem>> -> memref<128x64xf32, #tpu.memory_space<vmem>>
    %dma_start3A_13 = arith.constant 0 : i32
    %dma_start3A_14 = tpu.memref_slice %arg6[%dma_start3A_13] : memref<10240xi32, #tpu.memory_space<vmem>> -> memref<128xi32, #tpu.memory_space<vmem>>
    %dma_start3A_15 = arith.constant 0 : i32
    %dma_start3A_16 = arith.constant 0 : i32
    %dma_start3A_17 = tpu.memref_slice %arg4[%dma_start3A_15, %dma_start3A_16] : memref<10240x64xf32, #tpu.memory_space<hbm>> -> memref<10240x64xf32, #tpu.memory_space<hbm>>
    %dma_start3A_18 = tpu.memref_slice %arg10[%dma_start3A_8] : memref<4x!tpu.dma_semaphore, #tpu.memory_space<semaphore_mem>> -> memref<1x!tpu.dma_semaphore, #tpu.memory_space<semaphore_mem>>
    %dma_start3A_19 = tpu.memref_squeeze %dma_start3A_18 : memref<1x!tpu.dma_semaphore, #tpu.memory_space<semaphore_mem>> -> memref<!tpu.dma_semaphore, #tpu.memory_space<semaphore_mem>>
    tpu.enqueue_indirect_dma source(%dma_start3A_17 : memref<10240x64xf32, #tpu.memory_space<hbm>>) target(%dma_start3A_12 : memref<128x64xf32, #tpu.memory_space<vmem>>) offsets(%dma_start3A_14 : memref<128xi32, #tpu.memory_space<vmem>>) semaphore(%dma_start3A_19 : memref<!tpu.dma_semaphore, #tpu.memory_space<semaphore_mem>>)
    %mul3A_20 = arith.constant 640 : i32
    %mul3A_21 = arith.muli %arg1, %mul3A_20 : i32
    "tpu.region"() ({
      %run_scoped3A = tpu.sem_alloc : memref<!tpu.dma_semaphore, #tpu.memory_space<semaphore_mem>>
      %dma_start3A_70 = arith.constant 0 : i32
      %dma_start3A_71 = tpu.memref_slice %arg9[%mul3A_21, %dma_start3A_70] : memref<10240x64xf32, #tpu.memory_space<vmem_shared>> -> memref<640x64xf32, #tpu.memory_space<vmem_shared>>
      %dma_start3A_72 = arith.constant 0 : i32
      %dma_start3A_73 = tpu.memref_slice %arg4[%mul3A_21, %dma_start3A_72] : memref<10240x64xf32, #tpu.memory_space<hbm>> -> memref<640x64xf32, #tpu.memory_space<hbm>>
      tpu.enqueue_dma source(%dma_start3A_73 : memref<640x64xf32, #tpu.memory_space<hbm>>) target(%dma_start3A_71 : memref<640x64xf32, #tpu.memory_space<vmem_shared>>) target_semaphore(%run_scoped3A : memref<!tpu.dma_semaphore, #tpu.memory_space<semaphore_mem>>)
      %dma_wait3A_74 = arith.constant 0 : i32
      %dma_wait3A_75 = tpu.memref_slice %arg9[%mul3A_21, %dma_wait3A_74] : memref<10240x64xf32, #tpu.memory_space<vmem_shared>> -> memref<640x64xf32, #tpu.memory_space<vmem_shared>>
      %dma_wait3A_76 = arith.constant 0 : i32
      %dma_wait3A_77 = tpu.memref_slice %arg4[%mul3A_21, %dma_wait3A_76] : memref<10240x64xf32, #tpu.memory_space<hbm>> -> memref<640x64xf32, #tpu.memory_space<hbm>>
      tpu.wait_dma2 semaphore(%run_scoped3A : memref<!tpu.dma_semaphore, #tpu.memory_space<semaphore_mem>>) src(%dma_wait3A_77 : memref<640x64xf32, #tpu.memory_space<hbm>>) dst(%dma_wait3A_75 : memref<640x64xf32, #tpu.memory_space<vmem_shared>>)
      tpu.yield
    }) : () -> ()
    %barrier3A = arith.constant 0 : index
    tpu.barrier barrier_id(%barrier3A)
    %while3A = arith.constant 0 : i32
    %while3A_22 = arith.constant 0 : i32
    %while3A_23 = arith.subi %select_n3A, %while3A_22 : i32
    %while3A_24 = arith.addi %while3A_22, %while3A_23 : i32
    %while3A_25 = arith.constant 1 : i32
    %while3A_26 = arith.divsi %while3A_23, %while3A_25 : i32
    %while3A_27 = arith.muli %while3A_26, %while3A_25 : i32
    %while3A_28 = arith.addi %while3A_22, %while3A_27 : i32
    %while3A_29 = arith.constant 1 : i32
    scf.for %while3A_70 = %while3A_22 to %while3A_28 step %while3A_29  : i32 {
      %mul3A_71 = arith.constant 4 : i32
      %mul3A_72 = arith.muli %while3A_70, %mul3A_71 : i32
      %add3A_73 = arith.constant 0 : i32
      %add3A_74 = arith.addi %mul3A_72, %add3A_73 : i32
      %mul3A_75 = arith.constant 128 : i32
      %mul3A_76 = arith.muli %add3A_74, %mul3A_75 : i32
      %dma_wait3A_77 = arith.constant 0 : i32
      %dma_wait3A_78 = arith.constant 0 : i32
      %dma_wait3A_79 = arith.constant 0 : i32
      %dma_wait3A_80 = arith.constant 0 : i32
      %dma_wait3A_81 = tpu.memref_slice %arg8[%dma_wait3A_77, %dma_wait3A_79, %dma_wait3A_80] : memref<4x128x64xf32, #tpu.memory_space<vmem>> -> memref<1x128x64xf32, #tpu.memory_space<vmem>>
      %dma_wait3A_82 = tpu.memref_squeeze %dma_wait3A_81 : memref<1x128x64xf32, #tpu.memory_space<vmem>> -> memref<128x64xf32, #tpu.memory_space<vmem>>
      %dma_wait3A_83 = tpu.memref_slice %arg6[%mul3A_76] : memref<10240xi32, #tpu.memory_space<vmem>> -> memref<128xi32, #tpu.memory_space<vmem>>
      %dma_wait3A_84 = arith.constant 0 : i32
      %dma_wait3A_85 = arith.constant 0 : i32
      %dma_wait3A_86 = tpu.memref_slice %arg4[%dma_wait3A_84, %dma_wait3A_85] : memref<10240x64xf32, #tpu.memory_space<hbm>> -> memref<10240x64xf32, #tpu.memory_space<hbm>>
      %dma_wait3A_87 = tpu.memref_slice %arg10[%dma_wait3A_78] : memref<4x!tpu.dma_semaphore, #tpu.memory_space<semaphore_mem>> -> memref<1x!tpu.dma_semaphore, #tpu.memory_space<semaphore_mem>>
      %dma_wait3A_88 = tpu.memref_squeeze %dma_wait3A_87 : memref<1x!tpu.dma_semaphore, #tpu.memory_space<semaphore_mem>> -> memref<!tpu.dma_semaphore, #tpu.memory_space<semaphore_mem>>
      tpu.wait_indirect_dma semaphore(%dma_wait3A_88 : memref<!tpu.dma_semaphore, #tpu.memory_space<semaphore_mem>>) src(%dma_wait3A_86 : memref<10240x64xf32, #tpu.memory_space<hbm>>) dst(%dma_wait3A_82 : memref<128x64xf32, #tpu.memory_space<vmem>>)
      %gt3A = arith.constant 0 : i32
      %gt3A_89 = arith.cmpi sgt, %while3A_70, %gt3A : i32
      %convert_element_type3A_90 = arith.extui %gt3A_89 : i1 to i32
      %cond3A_91 = arith.constant 0 : i32
      %cond3A_92 = arith.cmpi ne, %convert_element_type3A_90, %cond3A_91 : i32
      scf.if %cond3A_92 {
        %sub3A_275 = arith.constant 3 : i32
        %sub3A_276 = arith.subi %add3A_74, %sub3A_275 : i32
        %mul3A_277 = arith.constant 128 : i32
        %mul3A_278 = arith.muli %sub3A_276, %mul3A_277 : i32
        %dma_wait3A_279 = arith.constant 1 : i32
        %dma_wait3A_280 = arith.constant 1 : i32
        %dma_wait3A_281 = arith.constant 0 : i32
        %dma_wait3A_282 = arith.constant 0 : i32
        %dma_wait3A_283 = tpu.memref_slice %arg8[%dma_wait3A_279, %dma_wait3A_281, %dma_wait3A_282] : memref<4x128x64xf32, #tpu.memory_space<vmem>> -> memref<1x128x64xf32, #tpu.memory_space<vmem>>
        %dma_wait3A_284 = tpu.memref_squeeze %dma_wait3A_283 : memref<1x128x64xf32, #tpu.memory_space<vmem>> -> memref<128x64xf32, #tpu.memory_space<vmem>>
        %dma_wait3A_285 = tpu.memref_slice %arg7[%mul3A_278] : memref<10240xi32, #tpu.memory_space<vmem>> -> memref<128xi32, #tpu.memory_space<vmem>>
        %dma_wait3A_286 = arith.constant 0 : i32
        %dma_wait3A_287 = arith.constant 0 : i32
        %dma_wait3A_288 = tpu.memref_slice %arg9[%dma_wait3A_286, %dma_wait3A_287] : memref<10240x64xf32, #tpu.memory_space<vmem_shared>> -> memref<10240x64xf32, #tpu.memory_space<vmem_shared>>
        %dma_wait3A_289 = tpu.memref_slice %arg11[%dma_wait3A_280] : memref<4x!tpu.dma_semaphore, #tpu.memory_space<semaphore_mem>> -> memref<1x!tpu.dma_semaphore, #tpu.memory_space<semaphore_mem>>
        %dma_wait3A_290 = tpu.memref_squeeze %dma_wait3A_289 : memref<1x!tpu.dma_semaphore, #tpu.memory_space<semaphore_mem>> -> memref<!tpu.dma_semaphore, #tpu.memory_space<semaphore_mem>>
        tpu.wait_indirect_dma semaphore(%dma_wait3A_290 : memref<!tpu.dma_semaphore, #tpu.memory_space<semaphore_mem>>) src(%dma_wait3A_284 : memref<128x64xf32, #tpu.memory_space<vmem>>) dst(%dma_wait3A_288 : memref<10240x64xf32, #tpu.memory_space<vmem_shared>>)
      } else {
      }
      %mul3A_93 = arith.constant 128 : i32
      %mul3A_94 = arith.muli %add3A_74, %mul3A_93 : i32
      %dma_start3A_95 = arith.constant 0 : i32
      %dma_start3A_96 = arith.constant 0 : i32
      %dma_start3A_97 = arith.constant 0 : i32
      %dma_start3A_98 = arith.constant 0 : i32
      %dma_start3A_99 = tpu.memref_slice %arg8[%dma_start3A_95, %dma_start3A_97, %dma_start3A_98] : memref<4x128x64xf32, #tpu.memory_space<vmem>> -> memref<1x128x64xf32, #tpu.memory_space<vmem>>
      %dma_start3A_100 = tpu.memref_squeeze %dma_start3A_99 : memref<1x128x64xf32, #tpu.memory_space<vmem>> -> memref<128x64xf32, #tpu.memory_space<vmem>>
      %dma_start3A_101 = tpu.memref_slice %arg7[%mul3A_94] : memref<10240xi32, #tpu.memory_space<vmem>> -> memref<128xi32, #tpu.memory_space<vmem>>
      %dma_start3A_102 = arith.constant 0 : i32
      %dma_start3A_103 = arith.constant 0 : i32
      %dma_start3A_104 = tpu.memref_slice %arg9[%dma_start3A_102, %dma_start3A_103] : memref<10240x64xf32, #tpu.memory_space<vmem_shared>> -> memref<10240x64xf32, #tpu.memory_space<vmem_shared>>
      %dma_start3A_105 = tpu.memref_slice %arg11[%dma_start3A_96] : memref<4x!tpu.dma_semaphore, #tpu.memory_space<semaphore_mem>> -> memref<1x!tpu.dma_semaphore, #tpu.memory_space<semaphore_mem>>
      %dma_start3A_106 = tpu.memref_squeeze %dma_start3A_105 : memref<1x!tpu.dma_semaphore, #tpu.memory_space<semaphore_mem>> -> memref<!tpu.dma_semaphore, #tpu.memory_space<semaphore_mem>>
      tpu.enqueue_indirect_dma source(%dma_start3A_100 : memref<128x64xf32, #tpu.memory_space<vmem>>) target(%dma_start3A_104 : memref<10240x64xf32, #tpu.memory_space<vmem_shared>>) offsets(%dma_start3A_101 : memref<128xi32, #tpu.memory_space<vmem>>) semaphore(%dma_start3A_106 : memref<!tpu.dma_semaphore, #tpu.memory_space<semaphore_mem>>) {add = true}
      %add3A_107 = arith.constant 1 : i32
      %add3A_108 = arith.addi %add3A_74, %add3A_107 : i32
      %mul3A_109 = arith.constant 128 : i32
      %mul3A_110 = arith.muli %add3A_108, %mul3A_109 : i32
      %dma_start3A_111 = arith.constant 1 : i32
      %dma_start3A_112 = arith.constant 1 : i32
      %dma_start3A_113 = arith.constant 0 : i32
      %dma_start3A_114 = arith.constant 0 : i32
      %dma_start3A_115 = tpu.memref_slice %arg8[%dma_start3A_111, %dma_start3A_113, %dma_start3A_114] : memref<4x128x64xf32, #tpu.memory_space<vmem>> -> memref<1x128x64xf32, #tpu.memory_space<vmem>>
      %dma_start3A_116 = tpu.memref_squeeze %dma_start3A_115 : memref<1x128x64xf32, #tpu.memory_space<vmem>> -> memref<128x64xf32, #tpu.memory_space<vmem>>
      %dma_start3A_117 = tpu.memref_slice %arg6[%mul3A_110] : memref<10240xi32, #tpu.memory_space<vmem>> -> memref<128xi32, #tpu.memory_space<vmem>>
      %dma_start3A_118 = arith.constant 0 : i32
      %dma_start3A_119 = arith.constant 0 : i32
      %dma_start3A_120 = tpu.memref_slice %arg4[%dma_start3A_118, %dma_start3A_119] : memref<10240x64xf32, #tpu.memory_space<hbm>> -> memref<10240x64xf32, #tpu.memory_space<hbm>>
      %dma_start3A_121 = tpu.memref_slice %arg10[%dma_start3A_112] : memref<4x!tpu.dma_semaphore, #tpu.memory_space<semaphore_mem>> -> memref<1x!tpu.dma_semaphore, #tpu.memory_space<semaphore_mem>>
      %dma_start3A_122 = tpu.memref_squeeze %dma_start3A_121 : memref<1x!tpu.dma_semaphore, #tpu.memory_space<semaphore_mem>> -> memref<!tpu.dma_semaphore, #tpu.memory_space<semaphore_mem>>
      tpu.enqueue_indirect_dma source(%dma_start3A_120 : memref<10240x64xf32, #tpu.memory_space<hbm>>) target(%dma_start3A_116 : memref<128x64xf32, #tpu.memory_space<vmem>>) offsets(%dma_start3A_117 : memref<128xi32, #tpu.memory_space<vmem>>) semaphore(%dma_start3A_122 : memref<!tpu.dma_semaphore, #tpu.memory_space<semaphore_mem>>)
      %add3A_123 = arith.constant 1 : i32
      %add3A_124 = arith.addi %mul3A_72, %add3A_123 : i32
      %mul3A_125 = arith.constant 128 : i32
      %mul3A_126 = arith.muli %add3A_124, %mul3A_125 : i32
      %dma_wait3A_127 = arith.constant 1 : i32
      %dma_wait3A_128 = arith.constant 1 : i32
      %dma_wait3A_129 = arith.constant 0 : i32
      %dma_wait3A_130 = arith.constant 0 : i32
      %dma_wait3A_131 = tpu.memref_slice %arg8[%dma_wait3A_127, %dma_wait3A_129, %dma_wait3A_130] : memref<4x128x64xf32, #tpu.memory_space<vmem>> -> memref<1x128x64xf32, #tpu.memory_space<vmem>>
      %dma_wait3A_132 = tpu.memref_squeeze %dma_wait3A_131 : memref<1x128x64xf32, #tpu.memory_space<vmem>> -> memref<128x64xf32, #tpu.memory_space<vmem>>
      %dma_wait3A_133 = tpu.memref_slice %arg6[%mul3A_126] : memref<10240xi32, #tpu.memory_space<vmem>> -> memref<128xi32, #tpu.memory_space<vmem>>
      %dma_wait3A_134 = arith.constant 0 : i32
      %dma_wait3A_135 = arith.constant 0 : i32
      %dma_wait3A_136 = tpu.memref_slice %arg4[%dma_wait3A_134, %dma_wait3A_135] : memref<10240x64xf32, #tpu.memory_space<hbm>> -> memref<10240x64xf32, #tpu.memory_space<hbm>>
      %dma_wait3A_137 = tpu.memref_slice %arg10[%dma_wait3A_128] : memref<4x!tpu.dma_semaphore, #tpu.memory_space<semaphore_mem>> -> memref<1x!tpu.dma_semaphore, #tpu.memory_space<semaphore_mem>>
      %dma_wait3A_138 = tpu.memref_squeeze %dma_wait3A_137 : memref<1x!tpu.dma_semaphore, #tpu.memory_space<semaphore_mem>> -> memref<!tpu.dma_semaphore, #tpu.memory_space<semaphore_mem>>
      tpu.wait_indirect_dma semaphore(%dma_wait3A_138 : memref<!tpu.dma_semaphore, #tpu.memory_space<semaphore_mem>>) src(%dma_wait3A_136 : memref<10240x64xf32, #tpu.memory_space<hbm>>) dst(%dma_wait3A_132 : memref<128x64xf32, #tpu.memory_space<vmem>>)
      %gt3A_139 = arith.constant 0 : i32
      %gt3A_140 = arith.cmpi sgt, %while3A_70, %gt3A_139 : i32
      %convert_element_type3A_141 = arith.extui %gt3A_140 : i1 to i32
      %cond3A_142 = arith.constant 0 : i32
      %cond3A_143 = arith.cmpi ne, %convert_element_type3A_141, %cond3A_142 : i32
      scf.if %cond3A_143 {
        %sub3A_275 = arith.constant 3 : i32
        %sub3A_276 = arith.subi %add3A_124, %sub3A_275 : i32
        %mul3A_277 = arith.constant 128 : i32
        %mul3A_278 = arith.muli %sub3A_276, %mul3A_277 : i32
        %dma_wait3A_279 = arith.constant 2 : i32
        %dma_wait3A_280 = arith.constant 2 : i32
        %dma_wait3A_281 = arith.constant 0 : i32
        %dma_wait3A_282 = arith.constant 0 : i32
        %dma_wait3A_283 = tpu.memref_slice %arg8[%dma_wait3A_279, %dma_wait3A_281, %dma_wait3A_282] : memref<4x128x64xf32, #tpu.memory_space<vmem>> -> memref<1x128x64xf32, #tpu.memory_space<vmem>>
        %dma_wait3A_284 = tpu.memref_squeeze %dma_wait3A_283 : memref<1x128x64xf32, #tpu.memory_space<vmem>> -> memref<128x64xf32, #tpu.memory_space<vmem>>
        %dma_wait3A_285 = tpu.memref_slice %arg7[%mul3A_278] : memref<10240xi32, #tpu.memory_space<vmem>> -> memref<128xi32, #tpu.memory_space<vmem>>
        %dma_wait3A_286 = arith.constant 0 : i32
        %dma_wait3A_287 = arith.constant 0 : i32
        %dma_wait3A_288 = tpu.memref_slice %arg9[%dma_wait3A_286, %dma_wait3A_287] : memref<10240x64xf32, #tpu.memory_space<vmem_shared>> -> memref<10240x64xf32, #tpu.memory_space<vmem_shared>>
        %dma_wait3A_289 = tpu.memref_slice %arg11[%dma_wait3A_280] : memref<4x!tpu.dma_semaphore, #tpu.memory_space<semaphore_mem>> -> memref<1x!tpu.dma_semaphore, #tpu.memory_space<semaphore_mem>>
        %dma_wait3A_290 = tpu.memref_squeeze %dma_wait3A_289 : memref<1x!tpu.dma_semaphore, #tpu.memory_space<semaphore_mem>> -> memref<!tpu.dma_semaphore, #tpu.memory_space<semaphore_mem>>
        tpu.wait_indirect_dma semaphore(%dma_wait3A_290 : memref<!tpu.dma_semaphore, #tpu.memory_space<semaphore_mem>>) src(%dma_wait3A_284 : memref<128x64xf32, #tpu.memory_space<vmem>>) dst(%dma_wait3A_288 : memref<10240x64xf32, #tpu.memory_space<vmem_shared>>)
      } else {
      }
      %mul3A_144 = arith.constant 128 : i32
      %mul3A_145 = arith.muli %add3A_124, %mul3A_144 : i32
      %dma_start3A_146 = arith.constant 1 : i32
      %dma_start3A_147 = arith.constant 1 : i32
      %dma_start3A_148 = arith.constant 0 : i32
      %dma_start3A_149 = arith.constant 0 : i32
      %dma_start3A_150 = tpu.memref_slice %arg8[%dma_start3A_146, %dma_start3A_148, %dma_start3A_149] : memref<4x128x64xf32, #tpu.memory_space<vmem>> -> memref<1x128x64xf32, #tpu.memory_space<vmem>>
      %dma_start3A_151 = tpu.memref_squeeze %dma_start3A_150 : memref<1x128x64xf32, #tpu.memory_space<vmem>> -> memref<128x64xf32, #tpu.memory_space<vmem>>
      %dma_start3A_152 = tpu.memref_slice %arg7[%mul3A_145] : memref<10240xi32, #tpu.memory_space<vmem>> -> memref<128xi32, #tpu.memory_space<vmem>>
      %dma_start3A_153 = arith.constant 0 : i32
      %dma_start3A_154 = arith.constant 0 : i32
      %dma_start3A_155 = tpu.memref_slice %arg9[%dma_start3A_153, %dma_start3A_154] : memref<10240x64xf32, #tpu.memory_space<vmem_shared>> -> memref<10240x64xf32, #tpu.memory_space<vmem_shared>>
      %dma_start3A_156 = tpu.memref_slice %arg11[%dma_start3A_147] : memref<4x!tpu.dma_semaphore, #tpu.memory_space<semaphore_mem>> -> memref<1x!tpu.dma_semaphore, #tpu.memory_space<semaphore_mem>>
      %dma_start3A_157 = tpu.memref_squeeze %dma_start3A_156 : memref<1x!tpu.dma_semaphore, #tpu.memory_space<semaphore_mem>> -> memref<!tpu.dma_semaphore, #tpu.memory_space<semaphore_mem>>
      tpu.enqueue_indirect_dma source(%dma_start3A_151 : memref<128x64xf32, #tpu.memory_space<vmem>>) target(%dma_start3A_155 : memref<10240x64xf32, #tpu.memory_space<vmem_shared>>) offsets(%dma_start3A_152 : memref<128xi32, #tpu.memory_space<vmem>>) semaphore(%dma_start3A_157 : memref<!tpu.dma_semaphore, #tpu.memory_space<semaphore_mem>>) {add = true}
      %add3A_158 = arith.constant 1 : i32
      %add3A_159 = arith.addi %add3A_124, %add3A_158 : i32
      %mul3A_160 = arith.constant 128 : i32
      %mul3A_161 = arith.muli %add3A_159, %mul3A_160 : i32
      %dma_start3A_162 = arith.constant 2 : i32
      %dma_start3A_163 = arith.constant 2 : i32
      %dma_start3A_164 = arith.constant 0 : i32
      %dma_start3A_165 = arith.constant 0 : i32
      %dma_start3A_166 = tpu.memref_slice %arg8[%dma_start3A_162, %dma_start3A_164, %dma_start3A_165] : memref<4x128x64xf32, #tpu.memory_space<vmem>> -> memref<1x128x64xf32, #tpu.memory_space<vmem>>
      %dma_start3A_167 = tpu.memref_squeeze %dma_start3A_166 : memref<1x128x64xf32, #tpu.memory_space<vmem>> -> memref<128x64xf32, #tpu.memory_space<vmem>>
      %dma_start3A_168 = tpu.memref_slice %arg6[%mul3A_161] : memref<10240xi32, #tpu.memory_space<vmem>> -> memref<128xi32, #tpu.memory_space<vmem>>
      %dma_start3A_169 = arith.constant 0 : i32
      %dma_start3A_170 = arith.constant 0 : i32
      %dma_start3A_171 = tpu.memref_slice %arg4[%dma_start3A_169, %dma_start3A_170] : memref<10240x64xf32, #tpu.memory_space<hbm>> -> memref<10240x64xf32, #tpu.memory_space<hbm>>
      %dma_start3A_172 = tpu.memref_slice %arg10[%dma_start3A_163] : memref<4x!tpu.dma_semaphore, #tpu.memory_space<semaphore_mem>> -> memref<1x!tpu.dma_semaphore, #tpu.memory_space<semaphore_mem>>
      %dma_start3A_173 = tpu.memref_squeeze %dma_start3A_172 : memref<1x!tpu.dma_semaphore, #tpu.memory_space<semaphore_mem>> -> memref<!tpu.dma_semaphore, #tpu.memory_space<semaphore_mem>>
      tpu.enqueue_indirect_dma source(%dma_start3A_171 : memref<10240x64xf32, #tpu.memory_space<hbm>>) target(%dma_start3A_167 : memref<128x64xf32, #tpu.memory_space<vmem>>) offsets(%dma_start3A_168 : memref<128xi32, #tpu.memory_space<vmem>>) semaphore(%dma_start3A_173 : memref<!tpu.dma_semaphore, #tpu.memory_space<semaphore_mem>>)
      %add3A_174 = arith.constant 2 : i32
      %add3A_175 = arith.addi %mul3A_72, %add3A_174 : i32
      %mul3A_176 = arith.constant 128 : i32
      %mul3A_177 = arith.muli %add3A_175, %mul3A_176 : i32
      %dma_wait3A_178 = arith.constant 2 : i32
      %dma_wait3A_179 = arith.constant 2 : i32
      %dma_wait3A_180 = arith.constant 0 : i32
      %dma_wait3A_181 = arith.constant 0 : i32
      %dma_wait3A_182 = tpu.memref_slice %arg8[%dma_wait3A_178, %dma_wait3A_180, %dma_wait3A_181] : memref<4x128x64xf32, #tpu.memory_space<vmem>> -> memref<1x128x64xf32, #tpu.memory_space<vmem>>
      %dma_wait3A_183 = tpu.memref_squeeze %dma_wait3A_182 : memref<1x128x64xf32, #tpu.memory_space<vmem>> -> memref<128x64xf32, #tpu.memory_space<vmem>>
      %dma_wait3A_184 = tpu.memref_slice %arg6[%mul3A_177] : memref<10240xi32, #tpu.memory_space<vmem>> -> memref<128xi32, #tpu.memory_space<vmem>>
      %dma_wait3A_185 = arith.constant 0 : i32
      %dma_wait3A_186 = arith.constant 0 : i32
      %dma_wait3A_187 = tpu.memref_slice %arg4[%dma_wait3A_185, %dma_wait3A_186] : memref<10240x64xf32, #tpu.memory_space<hbm>> -> memref<10240x64xf32, #tpu.memory_space<hbm>>
      %dma_wait3A_188 = tpu.memref_slice %arg10[%dma_wait3A_179] : memref<4x!tpu.dma_semaphore, #tpu.memory_space<semaphore_mem>> -> memref<1x!tpu.dma_semaphore, #tpu.memory_space<semaphore_mem>>
      %dma_wait3A_189 = tpu.memref_squeeze %dma_wait3A_188 : memref<1x!tpu.dma_semaphore, #tpu.memory_space<semaphore_mem>> -> memref<!tpu.dma_semaphore, #tpu.memory_space<semaphore_mem>>
      tpu.wait_indirect_dma semaphore(%dma_wait3A_189 : memref<!tpu.dma_semaphore, #tpu.memory_space<semaphore_mem>>) src(%dma_wait3A_187 : memref<10240x64xf32, #tpu.memory_space<hbm>>) dst(%dma_wait3A_183 : memref<128x64xf32, #tpu.memory_space<vmem>>)
      %gt3A_190 = arith.constant 0 : i32
      %gt3A_191 = arith.cmpi sgt, %while3A_70, %gt3A_190 : i32
      %convert_element_type3A_192 = arith.extui %gt3A_191 : i1 to i32
      %cond3A_193 = arith.constant 0 : i32
      %cond3A_194 = arith.cmpi ne, %convert_element_type3A_192, %cond3A_193 : i32
      scf.if %cond3A_194 {
        %sub3A_275 = arith.constant 3 : i32
        %sub3A_276 = arith.subi %add3A_175, %sub3A_275 : i32
        %mul3A_277 = arith.constant 128 : i32
        %mul3A_278 = arith.muli %sub3A_276, %mul3A_277 : i32
        %dma_wait3A_279 = arith.constant 3 : i32
        %dma_wait3A_280 = arith.constant 3 : i32
        %dma_wait3A_281 = arith.constant 0 : i32
        %dma_wait3A_282 = arith.constant 0 : i32
        %dma_wait3A_283 = tpu.memref_slice %arg8[%dma_wait3A_279, %dma_wait3A_281, %dma_wait3A_282] : memref<4x128x64xf32, #tpu.memory_space<vmem>> -> memref<1x128x64xf32, #tpu.memory_space<vmem>>
        %dma_wait3A_284 = tpu.memref_squeeze %dma_wait3A_283 : memref<1x128x64xf32, #tpu.memory_space<vmem>> -> memref<128x64xf32, #tpu.memory_space<vmem>>
        %dma_wait3A_285 = tpu.memref_slice %arg7[%mul3A_278] : memref<10240xi32, #tpu.memory_space<vmem>> -> memref<128xi32, #tpu.memory_space<vmem>>
        %dma_wait3A_286 = arith.constant 0 : i32
        %dma_wait3A_287 = arith.constant 0 : i32
        %dma_wait3A_288 = tpu.memref_slice %arg9[%dma_wait3A_286, %dma_wait3A_287] : memref<10240x64xf32, #tpu.memory_space<vmem_shared>> -> memref<10240x64xf32, #tpu.memory_space<vmem_shared>>
        %dma_wait3A_289 = tpu.memref_slice %arg11[%dma_wait3A_280] : memref<4x!tpu.dma_semaphore, #tpu.memory_space<semaphore_mem>> -> memref<1x!tpu.dma_semaphore, #tpu.memory_space<semaphore_mem>>
        %dma_wait3A_290 = tpu.memref_squeeze %dma_wait3A_289 : memref<1x!tpu.dma_semaphore, #tpu.memory_space<semaphore_mem>> -> memref<!tpu.dma_semaphore, #tpu.memory_space<semaphore_mem>>
        tpu.wait_indirect_dma semaphore(%dma_wait3A_290 : memref<!tpu.dma_semaphore, #tpu.memory_space<semaphore_mem>>) src(%dma_wait3A_284 : memref<128x64xf32, #tpu.memory_space<vmem>>) dst(%dma_wait3A_288 : memref<10240x64xf32, #tpu.memory_space<vmem_shared>>)
      } else {
      }
      %mul3A_195 = arith.constant 128 : i32
      %mul3A_196 = arith.muli %add3A_175, %mul3A_195 : i32
      %dma_start3A_197 = arith.constant 2 : i32
      %dma_start3A_198 = arith.constant 2 : i32
      %dma_start3A_199 = arith.constant 0 : i32
      %dma_start3A_200 = arith.constant 0 : i32
      %dma_start3A_201 = tpu.memref_slice %arg8[%dma_start3A_197, %dma_start3A_199, %dma_start3A_200] : memref<4x128x64xf32, #tpu.memory_space<vmem>> -> memref<1x128x64xf32, #tpu.memory_space<vmem>>
      %dma_start3A_202 = tpu.memref_squeeze %dma_start3A_201 : memref<1x128x64xf32, #tpu.memory_space<vmem>> -> memref<128x64xf32, #tpu.memory_space<vmem>>
      %dma_start3A_203 = tpu.memref_slice %arg7[%mul3A_196] : memref<10240xi32, #tpu.memory_space<vmem>> -> memref<128xi32, #tpu.memory_space<vmem>>
      %dma_start3A_204 = arith.constant 0 : i32
      %dma_start3A_205 = arith.constant 0 : i32
      %dma_start3A_206 = tpu.memref_slice %arg9[%dma_start3A_204, %dma_start3A_205] : memref<10240x64xf32, #tpu.memory_space<vmem_shared>> -> memref<10240x64xf32, #tpu.memory_space<vmem_shared>>
      %dma_start3A_207 = tpu.memref_slice %arg11[%dma_start3A_198] : memref<4x!tpu.dma_semaphore, #tpu.memory_space<semaphore_mem>> -> memref<1x!tpu.dma_semaphore, #tpu.memory_space<semaphore_mem>>
      %dma_start3A_208 = tpu.memref_squeeze %dma_start3A_207 : memref<1x!tpu.dma_semaphore, #tpu.memory_space<semaphore_mem>> -> memref<!tpu.dma_semaphore, #tpu.memory_space<semaphore_mem>>
      tpu.enqueue_indirect_dma source(%dma_start3A_202 : memref<128x64xf32, #tpu.memory_space<vmem>>) target(%dma_start3A_206 : memref<10240x64xf32, #tpu.memory_space<vmem_shared>>) offsets(%dma_start3A_203 : memref<128xi32, #tpu.memory_space<vmem>>) semaphore(%dma_start3A_208 : memref<!tpu.dma_semaphore, #tpu.memory_space<semaphore_mem>>) {add = true}
      %add3A_209 = arith.constant 1 : i32
      %add3A_210 = arith.addi %add3A_175, %add3A_209 : i32
      %mul3A_211 = arith.constant 128 : i32
      %mul3A_212 = arith.muli %add3A_210, %mul3A_211 : i32
      %dma_start3A_213 = arith.constant 3 : i32
      %dma_start3A_214 = arith.constant 3 : i32
      %dma_start3A_215 = arith.constant 0 : i32
      %dma_start3A_216 = arith.constant 0 : i32
      %dma_start3A_217 = tpu.memref_slice %arg8[%dma_start3A_213, %dma_start3A_215, %dma_start3A_216] : memref<4x128x64xf32, #tpu.memory_space<vmem>> -> memref<1x128x64xf32, #tpu.memory_space<vmem>>
      %dma_start3A_218 = tpu.memref_squeeze %dma_start3A_217 : memref<1x128x64xf32, #tpu.memory_space<vmem>> -> memref<128x64xf32, #tpu.memory_space<vmem>>
      %dma_start3A_219 = tpu.memref_slice %arg6[%mul3A_212] : memref<10240xi32, #tpu.memory_space<vmem>> -> memref<128xi32, #tpu.memory_space<vmem>>
      %dma_start3A_220 = arith.constant 0 : i32
      %dma_start3A_221 = arith.constant 0 : i32
      %dma_start3A_222 = tpu.memref_slice %arg4[%dma_start3A_220, %dma_start3A_221] : memref<10240x64xf32, #tpu.memory_space<hbm>> -> memref<10240x64xf32, #tpu.memory_space<hbm>>
      %dma_start3A_223 = tpu.memref_slice %arg10[%dma_start3A_214] : memref<4x!tpu.dma_semaphore, #tpu.memory_space<semaphore_mem>> -> memref<1x!tpu.dma_semaphore, #tpu.memory_space<semaphore_mem>>
      %dma_start3A_224 = tpu.memref_squeeze %dma_start3A_223 : memref<1x!tpu.dma_semaphore, #tpu.memory_space<semaphore_mem>> -> memref<!tpu.dma_semaphore, #tpu.memory_space<semaphore_mem>>
      tpu.enqueue_indirect_dma source(%dma_start3A_222 : memref<10240x64xf32, #tpu.memory_space<hbm>>) target(%dma_start3A_218 : memref<128x64xf32, #tpu.memory_space<vmem>>) offsets(%dma_start3A_219 : memref<128xi32, #tpu.memory_space<vmem>>) semaphore(%dma_start3A_224 : memref<!tpu.dma_semaphore, #tpu.memory_space<semaphore_mem>>)
      %add3A_225 = arith.constant 3 : i32
      %add3A_226 = arith.addi %mul3A_72, %add3A_225 : i32
      %mul3A_227 = arith.constant 128 : i32
      %mul3A_228 = arith.muli %add3A_226, %mul3A_227 : i32
      %dma_wait3A_229 = arith.constant 3 : i32
      %dma_wait3A_230 = arith.constant 3 : i32
      %dma_wait3A_231 = arith.constant 0 : i32
      %dma_wait3A_232 = arith.constant 0 : i32
      %dma_wait3A_233 = tpu.memref_slice %arg8[%dma_wait3A_229, %dma_wait3A_231, %dma_wait3A_232] : memref<4x128x64xf32, #tpu.memory_space<vmem>> -> memref<1x128x64xf32, #tpu.memory_space<vmem>>
      %dma_wait3A_234 = tpu.memref_squeeze %dma_wait3A_233 : memref<1x128x64xf32, #tpu.memory_space<vmem>> -> memref<128x64xf32, #tpu.memory_space<vmem>>
      %dma_wait3A_235 = tpu.memref_slice %arg6[%mul3A_228] : memref<10240xi32, #tpu.memory_space<vmem>> -> memref<128xi32, #tpu.memory_space<vmem>>
      %dma_wait3A_236 = arith.constant 0 : i32
      %dma_wait3A_237 = arith.constant 0 : i32
      %dma_wait3A_238 = tpu.memref_slice %arg4[%dma_wait3A_236, %dma_wait3A_237] : memref<10240x64xf32, #tpu.memory_space<hbm>> -> memref<10240x64xf32, #tpu.memory_space<hbm>>
      %dma_wait3A_239 = tpu.memref_slice %arg10[%dma_wait3A_230] : memref<4x!tpu.dma_semaphore, #tpu.memory_space<semaphore_mem>> -> memref<1x!tpu.dma_semaphore, #tpu.memory_space<semaphore_mem>>
      %dma_wait3A_240 = tpu.memref_squeeze %dma_wait3A_239 : memref<1x!tpu.dma_semaphore, #tpu.memory_space<semaphore_mem>> -> memref<!tpu.dma_semaphore, #tpu.memory_space<semaphore_mem>>
      tpu.wait_indirect_dma semaphore(%dma_wait3A_240 : memref<!tpu.dma_semaphore, #tpu.memory_space<semaphore_mem>>) src(%dma_wait3A_238 : memref<10240x64xf32, #tpu.memory_space<hbm>>) dst(%dma_wait3A_234 : memref<128x64xf32, #tpu.memory_space<vmem>>)
      %sub3A = arith.constant 3 : i32
      %sub3A_241 = arith.subi %add3A_226, %sub3A : i32
      %mul3A_242 = arith.constant 128 : i32
      %mul3A_243 = arith.muli %sub3A_241, %mul3A_242 : i32
      %dma_wait3A_244 = arith.constant 0 : i32
      %dma_wait3A_245 = arith.constant 0 : i32
      %dma_wait3A_246 = arith.constant 0 : i32
      %dma_wait3A_247 = arith.constant 0 : i32
      %dma_wait3A_248 = tpu.memref_slice %arg8[%dma_wait3A_244, %dma_wait3A_246, %dma_wait3A_247] : memref<4x128x64xf32, #tpu.memory_space<vmem>> -> memref<1x128x64xf32, #tpu.memory_space<vmem>>
      %dma_wait3A_249 = tpu.memref_squeeze %dma_wait3A_248 : memref<1x128x64xf32, #tpu.memory_space<vmem>> -> memref<128x64xf32, #tpu.memory_space<vmem>>
      %dma_wait3A_250 = tpu.memref_slice %arg7[%mul3A_243] : memref<10240xi32, #tpu.memory_space<vmem>> -> memref<128xi32, #tpu.memory_space<vmem>>
      %dma_wait3A_251 = arith.constant 0 : i32
      %dma_wait3A_252 = arith.constant 0 : i32
      %dma_wait3A_253 = tpu.memref_slice %arg9[%dma_wait3A_251, %dma_wait3A_252] : memref<10240x64xf32, #tpu.memory_space<vmem_shared>> -> memref<10240x64xf32, #tpu.memory_space<vmem_shared>>
      %dma_wait3A_254 = tpu.memref_slice %arg11[%dma_wait3A_245] : memref<4x!tpu.dma_semaphore, #tpu.memory_space<semaphore_mem>> -> memref<1x!tpu.dma_semaphore, #tpu.memory_space<semaphore_mem>>
      %dma_wait3A_255 = tpu.memref_squeeze %dma_wait3A_254 : memref<1x!tpu.dma_semaphore, #tpu.memory_space<semaphore_mem>> -> memref<!tpu.dma_semaphore, #tpu.memory_space<semaphore_mem>>
      tpu.wait_indirect_dma semaphore(%dma_wait3A_255 : memref<!tpu.dma_semaphore, #tpu.memory_space<semaphore_mem>>) src(%dma_wait3A_249 : memref<128x64xf32, #tpu.memory_space<vmem>>) dst(%dma_wait3A_253 : memref<10240x64xf32, #tpu.memory_space<vmem_shared>>)
      %mul3A_256 = arith.constant 128 : i32
      %mul3A_257 = arith.muli %add3A_226, %mul3A_256 : i32
      %dma_start3A_258 = arith.constant 3 : i32
      %dma_start3A_259 = arith.constant 3 : i32
      %dma_start3A_260 = arith.constant 0 : i32
      %dma_start3A_261 = arith.constant 0 : i32
      %dma_start3A_262 = tpu.memref_slice %arg8[%dma_start3A_258, %dma_start3A_260, %dma_start3A_261] : memref<4x128x64xf32, #tpu.memory_space<vmem>> -> memref<1x128x64xf32, #tpu.memory_space<vmem>>
      %dma_start3A_263 = tpu.memref_squeeze %dma_start3A_262 : memref<1x128x64xf32, #tpu.memory_space<vmem>> -> memref<128x64xf32, #tpu.memory_space<vmem>>
      %dma_start3A_264 = tpu.memref_slice %arg7[%mul3A_257] : memref<10240xi32, #tpu.memory_space<vmem>> -> memref<128xi32, #tpu.memory_space<vmem>>
      %dma_start3A_265 = arith.constant 0 : i32
      %dma_start3A_266 = arith.constant 0 : i32
      %dma_start3A_267 = tpu.memref_slice %arg9[%dma_start3A_265, %dma_start3A_266] : memref<10240x64xf32, #tpu.memory_space<vmem_shared>> -> memref<10240x64xf32, #tpu.memory_space<vmem_shared>>
      %dma_start3A_268 = tpu.memref_slice %arg11[%dma_start3A_259] : memref<4x!tpu.dma_semaphore, #tpu.memory_space<semaphore_mem>> -> memref<1x!tpu.dma_semaphore, #tpu.memory_space<semaphore_mem>>
      %dma_start3A_269 = tpu.memref_squeeze %dma_start3A_268 : memref<1x!tpu.dma_semaphore, #tpu.memory_space<semaphore_mem>> -> memref<!tpu.dma_semaphore, #tpu.memory_space<semaphore_mem>>
      tpu.enqueue_indirect_dma source(%dma_start3A_263 : memref<128x64xf32, #tpu.memory_space<vmem>>) target(%dma_start3A_267 : memref<10240x64xf32, #tpu.memory_space<vmem_shared>>) offsets(%dma_start3A_264 : memref<128xi32, #tpu.memory_space<vmem>>) semaphore(%dma_start3A_269 : memref<!tpu.dma_semaphore, #tpu.memory_space<semaphore_mem>>) {add = true}
      %sub3A_270 = arith.constant 1 : i32
      %sub3A_271 = arith.subi %select_n3A, %sub3A_270 : i32
      %lt3A = arith.cmpi slt, %while3A_70, %sub3A_271 : i32
      %convert_element_type3A_272 = arith.extui %lt3A : i1 to i32
      %cond3A_273 = arith.constant 0 : i32
      %cond3A_274 = arith.cmpi ne, %convert_element_type3A_272, %cond3A_273 : i32
      scf.if %cond3A_274 {
        %add3A_275 = arith.constant 1 : i32
        %add3A_276 = arith.addi %add3A_226, %add3A_275 : i32
        %mul3A_277 = arith.constant 128 : i32
        %mul3A_278 = arith.muli %add3A_276, %mul3A_277 : i32
        %dma_start3A_279 = arith.constant 0 : i32
        %dma_start3A_280 = arith.constant 0 : i32
        %dma_start3A_281 = arith.constant 0 : i32
        %dma_start3A_282 = arith.constant 0 : i32
        %dma_start3A_283 = tpu.memref_slice %arg8[%dma_start3A_279, %dma_start3A_281, %dma_start3A_282] : memref<4x128x64xf32, #tpu.memory_space<vmem>> -> memref<1x128x64xf32, #tpu.memory_space<vmem>>
        %dma_start3A_284 = tpu.memref_squeeze %dma_start3A_283 : memref<1x128x64xf32, #tpu.memory_space<vmem>> -> memref<128x64xf32, #tpu.memory_space<vmem>>
        %dma_start3A_285 = tpu.memref_slice %arg6[%mul3A_278] : memref<10240xi32, #tpu.memory_space<vmem>> -> memref<128xi32, #tpu.memory_space<vmem>>
        %dma_start3A_286 = arith.constant 0 : i32
        %dma_start3A_287 = arith.constant 0 : i32
        %dma_start3A_288 = tpu.memref_slice %arg4[%dma_start3A_286, %dma_start3A_287] : memref<10240x64xf32, #tpu.memory_space<hbm>> -> memref<10240x64xf32, #tpu.memory_space<hbm>>
        %dma_start3A_289 = tpu.memref_slice %arg10[%dma_start3A_280] : memref<4x!tpu.dma_semaphore, #tpu.memory_space<semaphore_mem>> -> memref<1x!tpu.dma_semaphore, #tpu.memory_space<semaphore_mem>>
        %dma_start3A_290 = tpu.memref_squeeze %dma_start3A_289 : memref<1x!tpu.dma_semaphore, #tpu.memory_space<semaphore_mem>> -> memref<!tpu.dma_semaphore, #tpu.memory_space<semaphore_mem>>
        tpu.enqueue_indirect_dma source(%dma_start3A_288 : memref<10240x64xf32, #tpu.memory_space<hbm>>) target(%dma_start3A_284 : memref<128x64xf32, #tpu.memory_space<vmem>>) offsets(%dma_start3A_285 : memref<128xi32, #tpu.memory_space<vmem>>) semaphore(%dma_start3A_290 : memref<!tpu.dma_semaphore, #tpu.memory_space<semaphore_mem>>)
      } else {
      }
    }
    %while3A_30 = arith.constant 1 : i32
    scf.for %while3A_70 = %while3A_28 to %while3A_24 step %while3A_30  : i32 {
      %mul3A_71 = arith.constant 4 : i32
      %mul3A_72 = arith.muli %while3A_70, %mul3A_71 : i32
      %add3A_73 = arith.constant 0 : i32
      %add3A_74 = arith.addi %mul3A_72, %add3A_73 : i32
      %mul3A_75 = arith.constant 128 : i32
      %mul3A_76 = arith.muli %add3A_74, %mul3A_75 : i32
      %dma_wait3A_77 = arith.constant 0 : i32
      %dma_wait3A_78 = arith.constant 0 : i32
      %dma_wait3A_79 = arith.constant 0 : i32
      %dma_wait3A_80 = arith.constant 0 : i32
      %dma_wait3A_81 = tpu.memref_slice %arg8[%dma_wait3A_77, %dma_wait3A_79, %dma_wait3A_80] : memref<4x128x64xf32, #tpu.memory_space<vmem>> -> memref<1x128x64xf32, #tpu.memory_space<vmem>>
      %dma_wait3A_82 = tpu.memref_squeeze %dma_wait3A_81 : memref<1x128x64xf32, #tpu.memory_space<vmem>> -> memref<128x64xf32, #tpu.memory_space<vmem>>
      %dma_wait3A_83 = tpu.memref_slice %arg6[%mul3A_76] : memref<10240xi32, #tpu.memory_space<vmem>> -> memref<128xi32, #tpu.memory_space<vmem>>
      %dma_wait3A_84 = arith.constant 0 : i32
      %dma_wait3A_85 = arith.constant 0 : i32
      %dma_wait3A_86 = tpu.memref_slice %arg4[%dma_wait3A_84, %dma_wait3A_85] : memref<10240x64xf32, #tpu.memory_space<hbm>> -> memref<10240x64xf32, #tpu.memory_space<hbm>>
      %dma_wait3A_87 = tpu.memref_slice %arg10[%dma_wait3A_78] : memref<4x!tpu.dma_semaphore, #tpu.memory_space<semaphore_mem>> -> memref<1x!tpu.dma_semaphore, #tpu.memory_space<semaphore_mem>>
      %dma_wait3A_88 = tpu.memref_squeeze %dma_wait3A_87 : memref<1x!tpu.dma_semaphore, #tpu.memory_space<semaphore_mem>> -> memref<!tpu.dma_semaphore, #tpu.memory_space<semaphore_mem>>
      tpu.wait_indirect_dma semaphore(%dma_wait3A_88 : memref<!tpu.dma_semaphore, #tpu.memory_space<semaphore_mem>>) src(%dma_wait3A_86 : memref<10240x64xf32, #tpu.memory_space<hbm>>) dst(%dma_wait3A_82 : memref<128x64xf32, #tpu.memory_space<vmem>>)
      %gt3A = arith.constant 0 : i32
      %gt3A_89 = arith.cmpi sgt, %while3A_70, %gt3A : i32
      %convert_element_type3A_90 = arith.extui %gt3A_89 : i1 to i32
      %cond3A_91 = arith.constant 0 : i32
      %cond3A_92 = arith.cmpi ne, %convert_element_type3A_90, %cond3A_91 : i32
      scf.if %cond3A_92 {
        %sub3A_275 = arith.constant 3 : i32
        %sub3A_276 = arith.subi %add3A_74, %sub3A_275 : i32
        %mul3A_277 = arith.constant 128 : i32
        %mul3A_278 = arith.muli %sub3A_276, %mul3A_277 : i32
        %dma_wait3A_279 = arith.constant 1 : i32
        %dma_wait3A_280 = arith.constant 1 : i32
        %dma_wait3A_281 = arith.constant 0 : i32
        %dma_wait3A_282 = arith.constant 0 : i32
        %dma_wait3A_283 = tpu.memref_slice %arg8[%dma_wait3A_279, %dma_wait3A_281, %dma_wait3A_282] : memref<4x128x64xf32, #tpu.memory_space<vmem>> -> memref<1x128x64xf32, #tpu.memory_space<vmem>>
        %dma_wait3A_284 = tpu.memref_squeeze %dma_wait3A_283 : memref<1x128x64xf32, #tpu.memory_space<vmem>> -> memref<128x64xf32, #tpu.memory_space<vmem>>
        %dma_wait3A_285 = tpu.memref_slice %arg7[%mul3A_278] : memref<10240xi32, #tpu.memory_space<vmem>> -> memref<128xi32, #tpu.memory_space<vmem>>
        %dma_wait3A_286 = arith.constant 0 : i32
        %dma_wait3A_287 = arith.constant 0 : i32
        %dma_wait3A_288 = tpu.memref_slice %arg9[%dma_wait3A_286, %dma_wait3A_287] : memref<10240x64xf32, #tpu.memory_space<vmem_shared>> -> memref<10240x64xf32, #tpu.memory_space<vmem_shared>>
        %dma_wait3A_289 = tpu.memref_slice %arg11[%dma_wait3A_280] : memref<4x!tpu.dma_semaphore, #tpu.memory_space<semaphore_mem>> -> memref<1x!tpu.dma_semaphore, #tpu.memory_space<semaphore_mem>>
        %dma_wait3A_290 = tpu.memref_squeeze %dma_wait3A_289 : memref<1x!tpu.dma_semaphore, #tpu.memory_space<semaphore_mem>> -> memref<!tpu.dma_semaphore, #tpu.memory_space<semaphore_mem>>
        tpu.wait_indirect_dma semaphore(%dma_wait3A_290 : memref<!tpu.dma_semaphore, #tpu.memory_space<semaphore_mem>>) src(%dma_wait3A_284 : memref<128x64xf32, #tpu.memory_space<vmem>>) dst(%dma_wait3A_288 : memref<10240x64xf32, #tpu.memory_space<vmem_shared>>)
      } else {
      }
      %mul3A_93 = arith.constant 128 : i32
      %mul3A_94 = arith.muli %add3A_74, %mul3A_93 : i32
      %dma_start3A_95 = arith.constant 0 : i32
      %dma_start3A_96 = arith.constant 0 : i32
      %dma_start3A_97 = arith.constant 0 : i32
      %dma_start3A_98 = arith.constant 0 : i32
      %dma_start3A_99 = tpu.memref_slice %arg8[%dma_start3A_95, %dma_start3A_97, %dma_start3A_98] : memref<4x128x64xf32, #tpu.memory_space<vmem>> -> memref<1x128x64xf32, #tpu.memory_space<vmem>>
      %dma_start3A_100 = tpu.memref_squeeze %dma_start3A_99 : memref<1x128x64xf32, #tpu.memory_space<vmem>> -> memref<128x64xf32, #tpu.memory_space<vmem>>
      %dma_start3A_101 = tpu.memref_slice %arg7[%mul3A_94] : memref<10240xi32, #tpu.memory_space<vmem>> -> memref<128xi32, #tpu.memory_space<vmem>>
      %dma_start3A_102 = arith.constant 0 : i32
      %dma_start3A_103 = arith.constant 0 : i32
      %dma_start3A_104 = tpu.memref_slice %arg9[%dma_start3A_102, %dma_start3A_103] : memref<10240x64xf32, #tpu.memory_space<vmem_shared>> -> memref<10240x64xf32, #tpu.memory_space<vmem_shared>>
      %dma_start3A_105 = tpu.memref_slice %arg11[%dma_start3A_96] : memref<4x!tpu.dma_semaphore, #tpu.memory_space<semaphore_mem>> -> memref<1x!tpu.dma_semaphore, #tpu.memory_space<semaphore_mem>>
      %dma_start3A_106 = tpu.memref_squeeze %dma_start3A_105 : memref<1x!tpu.dma_semaphore, #tpu.memory_space<semaphore_mem>> -> memref<!tpu.dma_semaphore, #tpu.memory_space<semaphore_mem>>
      tpu.enqueue_indirect_dma source(%dma_start3A_100 : memref<128x64xf32, #tpu.memory_space<vmem>>) target(%dma_start3A_104 : memref<10240x64xf32, #tpu.memory_space<vmem_shared>>) offsets(%dma_start3A_101 : memref<128xi32, #tpu.memory_space<vmem>>) semaphore(%dma_start3A_106 : memref<!tpu.dma_semaphore, #tpu.memory_space<semaphore_mem>>) {add = true}
      %add3A_107 = arith.constant 1 : i32
      %add3A_108 = arith.addi %add3A_74, %add3A_107 : i32
      %mul3A_109 = arith.constant 128 : i32
      %mul3A_110 = arith.muli %add3A_108, %mul3A_109 : i32
      %dma_start3A_111 = arith.constant 1 : i32
      %dma_start3A_112 = arith.constant 1 : i32
      %dma_start3A_113 = arith.constant 0 : i32
      %dma_start3A_114 = arith.constant 0 : i32
      %dma_start3A_115 = tpu.memref_slice %arg8[%dma_start3A_111, %dma_start3A_113, %dma_start3A_114] : memref<4x128x64xf32, #tpu.memory_space<vmem>> -> memref<1x128x64xf32, #tpu.memory_space<vmem>>
      %dma_start3A_116 = tpu.memref_squeeze %dma_start3A_115 : memref<1x128x64xf32, #tpu.memory_space<vmem>> -> memref<128x64xf32, #tpu.memory_space<vmem>>
      %dma_start3A_117 = tpu.memref_slice %arg6[%mul3A_110] : memref<10240xi32, #tpu.memory_space<vmem>> -> memref<128xi32, #tpu.memory_space<vmem>>
      %dma_start3A_118 = arith.constant 0 : i32
      %dma_start3A_119 = arith.constant 0 : i32
      %dma_start3A_120 = tpu.memref_slice %arg4[%dma_start3A_118, %dma_start3A_119] : memref<10240x64xf32, #tpu.memory_space<hbm>> -> memref<10240x64xf32, #tpu.memory_space<hbm>>
      %dma_start3A_121 = tpu.memref_slice %arg10[%dma_start3A_112] : memref<4x!tpu.dma_semaphore, #tpu.memory_space<semaphore_mem>> -> memref<1x!tpu.dma_semaphore, #tpu.memory_space<semaphore_mem>>
      %dma_start3A_122 = tpu.memref_squeeze %dma_start3A_121 : memref<1x!tpu.dma_semaphore, #tpu.memory_space<semaphore_mem>> -> memref<!tpu.dma_semaphore, #tpu.memory_space<semaphore_mem>>
      tpu.enqueue_indirect_dma source(%dma_start3A_120 : memref<10240x64xf32, #tpu.memory_space<hbm>>) target(%dma_start3A_116 : memref<128x64xf32, #tpu.memory_space<vmem>>) offsets(%dma_start3A_117 : memref<128xi32, #tpu.memory_space<vmem>>) semaphore(%dma_start3A_122 : memref<!tpu.dma_semaphore, #tpu.memory_space<semaphore_mem>>)
      %add3A_123 = arith.constant 1 : i32
      %add3A_124 = arith.addi %mul3A_72, %add3A_123 : i32
      %mul3A_125 = arith.constant 128 : i32
      %mul3A_126 = arith.muli %add3A_124, %mul3A_125 : i32
      %dma_wait3A_127 = arith.constant 1 : i32
      %dma_wait3A_128 = arith.constant 1 : i32
      %dma_wait3A_129 = arith.constant 0 : i32
      %dma_wait3A_130 = arith.constant 0 : i32
      %dma_wait3A_131 = tpu.memref_slice %arg8[%dma_wait3A_127, %dma_wait3A_129, %dma_wait3A_130] : memref<4x128x64xf32, #tpu.memory_space<vmem>> -> memref<1x128x64xf32, #tpu.memory_space<vmem>>
      %dma_wait3A_132 = tpu.memref_squeeze %dma_wait3A_131 : memref<1x128x64xf32, #tpu.memory_space<vmem>> -> memref<128x64xf32, #tpu.memory_space<vmem>>
      %dma_wait3A_133 = tpu.memref_slice %arg6[%mul3A_126] : memref<10240xi32, #tpu.memory_space<vmem>> -> memref<128xi32, #tpu.memory_space<vmem>>
      %dma_wait3A_134 = arith.constant 0 : i32
      %dma_wait3A_135 = arith.constant 0 : i32
      %dma_wait3A_136 = tpu.memref_slice %arg4[%dma_wait3A_134, %dma_wait3A_135] : memref<10240x64xf32, #tpu.memory_space<hbm>> -> memref<10240x64xf32, #tpu.memory_space<hbm>>
      %dma_wait3A_137 = tpu.memref_slice %arg10[%dma_wait3A_128] : memref<4x!tpu.dma_semaphore, #tpu.memory_space<semaphore_mem>> -> memref<1x!tpu.dma_semaphore, #tpu.memory_space<semaphore_mem>>
      %dma_wait3A_138 = tpu.memref_squeeze %dma_wait3A_137 : memref<1x!tpu.dma_semaphore, #tpu.memory_space<semaphore_mem>> -> memref<!tpu.dma_semaphore, #tpu.memory_space<semaphore_mem>>
      tpu.wait_indirect_dma semaphore(%dma_wait3A_138 : memref<!tpu.dma_semaphore, #tpu.memory_space<semaphore_mem>>) src(%dma_wait3A_136 : memref<10240x64xf32, #tpu.memory_space<hbm>>) dst(%dma_wait3A_132 : memref<128x64xf32, #tpu.memory_space<vmem>>)
      %gt3A_139 = arith.constant 0 : i32
      %gt3A_140 = arith.cmpi sgt, %while3A_70, %gt3A_139 : i32
      %convert_element_type3A_141 = arith.extui %gt3A_140 : i1 to i32
      %cond3A_142 = arith.constant 0 : i32
      %cond3A_143 = arith.cmpi ne, %convert_element_type3A_141, %cond3A_142 : i32
      scf.if %cond3A_143 {
        %sub3A_275 = arith.constant 3 : i32
        %sub3A_276 = arith.subi %add3A_124, %sub3A_275 : i32
        %mul3A_277 = arith.constant 128 : i32
        %mul3A_278 = arith.muli %sub3A_276, %mul3A_277 : i32
        %dma_wait3A_279 = arith.constant 2 : i32
        %dma_wait3A_280 = arith.constant 2 : i32
        %dma_wait3A_281 = arith.constant 0 : i32
        %dma_wait3A_282 = arith.constant 0 : i32
        %dma_wait3A_283 = tpu.memref_slice %arg8[%dma_wait3A_279, %dma_wait3A_281, %dma_wait3A_282] : memref<4x128x64xf32, #tpu.memory_space<vmem>> -> memref<1x128x64xf32, #tpu.memory_space<vmem>>
        %dma_wait3A_284 = tpu.memref_squeeze %dma_wait3A_283 : memref<1x128x64xf32, #tpu.memory_space<vmem>> -> memref<128x64xf32, #tpu.memory_space<vmem>>
        %dma_wait3A_285 = tpu.memref_slice %arg7[%mul3A_278] : memref<10240xi32, #tpu.memory_space<vmem>> -> memref<128xi32, #tpu.memory_space<vmem>>
        %dma_wait3A_286 = arith.constant 0 : i32
        %dma_wait3A_287 = arith.constant 0 : i32
        %dma_wait3A_288 = tpu.memref_slice %arg9[%dma_wait3A_286, %dma_wait3A_287] : memref<10240x64xf32, #tpu.memory_space<vmem_shared>> -> memref<10240x64xf32, #tpu.memory_space<vmem_shared>>
        %dma_wait3A_289 = tpu.memref_slice %arg11[%dma_wait3A_280] : memref<4x!tpu.dma_semaphore, #tpu.memory_space<semaphore_mem>> -> memref<1x!tpu.dma_semaphore, #tpu.memory_space<semaphore_mem>>
        %dma_wait3A_290 = tpu.memref_squeeze %dma_wait3A_289 : memref<1x!tpu.dma_semaphore, #tpu.memory_space<semaphore_mem>> -> memref<!tpu.dma_semaphore, #tpu.memory_space<semaphore_mem>>
        tpu.wait_indirect_dma semaphore(%dma_wait3A_290 : memref<!tpu.dma_semaphore, #tpu.memory_space<semaphore_mem>>) src(%dma_wait3A_284 : memref<128x64xf32, #tpu.memory_space<vmem>>) dst(%dma_wait3A_288 : memref<10240x64xf32, #tpu.memory_space<vmem_shared>>)
      } else {
      }
      %mul3A_144 = arith.constant 128 : i32
      %mul3A_145 = arith.muli %add3A_124, %mul3A_144 : i32
      %dma_start3A_146 = arith.constant 1 : i32
      %dma_start3A_147 = arith.constant 1 : i32
      %dma_start3A_148 = arith.constant 0 : i32
      %dma_start3A_149 = arith.constant 0 : i32
      %dma_start3A_150 = tpu.memref_slice %arg8[%dma_start3A_146, %dma_start3A_148, %dma_start3A_149] : memref<4x128x64xf32, #tpu.memory_space<vmem>> -> memref<1x128x64xf32, #tpu.memory_space<vmem>>
      %dma_start3A_151 = tpu.memref_squeeze %dma_start3A_150 : memref<1x128x64xf32, #tpu.memory_space<vmem>> -> memref<128x64xf32, #tpu.memory_space<vmem>>
      %dma_start3A_152 = tpu.memref_slice %arg7[%mul3A_145] : memref<10240xi32, #tpu.memory_space<vmem>> -> memref<128xi32, #tpu.memory_space<vmem>>
      %dma_start3A_153 = arith.constant 0 : i32
      %dma_start3A_154 = arith.constant 0 : i32
      %dma_start3A_155 = tpu.memref_slice %arg9[%dma_start3A_153, %dma_start3A_154] : memref<10240x64xf32, #tpu.memory_space<vmem_shared>> -> memref<10240x64xf32, #tpu.memory_space<vmem_shared>>
      %dma_start3A_156 = tpu.memref_slice %arg11[%dma_start3A_147] : memref<4x!tpu.dma_semaphore, #tpu.memory_space<semaphore_mem>> -> memref<1x!tpu.dma_semaphore, #tpu.memory_space<semaphore_mem>>
      %dma_start3A_157 = tpu.memref_squeeze %dma_start3A_156 : memref<1x!tpu.dma_semaphore, #tpu.memory_space<semaphore_mem>> -> memref<!tpu.dma_semaphore, #tpu.memory_space<semaphore_mem>>
      tpu.enqueue_indirect_dma source(%dma_start3A_151 : memref<128x64xf32, #tpu.memory_space<vmem>>) target(%dma_start3A_155 : memref<10240x64xf32, #tpu.memory_space<vmem_shared>>) offsets(%dma_start3A_152 : memref<128xi32, #tpu.memory_space<vmem>>) semaphore(%dma_start3A_157 : memref<!tpu.dma_semaphore, #tpu.memory_space<semaphore_mem>>) {add = true}
      %add3A_158 = arith.constant 1 : i32
      %add3A_159 = arith.addi %add3A_124, %add3A_158 : i32
      %mul3A_160 = arith.constant 128 : i32
      %mul3A_161 = arith.muli %add3A_159, %mul3A_160 : i32
      %dma_start3A_162 = arith.constant 2 : i32
      %dma_start3A_163 = arith.constant 2 : i32
      %dma_start3A_164 = arith.constant 0 : i32
      %dma_start3A_165 = arith.constant 0 : i32
      %dma_start3A_166 = tpu.memref_slice %arg8[%dma_start3A_162, %dma_start3A_164, %dma_start3A_165] : memref<4x128x64xf32, #tpu.memory_space<vmem>> -> memref<1x128x64xf32, #tpu.memory_space<vmem>>
      %dma_start3A_167 = tpu.memref_squeeze %dma_start3A_166 : memref<1x128x64xf32, #tpu.memory_space<vmem>> -> memref<128x64xf32, #tpu.memory_space<vmem>>
      %dma_start3A_168 = tpu.memref_slice %arg6[%mul3A_161] : memref<10240xi32, #tpu.memory_space<vmem>> -> memref<128xi32, #tpu.memory_space<vmem>>
      %dma_start3A_169 = arith.constant 0 : i32
      %dma_start3A_170 = arith.constant 0 : i32
      %dma_start3A_171 = tpu.memref_slice %arg4[%dma_start3A_169, %dma_start3A_170] : memref<10240x64xf32, #tpu.memory_space<hbm>> -> memref<10240x64xf32, #tpu.memory_space<hbm>>
      %dma_start3A_172 = tpu.memref_slice %arg10[%dma_start3A_163] : memref<4x!tpu.dma_semaphore, #tpu.memory_space<semaphore_mem>> -> memref<1x!tpu.dma_semaphore, #tpu.memory_space<semaphore_mem>>
      %dma_start3A_173 = tpu.memref_squeeze %dma_start3A_172 : memref<1x!tpu.dma_semaphore, #tpu.memory_space<semaphore_mem>> -> memref<!tpu.dma_semaphore, #tpu.memory_space<semaphore_mem>>
      tpu.enqueue_indirect_dma source(%dma_start3A_171 : memref<10240x64xf32, #tpu.memory_space<hbm>>) target(%dma_start3A_167 : memref<128x64xf32, #tpu.memory_space<vmem>>) offsets(%dma_start3A_168 : memref<128xi32, #tpu.memory_space<vmem>>) semaphore(%dma_start3A_173 : memref<!tpu.dma_semaphore, #tpu.memory_space<semaphore_mem>>)
      %add3A_174 = arith.constant 2 : i32
      %add3A_175 = arith.addi %mul3A_72, %add3A_174 : i32
      %mul3A_176 = arith.constant 128 : i32
      %mul3A_177 = arith.muli %add3A_175, %mul3A_176 : i32
      %dma_wait3A_178 = arith.constant 2 : i32
      %dma_wait3A_179 = arith.constant 2 : i32
      %dma_wait3A_180 = arith.constant 0 : i32
      %dma_wait3A_181 = arith.constant 0 : i32
      %dma_wait3A_182 = tpu.memref_slice %arg8[%dma_wait3A_178, %dma_wait3A_180, %dma_wait3A_181] : memref<4x128x64xf32, #tpu.memory_space<vmem>> -> memref<1x128x64xf32, #tpu.memory_space<vmem>>
      %dma_wait3A_183 = tpu.memref_squeeze %dma_wait3A_182 : memref<1x128x64xf32, #tpu.memory_space<vmem>> -> memref<128x64xf32, #tpu.memory_space<vmem>>
      %dma_wait3A_184 = tpu.memref_slice %arg6[%mul3A_177] : memref<10240xi32, #tpu.memory_space<vmem>> -> memref<128xi32, #tpu.memory_space<vmem>>
      %dma_wait3A_185 = arith.constant 0 : i32
      %dma_wait3A_186 = arith.constant 0 : i32
      %dma_wait3A_187 = tpu.memref_slice %arg4[%dma_wait3A_185, %dma_wait3A_186] : memref<10240x64xf32, #tpu.memory_space<hbm>> -> memref<10240x64xf32, #tpu.memory_space<hbm>>
      %dma_wait3A_188 = tpu.memref_slice %arg10[%dma_wait3A_179] : memref<4x!tpu.dma_semaphore, #tpu.memory_space<semaphore_mem>> -> memref<1x!tpu.dma_semaphore, #tpu.memory_space<semaphore_mem>>
      %dma_wait3A_189 = tpu.memref_squeeze %dma_wait3A_188 : memref<1x!tpu.dma_semaphore, #tpu.memory_space<semaphore_mem>> -> memref<!tpu.dma_semaphore, #tpu.memory_space<semaphore_mem>>
      tpu.wait_indirect_dma semaphore(%dma_wait3A_189 : memref<!tpu.dma_semaphore, #tpu.memory_space<semaphore_mem>>) src(%dma_wait3A_187 : memref<10240x64xf32, #tpu.memory_space<hbm>>) dst(%dma_wait3A_183 : memref<128x64xf32, #tpu.memory_space<vmem>>)
      %gt3A_190 = arith.constant 0 : i32
      %gt3A_191 = arith.cmpi sgt, %while3A_70, %gt3A_190 : i32
      %convert_element_type3A_192 = arith.extui %gt3A_191 : i1 to i32
      %cond3A_193 = arith.constant 0 : i32
      %cond3A_194 = arith.cmpi ne, %convert_element_type3A_192, %cond3A_193 : i32
      scf.if %cond3A_194 {
        %sub3A_275 = arith.constant 3 : i32
        %sub3A_276 = arith.subi %add3A_175, %sub3A_275 : i32
        %mul3A_277 = arith.constant 128 : i32
        %mul3A_278 = arith.muli %sub3A_276, %mul3A_277 : i32
        %dma_wait3A_279 = arith.constant 3 : i32
        %dma_wait3A_280 = arith.constant 3 : i32
        %dma_wait3A_281 = arith.constant 0 : i32
        %dma_wait3A_282 = arith.constant 0 : i32
        %dma_wait3A_283 = tpu.memref_slice %arg8[%dma_wait3A_279, %dma_wait3A_281, %dma_wait3A_282] : memref<4x128x64xf32, #tpu.memory_space<vmem>> -> memref<1x128x64xf32, #tpu.memory_space<vmem>>
        %dma_wait3A_284 = tpu.memref_squeeze %dma_wait3A_283 : memref<1x128x64xf32, #tpu.memory_space<vmem>> -> memref<128x64xf32, #tpu.memory_space<vmem>>
        %dma_wait3A_285 = tpu.memref_slice %arg7[%mul3A_278] : memref<10240xi32, #tpu.memory_space<vmem>> -> memref<128xi32, #tpu.memory_space<vmem>>
        %dma_wait3A_286 = arith.constant 0 : i32
        %dma_wait3A_287 = arith.constant 0 : i32
        %dma_wait3A_288 = tpu.memref_slice %arg9[%dma_wait3A_286, %dma_wait3A_287] : memref<10240x64xf32, #tpu.memory_space<vmem_shared>> -> memref<10240x64xf32, #tpu.memory_space<vmem_shared>>
        %dma_wait3A_289 = tpu.memref_slice %arg11[%dma_wait3A_280] : memref<4x!tpu.dma_semaphore, #tpu.memory_space<semaphore_mem>> -> memref<1x!tpu.dma_semaphore, #tpu.memory_space<semaphore_mem>>
        %dma_wait3A_290 = tpu.memref_squeeze %dma_wait3A_289 : memref<1x!tpu.dma_semaphore, #tpu.memory_space<semaphore_mem>> -> memref<!tpu.dma_semaphore, #tpu.memory_space<semaphore_mem>>
        tpu.wait_indirect_dma semaphore(%dma_wait3A_290 : memref<!tpu.dma_semaphore, #tpu.memory_space<semaphore_mem>>) src(%dma_wait3A_284 : memref<128x64xf32, #tpu.memory_space<vmem>>) dst(%dma_wait3A_288 : memref<10240x64xf32, #tpu.memory_space<vmem_shared>>)
      } else {
      }
      %mul3A_195 = arith.constant 128 : i32
      %mul3A_196 = arith.muli %add3A_175, %mul3A_195 : i32
      %dma_start3A_197 = arith.constant 2 : i32
      %dma_start3A_198 = arith.constant 2 : i32
      %dma_start3A_199 = arith.constant 0 : i32
      %dma_start3A_200 = arith.constant 0 : i32
      %dma_start3A_201 = tpu.memref_slice %arg8[%dma_start3A_197, %dma_start3A_199, %dma_start3A_200] : memref<4x128x64xf32, #tpu.memory_space<vmem>> -> memref<1x128x64xf32, #tpu.memory_space<vmem>>
      %dma_start3A_202 = tpu.memref_squeeze %dma_start3A_201 : memref<1x128x64xf32, #tpu.memory_space<vmem>> -> memref<128x64xf32, #tpu.memory_space<vmem>>
      %dma_start3A_203 = tpu.memref_slice %arg7[%mul3A_196] : memref<10240xi32, #tpu.memory_space<vmem>> -> memref<128xi32, #tpu.memory_space<vmem>>
      %dma_start3A_204 = arith.constant 0 : i32
      %dma_start3A_205 = arith.constant 0 : i32
      %dma_start3A_206 = tpu.memref_slice %arg9[%dma_start3A_204, %dma_start3A_205] : memref<10240x64xf32, #tpu.memory_space<vmem_shared>> -> memref<10240x64xf32, #tpu.memory_space<vmem_shared>>
      %dma_start3A_207 = tpu.memref_slice %arg11[%dma_start3A_198] : memref<4x!tpu.dma_semaphore, #tpu.memory_space<semaphore_mem>> -> memref<1x!tpu.dma_semaphore, #tpu.memory_space<semaphore_mem>>
      %dma_start3A_208 = tpu.memref_squeeze %dma_start3A_207 : memref<1x!tpu.dma_semaphore, #tpu.memory_space<semaphore_mem>> -> memref<!tpu.dma_semaphore, #tpu.memory_space<semaphore_mem>>
      tpu.enqueue_indirect_dma source(%dma_start3A_202 : memref<128x64xf32, #tpu.memory_space<vmem>>) target(%dma_start3A_206 : memref<10240x64xf32, #tpu.memory_space<vmem_shared>>) offsets(%dma_start3A_203 : memref<128xi32, #tpu.memory_space<vmem>>) semaphore(%dma_start3A_208 : memref<!tpu.dma_semaphore, #tpu.memory_space<semaphore_mem>>) {add = true}
      %add3A_209 = arith.constant 1 : i32
      %add3A_210 = arith.addi %add3A_175, %add3A_209 : i32
      %mul3A_211 = arith.constant 128 : i32
      %mul3A_212 = arith.muli %add3A_210, %mul3A_211 : i32
      %dma_start3A_213 = arith.constant 3 : i32
      %dma_start3A_214 = arith.constant 3 : i32
      %dma_start3A_215 = arith.constant 0 : i32
      %dma_start3A_216 = arith.constant 0 : i32
      %dma_start3A_217 = tpu.memref_slice %arg8[%dma_start3A_213, %dma_start3A_215, %dma_start3A_216] : memref<4x128x64xf32, #tpu.memory_space<vmem>> -> memref<1x128x64xf32, #tpu.memory_space<vmem>>
      %dma_start3A_218 = tpu.memref_squeeze %dma_start3A_217 : memref<1x128x64xf32, #tpu.memory_space<vmem>> -> memref<128x64xf32, #tpu.memory_space<vmem>>
      %dma_start3A_219 = tpu.memref_slice %arg6[%mul3A_212] : memref<10240xi32, #tpu.memory_space<vmem>> -> memref<128xi32, #tpu.memory_space<vmem>>
      %dma_start3A_220 = arith.constant 0 : i32
      %dma_start3A_221 = arith.constant 0 : i32
      %dma_start3A_222 = tpu.memref_slice %arg4[%dma_start3A_220, %dma_start3A_221] : memref<10240x64xf32, #tpu.memory_space<hbm>> -> memref<10240x64xf32, #tpu.memory_space<hbm>>
      %dma_start3A_223 = tpu.memref_slice %arg10[%dma_start3A_214] : memref<4x!tpu.dma_semaphore, #tpu.memory_space<semaphore_mem>> -> memref<1x!tpu.dma_semaphore, #tpu.memory_space<semaphore_mem>>
      %dma_start3A_224 = tpu.memref_squeeze %dma_start3A_223 : memref<1x!tpu.dma_semaphore, #tpu.memory_space<semaphore_mem>> -> memref<!tpu.dma_semaphore, #tpu.memory_space<semaphore_mem>>
      tpu.enqueue_indirect_dma source(%dma_start3A_222 : memref<10240x64xf32, #tpu.memory_space<hbm>>) target(%dma_start3A_218 : memref<128x64xf32, #tpu.memory_space<vmem>>) offsets(%dma_start3A_219 : memref<128xi32, #tpu.memory_space<vmem>>) semaphore(%dma_start3A_224 : memref<!tpu.dma_semaphore, #tpu.memory_space<semaphore_mem>>)
      %add3A_225 = arith.constant 3 : i32
      %add3A_226 = arith.addi %mul3A_72, %add3A_225 : i32
      %mul3A_227 = arith.constant 128 : i32
      %mul3A_228 = arith.muli %add3A_226, %mul3A_227 : i32
      %dma_wait3A_229 = arith.constant 3 : i32
      %dma_wait3A_230 = arith.constant 3 : i32
      %dma_wait3A_231 = arith.constant 0 : i32
      %dma_wait3A_232 = arith.constant 0 : i32
      %dma_wait3A_233 = tpu.memref_slice %arg8[%dma_wait3A_229, %dma_wait3A_231, %dma_wait3A_232] : memref<4x128x64xf32, #tpu.memory_space<vmem>> -> memref<1x128x64xf32, #tpu.memory_space<vmem>>
      %dma_wait3A_234 = tpu.memref_squeeze %dma_wait3A_233 : memref<1x128x64xf32, #tpu.memory_space<vmem>> -> memref<128x64xf32, #tpu.memory_space<vmem>>
      %dma_wait3A_235 = tpu.memref_slice %arg6[%mul3A_228] : memref<10240xi32, #tpu.memory_space<vmem>> -> memref<128xi32, #tpu.memory_space<vmem>>
      %dma_wait3A_236 = arith.constant 0 : i32
      %dma_wait3A_237 = arith.constant 0 : i32
      %dma_wait3A_238 = tpu.memref_slice %arg4[%dma_wait3A_236, %dma_wait3A_237] : memref<10240x64xf32, #tpu.memory_space<hbm>> -> memref<10240x64xf32, #tpu.memory_space<hbm>>
      %dma_wait3A_239 = tpu.memref_slice %arg10[%dma_wait3A_230] : memref<4x!tpu.dma_semaphore, #tpu.memory_space<semaphore_mem>> -> memref<1x!tpu.dma_semaphore, #tpu.memory_space<semaphore_mem>>
      %dma_wait3A_240 = tpu.memref_squeeze %dma_wait3A_239 : memref<1x!tpu.dma_semaphore, #tpu.memory_space<semaphore_mem>> -> memref<!tpu.dma_semaphore, #tpu.memory_space<semaphore_mem>>
      tpu.wait_indirect_dma semaphore(%dma_wait3A_240 : memref<!tpu.dma_semaphore, #tpu.memory_space<semaphore_mem>>) src(%dma_wait3A_238 : memref<10240x64xf32, #tpu.memory_space<hbm>>) dst(%dma_wait3A_234 : memref<128x64xf32, #tpu.memory_space<vmem>>)
      %sub3A = arith.constant 3 : i32
      %sub3A_241 = arith.subi %add3A_226, %sub3A : i32
      %mul3A_242 = arith.constant 128 : i32
      %mul3A_243 = arith.muli %sub3A_241, %mul3A_242 : i32
      %dma_wait3A_244 = arith.constant 0 : i32
      %dma_wait3A_245 = arith.constant 0 : i32
      %dma_wait3A_246 = arith.constant 0 : i32
      %dma_wait3A_247 = arith.constant 0 : i32
      %dma_wait3A_248 = tpu.memref_slice %arg8[%dma_wait3A_244, %dma_wait3A_246, %dma_wait3A_247] : memref<4x128x64xf32, #tpu.memory_space<vmem>> -> memref<1x128x64xf32, #tpu.memory_space<vmem>>
      %dma_wait3A_249 = tpu.memref_squeeze %dma_wait3A_248 : memref<1x128x64xf32, #tpu.memory_space<vmem>> -> memref<128x64xf32, #tpu.memory_space<vmem>>
      %dma_wait3A_250 = tpu.memref_slice %arg7[%mul3A_243] : memref<10240xi32, #tpu.memory_space<vmem>> -> memref<128xi32, #tpu.memory_space<vmem>>
      %dma_wait3A_251 = arith.constant 0 : i32
      %dma_wait3A_252 = arith.constant 0 : i32
      %dma_wait3A_253 = tpu.memref_slice %arg9[%dma_wait3A_251, %dma_wait3A_252] : memref<10240x64xf32, #tpu.memory_space<vmem_shared>> -> memref<10240x64xf32, #tpu.memory_space<vmem_shared>>
      %dma_wait3A_254 = tpu.memref_slice %arg11[%dma_wait3A_245] : memref<4x!tpu.dma_semaphore, #tpu.memory_space<semaphore_mem>> -> memref<1x!tpu.dma_semaphore, #tpu.memory_space<semaphore_mem>>
      %dma_wait3A_255 = tpu.memref_squeeze %dma_wait3A_254 : memref<1x!tpu.dma_semaphore, #tpu.memory_space<semaphore_mem>> -> memref<!tpu.dma_semaphore, #tpu.memory_space<semaphore_mem>>
      tpu.wait_indirect_dma semaphore(%dma_wait3A_255 : memref<!tpu.dma_semaphore, #tpu.memory_space<semaphore_mem>>) src(%dma_wait3A_249 : memref<128x64xf32, #tpu.memory_space<vmem>>) dst(%dma_wait3A_253 : memref<10240x64xf32, #tpu.memory_space<vmem_shared>>)
      %mul3A_256 = arith.constant 128 : i32
      %mul3A_257 = arith.muli %add3A_226, %mul3A_256 : i32
      %dma_start3A_258 = arith.constant 3 : i32
      %dma_start3A_259 = arith.constant 3 : i32
      %dma_start3A_260 = arith.constant 0 : i32
      %dma_start3A_261 = arith.constant 0 : i32
      %dma_start3A_262 = tpu.memref_slice %arg8[%dma_start3A_258, %dma_start3A_260, %dma_start3A_261] : memref<4x128x64xf32, #tpu.memory_space<vmem>> -> memref<1x128x64xf32, #tpu.memory_space<vmem>>
      %dma_start3A_263 = tpu.memref_squeeze %dma_start3A_262 : memref<1x128x64xf32, #tpu.memory_space<vmem>> -> memref<128x64xf32, #tpu.memory_space<vmem>>
      %dma_start3A_264 = tpu.memref_slice %arg7[%mul3A_257] : memref<10240xi32, #tpu.memory_space<vmem>> -> memref<128xi32, #tpu.memory_space<vmem>>
      %dma_start3A_265 = arith.constant 0 : i32
      %dma_start3A_266 = arith.constant 0 : i32
      %dma_start3A_267 = tpu.memref_slice %arg9[%dma_start3A_265, %dma_start3A_266] : memref<10240x64xf32, #tpu.memory_space<vmem_shared>> -> memref<10240x64xf32, #tpu.memory_space<vmem_shared>>
      %dma_start3A_268 = tpu.memref_slice %arg11[%dma_start3A_259] : memref<4x!tpu.dma_semaphore, #tpu.memory_space<semaphore_mem>> -> memref<1x!tpu.dma_semaphore, #tpu.memory_space<semaphore_mem>>
      %dma_start3A_269 = tpu.memref_squeeze %dma_start3A_268 : memref<1x!tpu.dma_semaphore, #tpu.memory_space<semaphore_mem>> -> memref<!tpu.dma_semaphore, #tpu.memory_space<semaphore_mem>>
      tpu.enqueue_indirect_dma source(%dma_start3A_263 : memref<128x64xf32, #tpu.memory_space<vmem>>) target(%dma_start3A_267 : memref<10240x64xf32, #tpu.memory_space<vmem_shared>>) offsets(%dma_start3A_264 : memref<128xi32, #tpu.memory_space<vmem>>) semaphore(%dma_start3A_269 : memref<!tpu.dma_semaphore, #tpu.memory_space<semaphore_mem>>) {add = true}
      %sub3A_270 = arith.constant 1 : i32
      %sub3A_271 = arith.subi %select_n3A, %sub3A_270 : i32
      %lt3A = arith.cmpi slt, %while3A_70, %sub3A_271 : i32
      %convert_element_type3A_272 = arith.extui %lt3A : i1 to i32
      %cond3A_273 = arith.constant 0 : i32
      %cond3A_274 = arith.cmpi ne, %convert_element_type3A_272, %cond3A_273 : i32
      scf.if %cond3A_274 {
        %add3A_275 = arith.constant 1 : i32
        %add3A_276 = arith.addi %add3A_226, %add3A_275 : i32
        %mul3A_277 = arith.constant 128 : i32
        %mul3A_278 = arith.muli %add3A_276, %mul3A_277 : i32
        %dma_start3A_279 = arith.constant 0 : i32
        %dma_start3A_280 = arith.constant 0 : i32
        %dma_start3A_281 = arith.constant 0 : i32
        %dma_start3A_282 = arith.constant 0 : i32
        %dma_start3A_283 = tpu.memref_slice %arg8[%dma_start3A_279, %dma_start3A_281, %dma_start3A_282] : memref<4x128x64xf32, #tpu.memory_space<vmem>> -> memref<1x128x64xf32, #tpu.memory_space<vmem>>
        %dma_start3A_284 = tpu.memref_squeeze %dma_start3A_283 : memref<1x128x64xf32, #tpu.memory_space<vmem>> -> memref<128x64xf32, #tpu.memory_space<vmem>>
        %dma_start3A_285 = tpu.memref_slice %arg6[%mul3A_278] : memref<10240xi32, #tpu.memory_space<vmem>> -> memref<128xi32, #tpu.memory_space<vmem>>
        %dma_start3A_286 = arith.constant 0 : i32
        %dma_start3A_287 = arith.constant 0 : i32
        %dma_start3A_288 = tpu.memref_slice %arg4[%dma_start3A_286, %dma_start3A_287] : memref<10240x64xf32, #tpu.memory_space<hbm>> -> memref<10240x64xf32, #tpu.memory_space<hbm>>
        %dma_start3A_289 = tpu.memref_slice %arg10[%dma_start3A_280] : memref<4x!tpu.dma_semaphore, #tpu.memory_space<semaphore_mem>> -> memref<1x!tpu.dma_semaphore, #tpu.memory_space<semaphore_mem>>
        %dma_start3A_290 = tpu.memref_squeeze %dma_start3A_289 : memref<1x!tpu.dma_semaphore, #tpu.memory_space<semaphore_mem>> -> memref<!tpu.dma_semaphore, #tpu.memory_space<semaphore_mem>>
        tpu.enqueue_indirect_dma source(%dma_start3A_288 : memref<10240x64xf32, #tpu.memory_space<hbm>>) target(%dma_start3A_284 : memref<128x64xf32, #tpu.memory_space<vmem>>) offsets(%dma_start3A_285 : memref<128xi32, #tpu.memory_space<vmem>>) semaphore(%dma_start3A_290 : memref<!tpu.dma_semaphore, #tpu.memory_space<semaphore_mem>>)
      } else {
      }
    }
    %dma_wait3A = arith.constant 1 : i32
    %dma_wait3A_31 = arith.constant 1 : i32
    %dma_wait3A_32 = arith.constant 0 : i32
    %dma_wait3A_33 = arith.constant 0 : i32
    %dma_wait3A_34 = tpu.memref_slice %arg8[%dma_wait3A, %dma_wait3A_32, %dma_wait3A_33] : memref<4x128x64xf32, #tpu.memory_space<vmem>> -> memref<1x128x64xf32, #tpu.memory_space<vmem>>
    %dma_wait3A_35 = tpu.memref_squeeze %dma_wait3A_34 : memref<1x128x64xf32, #tpu.memory_space<vmem>> -> memref<128x64xf32, #tpu.memory_space<vmem>>
    %dma_wait3A_36 = arith.constant 0 : i32
    %dma_wait3A_37 = tpu.memref_slice %arg7[%dma_wait3A_36] : memref<10240xi32, #tpu.memory_space<vmem>> -> memref<128xi32, #tpu.memory_space<vmem>>
    %dma_wait3A_38 = arith.constant 0 : i32
    %dma_wait3A_39 = arith.constant 0 : i32
    %dma_wait3A_40 = tpu.memref_slice %arg9[%dma_wait3A_38, %dma_wait3A_39] : memref<10240x64xf32, #tpu.memory_space<vmem_shared>> -> memref<10240x64xf32, #tpu.memory_space<vmem_shared>>
    %dma_wait3A_41 = tpu.memref_slice %arg11[%dma_wait3A_31] : memref<4x!tpu.dma_semaphore, #tpu.memory_space<semaphore_mem>> -> memref<1x!tpu.dma_semaphore, #tpu.memory_space<semaphore_mem>>
    %dma_wait3A_42 = tpu.memref_squeeze %dma_wait3A_41 : memref<1x!tpu.dma_semaphore, #tpu.memory_space<semaphore_mem>> -> memref<!tpu.dma_semaphore, #tpu.memory_space<semaphore_mem>>
    tpu.wait_indirect_dma semaphore(%dma_wait3A_42 : memref<!tpu.dma_semaphore, #tpu.memory_space<semaphore_mem>>) src(%dma_wait3A_35 : memref<128x64xf32, #tpu.memory_space<vmem>>) dst(%dma_wait3A_40 : memref<10240x64xf32, #tpu.memory_space<vmem_shared>>)
    %dma_wait3A_43 = arith.constant 2 : i32
    %dma_wait3A_44 = arith.constant 2 : i32
    %dma_wait3A_45 = arith.constant 0 : i32
    %dma_wait3A_46 = arith.constant 0 : i32
    %dma_wait3A_47 = tpu.memref_slice %arg8[%dma_wait3A_43, %dma_wait3A_45, %dma_wait3A_46] : memref<4x128x64xf32, #tpu.memory_space<vmem>> -> memref<1x128x64xf32, #tpu.memory_space<vmem>>
    %dma_wait3A_48 = tpu.memref_squeeze %dma_wait3A_47 : memref<1x128x64xf32, #tpu.memory_space<vmem>> -> memref<128x64xf32, #tpu.memory_space<vmem>>
    %dma_wait3A_49 = arith.constant 0 : i32
    %dma_wait3A_50 = tpu.memref_slice %arg7[%dma_wait3A_49] : memref<10240xi32, #tpu.memory_space<vmem>> -> memref<128xi32, #tpu.memory_space<vmem>>
    %dma_wait3A_51 = arith.constant 0 : i32
    %dma_wait3A_52 = arith.constant 0 : i32
    %dma_wait3A_53 = tpu.memref_slice %arg9[%dma_wait3A_51, %dma_wait3A_52] : memref<10240x64xf32, #tpu.memory_space<vmem_shared>> -> memref<10240x64xf32, #tpu.memory_space<vmem_shared>>
    %dma_wait3A_54 = tpu.memref_slice %arg11[%dma_wait3A_44] : memref<4x!tpu.dma_semaphore, #tpu.memory_space<semaphore_mem>> -> memref<1x!tpu.dma_semaphore, #tpu.memory_space<semaphore_mem>>
    %dma_wait3A_55 = tpu.memref_squeeze %dma_wait3A_54 : memref<1x!tpu.dma_semaphore, #tpu.memory_space<semaphore_mem>> -> memref<!tpu.dma_semaphore, #tpu.memory_space<semaphore_mem>>
    tpu.wait_indirect_dma semaphore(%dma_wait3A_55 : memref<!tpu.dma_semaphore, #tpu.memory_space<semaphore_mem>>) src(%dma_wait3A_48 : memref<128x64xf32, #tpu.memory_space<vmem>>) dst(%dma_wait3A_53 : memref<10240x64xf32, #tpu.memory_space<vmem_shared>>)
    %dma_wait3A_56 = arith.constant 3 : i32
    %dma_wait3A_57 = arith.constant 3 : i32
    %dma_wait3A_58 = arith.constant 0 : i32
    %dma_wait3A_59 = arith.constant 0 : i32
    %dma_wait3A_60 = tpu.memref_slice %arg8[%dma_wait3A_56, %dma_wait3A_58, %dma_wait3A_59] : memref<4x128x64xf32, #tpu.memory_space<vmem>> -> memref<1x128x64xf32, #tpu.memory_space<vmem>>
    %dma_wait3A_61 = tpu.memref_squeeze %dma_wait3A_60 : memref<1x128x64xf32, #tpu.memory_space<vmem>> -> memref<128x64xf32, #tpu.memory_space<vmem>>
    %dma_wait3A_62 = arith.constant 0 : i32
    %dma_wait3A_63 = tpu.memref_slice %arg7[%dma_wait3A_62] : memref<10240xi32, #tpu.memory_space<vmem>> -> memref<128xi32, #tpu.memory_space<vmem>>
    %dma_wait3A_64 = arith.constant 0 : i32
    %dma_wait3A_65 = arith.constant 0 : i32
    %dma_wait3A_66 = tpu.memref_slice %arg9[%dma_wait3A_64, %dma_wait3A_65] : memref<10240x64xf32, #tpu.memory_space<vmem_shared>> -> memref<10240x64xf32, #tpu.memory_space<vmem_shared>>
    %dma_wait3A_67 = tpu.memref_slice %arg11[%dma_wait3A_57] : memref<4x!tpu.dma_semaphore, #tpu.memory_space<semaphore_mem>> -> memref<1x!tpu.dma_semaphore, #tpu.memory_space<semaphore_mem>>
    %dma_wait3A_68 = tpu.memref_squeeze %dma_wait3A_67 : memref<1x!tpu.dma_semaphore, #tpu.memory_space<semaphore_mem>> -> memref<!tpu.dma_semaphore, #tpu.memory_space<semaphore_mem>>
    tpu.wait_indirect_dma semaphore(%dma_wait3A_68 : memref<!tpu.dma_semaphore, #tpu.memory_space<semaphore_mem>>) src(%dma_wait3A_61 : memref<128x64xf32, #tpu.memory_space<vmem>>) dst(%dma_wait3A_66 : memref<10240x64xf32, #tpu.memory_space<vmem_shared>>)
    %barrier3A_69 = arith.constant 0 : index
    tpu.barrier barrier_id(%barrier3A_69)
    "tpu.region"() ({
      %run_scoped3A = tpu.sem_alloc : memref<!tpu.dma_semaphore, #tpu.memory_space<semaphore_mem>>
      %dma_start3A_70 = arith.constant 0 : i32
      %dma_start3A_71 = tpu.memref_slice %arg5[%arg0, %mul3A_21, %dma_start3A_70] : memref<2x10240x64xf32, #tpu.memory_space<hbm>> -> memref<1x640x64xf32, #tpu.memory_space<hbm>>
      %dma_start3A_72 = tpu.memref_squeeze %dma_start3A_71 : memref<1x640x64xf32, #tpu.memory_space<hbm>> -> memref<640x64xf32, #tpu.memory_space<hbm>>
      %dma_start3A_73 = arith.constant 0 : i32
      %dma_start3A_74 = tpu.memref_slice %arg9[%mul3A_21, %dma_start3A_73] : memref<10240x64xf32, #tpu.memory_space<vmem_shared>> -> memref<640x64xf32, #tpu.memory_space<vmem_shared>>
      tpu.enqueue_dma source(%dma_start3A_74 : memref<640x64xf32, #tpu.memory_space<vmem_shared>>) target(%dma_start3A_72 : memref<640x64xf32, #tpu.memory_space<hbm>>) target_semaphore(%run_scoped3A : memref<!tpu.dma_semaphore, #tpu.memory_space<semaphore_mem>>)
      %dma_wait3A_75 = arith.constant 0 : i32
      %dma_wait3A_76 = tpu.memref_slice %arg5[%arg0, %mul3A_21, %dma_wait3A_75] : memref<2x10240x64xf32, #tpu.memory_space<hbm>> -> memref<1x640x64xf32, #tpu.memory_space<hbm>>
      %dma_wait3A_77 = tpu.memref_squeeze %dma_wait3A_76 : memref<1x640x64xf32, #tpu.memory_space<hbm>> -> memref<640x64xf32, #tpu.memory_space<hbm>>
      %dma_wait3A_78 = arith.constant 0 : i32
      %dma_wait3A_79 = tpu.memref_slice %arg9[%mul3A_21, %dma_wait3A_78] : memref<10240x64xf32, #tpu.memory_space<vmem_shared>> -> memref<640x64xf32, #tpu.memory_space<vmem_shared>>
      tpu.wait_dma2 semaphore(%run_scoped3A : memref<!tpu.dma_semaphore, #tpu.memory_space<semaphore_mem>>) src(%dma_wait3A_79 : memref<640x64xf32, #tpu.memory_space<vmem_shared>>) dst(%dma_wait3A_77 : memref<640x64xf32, #tpu.memory_space<hbm>>)
      tpu.yield
    }) : () -> ()
    return
  }
}

#map = affine_map<(d0, d1) -> (0)>
#map1 = affine_map<(d0, d1) -> (0, 0)>
#map2 = affine_map<(d0, d1) -> (0, 0, 0)>
module attributes {stable_mosaic.version = 14 : i64} {
  func.func @agg(%arg0: i32, %arg1: i32, %arg2: memref<320000xi32, #tpu.memory_space<hbm>>, %arg3: memref<320000xi32, #tpu.memory_space<hbm>>, %arg4: memref<10240x64xf32, #tpu.memory_space<hbm>>, %arg5: memref<2x10240x64xf32, #tpu.memory_space<hbm>>, %arg6: memref<10240xi32, #tpu.memory_space<vmem>>, %arg7: memref<10240xi32, #tpu.memory_space<vmem>>, %arg8: memref<4x128x64xf32, #tpu.memory_space<vmem>>, %arg9: memref<10240x64xf32, #tpu.memory_space<vmem_shared>>, %arg10: memref<4x!tpu.dma_semaphore, #tpu.memory_space<semaphore_mem>>, %arg11: memref<4x!tpu.dma_semaphore, #tpu.memory_space<semaphore_mem>>) attributes {dimension_semantics = [#tpu.dimension_semantics<core_parallel>, #tpu.dimension_semantics<subcore_parallel>], iteration_bounds = array<i64: 2, 16>, scalar_prefetch = 0 : i64, scratch_operands = 6 : i64, tpu.core_type = #tpu.core_type<sc_vector_subcore>, window_params = [{transform_indices = #map}, {transform_indices = #map}, {transform_indices = #map1}, {transform_indices = #map2}]} {
    %mul3A = arith.constant 16 : i32
    %mul3A_0 = arith.muli %arg0, %mul3A : i32
    %add3A = arith.addi %mul3A_0, %arg1 : i32
    %eq3A = arith.constant 31 : i32
    %eq3A_1 = arith.cmpi eq, %add3A, %eq3A : i32
    %not3A = arith.constant true
    %not3A_2 = arith.xori %eq3A_1, %not3A : i1
    %convert_element_type3A = arith.extui %not3A_2 : i1 to i32
    %cond3A = arith.constant 0 : i32
    %cond3A_3 = arith.cmpi ne, %convert_element_type3A, %cond3A : i32
    scf.if %cond3A_3 {
      %mul3A_70 = arith.constant 10240 : i32
      %mul3A_71 = arith.muli %add3A, %mul3A_70 : i32
      "tpu.region"() ({
        %run_scoped3A = tpu.sem_alloc : memref<!tpu.dma_semaphore, #tpu.memory_space<semaphore_mem>>
        %dma_start3A_74 = tpu.memref_slice %arg2[%mul3A_71] : memref<320000xi32, #tpu.memory_space<hbm>> -> memref<10240xi32, #tpu.memory_space<hbm>>
        %dma_start3A_75 = tpu.memref_slice %arg2[%mul3A_71] : memref<320000xi32, #tpu.memory_space<hbm>> -> memref<10240xi32, #tpu.memory_space<hbm>>
        tpu.enqueue_dma source(%dma_start3A_75 : memref<10240xi32, #tpu.memory_space<hbm>>) target(%arg6 : memref<10240xi32, #tpu.memory_space<vmem>>) target_semaphore(%run_scoped3A : memref<!tpu.dma_semaphore, #tpu.memory_space<semaphore_mem>>)
        %dma_wait3A_76 = tpu.memref_slice %arg2[%mul3A_71] : memref<320000xi32, #tpu.memory_space<hbm>> -> memref<10240xi32, #tpu.memory_space<hbm>>
        %dma_wait3A_77 = tpu.memref_slice %arg2[%mul3A_71] : memref<320000xi32, #tpu.memory_space<hbm>> -> memref<10240xi32, #tpu.memory_space<hbm>>
        tpu.wait_dma2 semaphore(%run_scoped3A : memref<!tpu.dma_semaphore, #tpu.memory_space<semaphore_mem>>) src(%dma_wait3A_77 : memref<10240xi32, #tpu.memory_space<hbm>>) dst(%arg6 : memref<10240xi32, #tpu.memory_space<vmem>>)
        tpu.yield
      }) : () -> ()
      %mul3A_72 = arith.constant 10240 : i32
      %mul3A_73 = arith.muli %add3A, %mul3A_72 : i32
      "tpu.region"() ({
        %run_scoped3A = tpu.sem_alloc : memref<!tpu.dma_semaphore, #tpu.memory_space<semaphore_mem>>
        %dma_start3A_74 = tpu.memref_slice %arg3[%mul3A_73] : memref<320000xi32, #tpu.memory_space<hbm>> -> memref<10240xi32, #tpu.memory_space<hbm>>
        %dma_start3A_75 = tpu.memref_slice %arg3[%mul3A_73] : memref<320000xi32, #tpu.memory_space<hbm>> -> memref<10240xi32, #tpu.memory_space<hbm>>
        tpu.enqueue_dma source(%dma_start3A_75 : memref<10240xi32, #tpu.memory_space<hbm>>) target(%arg7 : memref<10240xi32, #tpu.memory_space<vmem>>) target_semaphore(%run_scoped3A : memref<!tpu.dma_semaphore, #tpu.memory_space<semaphore_mem>>)
        %dma_wait3A_76 = tpu.memref_slice %arg3[%mul3A_73] : memref<320000xi32, #tpu.memory_space<hbm>> -> memref<10240xi32, #tpu.memory_space<hbm>>
        %dma_wait3A_77 = tpu.memref_slice %arg3[%mul3A_73] : memref<320000xi32, #tpu.memory_space<hbm>> -> memref<10240xi32, #tpu.memory_space<hbm>>
        tpu.wait_dma2 semaphore(%run_scoped3A : memref<!tpu.dma_semaphore, #tpu.memory_space<semaphore_mem>>) src(%dma_wait3A_77 : memref<10240xi32, #tpu.memory_space<hbm>>) dst(%arg7 : memref<10240xi32, #tpu.memory_space<vmem>>)
        tpu.yield
      }) : () -> ()
    } else {
    }
    %convert_element_type3A_4 = arith.extui %eq3A_1 : i1 to i32
    %cond3A_5 = arith.constant 0 : i32
    %cond3A_6 = arith.cmpi ne, %convert_element_type3A_4, %cond3A_5 : i32
    scf.if %cond3A_6 {
      %mul3A_70 = arith.constant 10240 : i32
      %mul3A_71 = arith.muli %add3A, %mul3A_70 : i32
      "tpu.region"() ({
        %run_scoped3A = tpu.sem_alloc : memref<!tpu.dma_semaphore, #tpu.memory_space<semaphore_mem>>
        %dma_start3A_74 = arith.constant 0 : i32
        %dma_start3A_75 = tpu.memref_slice %arg6[%dma_start3A_74] : memref<10240xi32, #tpu.memory_space<vmem>> -> memref<2560xi32, #tpu.memory_space<vmem>>
        %dma_start3A_76 = tpu.memref_slice %arg2[%mul3A_71] : memref<320000xi32, #tpu.memory_space<hbm>> -> memref<2560xi32, #tpu.memory_space<hbm>>
        %dma_start3A_77 = arith.constant 0 : i32
        %dma_start3A_78 = tpu.memref_slice %arg6[%dma_start3A_77] : memref<10240xi32, #tpu.memory_space<vmem>> -> memref<2560xi32, #tpu.memory_space<vmem>>
        %dma_start3A_79 = tpu.memref_slice %arg2[%mul3A_71] : memref<320000xi32, #tpu.memory_space<hbm>> -> memref<2560xi32, #tpu.memory_space<hbm>>
        tpu.enqueue_dma source(%dma_start3A_79 : memref<2560xi32, #tpu.memory_space<hbm>>) target(%dma_start3A_78 : memref<2560xi32, #tpu.memory_space<vmem>>) target_semaphore(%run_scoped3A : memref<!tpu.dma_semaphore, #tpu.memory_space<semaphore_mem>>)
        %dma_wait3A_80 = arith.constant 0 : i32
        %dma_wait3A_81 = tpu.memref_slice %arg6[%dma_wait3A_80] : memref<10240xi32, #tpu.memory_space<vmem>> -> memref<2560xi32, #tpu.memory_space<vmem>>
        %dma_wait3A_82 = tpu.memref_slice %arg2[%mul3A_71] : memref<320000xi32, #tpu.memory_space<hbm>> -> memref<2560xi32, #tpu.memory_space<hbm>>
        %dma_wait3A_83 = arith.constant 0 : i32
        %dma_wait3A_84 = tpu.memref_slice %arg6[%dma_wait3A_83] : memref<10240xi32, #tpu.memory_space<vmem>> -> memref<2560xi32, #tpu.memory_space<vmem>>
        %dma_wait3A_85 = tpu.memref_slice %arg2[%mul3A_71] : memref<320000xi32, #tpu.memory_space<hbm>> -> memref<2560xi32, #tpu.memory_space<hbm>>
        tpu.wait_dma2 semaphore(%run_scoped3A : memref<!tpu.dma_semaphore, #tpu.memory_space<semaphore_mem>>) src(%dma_wait3A_85 : memref<2560xi32, #tpu.memory_space<hbm>>) dst(%dma_wait3A_84 : memref<2560xi32, #tpu.memory_space<vmem>>)
        tpu.yield
      }) : () -> ()
      %mul3A_72 = arith.constant 10240 : i32
      %mul3A_73 = arith.muli %add3A, %mul3A_72 : i32
      "tpu.region"() ({
        %run_scoped3A = tpu.sem_alloc : memref<!tpu.dma_semaphore, #tpu.memory_space<semaphore_mem>>
        %dma_start3A_74 = arith.constant 0 : i32
        %dma_start3A_75 = tpu.memref_slice %arg7[%dma_start3A_74] : memref<10240xi32, #tpu.memory_space<vmem>> -> memref<2560xi32, #tpu.memory_space<vmem>>
        %dma_start3A_76 = tpu.memref_slice %arg3[%mul3A_73] : memref<320000xi32, #tpu.memory_space<hbm>> -> memref<2560xi32, #tpu.memory_space<hbm>>
        %dma_start3A_77 = arith.constant 0 : i32
        %dma_start3A_78 = tpu.memref_slice %arg7[%dma_start3A_77] : memref<10240xi32, #tpu.memory_space<vmem>> -> memref<2560xi32, #tpu.memory_space<vmem>>
        %dma_start3A_79 = tpu.memref_slice %arg3[%mul3A_73] : memref<320000xi32, #tpu.memory_space<hbm>> -> memref<2560xi32, #tpu.memory_space<hbm>>
        tpu.enqueue_dma source(%dma_start3A_79 : memref<2560xi32, #tpu.memory_space<hbm>>) target(%dma_start3A_78 : memref<2560xi32, #tpu.memory_space<vmem>>) target_semaphore(%run_scoped3A : memref<!tpu.dma_semaphore, #tpu.memory_space<semaphore_mem>>)
        %dma_wait3A_80 = arith.constant 0 : i32
        %dma_wait3A_81 = tpu.memref_slice %arg7[%dma_wait3A_80] : memref<10240xi32, #tpu.memory_space<vmem>> -> memref<2560xi32, #tpu.memory_space<vmem>>
        %dma_wait3A_82 = tpu.memref_slice %arg3[%mul3A_73] : memref<320000xi32, #tpu.memory_space<hbm>> -> memref<2560xi32, #tpu.memory_space<hbm>>
        %dma_wait3A_83 = arith.constant 0 : i32
        %dma_wait3A_84 = tpu.memref_slice %arg7[%dma_wait3A_83] : memref<10240xi32, #tpu.memory_space<vmem>> -> memref<2560xi32, #tpu.memory_space<vmem>>
        %dma_wait3A_85 = tpu.memref_slice %arg3[%mul3A_73] : memref<320000xi32, #tpu.memory_space<hbm>> -> memref<2560xi32, #tpu.memory_space<hbm>>
        tpu.wait_dma2 semaphore(%run_scoped3A : memref<!tpu.dma_semaphore, #tpu.memory_space<semaphore_mem>>) src(%dma_wait3A_85 : memref<2560xi32, #tpu.memory_space<hbm>>) dst(%dma_wait3A_84 : memref<2560xi32, #tpu.memory_space<vmem>>)
        tpu.yield
      }) : () -> ()
    } else {
    }
    %jit3A = arith.constant 5 : i32
    %jit3A_7 = arith.constant 20 : i32
    %select_n3A = arith.select %eq3A_1, %jit3A, %jit3A_7 : i32
    %dma_start3A = arith.constant 0 : i32
    %dma_start3A_8 = arith.constant 0 : i32
    %dma_start3A_9 = arith.constant 0 : i32
    %dma_start3A_10 = arith.constant 0 : i32
    %dma_start3A_11 = tpu.memref_slice %arg8[%dma_start3A, %dma_start3A_9, %dma_start3A_10] : memref<4x128x64xf32, #tpu.memory_space<vmem>> -> memref<1x128x64xf32, #tpu.memory_space<vmem>>
    %dma_start3A_12 = tpu.memref_squeeze %dma_start3A_11 : memref<1x128x64xf32, #tpu.memory_space<vmem>> -> memref<128x64xf32, #tpu.memory_space<vmem>>
    %dma_start3A_13 = arith.constant 0 : i32
    %dma_start3A_14 = tpu.memref_slice %arg6[%dma_start3A_13] : memref<10240xi32, #tpu.memory_space<vmem>> -> memref<128xi32, #tpu.memory_space<vmem>>
    %dma_start3A_15 = arith.constant 0 : i32
    %dma_start3A_16 = arith.constant 0 : i32
    %dma_start3A_17 = tpu.memref_slice %arg4[%dma_start3A_15, %dma_start3A_16] : memref<10240x64xf32, #tpu.memory_space<hbm>> -> memref<10240x64xf32, #tpu.memory_space<hbm>>
    %dma_start3A_18 = tpu.memref_slice %arg10[%dma_start3A_8] : memref<4x!tpu.dma_semaphore, #tpu.memory_space<semaphore_mem>> -> memref<1x!tpu.dma_semaphore, #tpu.memory_space<semaphore_mem>>
    %dma_start3A_19 = tpu.memref_squeeze %dma_start3A_18 : memref<1x!tpu.dma_semaphore, #tpu.memory_space<semaphore_mem>> -> memref<!tpu.dma_semaphore, #tpu.memory_space<semaphore_mem>>
    tpu.enqueue_indirect_dma source(%dma_start3A_17 : memref<10240x64xf32, #tpu.memory_space<hbm>>) target(%dma_start3A_12 : memref<128x64xf32, #tpu.memory_space<vmem>>) offsets(%dma_start3A_14 : memref<128xi32, #tpu.memory_space<vmem>>) semaphore(%dma_start3A_19 : memref<!tpu.dma_semaphore, #tpu.memory_space<semaphore_mem>>)
    %mul3A_20 = arith.constant 640 : i32
    %mul3A_21 = arith.muli %arg1, %mul3A_20 : i32
    "tpu.region"() ({
      %run_scoped3A = tpu.sem_alloc : memref<!tpu.dma_semaphore, #tpu.memory_space<semaphore_mem>>
      %dma_start3A_70 = arith.constant 0 : i32
      %dma_start3A_71 = tpu.memref_slice %arg9[%mul3A_21, %dma_start3A_70] : memref<10240x64xf32, #tpu.memory_space<vmem_shared>> -> memref<640x64xf32, #tpu.memory_space<vmem_shared>>
      %dma_start3A_72 = arith.constant 0 : i32
      %dma_start3A_73 = tpu.memref_slice %arg4[%mul3A_21, %dma_start3A_72] : memref<10240x64xf32, #tpu.memory_space<hbm>> -> memref<640x64xf32, #tpu.memory_space<hbm>>
      tpu.enqueue_dma source(%dma_start3A_73 : memref<640x64xf32, #tpu.memory_space<hbm>>) target(%dma_start3A_71 : memref<640x64xf32, #tpu.memory_space<vmem_shared>>) target_semaphore(%run_scoped3A : memref<!tpu.dma_semaphore, #tpu.memory_space<semaphore_mem>>)
      %dma_wait3A_74 = arith.constant 0 : i32
      %dma_wait3A_75 = tpu.memref_slice %arg9[%mul3A_21, %dma_wait3A_74] : memref<10240x64xf32, #tpu.memory_space<vmem_shared>> -> memref<640x64xf32, #tpu.memory_space<vmem_shared>>
      %dma_wait3A_76 = arith.constant 0 : i32
      %dma_wait3A_77 = tpu.memref_slice %arg4[%mul3A_21, %dma_wait3A_76] : memref<10240x64xf32, #tpu.memory_space<hbm>> -> memref<640x64xf32, #tpu.memory_space<hbm>>
      tpu.wait_dma2 semaphore(%run_scoped3A : memref<!tpu.dma_semaphore, #tpu.memory_space<semaphore_mem>>) src(%dma_wait3A_77 : memref<640x64xf32, #tpu.memory_space<hbm>>) dst(%dma_wait3A_75 : memref<640x64xf32, #tpu.memory_space<vmem_shared>>)
      tpu.yield
    }) : () -> ()
    %barrier3A = arith.constant 0 : index
    tpu.barrier barrier_id(%barrier3A)
    %while3A = arith.constant 0 : i32
    %while3A_22 = arith.constant 0 : i32
    %while3A_23 = arith.subi %select_n3A, %while3A_22 : i32
    %while3A_24 = arith.addi %while3A_22, %while3A_23 : i32
    %while3A_25 = arith.constant 1 : i32
    %while3A_26 = arith.divsi %while3A_23, %while3A_25 : i32
    %while3A_27 = arith.muli %while3A_26, %while3A_25 : i32
    %while3A_28 = arith.addi %while3A_22, %while3A_27 : i32
    %while3A_29 = arith.constant 1 : i32
    scf.for %while3A_70 = %while3A_22 to %while3A_28 step %while3A_29  : i32 {
      %mul3A_71 = arith.constant 4 : i32
      %mul3A_72 = arith.muli %while3A_70, %mul3A_71 : i32
      %add3A_73 = arith.constant 0 : i32
      %add3A_74 = arith.addi %mul3A_72, %add3A_73 : i32
      %mul3A_75 = arith.constant 128 : i32
      %mul3A_76 = arith.muli %add3A_74, %mul3A_75 : i32
      %dma_wait3A_77 = arith.constant 0 : i32
      %dma_wait3A_78 = arith.constant 0 : i32
      %dma_wait3A_79 = arith.constant 0 : i32
      %dma_wait3A_80 = arith.constant 0 : i32
      %dma_wait3A_81 = tpu.memref_slice %arg8[%dma_wait3A_77, %dma_wait3A_79, %dma_wait3A_80] : memref<4x128x64xf32, #tpu.memory_space<vmem>> -> memref<1x128x64xf32, #tpu.memory_space<vmem>>
      %dma_wait3A_82 = tpu.memref_squeeze %dma_wait3A_81 : memref<1x128x64xf32, #tpu.memory_space<vmem>> -> memref<128x64xf32, #tpu.memory_space<vmem>>
      %dma_wait3A_83 = tpu.memref_slice %arg6[%mul3A_76] : memref<10240xi32, #tpu.memory_space<vmem>> -> memref<128xi32, #tpu.memory_space<vmem>>
      %dma_wait3A_84 = arith.constant 0 : i32
      %dma_wait3A_85 = arith.constant 0 : i32
      %dma_wait3A_86 = tpu.memref_slice %arg4[%dma_wait3A_84, %dma_wait3A_85] : memref<10240x64xf32, #tpu.memory_space<hbm>> -> memref<10240x64xf32, #tpu.memory_space<hbm>>
      %dma_wait3A_87 = tpu.memref_slice %arg10[%dma_wait3A_78] : memref<4x!tpu.dma_semaphore, #tpu.memory_space<semaphore_mem>> -> memref<1x!tpu.dma_semaphore, #tpu.memory_space<semaphore_mem>>
      %dma_wait3A_88 = tpu.memref_squeeze %dma_wait3A_87 : memref<1x!tpu.dma_semaphore, #tpu.memory_space<semaphore_mem>> -> memref<!tpu.dma_semaphore, #tpu.memory_space<semaphore_mem>>
      tpu.wait_indirect_dma semaphore(%dma_wait3A_88 : memref<!tpu.dma_semaphore, #tpu.memory_space<semaphore_mem>>) src(%dma_wait3A_86 : memref<10240x64xf32, #tpu.memory_space<hbm>>) dst(%dma_wait3A_82 : memref<128x64xf32, #tpu.memory_space<vmem>>)
      %gt3A = arith.constant 0 : i32
      %gt3A_89 = arith.cmpi sgt, %while3A_70, %gt3A : i32
      %convert_element_type3A_90 = arith.extui %gt3A_89 : i1 to i32
      %cond3A_91 = arith.constant 0 : i32
      %cond3A_92 = arith.cmpi ne, %convert_element_type3A_90, %cond3A_91 : i32
      scf.if %cond3A_92 {
        %sub3A_275 = arith.constant 3 : i32
        %sub3A_276 = arith.subi %add3A_74, %sub3A_275 : i32
        %mul3A_277 = arith.constant 128 : i32
        %mul3A_278 = arith.muli %sub3A_276, %mul3A_277 : i32
        %dma_wait3A_279 = arith.constant 1 : i32
        %dma_wait3A_280 = arith.constant 1 : i32
        %dma_wait3A_281 = arith.constant 0 : i32
        %dma_wait3A_282 = arith.constant 0 : i32
        %dma_wait3A_283 = tpu.memref_slice %arg8[%dma_wait3A_279, %dma_wait3A_281, %dma_wait3A_282] : memref<4x128x64xf32, #tpu.memory_space<vmem>> -> memref<1x128x64xf32, #tpu.memory_space<vmem>>
        %dma_wait3A_284 = tpu.memref_squeeze %dma_wait3A_283 : memref<1x128x64xf32, #tpu.memory_space<vmem>> -> memref<128x64xf32, #tpu.memory_space<vmem>>
        %dma_wait3A_285 = tpu.memref_slice %arg7[%mul3A_278] : memref<10240xi32, #tpu.memory_space<vmem>> -> memref<128xi32, #tpu.memory_space<vmem>>
        %dma_wait3A_286 = arith.constant 0 : i32
        %dma_wait3A_287 = arith.constant 0 : i32
        %dma_wait3A_288 = tpu.memref_slice %arg9[%dma_wait3A_286, %dma_wait3A_287] : memref<10240x64xf32, #tpu.memory_space<vmem_shared>> -> memref<10240x64xf32, #tpu.memory_space<vmem_shared>>
        %dma_wait3A_289 = tpu.memref_slice %arg11[%dma_wait3A_280] : memref<4x!tpu.dma_semaphore, #tpu.memory_space<semaphore_mem>> -> memref<1x!tpu.dma_semaphore, #tpu.memory_space<semaphore_mem>>
        %dma_wait3A_290 = tpu.memref_squeeze %dma_wait3A_289 : memref<1x!tpu.dma_semaphore, #tpu.memory_space<semaphore_mem>> -> memref<!tpu.dma_semaphore, #tpu.memory_space<semaphore_mem>>
        tpu.wait_indirect_dma semaphore(%dma_wait3A_290 : memref<!tpu.dma_semaphore, #tpu.memory_space<semaphore_mem>>) src(%dma_wait3A_284 : memref<128x64xf32, #tpu.memory_space<vmem>>) dst(%dma_wait3A_288 : memref<10240x64xf32, #tpu.memory_space<vmem_shared>>)
      } else {
      }
      %mul3A_93 = arith.constant 128 : i32
      %mul3A_94 = arith.muli %add3A_74, %mul3A_93 : i32
      %dma_start3A_95 = arith.constant 0 : i32
      %dma_start3A_96 = arith.constant 0 : i32
      %dma_start3A_97 = arith.constant 0 : i32
      %dma_start3A_98 = arith.constant 0 : i32
      %dma_start3A_99 = tpu.memref_slice %arg8[%dma_start3A_95, %dma_start3A_97, %dma_start3A_98] : memref<4x128x64xf32, #tpu.memory_space<vmem>> -> memref<1x128x64xf32, #tpu.memory_space<vmem>>
      %dma_start3A_100 = tpu.memref_squeeze %dma_start3A_99 : memref<1x128x64xf32, #tpu.memory_space<vmem>> -> memref<128x64xf32, #tpu.memory_space<vmem>>
      %dma_start3A_101 = tpu.memref_slice %arg7[%mul3A_94] : memref<10240xi32, #tpu.memory_space<vmem>> -> memref<128xi32, #tpu.memory_space<vmem>>
      %dma_start3A_102 = arith.constant 0 : i32
      %dma_start3A_103 = arith.constant 0 : i32
      %dma_start3A_104 = tpu.memref_slice %arg9[%dma_start3A_102, %dma_start3A_103] : memref<10240x64xf32, #tpu.memory_space<vmem_shared>> -> memref<10240x64xf32, #tpu.memory_space<vmem_shared>>
      %dma_start3A_105 = tpu.memref_slice %arg11[%dma_start3A_96] : memref<4x!tpu.dma_semaphore, #tpu.memory_space<semaphore_mem>> -> memref<1x!tpu.dma_semaphore, #tpu.memory_space<semaphore_mem>>
      %dma_start3A_106 = tpu.memref_squeeze %dma_start3A_105 : memref<1x!tpu.dma_semaphore, #tpu.memory_space<semaphore_mem>> -> memref<!tpu.dma_semaphore, #tpu.memory_space<semaphore_mem>>
      tpu.enqueue_indirect_dma source(%dma_start3A_100 : memref<128x64xf32, #tpu.memory_space<vmem>>) target(%dma_start3A_104 : memref<10240x64xf32, #tpu.memory_space<vmem_shared>>) offsets(%dma_start3A_101 : memref<128xi32, #tpu.memory_space<vmem>>) semaphore(%dma_start3A_106 : memref<!tpu.dma_semaphore, #tpu.memory_space<semaphore_mem>>) {add = true}
      %add3A_107 = arith.constant 1 : i32
      %add3A_108 = arith.addi %add3A_74, %add3A_107 : i32
      %mul3A_109 = arith.constant 128 : i32
      %mul3A_110 = arith.muli %add3A_108, %mul3A_109 : i32
      %dma_start3A_111 = arith.constant 1 : i32
      %dma_start3A_112 = arith.constant 1 : i32
      %dma_start3A_113 = arith.constant 0 : i32
      %dma_start3A_114 = arith.constant 0 : i32
      %dma_start3A_115 = tpu.memref_slice %arg8[%dma_start3A_111, %dma_start3A_113, %dma_start3A_114] : memref<4x128x64xf32, #tpu.memory_space<vmem>> -> memref<1x128x64xf32, #tpu.memory_space<vmem>>
      %dma_start3A_116 = tpu.memref_squeeze %dma_start3A_115 : memref<1x128x64xf32, #tpu.memory_space<vmem>> -> memref<128x64xf32, #tpu.memory_space<vmem>>
      %dma_start3A_117 = tpu.memref_slice %arg6[%mul3A_110] : memref<10240xi32, #tpu.memory_space<vmem>> -> memref<128xi32, #tpu.memory_space<vmem>>
      %dma_start3A_118 = arith.constant 0 : i32
      %dma_start3A_119 = arith.constant 0 : i32
      %dma_start3A_120 = tpu.memref_slice %arg4[%dma_start3A_118, %dma_start3A_119] : memref<10240x64xf32, #tpu.memory_space<hbm>> -> memref<10240x64xf32, #tpu.memory_space<hbm>>
      %dma_start3A_121 = tpu.memref_slice %arg10[%dma_start3A_112] : memref<4x!tpu.dma_semaphore, #tpu.memory_space<semaphore_mem>> -> memref<1x!tpu.dma_semaphore, #tpu.memory_space<semaphore_mem>>
      %dma_start3A_122 = tpu.memref_squeeze %dma_start3A_121 : memref<1x!tpu.dma_semaphore, #tpu.memory_space<semaphore_mem>> -> memref<!tpu.dma_semaphore, #tpu.memory_space<semaphore_mem>>
      tpu.enqueue_indirect_dma source(%dma_start3A_120 : memref<10240x64xf32, #tpu.memory_space<hbm>>) target(%dma_start3A_116 : memref<128x64xf32, #tpu.memory_space<vmem>>) offsets(%dma_start3A_117 : memref<128xi32, #tpu.memory_space<vmem>>) semaphore(%dma_start3A_122 : memref<!tpu.dma_semaphore, #tpu.memory_space<semaphore_mem>>)
      %add3A_123 = arith.constant 1 : i32
      %add3A_124 = arith.addi %mul3A_72, %add3A_123 : i32
      %mul3A_125 = arith.constant 128 : i32
      %mul3A_126 = arith.muli %add3A_124, %mul3A_125 : i32
      %dma_wait3A_127 = arith.constant 1 : i32
      %dma_wait3A_128 = arith.constant 1 : i32
      %dma_wait3A_129 = arith.constant 0 : i32
      %dma_wait3A_130 = arith.constant 0 : i32
      %dma_wait3A_131 = tpu.memref_slice %arg8[%dma_wait3A_127, %dma_wait3A_129, %dma_wait3A_130] : memref<4x128x64xf32, #tpu.memory_space<vmem>> -> memref<1x128x64xf32, #tpu.memory_space<vmem>>
      %dma_wait3A_132 = tpu.memref_squeeze %dma_wait3A_131 : memref<1x128x64xf32, #tpu.memory_space<vmem>> -> memref<128x64xf32, #tpu.memory_space<vmem>>
      %dma_wait3A_133 = tpu.memref_slice %arg6[%mul3A_126] : memref<10240xi32, #tpu.memory_space<vmem>> -> memref<128xi32, #tpu.memory_space<vmem>>
      %dma_wait3A_134 = arith.constant 0 : i32
      %dma_wait3A_135 = arith.constant 0 : i32
      %dma_wait3A_136 = tpu.memref_slice %arg4[%dma_wait3A_134, %dma_wait3A_135] : memref<10240x64xf32, #tpu.memory_space<hbm>> -> memref<10240x64xf32, #tpu.memory_space<hbm>>
      %dma_wait3A_137 = tpu.memref_slice %arg10[%dma_wait3A_128] : memref<4x!tpu.dma_semaphore, #tpu.memory_space<semaphore_mem>> -> memref<1x!tpu.dma_semaphore, #tpu.memory_space<semaphore_mem>>
      %dma_wait3A_138 = tpu.memref_squeeze %dma_wait3A_137 : memref<1x!tpu.dma_semaphore, #tpu.memory_space<semaphore_mem>> -> memref<!tpu.dma_semaphore, #tpu.memory_space<semaphore_mem>>
      tpu.wait_indirect_dma semaphore(%dma_wait3A_138 : memref<!tpu.dma_semaphore, #tpu.memory_space<semaphore_mem>>) src(%dma_wait3A_136 : memref<10240x64xf32, #tpu.memory_space<hbm>>) dst(%dma_wait3A_132 : memref<128x64xf32, #tpu.memory_space<vmem>>)
      %gt3A_139 = arith.constant 0 : i32
      %gt3A_140 = arith.cmpi sgt, %while3A_70, %gt3A_139 : i32
      %convert_element_type3A_141 = arith.extui %gt3A_140 : i1 to i32
      %cond3A_142 = arith.constant 0 : i32
      %cond3A_143 = arith.cmpi ne, %convert_element_type3A_141, %cond3A_142 : i32
      scf.if %cond3A_143 {
        %sub3A_275 = arith.constant 3 : i32
        %sub3A_276 = arith.subi %add3A_124, %sub3A_275 : i32
        %mul3A_277 = arith.constant 128 : i32
        %mul3A_278 = arith.muli %sub3A_276, %mul3A_277 : i32
        %dma_wait3A_279 = arith.constant 2 : i32
        %dma_wait3A_280 = arith.constant 2 : i32
        %dma_wait3A_281 = arith.constant 0 : i32
        %dma_wait3A_282 = arith.constant 0 : i32
        %dma_wait3A_283 = tpu.memref_slice %arg8[%dma_wait3A_279, %dma_wait3A_281, %dma_wait3A_282] : memref<4x128x64xf32, #tpu.memory_space<vmem>> -> memref<1x128x64xf32, #tpu.memory_space<vmem>>
        %dma_wait3A_284 = tpu.memref_squeeze %dma_wait3A_283 : memref<1x128x64xf32, #tpu.memory_space<vmem>> -> memref<128x64xf32, #tpu.memory_space<vmem>>
        %dma_wait3A_285 = tpu.memref_slice %arg7[%mul3A_278] : memref<10240xi32, #tpu.memory_space<vmem>> -> memref<128xi32, #tpu.memory_space<vmem>>
        %dma_wait3A_286 = arith.constant 0 : i32
        %dma_wait3A_287 = arith.constant 0 : i32
        %dma_wait3A_288 = tpu.memref_slice %arg9[%dma_wait3A_286, %dma_wait3A_287] : memref<10240x64xf32, #tpu.memory_space<vmem_shared>> -> memref<10240x64xf32, #tpu.memory_space<vmem_shared>>
        %dma_wait3A_289 = tpu.memref_slice %arg11[%dma_wait3A_280] : memref<4x!tpu.dma_semaphore, #tpu.memory_space<semaphore_mem>> -> memref<1x!tpu.dma_semaphore, #tpu.memory_space<semaphore_mem>>
        %dma_wait3A_290 = tpu.memref_squeeze %dma_wait3A_289 : memref<1x!tpu.dma_semaphore, #tpu.memory_space<semaphore_mem>> -> memref<!tpu.dma_semaphore, #tpu.memory_space<semaphore_mem>>
        tpu.wait_indirect_dma semaphore(%dma_wait3A_290 : memref<!tpu.dma_semaphore, #tpu.memory_space<semaphore_mem>>) src(%dma_wait3A_284 : memref<128x64xf32, #tpu.memory_space<vmem>>) dst(%dma_wait3A_288 : memref<10240x64xf32, #tpu.memory_space<vmem_shared>>)
      } else {
      }
      %mul3A_144 = arith.constant 128 : i32
      %mul3A_145 = arith.muli %add3A_124, %mul3A_144 : i32
      %dma_start3A_146 = arith.constant 1 : i32
      %dma_start3A_147 = arith.constant 1 : i32
      %dma_start3A_148 = arith.constant 0 : i32
      %dma_start3A_149 = arith.constant 0 : i32
      %dma_start3A_150 = tpu.memref_slice %arg8[%dma_start3A_146, %dma_start3A_148, %dma_start3A_149] : memref<4x128x64xf32, #tpu.memory_space<vmem>> -> memref<1x128x64xf32, #tpu.memory_space<vmem>>
      %dma_start3A_151 = tpu.memref_squeeze %dma_start3A_150 : memref<1x128x64xf32, #tpu.memory_space<vmem>> -> memref<128x64xf32, #tpu.memory_space<vmem>>
      %dma_start3A_152 = tpu.memref_slice %arg7[%mul3A_145] : memref<10240xi32, #tpu.memory_space<vmem>> -> memref<128xi32, #tpu.memory_space<vmem>>
      %dma_start3A_153 = arith.constant 0 : i32
      %dma_start3A_154 = arith.constant 0 : i32
      %dma_start3A_155 = tpu.memref_slice %arg9[%dma_start3A_153, %dma_start3A_154] : memref<10240x64xf32, #tpu.memory_space<vmem_shared>> -> memref<10240x64xf32, #tpu.memory_space<vmem_shared>>
      %dma_start3A_156 = tpu.memref_slice %arg11[%dma_start3A_147] : memref<4x!tpu.dma_semaphore, #tpu.memory_space<semaphore_mem>> -> memref<1x!tpu.dma_semaphore, #tpu.memory_space<semaphore_mem>>
      %dma_start3A_157 = tpu.memref_squeeze %dma_start3A_156 : memref<1x!tpu.dma_semaphore, #tpu.memory_space<semaphore_mem>> -> memref<!tpu.dma_semaphore, #tpu.memory_space<semaphore_mem>>
      tpu.enqueue_indirect_dma source(%dma_start3A_151 : memref<128x64xf32, #tpu.memory_space<vmem>>) target(%dma_start3A_155 : memref<10240x64xf32, #tpu.memory_space<vmem_shared>>) offsets(%dma_start3A_152 : memref<128xi32, #tpu.memory_space<vmem>>) semaphore(%dma_start3A_157 : memref<!tpu.dma_semaphore, #tpu.memory_space<semaphore_mem>>) {add = true}
      %add3A_158 = arith.constant 1 : i32
      %add3A_159 = arith.addi %add3A_124, %add3A_158 : i32
      %mul3A_160 = arith.constant 128 : i32
      %mul3A_161 = arith.muli %add3A_159, %mul3A_160 : i32
      %dma_start3A_162 = arith.constant 2 : i32
      %dma_start3A_163 = arith.constant 2 : i32
      %dma_start3A_164 = arith.constant 0 : i32
      %dma_start3A_165 = arith.constant 0 : i32
      %dma_start3A_166 = tpu.memref_slice %arg8[%dma_start3A_162, %dma_start3A_164, %dma_start3A_165] : memref<4x128x64xf32, #tpu.memory_space<vmem>> -> memref<1x128x64xf32, #tpu.memory_space<vmem>>
      %dma_start3A_167 = tpu.memref_squeeze %dma_start3A_166 : memref<1x128x64xf32, #tpu.memory_space<vmem>> -> memref<128x64xf32, #tpu.memory_space<vmem>>
      %dma_start3A_168 = tpu.memref_slice %arg6[%mul3A_161] : memref<10240xi32, #tpu.memory_space<vmem>> -> memref<128xi32, #tpu.memory_space<vmem>>
      %dma_start3A_169 = arith.constant 0 : i32
      %dma_start3A_170 = arith.constant 0 : i32
      %dma_start3A_171 = tpu.memref_slice %arg4[%dma_start3A_169, %dma_start3A_170] : memref<10240x64xf32, #tpu.memory_space<hbm>> -> memref<10240x64xf32, #tpu.memory_space<hbm>>
      %dma_start3A_172 = tpu.memref_slice %arg10[%dma_start3A_163] : memref<4x!tpu.dma_semaphore, #tpu.memory_space<semaphore_mem>> -> memref<1x!tpu.dma_semaphore, #tpu.memory_space<semaphore_mem>>
      %dma_start3A_173 = tpu.memref_squeeze %dma_start3A_172 : memref<1x!tpu.dma_semaphore, #tpu.memory_space<semaphore_mem>> -> memref<!tpu.dma_semaphore, #tpu.memory_space<semaphore_mem>>
      tpu.enqueue_indirect_dma source(%dma_start3A_171 : memref<10240x64xf32, #tpu.memory_space<hbm>>) target(%dma_start3A_167 : memref<128x64xf32, #tpu.memory_space<vmem>>) offsets(%dma_start3A_168 : memref<128xi32, #tpu.memory_space<vmem>>) semaphore(%dma_start3A_173 : memref<!tpu.dma_semaphore, #tpu.memory_space<semaphore_mem>>)
      %add3A_174 = arith.constant 2 : i32
      %add3A_175 = arith.addi %mul3A_72, %add3A_174 : i32
      %mul3A_176 = arith.constant 128 : i32
      %mul3A_177 = arith.muli %add3A_175, %mul3A_176 : i32
      %dma_wait3A_178 = arith.constant 2 : i32
      %dma_wait3A_179 = arith.constant 2 : i32
      %dma_wait3A_180 = arith.constant 0 : i32
      %dma_wait3A_181 = arith.constant 0 : i32
      %dma_wait3A_182 = tpu.memref_slice %arg8[%dma_wait3A_178, %dma_wait3A_180, %dma_wait3A_181] : memref<4x128x64xf32, #tpu.memory_space<vmem>> -> memref<1x128x64xf32, #tpu.memory_space<vmem>>
      %dma_wait3A_183 = tpu.memref_squeeze %dma_wait3A_182 : memref<1x128x64xf32, #tpu.memory_space<vmem>> -> memref<128x64xf32, #tpu.memory_space<vmem>>
      %dma_wait3A_184 = tpu.memref_slice %arg6[%mul3A_177] : memref<10240xi32, #tpu.memory_space<vmem>> -> memref<128xi32, #tpu.memory_space<vmem>>
      %dma_wait3A_185 = arith.constant 0 : i32
      %dma_wait3A_186 = arith.constant 0 : i32
      %dma_wait3A_187 = tpu.memref_slice %arg4[%dma_wait3A_185, %dma_wait3A_186] : memref<10240x64xf32, #tpu.memory_space<hbm>> -> memref<10240x64xf32, #tpu.memory_space<hbm>>
      %dma_wait3A_188 = tpu.memref_slice %arg10[%dma_wait3A_179] : memref<4x!tpu.dma_semaphore, #tpu.memory_space<semaphore_mem>> -> memref<1x!tpu.dma_semaphore, #tpu.memory_space<semaphore_mem>>
      %dma_wait3A_189 = tpu.memref_squeeze %dma_wait3A_188 : memref<1x!tpu.dma_semaphore, #tpu.memory_space<semaphore_mem>> -> memref<!tpu.dma_semaphore, #tpu.memory_space<semaphore_mem>>
      tpu.wait_indirect_dma semaphore(%dma_wait3A_189 : memref<!tpu.dma_semaphore, #tpu.memory_space<semaphore_mem>>) src(%dma_wait3A_187 : memref<10240x64xf32, #tpu.memory_space<hbm>>) dst(%dma_wait3A_183 : memref<128x64xf32, #tpu.memory_space<vmem>>)
      %gt3A_190 = arith.constant 0 : i32
      %gt3A_191 = arith.cmpi sgt, %while3A_70, %gt3A_190 : i32
      %convert_element_type3A_192 = arith.extui %gt3A_191 : i1 to i32
      %cond3A_193 = arith.constant 0 : i32
      %cond3A_194 = arith.cmpi ne, %convert_element_type3A_192, %cond3A_193 : i32
      scf.if %cond3A_194 {
        %sub3A_275 = arith.constant 3 : i32
        %sub3A_276 = arith.subi %add3A_175, %sub3A_275 : i32
        %mul3A_277 = arith.constant 128 : i32
        %mul3A_278 = arith.muli %sub3A_276, %mul3A_277 : i32
        %dma_wait3A_279 = arith.constant 3 : i32
        %dma_wait3A_280 = arith.constant 3 : i32
        %dma_wait3A_281 = arith.constant 0 : i32
        %dma_wait3A_282 = arith.constant 0 : i32
        %dma_wait3A_283 = tpu.memref_slice %arg8[%dma_wait3A_279, %dma_wait3A_281, %dma_wait3A_282] : memref<4x128x64xf32, #tpu.memory_space<vmem>> -> memref<1x128x64xf32, #tpu.memory_space<vmem>>
        %dma_wait3A_284 = tpu.memref_squeeze %dma_wait3A_283 : memref<1x128x64xf32, #tpu.memory_space<vmem>> -> memref<128x64xf32, #tpu.memory_space<vmem>>
        %dma_wait3A_285 = tpu.memref_slice %arg7[%mul3A_278] : memref<10240xi32, #tpu.memory_space<vmem>> -> memref<128xi32, #tpu.memory_space<vmem>>
        %dma_wait3A_286 = arith.constant 0 : i32
        %dma_wait3A_287 = arith.constant 0 : i32
        %dma_wait3A_288 = tpu.memref_slice %arg9[%dma_wait3A_286, %dma_wait3A_287] : memref<10240x64xf32, #tpu.memory_space<vmem_shared>> -> memref<10240x64xf32, #tpu.memory_space<vmem_shared>>
        %dma_wait3A_289 = tpu.memref_slice %arg11[%dma_wait3A_280] : memref<4x!tpu.dma_semaphore, #tpu.memory_space<semaphore_mem>> -> memref<1x!tpu.dma_semaphore, #tpu.memory_space<semaphore_mem>>
        %dma_wait3A_290 = tpu.memref_squeeze %dma_wait3A_289 : memref<1x!tpu.dma_semaphore, #tpu.memory_space<semaphore_mem>> -> memref<!tpu.dma_semaphore, #tpu.memory_space<semaphore_mem>>
        tpu.wait_indirect_dma semaphore(%dma_wait3A_290 : memref<!tpu.dma_semaphore, #tpu.memory_space<semaphore_mem>>) src(%dma_wait3A_284 : memref<128x64xf32, #tpu.memory_space<vmem>>) dst(%dma_wait3A_288 : memref<10240x64xf32, #tpu.memory_space<vmem_shared>>)
      } else {
      }
      %mul3A_195 = arith.constant 128 : i32
      %mul3A_196 = arith.muli %add3A_175, %mul3A_195 : i32
      %dma_start3A_197 = arith.constant 2 : i32
      %dma_start3A_198 = arith.constant 2 : i32
      %dma_start3A_199 = arith.constant 0 : i32
      %dma_start3A_200 = arith.constant 0 : i32
      %dma_start3A_201 = tpu.memref_slice %arg8[%dma_start3A_197, %dma_start3A_199, %dma_start3A_200] : memref<4x128x64xf32, #tpu.memory_space<vmem>> -> memref<1x128x64xf32, #tpu.memory_space<vmem>>
      %dma_start3A_202 = tpu.memref_squeeze %dma_start3A_201 : memref<1x128x64xf32, #tpu.memory_space<vmem>> -> memref<128x64xf32, #tpu.memory_space<vmem>>
      %dma_start3A_203 = tpu.memref_slice %arg7[%mul3A_196] : memref<10240xi32, #tpu.memory_space<vmem>> -> memref<128xi32, #tpu.memory_space<vmem>>
      %dma_start3A_204 = arith.constant 0 : i32
      %dma_start3A_205 = arith.constant 0 : i32
      %dma_start3A_206 = tpu.memref_slice %arg9[%dma_start3A_204, %dma_start3A_205] : memref<10240x64xf32, #tpu.memory_space<vmem_shared>> -> memref<10240x64xf32, #tpu.memory_space<vmem_shared>>
      %dma_start3A_207 = tpu.memref_slice %arg11[%dma_start3A_198] : memref<4x!tpu.dma_semaphore, #tpu.memory_space<semaphore_mem>> -> memref<1x!tpu.dma_semaphore, #tpu.memory_space<semaphore_mem>>
      %dma_start3A_208 = tpu.memref_squeeze %dma_start3A_207 : memref<1x!tpu.dma_semaphore, #tpu.memory_space<semaphore_mem>> -> memref<!tpu.dma_semaphore, #tpu.memory_space<semaphore_mem>>
      tpu.enqueue_indirect_dma source(%dma_start3A_202 : memref<128x64xf32, #tpu.memory_space<vmem>>) target(%dma_start3A_206 : memref<10240x64xf32, #tpu.memory_space<vmem_shared>>) offsets(%dma_start3A_203 : memref<128xi32, #tpu.memory_space<vmem>>) semaphore(%dma_start3A_208 : memref<!tpu.dma_semaphore, #tpu.memory_space<semaphore_mem>>) {add = true}
      %add3A_209 = arith.constant 1 : i32
      %add3A_210 = arith.addi %add3A_175, %add3A_209 : i32
      %mul3A_211 = arith.constant 128 : i32
      %mul3A_212 = arith.muli %add3A_210, %mul3A_211 : i32
      %dma_start3A_213 = arith.constant 3 : i32
      %dma_start3A_214 = arith.constant 3 : i32
      %dma_start3A_215 = arith.constant 0 : i32
      %dma_start3A_216 = arith.constant 0 : i32
      %dma_start3A_217 = tpu.memref_slice %arg8[%dma_start3A_213, %dma_start3A_215, %dma_start3A_216] : memref<4x128x64xf32, #tpu.memory_space<vmem>> -> memref<1x128x64xf32, #tpu.memory_space<vmem>>
      %dma_start3A_218 = tpu.memref_squeeze %dma_start3A_217 : memref<1x128x64xf32, #tpu.memory_space<vmem>> -> memref<128x64xf32, #tpu.memory_space<vmem>>
      %dma_start3A_219 = tpu.memref_slice %arg6[%mul3A_212] : memref<10240xi32, #tpu.memory_space<vmem>> -> memref<128xi32, #tpu.memory_space<vmem>>
      %dma_start3A_220 = arith.constant 0 : i32
      %dma_start3A_221 = arith.constant 0 : i32
      %dma_start3A_222 = tpu.memref_slice %arg4[%dma_start3A_220, %dma_start3A_221] : memref<10240x64xf32, #tpu.memory_space<hbm>> -> memref<10240x64xf32, #tpu.memory_space<hbm>>
      %dma_start3A_223 = tpu.memref_slice %arg10[%dma_start3A_214] : memref<4x!tpu.dma_semaphore, #tpu.memory_space<semaphore_mem>> -> memref<1x!tpu.dma_semaphore, #tpu.memory_space<semaphore_mem>>
      %dma_start3A_224 = tpu.memref_squeeze %dma_start3A_223 : memref<1x!tpu.dma_semaphore, #tpu.memory_space<semaphore_mem>> -> memref<!tpu.dma_semaphore, #tpu.memory_space<semaphore_mem>>
      tpu.enqueue_indirect_dma source(%dma_start3A_222 : memref<10240x64xf32, #tpu.memory_space<hbm>>) target(%dma_start3A_218 : memref<128x64xf32, #tpu.memory_space<vmem>>) offsets(%dma_start3A_219 : memref<128xi32, #tpu.memory_space<vmem>>) semaphore(%dma_start3A_224 : memref<!tpu.dma_semaphore, #tpu.memory_space<semaphore_mem>>)
      %add3A_225 = arith.constant 3 : i32
      %add3A_226 = arith.addi %mul3A_72, %add3A_225 : i32
      %mul3A_227 = arith.constant 128 : i32
      %mul3A_228 = arith.muli %add3A_226, %mul3A_227 : i32
      %dma_wait3A_229 = arith.constant 3 : i32
      %dma_wait3A_230 = arith.constant 3 : i32
      %dma_wait3A_231 = arith.constant 0 : i32
      %dma_wait3A_232 = arith.constant 0 : i32
      %dma_wait3A_233 = tpu.memref_slice %arg8[%dma_wait3A_229, %dma_wait3A_231, %dma_wait3A_232] : memref<4x128x64xf32, #tpu.memory_space<vmem>> -> memref<1x128x64xf32, #tpu.memory_space<vmem>>
      %dma_wait3A_234 = tpu.memref_squeeze %dma_wait3A_233 : memref<1x128x64xf32, #tpu.memory_space<vmem>> -> memref<128x64xf32, #tpu.memory_space<vmem>>
      %dma_wait3A_235 = tpu.memref_slice %arg6[%mul3A_228] : memref<10240xi32, #tpu.memory_space<vmem>> -> memref<128xi32, #tpu.memory_space<vmem>>
      %dma_wait3A_236 = arith.constant 0 : i32
      %dma_wait3A_237 = arith.constant 0 : i32
      %dma_wait3A_238 = tpu.memref_slice %arg4[%dma_wait3A_236, %dma_wait3A_237] : memref<10240x64xf32, #tpu.memory_space<hbm>> -> memref<10240x64xf32, #tpu.memory_space<hbm>>
      %dma_wait3A_239 = tpu.memref_slice %arg10[%dma_wait3A_230] : memref<4x!tpu.dma_semaphore, #tpu.memory_space<semaphore_mem>> -> memref<1x!tpu.dma_semaphore, #tpu.memory_space<semaphore_mem>>
      %dma_wait3A_240 = tpu.memref_squeeze %dma_wait3A_239 : memref<1x!tpu.dma_semaphore, #tpu.memory_space<semaphore_mem>> -> memref<!tpu.dma_semaphore, #tpu.memory_space<semaphore_mem>>
      tpu.wait_indirect_dma semaphore(%dma_wait3A_240 : memref<!tpu.dma_semaphore, #tpu.memory_space<semaphore_mem>>) src(%dma_wait3A_238 : memref<10240x64xf32, #tpu.memory_space<hbm>>) dst(%dma_wait3A_234 : memref<128x64xf32, #tpu.memory_space<vmem>>)
      %sub3A = arith.constant 3 : i32
      %sub3A_241 = arith.subi %add3A_226, %sub3A : i32
      %mul3A_242 = arith.constant 128 : i32
      %mul3A_243 = arith.muli %sub3A_241, %mul3A_242 : i32
      %dma_wait3A_244 = arith.constant 0 : i32
      %dma_wait3A_245 = arith.constant 0 : i32
      %dma_wait3A_246 = arith.constant 0 : i32
      %dma_wait3A_247 = arith.constant 0 : i32
      %dma_wait3A_248 = tpu.memref_slice %arg8[%dma_wait3A_244, %dma_wait3A_246, %dma_wait3A_247] : memref<4x128x64xf32, #tpu.memory_space<vmem>> -> memref<1x128x64xf32, #tpu.memory_space<vmem>>
      %dma_wait3A_249 = tpu.memref_squeeze %dma_wait3A_248 : memref<1x128x64xf32, #tpu.memory_space<vmem>> -> memref<128x64xf32, #tpu.memory_space<vmem>>
      %dma_wait3A_250 = tpu.memref_slice %arg7[%mul3A_243] : memref<10240xi32, #tpu.memory_space<vmem>> -> memref<128xi32, #tpu.memory_space<vmem>>
      %dma_wait3A_251 = arith.constant 0 : i32
      %dma_wait3A_252 = arith.constant 0 : i32
      %dma_wait3A_253 = tpu.memref_slice %arg9[%dma_wait3A_251, %dma_wait3A_252] : memref<10240x64xf32, #tpu.memory_space<vmem_shared>> -> memref<10240x64xf32, #tpu.memory_space<vmem_shared>>
      %dma_wait3A_254 = tpu.memref_slice %arg11[%dma_wait3A_245] : memref<4x!tpu.dma_semaphore, #tpu.memory_space<semaphore_mem>> -> memref<1x!tpu.dma_semaphore, #tpu.memory_space<semaphore_mem>>
      %dma_wait3A_255 = tpu.memref_squeeze %dma_wait3A_254 : memref<1x!tpu.dma_semaphore, #tpu.memory_space<semaphore_mem>> -> memref<!tpu.dma_semaphore, #tpu.memory_space<semaphore_mem>>
      tpu.wait_indirect_dma semaphore(%dma_wait3A_255 : memref<!tpu.dma_semaphore, #tpu.memory_space<semaphore_mem>>) src(%dma_wait3A_249 : memref<128x64xf32, #tpu.memory_space<vmem>>) dst(%dma_wait3A_253 : memref<10240x64xf32, #tpu.memory_space<vmem_shared>>)
      %mul3A_256 = arith.constant 128 : i32
      %mul3A_257 = arith.muli %add3A_226, %mul3A_256 : i32
      %dma_start3A_258 = arith.constant 3 : i32
      %dma_start3A_259 = arith.constant 3 : i32
      %dma_start3A_260 = arith.constant 0 : i32
      %dma_start3A_261 = arith.constant 0 : i32
      %dma_start3A_262 = tpu.memref_slice %arg8[%dma_start3A_258, %dma_start3A_260, %dma_start3A_261] : memref<4x128x64xf32, #tpu.memory_space<vmem>> -> memref<1x128x64xf32, #tpu.memory_space<vmem>>
      %dma_start3A_263 = tpu.memref_squeeze %dma_start3A_262 : memref<1x128x64xf32, #tpu.memory_space<vmem>> -> memref<128x64xf32, #tpu.memory_space<vmem>>
      %dma_start3A_264 = tpu.memref_slice %arg7[%mul3A_257] : memref<10240xi32, #tpu.memory_space<vmem>> -> memref<128xi32, #tpu.memory_space<vmem>>
      %dma_start3A_265 = arith.constant 0 : i32
      %dma_start3A_266 = arith.constant 0 : i32
      %dma_start3A_267 = tpu.memref_slice %arg9[%dma_start3A_265, %dma_start3A_266] : memref<10240x64xf32, #tpu.memory_space<vmem_shared>> -> memref<10240x64xf32, #tpu.memory_space<vmem_shared>>
      %dma_start3A_268 = tpu.memref_slice %arg11[%dma_start3A_259] : memref<4x!tpu.dma_semaphore, #tpu.memory_space<semaphore_mem>> -> memref<1x!tpu.dma_semaphore, #tpu.memory_space<semaphore_mem>>
      %dma_start3A_269 = tpu.memref_squeeze %dma_start3A_268 : memref<1x!tpu.dma_semaphore, #tpu.memory_space<semaphore_mem>> -> memref<!tpu.dma_semaphore, #tpu.memory_space<semaphore_mem>>
      tpu.enqueue_indirect_dma source(%dma_start3A_263 : memref<128x64xf32, #tpu.memory_space<vmem>>) target(%dma_start3A_267 : memref<10240x64xf32, #tpu.memory_space<vmem_shared>>) offsets(%dma_start3A_264 : memref<128xi32, #tpu.memory_space<vmem>>) semaphore(%dma_start3A_269 : memref<!tpu.dma_semaphore, #tpu.memory_space<semaphore_mem>>) {add = true}
      %sub3A_270 = arith.constant 1 : i32
      %sub3A_271 = arith.subi %select_n3A, %sub3A_270 : i32
      %lt3A = arith.cmpi slt, %while3A_70, %sub3A_271 : i32
      %convert_element_type3A_272 = arith.extui %lt3A : i1 to i32
      %cond3A_273 = arith.constant 0 : i32
      %cond3A_274 = arith.cmpi ne, %convert_element_type3A_272, %cond3A_273 : i32
      scf.if %cond3A_274 {
        %add3A_275 = arith.constant 1 : i32
        %add3A_276 = arith.addi %add3A_226, %add3A_275 : i32
        %mul3A_277 = arith.constant 128 : i32
        %mul3A_278 = arith.muli %add3A_276, %mul3A_277 : i32
        %dma_start3A_279 = arith.constant 0 : i32
        %dma_start3A_280 = arith.constant 0 : i32
        %dma_start3A_281 = arith.constant 0 : i32
        %dma_start3A_282 = arith.constant 0 : i32
        %dma_start3A_283 = tpu.memref_slice %arg8[%dma_start3A_279, %dma_start3A_281, %dma_start3A_282] : memref<4x128x64xf32, #tpu.memory_space<vmem>> -> memref<1x128x64xf32, #tpu.memory_space<vmem>>
        %dma_start3A_284 = tpu.memref_squeeze %dma_start3A_283 : memref<1x128x64xf32, #tpu.memory_space<vmem>> -> memref<128x64xf32, #tpu.memory_space<vmem>>
        %dma_start3A_285 = tpu.memref_slice %arg6[%mul3A_278] : memref<10240xi32, #tpu.memory_space<vmem>> -> memref<128xi32, #tpu.memory_space<vmem>>
        %dma_start3A_286 = arith.constant 0 : i32
        %dma_start3A_287 = arith.constant 0 : i32
        %dma_start3A_288 = tpu.memref_slice %arg4[%dma_start3A_286, %dma_start3A_287] : memref<10240x64xf32, #tpu.memory_space<hbm>> -> memref<10240x64xf32, #tpu.memory_space<hbm>>
        %dma_start3A_289 = tpu.memref_slice %arg10[%dma_start3A_280] : memref<4x!tpu.dma_semaphore, #tpu.memory_space<semaphore_mem>> -> memref<1x!tpu.dma_semaphore, #tpu.memory_space<semaphore_mem>>
        %dma_start3A_290 = tpu.memref_squeeze %dma_start3A_289 : memref<1x!tpu.dma_semaphore, #tpu.memory_space<semaphore_mem>> -> memref<!tpu.dma_semaphore, #tpu.memory_space<semaphore_mem>>
        tpu.enqueue_indirect_dma source(%dma_start3A_288 : memref<10240x64xf32, #tpu.memory_space<hbm>>) target(%dma_start3A_284 : memref<128x64xf32, #tpu.memory_space<vmem>>) offsets(%dma_start3A_285 : memref<128xi32, #tpu.memory_space<vmem>>) semaphore(%dma_start3A_290 : memref<!tpu.dma_semaphore, #tpu.memory_space<semaphore_mem>>)
      } else {
      }
    }
    %while3A_30 = arith.constant 1 : i32
    scf.for %while3A_70 = %while3A_28 to %while3A_24 step %while3A_30  : i32 {
      %mul3A_71 = arith.constant 4 : i32
      %mul3A_72 = arith.muli %while3A_70, %mul3A_71 : i32
      %add3A_73 = arith.constant 0 : i32
      %add3A_74 = arith.addi %mul3A_72, %add3A_73 : i32
      %mul3A_75 = arith.constant 128 : i32
      %mul3A_76 = arith.muli %add3A_74, %mul3A_75 : i32
      %dma_wait3A_77 = arith.constant 0 : i32
      %dma_wait3A_78 = arith.constant 0 : i32
      %dma_wait3A_79 = arith.constant 0 : i32
      %dma_wait3A_80 = arith.constant 0 : i32
      %dma_wait3A_81 = tpu.memref_slice %arg8[%dma_wait3A_77, %dma_wait3A_79, %dma_wait3A_80] : memref<4x128x64xf32, #tpu.memory_space<vmem>> -> memref<1x128x64xf32, #tpu.memory_space<vmem>>
      %dma_wait3A_82 = tpu.memref_squeeze %dma_wait3A_81 : memref<1x128x64xf32, #tpu.memory_space<vmem>> -> memref<128x64xf32, #tpu.memory_space<vmem>>
      %dma_wait3A_83 = tpu.memref_slice %arg6[%mul3A_76] : memref<10240xi32, #tpu.memory_space<vmem>> -> memref<128xi32, #tpu.memory_space<vmem>>
      %dma_wait3A_84 = arith.constant 0 : i32
      %dma_wait3A_85 = arith.constant 0 : i32
      %dma_wait3A_86 = tpu.memref_slice %arg4[%dma_wait3A_84, %dma_wait3A_85] : memref<10240x64xf32, #tpu.memory_space<hbm>> -> memref<10240x64xf32, #tpu.memory_space<hbm>>
      %dma_wait3A_87 = tpu.memref_slice %arg10[%dma_wait3A_78] : memref<4x!tpu.dma_semaphore, #tpu.memory_space<semaphore_mem>> -> memref<1x!tpu.dma_semaphore, #tpu.memory_space<semaphore_mem>>
      %dma_wait3A_88 = tpu.memref_squeeze %dma_wait3A_87 : memref<1x!tpu.dma_semaphore, #tpu.memory_space<semaphore_mem>> -> memref<!tpu.dma_semaphore, #tpu.memory_space<semaphore_mem>>
      tpu.wait_indirect_dma semaphore(%dma_wait3A_88 : memref<!tpu.dma_semaphore, #tpu.memory_space<semaphore_mem>>) src(%dma_wait3A_86 : memref<10240x64xf32, #tpu.memory_space<hbm>>) dst(%dma_wait3A_82 : memref<128x64xf32, #tpu.memory_space<vmem>>)
      %gt3A = arith.constant 0 : i32
      %gt3A_89 = arith.cmpi sgt, %while3A_70, %gt3A : i32
      %convert_element_type3A_90 = arith.extui %gt3A_89 : i1 to i32
      %cond3A_91 = arith.constant 0 : i32
      %cond3A_92 = arith.cmpi ne, %convert_element_type3A_90, %cond3A_91 : i32
      scf.if %cond3A_92 {
        %sub3A_275 = arith.constant 3 : i32
        %sub3A_276 = arith.subi %add3A_74, %sub3A_275 : i32
        %mul3A_277 = arith.constant 128 : i32
        %mul3A_278 = arith.muli %sub3A_276, %mul3A_277 : i32
        %dma_wait3A_279 = arith.constant 1 : i32
        %dma_wait3A_280 = arith.constant 1 : i32
        %dma_wait3A_281 = arith.constant 0 : i32
        %dma_wait3A_282 = arith.constant 0 : i32
        %dma_wait3A_283 = tpu.memref_slice %arg8[%dma_wait3A_279, %dma_wait3A_281, %dma_wait3A_282] : memref<4x128x64xf32, #tpu.memory_space<vmem>> -> memref<1x128x64xf32, #tpu.memory_space<vmem>>
        %dma_wait3A_284 = tpu.memref_squeeze %dma_wait3A_283 : memref<1x128x64xf32, #tpu.memory_space<vmem>> -> memref<128x64xf32, #tpu.memory_space<vmem>>
        %dma_wait3A_285 = tpu.memref_slice %arg7[%mul3A_278] : memref<10240xi32, #tpu.memory_space<vmem>> -> memref<128xi32, #tpu.memory_space<vmem>>
        %dma_wait3A_286 = arith.constant 0 : i32
        %dma_wait3A_287 = arith.constant 0 : i32
        %dma_wait3A_288 = tpu.memref_slice %arg9[%dma_wait3A_286, %dma_wait3A_287] : memref<10240x64xf32, #tpu.memory_space<vmem_shared>> -> memref<10240x64xf32, #tpu.memory_space<vmem_shared>>
        %dma_wait3A_289 = tpu.memref_slice %arg11[%dma_wait3A_280] : memref<4x!tpu.dma_semaphore, #tpu.memory_space<semaphore_mem>> -> memref<1x!tpu.dma_semaphore, #tpu.memory_space<semaphore_mem>>
        %dma_wait3A_290 = tpu.memref_squeeze %dma_wait3A_289 : memref<1x!tpu.dma_semaphore, #tpu.memory_space<semaphore_mem>> -> memref<!tpu.dma_semaphore, #tpu.memory_space<semaphore_mem>>
        tpu.wait_indirect_dma semaphore(%dma_wait3A_290 : memref<!tpu.dma_semaphore, #tpu.memory_space<semaphore_mem>>) src(%dma_wait3A_284 : memref<128x64xf32, #tpu.memory_space<vmem>>) dst(%dma_wait3A_288 : memref<10240x64xf32, #tpu.memory_space<vmem_shared>>)
      } else {
      }
      %mul3A_93 = arith.constant 128 : i32
      %mul3A_94 = arith.muli %add3A_74, %mul3A_93 : i32
      %dma_start3A_95 = arith.constant 0 : i32
      %dma_start3A_96 = arith.constant 0 : i32
      %dma_start3A_97 = arith.constant 0 : i32
      %dma_start3A_98 = arith.constant 0 : i32
      %dma_start3A_99 = tpu.memref_slice %arg8[%dma_start3A_95, %dma_start3A_97, %dma_start3A_98] : memref<4x128x64xf32, #tpu.memory_space<vmem>> -> memref<1x128x64xf32, #tpu.memory_space<vmem>>
      %dma_start3A_100 = tpu.memref_squeeze %dma_start3A_99 : memref<1x128x64xf32, #tpu.memory_space<vmem>> -> memref<128x64xf32, #tpu.memory_space<vmem>>
      %dma_start3A_101 = tpu.memref_slice %arg7[%mul3A_94] : memref<10240xi32, #tpu.memory_space<vmem>> -> memref<128xi32, #tpu.memory_space<vmem>>
      %dma_start3A_102 = arith.constant 0 : i32
      %dma_start3A_103 = arith.constant 0 : i32
      %dma_start3A_104 = tpu.memref_slice %arg9[%dma_start3A_102, %dma_start3A_103] : memref<10240x64xf32, #tpu.memory_space<vmem_shared>> -> memref<10240x64xf32, #tpu.memory_space<vmem_shared>>
      %dma_start3A_105 = tpu.memref_slice %arg11[%dma_start3A_96] : memref<4x!tpu.dma_semaphore, #tpu.memory_space<semaphore_mem>> -> memref<1x!tpu.dma_semaphore, #tpu.memory_space<semaphore_mem>>
      %dma_start3A_106 = tpu.memref_squeeze %dma_start3A_105 : memref<1x!tpu.dma_semaphore, #tpu.memory_space<semaphore_mem>> -> memref<!tpu.dma_semaphore, #tpu.memory_space<semaphore_mem>>
      tpu.enqueue_indirect_dma source(%dma_start3A_100 : memref<128x64xf32, #tpu.memory_space<vmem>>) target(%dma_start3A_104 : memref<10240x64xf32, #tpu.memory_space<vmem_shared>>) offsets(%dma_start3A_101 : memref<128xi32, #tpu.memory_space<vmem>>) semaphore(%dma_start3A_106 : memref<!tpu.dma_semaphore, #tpu.memory_space<semaphore_mem>>) {add = true}
      %add3A_107 = arith.constant 1 : i32
      %add3A_108 = arith.addi %add3A_74, %add3A_107 : i32
      %mul3A_109 = arith.constant 128 : i32
      %mul3A_110 = arith.muli %add3A_108, %mul3A_109 : i32
      %dma_start3A_111 = arith.constant 1 : i32
      %dma_start3A_112 = arith.constant 1 : i32
      %dma_start3A_113 = arith.constant 0 : i32
      %dma_start3A_114 = arith.constant 0 : i32
      %dma_start3A_115 = tpu.memref_slice %arg8[%dma_start3A_111, %dma_start3A_113, %dma_start3A_114] : memref<4x128x64xf32, #tpu.memory_space<vmem>> -> memref<1x128x64xf32, #tpu.memory_space<vmem>>
      %dma_start3A_116 = tpu.memref_squeeze %dma_start3A_115 : memref<1x128x64xf32, #tpu.memory_space<vmem>> -> memref<128x64xf32, #tpu.memory_space<vmem>>
      %dma_start3A_117 = tpu.memref_slice %arg6[%mul3A_110] : memref<10240xi32, #tpu.memory_space<vmem>> -> memref<128xi32, #tpu.memory_space<vmem>>
      %dma_start3A_118 = arith.constant 0 : i32
      %dma_start3A_119 = arith.constant 0 : i32
      %dma_start3A_120 = tpu.memref_slice %arg4[%dma_start3A_118, %dma_start3A_119] : memref<10240x64xf32, #tpu.memory_space<hbm>> -> memref<10240x64xf32, #tpu.memory_space<hbm>>
      %dma_start3A_121 = tpu.memref_slice %arg10[%dma_start3A_112] : memref<4x!tpu.dma_semaphore, #tpu.memory_space<semaphore_mem>> -> memref<1x!tpu.dma_semaphore, #tpu.memory_space<semaphore_mem>>
      %dma_start3A_122 = tpu.memref_squeeze %dma_start3A_121 : memref<1x!tpu.dma_semaphore, #tpu.memory_space<semaphore_mem>> -> memref<!tpu.dma_semaphore, #tpu.memory_space<semaphore_mem>>
      tpu.enqueue_indirect_dma source(%dma_start3A_120 : memref<10240x64xf32, #tpu.memory_space<hbm>>) target(%dma_start3A_116 : memref<128x64xf32, #tpu.memory_space<vmem>>) offsets(%dma_start3A_117 : memref<128xi32, #tpu.memory_space<vmem>>) semaphore(%dma_start3A_122 : memref<!tpu.dma_semaphore, #tpu.memory_space<semaphore_mem>>)
      %add3A_123 = arith.constant 1 : i32
      %add3A_124 = arith.addi %mul3A_72, %add3A_123 : i32
      %mul3A_125 = arith.constant 128 : i32
      %mul3A_126 = arith.muli %add3A_124, %mul3A_125 : i32
      %dma_wait3A_127 = arith.constant 1 : i32
      %dma_wait3A_128 = arith.constant 1 : i32
      %dma_wait3A_129 = arith.constant 0 : i32
      %dma_wait3A_130 = arith.constant 0 : i32
      %dma_wait3A_131 = tpu.memref_slice %arg8[%dma_wait3A_127, %dma_wait3A_129, %dma_wait3A_130] : memref<4x128x64xf32, #tpu.memory_space<vmem>> -> memref<1x128x64xf32, #tpu.memory_space<vmem>>
      %dma_wait3A_132 = tpu.memref_squeeze %dma_wait3A_131 : memref<1x128x64xf32, #tpu.memory_space<vmem>> -> memref<128x64xf32, #tpu.memory_space<vmem>>
      %dma_wait3A_133 = tpu.memref_slice %arg6[%mul3A_126] : memref<10240xi32, #tpu.memory_space<vmem>> -> memref<128xi32, #tpu.memory_space<vmem>>
      %dma_wait3A_134 = arith.constant 0 : i32
      %dma_wait3A_135 = arith.constant 0 : i32
      %dma_wait3A_136 = tpu.memref_slice %arg4[%dma_wait3A_134, %dma_wait3A_135] : memref<10240x64xf32, #tpu.memory_space<hbm>> -> memref<10240x64xf32, #tpu.memory_space<hbm>>
      %dma_wait3A_137 = tpu.memref_slice %arg10[%dma_wait3A_128] : memref<4x!tpu.dma_semaphore, #tpu.memory_space<semaphore_mem>> -> memref<1x!tpu.dma_semaphore, #tpu.memory_space<semaphore_mem>>
      %dma_wait3A_138 = tpu.memref_squeeze %dma_wait3A_137 : memref<1x!tpu.dma_semaphore, #tpu.memory_space<semaphore_mem>> -> memref<!tpu.dma_semaphore, #tpu.memory_space<semaphore_mem>>
      tpu.wait_indirect_dma semaphore(%dma_wait3A_138 : memref<!tpu.dma_semaphore, #tpu.memory_space<semaphore_mem>>) src(%dma_wait3A_136 : memref<10240x64xf32, #tpu.memory_space<hbm>>) dst(%dma_wait3A_132 : memref<128x64xf32, #tpu.memory_space<vmem>>)
      %gt3A_139 = arith.constant 0 : i32
      %gt3A_140 = arith.cmpi sgt, %while3A_70, %gt3A_139 : i32
      %convert_element_type3A_141 = arith.extui %gt3A_140 : i1 to i32
      %cond3A_142 = arith.constant 0 : i32
      %cond3A_143 = arith.cmpi ne, %convert_element_type3A_141, %cond3A_142 : i32
      scf.if %cond3A_143 {
        %sub3A_275 = arith.constant 3 : i32
        %sub3A_276 = arith.subi %add3A_124, %sub3A_275 : i32
        %mul3A_277 = arith.constant 128 : i32
        %mul3A_278 = arith.muli %sub3A_276, %mul3A_277 : i32
        %dma_wait3A_279 = arith.constant 2 : i32
        %dma_wait3A_280 = arith.constant 2 : i32
        %dma_wait3A_281 = arith.constant 0 : i32
        %dma_wait3A_282 = arith.constant 0 : i32
        %dma_wait3A_283 = tpu.memref_slice %arg8[%dma_wait3A_279, %dma_wait3A_281, %dma_wait3A_282] : memref<4x128x64xf32, #tpu.memory_space<vmem>> -> memref<1x128x64xf32, #tpu.memory_space<vmem>>
        %dma_wait3A_284 = tpu.memref_squeeze %dma_wait3A_283 : memref<1x128x64xf32, #tpu.memory_space<vmem>> -> memref<128x64xf32, #tpu.memory_space<vmem>>
        %dma_wait3A_285 = tpu.memref_slice %arg7[%mul3A_278] : memref<10240xi32, #tpu.memory_space<vmem>> -> memref<128xi32, #tpu.memory_space<vmem>>
        %dma_wait3A_286 = arith.constant 0 : i32
        %dma_wait3A_287 = arith.constant 0 : i32
        %dma_wait3A_288 = tpu.memref_slice %arg9[%dma_wait3A_286, %dma_wait3A_287] : memref<10240x64xf32, #tpu.memory_space<vmem_shared>> -> memref<10240x64xf32, #tpu.memory_space<vmem_shared>>
        %dma_wait3A_289 = tpu.memref_slice %arg11[%dma_wait3A_280] : memref<4x!tpu.dma_semaphore, #tpu.memory_space<semaphore_mem>> -> memref<1x!tpu.dma_semaphore, #tpu.memory_space<semaphore_mem>>
        %dma_wait3A_290 = tpu.memref_squeeze %dma_wait3A_289 : memref<1x!tpu.dma_semaphore, #tpu.memory_space<semaphore_mem>> -> memref<!tpu.dma_semaphore, #tpu.memory_space<semaphore_mem>>
        tpu.wait_indirect_dma semaphore(%dma_wait3A_290 : memref<!tpu.dma_semaphore, #tpu.memory_space<semaphore_mem>>) src(%dma_wait3A_284 : memref<128x64xf32, #tpu.memory_space<vmem>>) dst(%dma_wait3A_288 : memref<10240x64xf32, #tpu.memory_space<vmem_shared>>)
      } else {
      }
      %mul3A_144 = arith.constant 128 : i32
      %mul3A_145 = arith.muli %add3A_124, %mul3A_144 : i32
      %dma_start3A_146 = arith.constant 1 : i32
      %dma_start3A_147 = arith.constant 1 : i32
      %dma_start3A_148 = arith.constant 0 : i32
      %dma_start3A_149 = arith.constant 0 : i32
      %dma_start3A_150 = tpu.memref_slice %arg8[%dma_start3A_146, %dma_start3A_148, %dma_start3A_149] : memref<4x128x64xf32, #tpu.memory_space<vmem>> -> memref<1x128x64xf32, #tpu.memory_space<vmem>>
      %dma_start3A_151 = tpu.memref_squeeze %dma_start3A_150 : memref<1x128x64xf32, #tpu.memory_space<vmem>> -> memref<128x64xf32, #tpu.memory_space<vmem>>
      %dma_start3A_152 = tpu.memref_slice %arg7[%mul3A_145] : memref<10240xi32, #tpu.memory_space<vmem>> -> memref<128xi32, #tpu.memory_space<vmem>>
      %dma_start3A_153 = arith.constant 0 : i32
      %dma_start3A_154 = arith.constant 0 : i32
      %dma_start3A_155 = tpu.memref_slice %arg9[%dma_start3A_153, %dma_start3A_154] : memref<10240x64xf32, #tpu.memory_space<vmem_shared>> -> memref<10240x64xf32, #tpu.memory_space<vmem_shared>>
      %dma_start3A_156 = tpu.memref_slice %arg11[%dma_start3A_147] : memref<4x!tpu.dma_semaphore, #tpu.memory_space<semaphore_mem>> -> memref<1x!tpu.dma_semaphore, #tpu.memory_space<semaphore_mem>>
      %dma_start3A_157 = tpu.memref_squeeze %dma_start3A_156 : memref<1x!tpu.dma_semaphore, #tpu.memory_space<semaphore_mem>> -> memref<!tpu.dma_semaphore, #tpu.memory_space<semaphore_mem>>
      tpu.enqueue_indirect_dma source(%dma_start3A_151 : memref<128x64xf32, #tpu.memory_space<vmem>>) target(%dma_start3A_155 : memref<10240x64xf32, #tpu.memory_space<vmem_shared>>) offsets(%dma_start3A_152 : memref<128xi32, #tpu.memory_space<vmem>>) semaphore(%dma_start3A_157 : memref<!tpu.dma_semaphore, #tpu.memory_space<semaphore_mem>>) {add = true}
      %add3A_158 = arith.constant 1 : i32
      %add3A_159 = arith.addi %add3A_124, %add3A_158 : i32
      %mul3A_160 = arith.constant 128 : i32
      %mul3A_161 = arith.muli %add3A_159, %mul3A_160 : i32
      %dma_start3A_162 = arith.constant 2 : i32
      %dma_start3A_163 = arith.constant 2 : i32
      %dma_start3A_164 = arith.constant 0 : i32
      %dma_start3A_165 = arith.constant 0 : i32
      %dma_start3A_166 = tpu.memref_slice %arg8[%dma_start3A_162, %dma_start3A_164, %dma_start3A_165] : memref<4x128x64xf32, #tpu.memory_space<vmem>> -> memref<1x128x64xf32, #tpu.memory_space<vmem>>
      %dma_start3A_167 = tpu.memref_squeeze %dma_start3A_166 : memref<1x128x64xf32, #tpu.memory_space<vmem>> -> memref<128x64xf32, #tpu.memory_space<vmem>>
      %dma_start3A_168 = tpu.memref_slice %arg6[%mul3A_161] : memref<10240xi32, #tpu.memory_space<vmem>> -> memref<128xi32, #tpu.memory_space<vmem>>
      %dma_start3A_169 = arith.constant 0 : i32
      %dma_start3A_170 = arith.constant 0 : i32
      %dma_start3A_171 = tpu.memref_slice %arg4[%dma_start3A_169, %dma_start3A_170] : memref<10240x64xf32, #tpu.memory_space<hbm>> -> memref<10240x64xf32, #tpu.memory_space<hbm>>
      %dma_start3A_172 = tpu.memref_slice %arg10[%dma_start3A_163] : memref<4x!tpu.dma_semaphore, #tpu.memory_space<semaphore_mem>> -> memref<1x!tpu.dma_semaphore, #tpu.memory_space<semaphore_mem>>
      %dma_start3A_173 = tpu.memref_squeeze %dma_start3A_172 : memref<1x!tpu.dma_semaphore, #tpu.memory_space<semaphore_mem>> -> memref<!tpu.dma_semaphore, #tpu.memory_space<semaphore_mem>>
      tpu.enqueue_indirect_dma source(%dma_start3A_171 : memref<10240x64xf32, #tpu.memory_space<hbm>>) target(%dma_start3A_167 : memref<128x64xf32, #tpu.memory_space<vmem>>) offsets(%dma_start3A_168 : memref<128xi32, #tpu.memory_space<vmem>>) semaphore(%dma_start3A_173 : memref<!tpu.dma_semaphore, #tpu.memory_space<semaphore_mem>>)
      %add3A_174 = arith.constant 2 : i32
      %add3A_175 = arith.addi %mul3A_72, %add3A_174 : i32
      %mul3A_176 = arith.constant 128 : i32
      %mul3A_177 = arith.muli %add3A_175, %mul3A_176 : i32
      %dma_wait3A_178 = arith.constant 2 : i32
      %dma_wait3A_179 = arith.constant 2 : i32
      %dma_wait3A_180 = arith.constant 0 : i32
      %dma_wait3A_181 = arith.constant 0 : i32
      %dma_wait3A_182 = tpu.memref_slice %arg8[%dma_wait3A_178, %dma_wait3A_180, %dma_wait3A_181] : memref<4x128x64xf32, #tpu.memory_space<vmem>> -> memref<1x128x64xf32, #tpu.memory_space<vmem>>
      %dma_wait3A_183 = tpu.memref_squeeze %dma_wait3A_182 : memref<1x128x64xf32, #tpu.memory_space<vmem>> -> memref<128x64xf32, #tpu.memory_space<vmem>>
      %dma_wait3A_184 = tpu.memref_slice %arg6[%mul3A_177] : memref<10240xi32, #tpu.memory_space<vmem>> -> memref<128xi32, #tpu.memory_space<vmem>>
      %dma_wait3A_185 = arith.constant 0 : i32
      %dma_wait3A_186 = arith.constant 0 : i32
      %dma_wait3A_187 = tpu.memref_slice %arg4[%dma_wait3A_185, %dma_wait3A_186] : memref<10240x64xf32, #tpu.memory_space<hbm>> -> memref<10240x64xf32, #tpu.memory_space<hbm>>
      %dma_wait3A_188 = tpu.memref_slice %arg10[%dma_wait3A_179] : memref<4x!tpu.dma_semaphore, #tpu.memory_space<semaphore_mem>> -> memref<1x!tpu.dma_semaphore, #tpu.memory_space<semaphore_mem>>
      %dma_wait3A_189 = tpu.memref_squeeze %dma_wait3A_188 : memref<1x!tpu.dma_semaphore, #tpu.memory_space<semaphore_mem>> -> memref<!tpu.dma_semaphore, #tpu.memory_space<semaphore_mem>>
      tpu.wait_indirect_dma semaphore(%dma_wait3A_189 : memref<!tpu.dma_semaphore, #tpu.memory_space<semaphore_mem>>) src(%dma_wait3A_187 : memref<10240x64xf32, #tpu.memory_space<hbm>>) dst(%dma_wait3A_183 : memref<128x64xf32, #tpu.memory_space<vmem>>)
      %gt3A_190 = arith.constant 0 : i32
      %gt3A_191 = arith.cmpi sgt, %while3A_70, %gt3A_190 : i32
      %convert_element_type3A_192 = arith.extui %gt3A_191 : i1 to i32
      %cond3A_193 = arith.constant 0 : i32
      %cond3A_194 = arith.cmpi ne, %convert_element_type3A_192, %cond3A_193 : i32
      scf.if %cond3A_194 {
        %sub3A_275 = arith.constant 3 : i32
        %sub3A_276 = arith.subi %add3A_175, %sub3A_275 : i32
        %mul3A_277 = arith.constant 128 : i32
        %mul3A_278 = arith.muli %sub3A_276, %mul3A_277 : i32
        %dma_wait3A_279 = arith.constant 3 : i32
        %dma_wait3A_280 = arith.constant 3 : i32
        %dma_wait3A_281 = arith.constant 0 : i32
        %dma_wait3A_282 = arith.constant 0 : i32
        %dma_wait3A_283 = tpu.memref_slice %arg8[%dma_wait3A_279, %dma_wait3A_281, %dma_wait3A_282] : memref<4x128x64xf32, #tpu.memory_space<vmem>> -> memref<1x128x64xf32, #tpu.memory_space<vmem>>
        %dma_wait3A_284 = tpu.memref_squeeze %dma_wait3A_283 : memref<1x128x64xf32, #tpu.memory_space<vmem>> -> memref<128x64xf32, #tpu.memory_space<vmem>>
        %dma_wait3A_285 = tpu.memref_slice %arg7[%mul3A_278] : memref<10240xi32, #tpu.memory_space<vmem>> -> memref<128xi32, #tpu.memory_space<vmem>>
        %dma_wait3A_286 = arith.constant 0 : i32
        %dma_wait3A_287 = arith.constant 0 : i32
        %dma_wait3A_288 = tpu.memref_slice %arg9[%dma_wait3A_286, %dma_wait3A_287] : memref<10240x64xf32, #tpu.memory_space<vmem_shared>> -> memref<10240x64xf32, #tpu.memory_space<vmem_shared>>
        %dma_wait3A_289 = tpu.memref_slice %arg11[%dma_wait3A_280] : memref<4x!tpu.dma_semaphore, #tpu.memory_space<semaphore_mem>> -> memref<1x!tpu.dma_semaphore, #tpu.memory_space<semaphore_mem>>
        %dma_wait3A_290 = tpu.memref_squeeze %dma_wait3A_289 : memref<1x!tpu.dma_semaphore, #tpu.memory_space<semaphore_mem>> -> memref<!tpu.dma_semaphore, #tpu.memory_space<semaphore_mem>>
        tpu.wait_indirect_dma semaphore(%dma_wait3A_290 : memref<!tpu.dma_semaphore, #tpu.memory_space<semaphore_mem>>) src(%dma_wait3A_284 : memref<128x64xf32, #tpu.memory_space<vmem>>) dst(%dma_wait3A_288 : memref<10240x64xf32, #tpu.memory_space<vmem_shared>>)
      } else {
      }
      %mul3A_195 = arith.constant 128 : i32
      %mul3A_196 = arith.muli %add3A_175, %mul3A_195 : i32
      %dma_start3A_197 = arith.constant 2 : i32
      %dma_start3A_198 = arith.constant 2 : i32
      %dma_start3A_199 = arith.constant 0 : i32
      %dma_start3A_200 = arith.constant 0 : i32
      %dma_start3A_201 = tpu.memref_slice %arg8[%dma_start3A_197, %dma_start3A_199, %dma_start3A_200] : memref<4x128x64xf32, #tpu.memory_space<vmem>> -> memref<1x128x64xf32, #tpu.memory_space<vmem>>
      %dma_start3A_202 = tpu.memref_squeeze %dma_start3A_201 : memref<1x128x64xf32, #tpu.memory_space<vmem>> -> memref<128x64xf32, #tpu.memory_space<vmem>>
      %dma_start3A_203 = tpu.memref_slice %arg7[%mul3A_196] : memref<10240xi32, #tpu.memory_space<vmem>> -> memref<128xi32, #tpu.memory_space<vmem>>
      %dma_start3A_204 = arith.constant 0 : i32
      %dma_start3A_205 = arith.constant 0 : i32
      %dma_start3A_206 = tpu.memref_slice %arg9[%dma_start3A_204, %dma_start3A_205] : memref<10240x64xf32, #tpu.memory_space<vmem_shared>> -> memref<10240x64xf32, #tpu.memory_space<vmem_shared>>
      %dma_start3A_207 = tpu.memref_slice %arg11[%dma_start3A_198] : memref<4x!tpu.dma_semaphore, #tpu.memory_space<semaphore_mem>> -> memref<1x!tpu.dma_semaphore, #tpu.memory_space<semaphore_mem>>
      %dma_start3A_208 = tpu.memref_squeeze %dma_start3A_207 : memref<1x!tpu.dma_semaphore, #tpu.memory_space<semaphore_mem>> -> memref<!tpu.dma_semaphore, #tpu.memory_space<semaphore_mem>>
      tpu.enqueue_indirect_dma source(%dma_start3A_202 : memref<128x64xf32, #tpu.memory_space<vmem>>) target(%dma_start3A_206 : memref<10240x64xf32, #tpu.memory_space<vmem_shared>>) offsets(%dma_start3A_203 : memref<128xi32, #tpu.memory_space<vmem>>) semaphore(%dma_start3A_208 : memref<!tpu.dma_semaphore, #tpu.memory_space<semaphore_mem>>) {add = true}
      %add3A_209 = arith.constant 1 : i32
      %add3A_210 = arith.addi %add3A_175, %add3A_209 : i32
      %mul3A_211 = arith.constant 128 : i32
      %mul3A_212 = arith.muli %add3A_210, %mul3A_211 : i32
      %dma_start3A_213 = arith.constant 3 : i32
      %dma_start3A_214 = arith.constant 3 : i32
      %dma_start3A_215 = arith.constant 0 : i32
      %dma_start3A_216 = arith.constant 0 : i32
      %dma_start3A_217 = tpu.memref_slice %arg8[%dma_start3A_213, %dma_start3A_215, %dma_start3A_216] : memref<4x128x64xf32, #tpu.memory_space<vmem>> -> memref<1x128x64xf32, #tpu.memory_space<vmem>>
      %dma_start3A_218 = tpu.memref_squeeze %dma_start3A_217 : memref<1x128x64xf32, #tpu.memory_space<vmem>> -> memref<128x64xf32, #tpu.memory_space<vmem>>
      %dma_start3A_219 = tpu.memref_slice %arg6[%mul3A_212] : memref<10240xi32, #tpu.memory_space<vmem>> -> memref<128xi32, #tpu.memory_space<vmem>>
      %dma_start3A_220 = arith.constant 0 : i32
      %dma_start3A_221 = arith.constant 0 : i32
      %dma_start3A_222 = tpu.memref_slice %arg4[%dma_start3A_220, %dma_start3A_221] : memref<10240x64xf32, #tpu.memory_space<hbm>> -> memref<10240x64xf32, #tpu.memory_space<hbm>>
      %dma_start3A_223 = tpu.memref_slice %arg10[%dma_start3A_214] : memref<4x!tpu.dma_semaphore, #tpu.memory_space<semaphore_mem>> -> memref<1x!tpu.dma_semaphore, #tpu.memory_space<semaphore_mem>>
      %dma_start3A_224 = tpu.memref_squeeze %dma_start3A_223 : memref<1x!tpu.dma_semaphore, #tpu.memory_space<semaphore_mem>> -> memref<!tpu.dma_semaphore, #tpu.memory_space<semaphore_mem>>
      tpu.enqueue_indirect_dma source(%dma_start3A_222 : memref<10240x64xf32, #tpu.memory_space<hbm>>) target(%dma_start3A_218 : memref<128x64xf32, #tpu.memory_space<vmem>>) offsets(%dma_start3A_219 : memref<128xi32, #tpu.memory_space<vmem>>) semaphore(%dma_start3A_224 : memref<!tpu.dma_semaphore, #tpu.memory_space<semaphore_mem>>)
      %add3A_225 = arith.constant 3 : i32
      %add3A_226 = arith.addi %mul3A_72, %add3A_225 : i32
      %mul3A_227 = arith.constant 128 : i32
      %mul3A_228 = arith.muli %add3A_226, %mul3A_227 : i32
      %dma_wait3A_229 = arith.constant 3 : i32
      %dma_wait3A_230 = arith.constant 3 : i32
      %dma_wait3A_231 = arith.constant 0 : i32
      %dma_wait3A_232 = arith.constant 0 : i32
      %dma_wait3A_233 = tpu.memref_slice %arg8[%dma_wait3A_229, %dma_wait3A_231, %dma_wait3A_232] : memref<4x128x64xf32, #tpu.memory_space<vmem>> -> memref<1x128x64xf32, #tpu.memory_space<vmem>>
      %dma_wait3A_234 = tpu.memref_squeeze %dma_wait3A_233 : memref<1x128x64xf32, #tpu.memory_space<vmem>> -> memref<128x64xf32, #tpu.memory_space<vmem>>
      %dma_wait3A_235 = tpu.memref_slice %arg6[%mul3A_228] : memref<10240xi32, #tpu.memory_space<vmem>> -> memref<128xi32, #tpu.memory_space<vmem>>
      %dma_wait3A_236 = arith.constant 0 : i32
      %dma_wait3A_237 = arith.constant 0 : i32
      %dma_wait3A_238 = tpu.memref_slice %arg4[%dma_wait3A_236, %dma_wait3A_237] : memref<10240x64xf32, #tpu.memory_space<hbm>> -> memref<10240x64xf32, #tpu.memory_space<hbm>>
      %dma_wait3A_239 = tpu.memref_slice %arg10[%dma_wait3A_230] : memref<4x!tpu.dma_semaphore, #tpu.memory_space<semaphore_mem>> -> memref<1x!tpu.dma_semaphore, #tpu.memory_space<semaphore_mem>>
      %dma_wait3A_240 = tpu.memref_squeeze %dma_wait3A_239 : memref<1x!tpu.dma_semaphore, #tpu.memory_space<semaphore_mem>> -> memref<!tpu.dma_semaphore, #tpu.memory_space<semaphore_mem>>
      tpu.wait_indirect_dma semaphore(%dma_wait3A_240 : memref<!tpu.dma_semaphore, #tpu.memory_space<semaphore_mem>>) src(%dma_wait3A_238 : memref<10240x64xf32, #tpu.memory_space<hbm>>) dst(%dma_wait3A_234 : memref<128x64xf32, #tpu.memory_space<vmem>>)
      %sub3A = arith.constant 3 : i32
      %sub3A_241 = arith.subi %add3A_226, %sub3A : i32
      %mul3A_242 = arith.constant 128 : i32
      %mul3A_243 = arith.muli %sub3A_241, %mul3A_242 : i32
      %dma_wait3A_244 = arith.constant 0 : i32
      %dma_wait3A_245 = arith.constant 0 : i32
      %dma_wait3A_246 = arith.constant 0 : i32
      %dma_wait3A_247 = arith.constant 0 : i32
      %dma_wait3A_248 = tpu.memref_slice %arg8[%dma_wait3A_244, %dma_wait3A_246, %dma_wait3A_247] : memref<4x128x64xf32, #tpu.memory_space<vmem>> -> memref<1x128x64xf32, #tpu.memory_space<vmem>>
      %dma_wait3A_249 = tpu.memref_squeeze %dma_wait3A_248 : memref<1x128x64xf32, #tpu.memory_space<vmem>> -> memref<128x64xf32, #tpu.memory_space<vmem>>
      %dma_wait3A_250 = tpu.memref_slice %arg7[%mul3A_243] : memref<10240xi32, #tpu.memory_space<vmem>> -> memref<128xi32, #tpu.memory_space<vmem>>
      %dma_wait3A_251 = arith.constant 0 : i32
      %dma_wait3A_252 = arith.constant 0 : i32
      %dma_wait3A_253 = tpu.memref_slice %arg9[%dma_wait3A_251, %dma_wait3A_252] : memref<10240x64xf32, #tpu.memory_space<vmem_shared>> -> memref<10240x64xf32, #tpu.memory_space<vmem_shared>>
      %dma_wait3A_254 = tpu.memref_slice %arg11[%dma_wait3A_245] : memref<4x!tpu.dma_semaphore, #tpu.memory_space<semaphore_mem>> -> memref<1x!tpu.dma_semaphore, #tpu.memory_space<semaphore_mem>>
      %dma_wait3A_255 = tpu.memref_squeeze %dma_wait3A_254 : memref<1x!tpu.dma_semaphore, #tpu.memory_space<semaphore_mem>> -> memref<!tpu.dma_semaphore, #tpu.memory_space<semaphore_mem>>
      tpu.wait_indirect_dma semaphore(%dma_wait3A_255 : memref<!tpu.dma_semaphore, #tpu.memory_space<semaphore_mem>>) src(%dma_wait3A_249 : memref<128x64xf32, #tpu.memory_space<vmem>>) dst(%dma_wait3A_253 : memref<10240x64xf32, #tpu.memory_space<vmem_shared>>)
      %mul3A_256 = arith.constant 128 : i32
      %mul3A_257 = arith.muli %add3A_226, %mul3A_256 : i32
      %dma_start3A_258 = arith.constant 3 : i32
      %dma_start3A_259 = arith.constant 3 : i32
      %dma_start3A_260 = arith.constant 0 : i32
      %dma_start3A_261 = arith.constant 0 : i32
      %dma_start3A_262 = tpu.memref_slice %arg8[%dma_start3A_258, %dma_start3A_260, %dma_start3A_261] : memref<4x128x64xf32, #tpu.memory_space<vmem>> -> memref<1x128x64xf32, #tpu.memory_space<vmem>>
      %dma_start3A_263 = tpu.memref_squeeze %dma_start3A_262 : memref<1x128x64xf32, #tpu.memory_space<vmem>> -> memref<128x64xf32, #tpu.memory_space<vmem>>
      %dma_start3A_264 = tpu.memref_slice %arg7[%mul3A_257] : memref<10240xi32, #tpu.memory_space<vmem>> -> memref<128xi32, #tpu.memory_space<vmem>>
      %dma_start3A_265 = arith.constant 0 : i32
      %dma_start3A_266 = arith.constant 0 : i32
      %dma_start3A_267 = tpu.memref_slice %arg9[%dma_start3A_265, %dma_start3A_266] : memref<10240x64xf32, #tpu.memory_space<vmem_shared>> -> memref<10240x64xf32, #tpu.memory_space<vmem_shared>>
      %dma_start3A_268 = tpu.memref_slice %arg11[%dma_start3A_259] : memref<4x!tpu.dma_semaphore, #tpu.memory_space<semaphore_mem>> -> memref<1x!tpu.dma_semaphore, #tpu.memory_space<semaphore_mem>>
      %dma_start3A_269 = tpu.memref_squeeze %dma_start3A_268 : memref<1x!tpu.dma_semaphore, #tpu.memory_space<semaphore_mem>> -> memref<!tpu.dma_semaphore, #tpu.memory_space<semaphore_mem>>
      tpu.enqueue_indirect_dma source(%dma_start3A_263 : memref<128x64xf32, #tpu.memory_space<vmem>>) target(%dma_start3A_267 : memref<10240x64xf32, #tpu.memory_space<vmem_shared>>) offsets(%dma_start3A_264 : memref<128xi32, #tpu.memory_space<vmem>>) semaphore(%dma_start3A_269 : memref<!tpu.dma_semaphore, #tpu.memory_space<semaphore_mem>>) {add = true}
      %sub3A_270 = arith.constant 1 : i32
      %sub3A_271 = arith.subi %select_n3A, %sub3A_270 : i32
      %lt3A = arith.cmpi slt, %while3A_70, %sub3A_271 : i32
      %convert_element_type3A_272 = arith.extui %lt3A : i1 to i32
      %cond3A_273 = arith.constant 0 : i32
      %cond3A_274 = arith.cmpi ne, %convert_element_type3A_272, %cond3A_273 : i32
      scf.if %cond3A_274 {
        %add3A_275 = arith.constant 1 : i32
        %add3A_276 = arith.addi %add3A_226, %add3A_275 : i32
        %mul3A_277 = arith.constant 128 : i32
        %mul3A_278 = arith.muli %add3A_276, %mul3A_277 : i32
        %dma_start3A_279 = arith.constant 0 : i32
        %dma_start3A_280 = arith.constant 0 : i32
        %dma_start3A_281 = arith.constant 0 : i32
        %dma_start3A_282 = arith.constant 0 : i32
        %dma_start3A_283 = tpu.memref_slice %arg8[%dma_start3A_279, %dma_start3A_281, %dma_start3A_282] : memref<4x128x64xf32, #tpu.memory_space<vmem>> -> memref<1x128x64xf32, #tpu.memory_space<vmem>>
        %dma_start3A_284 = tpu.memref_squeeze %dma_start3A_283 : memref<1x128x64xf32, #tpu.memory_space<vmem>> -> memref<128x64xf32, #tpu.memory_space<vmem>>
        %dma_start3A_285 = tpu.memref_slice %arg6[%mul3A_278] : memref<10240xi32, #tpu.memory_space<vmem>> -> memref<128xi32, #tpu.memory_space<vmem>>
        %dma_start3A_286 = arith.constant 0 : i32
        %dma_start3A_287 = arith.constant 0 : i32
        %dma_start3A_288 = tpu.memref_slice %arg4[%dma_start3A_286, %dma_start3A_287] : memref<10240x64xf32, #tpu.memory_space<hbm>> -> memref<10240x64xf32, #tpu.memory_space<hbm>>
        %dma_start3A_289 = tpu.memref_slice %arg10[%dma_start3A_280] : memref<4x!tpu.dma_semaphore, #tpu.memory_space<semaphore_mem>> -> memref<1x!tpu.dma_semaphore, #tpu.memory_space<semaphore_mem>>
        %dma_start3A_290 = tpu.memref_squeeze %dma_start3A_289 : memref<1x!tpu.dma_semaphore, #tpu.memory_space<semaphore_mem>> -> memref<!tpu.dma_semaphore, #tpu.memory_space<semaphore_mem>>
        tpu.enqueue_indirect_dma source(%dma_start3A_288 : memref<10240x64xf32, #tpu.memory_space<hbm>>) target(%dma_start3A_284 : memref<128x64xf32, #tpu.memory_space<vmem>>) offsets(%dma_start3A_285 : memref<128xi32, #tpu.memory_space<vmem>>) semaphore(%dma_start3A_290 : memref<!tpu.dma_semaphore, #tpu.memory_space<semaphore_mem>>)
      } else {
      }
    }
    %dma_wait3A = arith.constant 1 : i32
    %dma_wait3A_31 = arith.constant 1 : i32
    %dma_wait3A_32 = arith.constant 0 : i32
    %dma_wait3A_33 = arith.constant 0 : i32
    %dma_wait3A_34 = tpu.memref_slice %arg8[%dma_wait3A, %dma_wait3A_32, %dma_wait3A_33] : memref<4x128x64xf32, #tpu.memory_space<vmem>> -> memref<1x128x64xf32, #tpu.memory_space<vmem>>
    %dma_wait3A_35 = tpu.memref_squeeze %dma_wait3A_34 : memref<1x128x64xf32, #tpu.memory_space<vmem>> -> memref<128x64xf32, #tpu.memory_space<vmem>>
    %dma_wait3A_36 = arith.constant 0 : i32
    %dma_wait3A_37 = tpu.memref_slice %arg7[%dma_wait3A_36] : memref<10240xi32, #tpu.memory_space<vmem>> -> memref<128xi32, #tpu.memory_space<vmem>>
    %dma_wait3A_38 = arith.constant 0 : i32
    %dma_wait3A_39 = arith.constant 0 : i32
    %dma_wait3A_40 = tpu.memref_slice %arg9[%dma_wait3A_38, %dma_wait3A_39] : memref<10240x64xf32, #tpu.memory_space<vmem_shared>> -> memref<10240x64xf32, #tpu.memory_space<vmem_shared>>
    %dma_wait3A_41 = tpu.memref_slice %arg11[%dma_wait3A_31] : memref<4x!tpu.dma_semaphore, #tpu.memory_space<semaphore_mem>> -> memref<1x!tpu.dma_semaphore, #tpu.memory_space<semaphore_mem>>
    %dma_wait3A_42 = tpu.memref_squeeze %dma_wait3A_41 : memref<1x!tpu.dma_semaphore, #tpu.memory_space<semaphore_mem>> -> memref<!tpu.dma_semaphore, #tpu.memory_space<semaphore_mem>>
    tpu.wait_indirect_dma semaphore(%dma_wait3A_42 : memref<!tpu.dma_semaphore, #tpu.memory_space<semaphore_mem>>) src(%dma_wait3A_35 : memref<128x64xf32, #tpu.memory_space<vmem>>) dst(%dma_wait3A_40 : memref<10240x64xf32, #tpu.memory_space<vmem_shared>>)
    %dma_wait3A_43 = arith.constant 2 : i32
    %dma_wait3A_44 = arith.constant 2 : i32
    %dma_wait3A_45 = arith.constant 0 : i32
    %dma_wait3A_46 = arith.constant 0 : i32
    %dma_wait3A_47 = tpu.memref_slice %arg8[%dma_wait3A_43, %dma_wait3A_45, %dma_wait3A_46] : memref<4x128x64xf32, #tpu.memory_space<vmem>> -> memref<1x128x64xf32, #tpu.memory_space<vmem>>
    %dma_wait3A_48 = tpu.memref_squeeze %dma_wait3A_47 : memref<1x128x64xf32, #tpu.memory_space<vmem>> -> memref<128x64xf32, #tpu.memory_space<vmem>>
    %dma_wait3A_49 = arith.constant 0 : i32
    %dma_wait3A_50 = tpu.memref_slice %arg7[%dma_wait3A_49] : memref<10240xi32, #tpu.memory_space<vmem>> -> memref<128xi32, #tpu.memory_space<vmem>>
    %dma_wait3A_51 = arith.constant 0 : i32
    %dma_wait3A_52 = arith.constant 0 : i32
    %dma_wait3A_53 = tpu.memref_slice %arg9[%dma_wait3A_51, %dma_wait3A_52] : memref<10240x64xf32, #tpu.memory_space<vmem_shared>> -> memref<10240x64xf32, #tpu.memory_space<vmem_shared>>
    %dma_wait3A_54 = tpu.memref_slice %arg11[%dma_wait3A_44] : memref<4x!tpu.dma_semaphore, #tpu.memory_space<semaphore_mem>> -> memref<1x!tpu.dma_semaphore, #tpu.memory_space<semaphore_mem>>
    %dma_wait3A_55 = tpu.memref_squeeze %dma_wait3A_54 : memref<1x!tpu.dma_semaphore, #tpu.memory_space<semaphore_mem>> -> memref<!tpu.dma_semaphore, #tpu.memory_space<semaphore_mem>>
    tpu.wait_indirect_dma semaphore(%dma_wait3A_55 : memref<!tpu.dma_semaphore, #tpu.memory_space<semaphore_mem>>) src(%dma_wait3A_48 : memref<128x64xf32, #tpu.memory_space<vmem>>) dst(%dma_wait3A_53 : memref<10240x64xf32, #tpu.memory_space<vmem_shared>>)
    %dma_wait3A_56 = arith.constant 3 : i32
    %dma_wait3A_57 = arith.constant 3 : i32
    %dma_wait3A_58 = arith.constant 0 : i32
    %dma_wait3A_59 = arith.constant 0 : i32
    %dma_wait3A_60 = tpu.memref_slice %arg8[%dma_wait3A_56, %dma_wait3A_58, %dma_wait3A_59] : memref<4x128x64xf32, #tpu.memory_space<vmem>> -> memref<1x128x64xf32, #tpu.memory_space<vmem>>
    %dma_wait3A_61 = tpu.memref_squeeze %dma_wait3A_60 : memref<1x128x64xf32, #tpu.memory_space<vmem>> -> memref<128x64xf32, #tpu.memory_space<vmem>>
    %dma_wait3A_62 = arith.constant 0 : i32
    %dma_wait3A_63 = tpu.memref_slice %arg7[%dma_wait3A_62] : memref<10240xi32, #tpu.memory_space<vmem>> -> memref<128xi32, #tpu.memory_space<vmem>>
    %dma_wait3A_64 = arith.constant 0 : i32
    %dma_wait3A_65 = arith.constant 0 : i32
    %dma_wait3A_66 = tpu.memref_slice %arg9[%dma_wait3A_64, %dma_wait3A_65] : memref<10240x64xf32, #tpu.memory_space<vmem_shared>> -> memref<10240x64xf32, #tpu.memory_space<vmem_shared>>
    %dma_wait3A_67 = tpu.memref_slice %arg11[%dma_wait3A_57] : memref<4x!tpu.dma_semaphore, #tpu.memory_space<semaphore_mem>> -> memref<1x!tpu.dma_semaphore, #tpu.memory_space<semaphore_mem>>
    %dma_wait3A_68 = tpu.memref_squeeze %dma_wait3A_67 : memref<1x!tpu.dma_semaphore, #tpu.memory_space<semaphore_mem>> -> memref<!tpu.dma_semaphore, #tpu.memory_space<semaphore_mem>>
    tpu.wait_indirect_dma semaphore(%dma_wait3A_68 : memref<!tpu.dma_semaphore, #tpu.memory_space<semaphore_mem>>) src(%dma_wait3A_61 : memref<128x64xf32, #tpu.memory_space<vmem>>) dst(%dma_wait3A_66 : memref<10240x64xf32, #tpu.memory_space<vmem_shared>>)
    %barrier3A_69 = arith.constant 0 : index
    tpu.barrier barrier_id(%barrier3A_69)
    "tpu.region"() ({
      %run_scoped3A = tpu.sem_alloc : memref<!tpu.dma_semaphore, #tpu.memory_space<semaphore_mem>>
      %dma_start3A_70 = arith.constant 0 : i32
      %dma_start3A_71 = tpu.memref_slice %arg5[%arg0, %mul3A_21, %dma_start3A_70] : memref<2x10240x64xf32, #tpu.memory_space<hbm>> -> memref<1x640x64xf32, #tpu.memory_space<hbm>>
      %dma_start3A_72 = tpu.memref_squeeze %dma_start3A_71 : memref<1x640x64xf32, #tpu.memory_space<hbm>> -> memref<640x64xf32, #tpu.memory_space<hbm>>
      %dma_start3A_73 = arith.constant 0 : i32
      %dma_start3A_74 = tpu.memref_slice %arg9[%mul3A_21, %dma_start3A_73] : memref<10240x64xf32, #tpu.memory_space<vmem_shared>> -> memref<640x64xf32, #tpu.memory_space<vmem_shared>>
      tpu.enqueue_dma source(%dma_start3A_74 : memref<640x64xf32, #tpu.memory_space<vmem_shared>>) target(%dma_start3A_72 : memref<640x64xf32, #tpu.memory_space<hbm>>) target_semaphore(%run_scoped3A : memref<!tpu.dma_semaphore, #tpu.memory_space<semaphore_mem>>)
      %dma_wait3A_75 = arith.constant 0 : i32
      %dma_wait3A_76 = tpu.memref_slice %arg5[%arg0, %mul3A_21, %dma_wait3A_75] : memref<2x10240x64xf32, #tpu.memory_space<hbm>> -> memref<1x640x64xf32, #tpu.memory_space<hbm>>
      %dma_wait3A_77 = tpu.memref_squeeze %dma_wait3A_76 : memref<1x640x64xf32, #tpu.memory_space<hbm>> -> memref<640x64xf32, #tpu.memory_space<hbm>>
      %dma_wait3A_78 = arith.constant 0 : i32
      %dma_wait3A_79 = tpu.memref_slice %arg9[%mul3A_21, %dma_wait3A_78] : memref<10240x64xf32, #tpu.memory_space<vmem_shared>> -> memref<640x64xf32, #tpu.memory_space<vmem_shared>>
      tpu.wait_dma2 semaphore(%run_scoped3A : memref<!tpu.dma_semaphore, #tpu.memory_space<semaphore_mem>>) src(%dma_wait3A_79 : memref<640x64xf32, #tpu.memory_space<vmem_shared>>) dst(%dma_wait3A_77 : memref<640x64xf32, #tpu.memory_space<hbm>>)
      tpu.yield
    }) : () -> ()
    return
  }
}

module attributes {stable_mosaic.version = 14 : i64} {
  func.func @_tcmm_body(%arg0: memref<10000x128xf32, #tpu.memory_space<vmem>>, %arg1: memref<128x64xf32, #tpu.memory_space<vmem>>, %arg2: memref<10240x64xf32, #tpu.memory_space<vmem>>) attributes {dimension_semantics = [], scalar_prefetch = 0 : i64, scratch_operands = 0 : i64, tpu.core_type = #tpu.core_type<tc>} {
    %get3A = arith.constant 0 : index
    %get3A_0 = arith.constant 0 : index
    %get3A_1 = vector.load %arg0[%get3A, %get3A_0] : memref<10000x128xf32, #tpu.memory_space<vmem>>, vector<10000x128xf32>
    %get3A_2 = arith.constant 0 : index
    %get3A_3 = arith.constant 0 : index
    %get3A_4 = vector.load %arg1[%get3A_2, %get3A_3] : memref<128x64xf32, #tpu.memory_space<vmem>>, vector<128x64xf32>
    %dot_general3A = arith.constant dense<0.000000e+00> : vector<10000x64xf32>
    %dot_general3A_5 = tpu.matmul %get3A_1, %get3A_4, %dot_general3A {dimension_numbers = #tpu.dot_dimension_numbers<[1], [0], [0], [1], [0, 0, 1, 1], [], []>, transpose_lhs_hint = false} : vector<10000x128xf32>, vector<128x64xf32>, vector<10000x64xf32> -> vector<10000x64xf32>
    %swap3A = arith.constant 0 : index
    %swap3A_6 = arith.constant 0 : index
    %swap3A_7 = vector.load %arg2[%swap3A, %swap3A_6] : memref<10240x64xf32, #tpu.memory_space<vmem>>, vector<10000x64xf32>
    tpu.vector_store %arg2[%swap3A, %swap3A_6], %dot_general3A_5 {strides = array<i32>} : memref<10240x64xf32, #tpu.memory_space<vmem>>, vector<10000x64xf32>,
    %broadcast_in_dim3A = arith.constant 0.000000e+00 : f32
    %broadcast_in_dim3A_8 = vector.broadcast %broadcast_in_dim3A : f32 to vector<240x64xf32>
    %swap3A_9 = arith.constant 10000 : index
    %swap3A_10 = arith.constant 0 : index
    %swap3A_11 = vector.load %arg2[%swap3A_9, %swap3A_10] : memref<10240x64xf32, #tpu.memory_space<vmem>>, vector<240x64xf32>
    tpu.vector_store %arg2[%swap3A_9, %swap3A_10], %broadcast_in_dim3A_8 {strides = array<i32>} : memref<10240x64xf32, #tpu.memory_space<vmem>>, vector<240x64xf32>,
    return
  }
}

module attributes {stable_mosaic.version = 14 : i64} {
  func.func @_tcscale_body(%arg0: memref<10240x64xf32, #tpu.memory_space<vmem>>, %arg1: memref<10240x16xf32, #tpu.memory_space<vmem>>, %arg2: memref<10240x16xf32, #tpu.memory_space<vmem>>, %arg3: memref<10240x1xf32, #tpu.memory_space<vmem>>, %arg4: memref<10240x64xf32, #tpu.memory_space<vmem>>) attributes {dimension_semantics = [], scalar_prefetch = 0 : i64, scratch_operands = 0 : i64, tpu.core_type = #tpu.core_type<tc>} {
    %get3A = arith.constant 0 : index
    %get3A_0 = arith.constant 0 : index
    %get3A_1 = vector.load %arg1[%get3A, %get3A_0] : memref<10240x16xf32, #tpu.memory_space<vmem>>, vector<10240x1xf32>
    %get3A_2 = arith.constant 0 : index
    %get3A_3 = arith.constant 0 : index
    %get3A_4 = vector.load %arg2[%get3A_2, %get3A_3] : memref<10240x16xf32, #tpu.memory_space<vmem>>, vector<10240x1xf32>
    %add3A = arith.addf %get3A_1, %get3A_4 : vector<10240x1xf32>
    %sub3A = arith.constant 1.000000e+00 : f32
    %sub3A_5 = vector.broadcast %sub3A : f32 to vector<10240x1xf32>
    %sub3A_6 = arith.subf %add3A, %sub3A_5 : vector<10240x1xf32>
    %rsqrt3A = math.rsqrt %sub3A_6 : vector<10240x1xf32>
    %swap3A = arith.constant 0 : index
    %swap3A_7 = arith.constant 0 : index
    %swap3A_8 = vector.load %arg3[%swap3A, %swap3A_7] : memref<10240x1xf32, #tpu.memory_space<vmem>>, vector<10240x1xf32>
    tpu.vector_store %arg3[%swap3A, %swap3A_7], %rsqrt3A {strides = array<i32>} : memref<10240x1xf32, #tpu.memory_space<vmem>>, vector<10240x1xf32>,
    %get3A_9 = arith.constant 0 : index
    %get3A_10 = arith.constant 0 : index
    %get3A_11 = vector.load %arg0[%get3A_9, %get3A_10] : memref<10240x64xf32, #tpu.memory_space<vmem>>, vector<10240x64xf32>
    %mul3A = vector.broadcast %rsqrt3A : vector<10240x1xf32> to vector<10240x64xf32>
    %mul3A_12 = arith.mulf %mul3A, %get3A_11 : vector<10240x64xf32>
    %swap3A_13 = arith.constant 0 : index
    %swap3A_14 = arith.constant 0 : index
    %swap3A_15 = vector.load %arg4[%swap3A_13, %swap3A_14] : memref<10240x64xf32, #tpu.memory_space<vmem>>, vector<10240x64xf32>
    tpu.vector_store %arg4[%swap3A_13, %swap3A_14], %mul3A_12 {strides = array<i32>} : memref<10240x64xf32, #tpu.memory_space<vmem>>, vector<10240x64xf32>,
    return
  }
}

module attributes {stable_mosaic.version = 14 : i64} {
  func.func @_comb_body(%arg0: memref<2x10240x64xf32, #tpu.memory_space<vmem>>, %arg1: memref<10240x64xf32, #tpu.memory_space<vmem>>, %arg2: memref<10240x1xf32, #tpu.memory_space<vmem>>, %arg3: memref<1x64xf32, #tpu.memory_space<vmem>>, %arg4: memref<64x64xf32, #tpu.memory_space<vmem>>, %arg5: memref<10240x64xf32, #tpu.memory_space<vmem>>) attributes {dimension_semantics = [], scalar_prefetch = 0 : i64, scratch_operands = 0 : i64, tpu.core_type = #tpu.core_type<tc>} {
    %get3A = arith.constant 0 : index
    %get3A_0 = arith.constant 0 : index
    %get3A_1 = vector.load %arg2[%get3A, %get3A_0] : memref<10240x1xf32, #tpu.memory_space<vmem>>, vector<10240x1xf32>
    %get3A_2 = arith.constant 0 : index
    %get3A_3 = arith.constant 0 : index
    %get3A_4 = arith.constant 0 : index
    %get3A_5 = vector.load %arg0[%get3A_2, %get3A_3, %get3A_4] : memref<2x10240x64xf32, #tpu.memory_space<vmem>>, vector<1x10240x64xf32>
    %get3A_6 = vector.shape_cast %get3A_5 : vector<1x10240x64xf32> to vector<10240x64xf32>
    %get3A_7 = arith.constant 1 : index
    %get3A_8 = arith.constant 0 : index
    %get3A_9 = arith.constant 0 : index
    %get3A_10 = vector.load %arg0[%get3A_7, %get3A_8, %get3A_9] : memref<2x10240x64xf32, #tpu.memory_space<vmem>>, vector<1x10240x64xf32>
    %get3A_11 = vector.shape_cast %get3A_10 : vector<1x10240x64xf32> to vector<10240x64xf32>
    %add3A = arith.addf %get3A_6, %get3A_11 : vector<10240x64xf32>
    %get3A_12 = arith.constant 0 : index
    %get3A_13 = arith.constant 0 : index
    %get3A_14 = vector.load %arg1[%get3A_12, %get3A_13] : memref<10240x64xf32, #tpu.memory_space<vmem>>, vector<10240x64xf32>
    %sub3A = arith.subf %add3A, %get3A_14 : vector<10240x64xf32>
    %mul3A = vector.broadcast %get3A_1 : vector<10240x1xf32> to vector<10240x64xf32>
    %mul3A_15 = arith.mulf %mul3A, %sub3A : vector<10240x64xf32>
    %get3A_16 = arith.constant 0 : index
    %get3A_17 = arith.constant 0 : index
    %get3A_18 = vector.load %arg3[%get3A_16, %get3A_17] : memref<1x64xf32, #tpu.memory_space<vmem>>, vector<1x64xf32>
    %add3A_19 = vector.broadcast %get3A_18 : vector<1x64xf32> to vector<10240x64xf32>
    %add3A_20 = arith.addf %mul3A_15, %add3A_19 : vector<10240x64xf32>
    %max3A = arith.constant 0.000000e+00 : f32
    %max3A_21 = vector.broadcast %max3A : f32 to vector<10240x64xf32>
    %max3A_22 = arith.maximumf %add3A_20, %max3A_21 : vector<10240x64xf32>
    %get3A_23 = arith.constant 0 : index
    %get3A_24 = arith.constant 0 : index
    %get3A_25 = vector.load %arg4[%get3A_23, %get3A_24] : memref<64x64xf32, #tpu.memory_space<vmem>>, vector<64x64xf32>
    %dot_general3A = arith.constant dense<0.000000e+00> : vector<10240x64xf32>
    %dot_general3A_26 = tpu.matmul %max3A_22, %get3A_25, %dot_general3A {dimension_numbers = #tpu.dot_dimension_numbers<[1], [0], [0], [1], [0, 0, 1, 1], [], []>, transpose_lhs_hint = false} : vector<10240x64xf32>, vector<64x64xf32>, vector<10240x64xf32> -> vector<10240x64xf32>
    %mul3A_27 = vector.broadcast %get3A_1 : vector<10240x1xf32> to vector<10240x64xf32>
    %mul3A_28 = arith.mulf %mul3A_27, %dot_general3A_26 : vector<10240x64xf32>
    %swap3A = arith.constant 0 : index
    %swap3A_29 = arith.constant 0 : index
    %swap3A_30 = vector.load %arg5[%swap3A, %swap3A_29] : memref<10240x64xf32, #tpu.memory_space<vmem>>, vector<10240x64xf32>
    tpu.vector_store %arg5[%swap3A, %swap3A_29], %mul3A_28 {strides = array<i32>} : memref<10240x64xf32, #tpu.memory_space<vmem>>, vector<10240x64xf32>,
    return
  }
}

module attributes {stable_mosaic.version = 14 : i64} {
  func.func @_comb_body(%arg0: memref<2x10240x64xf32, #tpu.memory_space<vmem>>, %arg1: memref<10240x64xf32, #tpu.memory_space<vmem>>, %arg2: memref<10240x1xf32, #tpu.memory_space<vmem>>, %arg3: memref<1x64xf32, #tpu.memory_space<vmem>>, %arg4: memref<64x32xf32, #tpu.memory_space<vmem>>, %arg5: memref<10240x32xf32, #tpu.memory_space<vmem>>) attributes {dimension_semantics = [], scalar_prefetch = 0 : i64, scratch_operands = 0 : i64, tpu.core_type = #tpu.core_type<tc>} {
    %get3A = arith.constant 0 : index
    %get3A_0 = arith.constant 0 : index
    %get3A_1 = vector.load %arg2[%get3A, %get3A_0] : memref<10240x1xf32, #tpu.memory_space<vmem>>, vector<10240x1xf32>
    %get3A_2 = arith.constant 0 : index
    %get3A_3 = arith.constant 0 : index
    %get3A_4 = arith.constant 0 : index
    %get3A_5 = vector.load %arg0[%get3A_2, %get3A_3, %get3A_4] : memref<2x10240x64xf32, #tpu.memory_space<vmem>>, vector<1x10240x64xf32>
    %get3A_6 = vector.shape_cast %get3A_5 : vector<1x10240x64xf32> to vector<10240x64xf32>
    %get3A_7 = arith.constant 1 : index
    %get3A_8 = arith.constant 0 : index
    %get3A_9 = arith.constant 0 : index
    %get3A_10 = vector.load %arg0[%get3A_7, %get3A_8, %get3A_9] : memref<2x10240x64xf32, #tpu.memory_space<vmem>>, vector<1x10240x64xf32>
    %get3A_11 = vector.shape_cast %get3A_10 : vector<1x10240x64xf32> to vector<10240x64xf32>
    %add3A = arith.addf %get3A_6, %get3A_11 : vector<10240x64xf32>
    %get3A_12 = arith.constant 0 : index
    %get3A_13 = arith.constant 0 : index
    %get3A_14 = vector.load %arg1[%get3A_12, %get3A_13] : memref<10240x64xf32, #tpu.memory_space<vmem>>, vector<10240x64xf32>
    %sub3A = arith.subf %add3A, %get3A_14 : vector<10240x64xf32>
    %mul3A = vector.broadcast %get3A_1 : vector<10240x1xf32> to vector<10240x64xf32>
    %mul3A_15 = arith.mulf %mul3A, %sub3A : vector<10240x64xf32>
    %get3A_16 = arith.constant 0 : index
    %get3A_17 = arith.constant 0 : index
    %get3A_18 = vector.load %arg3[%get3A_16, %get3A_17] : memref<1x64xf32, #tpu.memory_space<vmem>>, vector<1x64xf32>
    %add3A_19 = vector.broadcast %get3A_18 : vector<1x64xf32> to vector<10240x64xf32>
    %add3A_20 = arith.addf %mul3A_15, %add3A_19 : vector<10240x64xf32>
    %max3A = arith.constant 0.000000e+00 : f32
    %max3A_21 = vector.broadcast %max3A : f32 to vector<10240x64xf32>
    %max3A_22 = arith.maximumf %add3A_20, %max3A_21 : vector<10240x64xf32>
    %get3A_23 = arith.constant 0 : index
    %get3A_24 = arith.constant 0 : index
    %get3A_25 = vector.load %arg4[%get3A_23, %get3A_24] : memref<64x32xf32, #tpu.memory_space<vmem>>, vector<64x32xf32>
    %dot_general3A = arith.constant dense<0.000000e+00> : vector<10240x32xf32>
    %dot_general3A_26 = tpu.matmul %max3A_22, %get3A_25, %dot_general3A {dimension_numbers = #tpu.dot_dimension_numbers<[1], [0], [0], [1], [0, 0, 1, 1], [], []>, transpose_lhs_hint = false} : vector<10240x64xf32>, vector<64x32xf32>, vector<10240x32xf32> -> vector<10240x32xf32>
    %mul3A_27 = vector.broadcast %get3A_1 : vector<10240x1xf32> to vector<10240x32xf32>
    %mul3A_28 = arith.mulf %mul3A_27, %dot_general3A_26 : vector<10240x32xf32>
    %swap3A = arith.constant 0 : index
    %swap3A_29 = arith.constant 0 : index
    %swap3A_30 = vector.load %arg5[%swap3A, %swap3A_29] : memref<10240x32xf32, #tpu.memory_space<vmem>>, vector<10240x32xf32>
    tpu.vector_store %arg5[%swap3A, %swap3A_29], %mul3A_28 {strides = array<i32>} : memref<10240x32xf32, #tpu.memory_space<vmem>>, vector<10240x32xf32>,
    return
  }
}

module attributes {stable_mosaic.version = 14 : i64} {
  func.func @_final_body(%arg0: memref<2x10240x32xf32, #tpu.memory_space<vmem>>, %arg1: memref<10240x32xf32, #tpu.memory_space<vmem>>, %arg2: memref<10240x1xf32, #tpu.memory_space<vmem>>, %arg3: memref<1x32xf32, #tpu.memory_space<vmem>>, %arg4: memref<1x32xf32, #tpu.memory_space<vmem>>) attributes {dimension_semantics = [], scalar_prefetch = 0 : i64, scratch_operands = 0 : i64, tpu.core_type = #tpu.core_type<tc>} {
    %get3A = arith.constant 0 : index
    %get3A_0 = arith.constant 0 : index
    %get3A_1 = vector.load %arg2[%get3A, %get3A_0] : memref<10240x1xf32, #tpu.memory_space<vmem>>, vector<10240x1xf32>
    %get3A_2 = arith.constant 0 : index
    %get3A_3 = arith.constant 0 : index
    %get3A_4 = arith.constant 0 : index
    %get3A_5 = vector.load %arg0[%get3A_2, %get3A_3, %get3A_4] : memref<2x10240x32xf32, #tpu.memory_space<vmem>>, vector<1x10240x32xf32>
    %get3A_6 = vector.shape_cast %get3A_5 : vector<1x10240x32xf32> to vector<10240x32xf32>
    %get3A_7 = arith.constant 1 : index
    %get3A_8 = arith.constant 0 : index
    %get3A_9 = arith.constant 0 : index
    %get3A_10 = vector.load %arg0[%get3A_7, %get3A_8, %get3A_9] : memref<2x10240x32xf32, #tpu.memory_space<vmem>>, vector<1x10240x32xf32>
    %get3A_11 = vector.shape_cast %get3A_10 : vector<1x10240x32xf32> to vector<10240x32xf32>
    %add3A = arith.addf %get3A_6, %get3A_11 : vector<10240x32xf32>
    %get3A_12 = arith.constant 0 : index
    %get3A_13 = arith.constant 0 : index
    %get3A_14 = vector.load %arg1[%get3A_12, %get3A_13] : memref<10240x32xf32, #tpu.memory_space<vmem>>, vector<10240x32xf32>
    %sub3A = arith.subf %add3A, %get3A_14 : vector<10240x32xf32>
    %mul3A = vector.broadcast %get3A_1 : vector<10240x1xf32> to vector<10240x32xf32>
    %mul3A_15 = arith.mulf %mul3A, %sub3A : vector<10240x32xf32>
    %get3A_16 = arith.constant 0 : index
    %get3A_17 = arith.constant 0 : index
    %get3A_18 = vector.load %arg3[%get3A_16, %get3A_17] : memref<1x32xf32, #tpu.memory_space<vmem>>, vector<1x32xf32>
    %add3A_19 = vector.broadcast %get3A_18 : vector<1x32xf32> to vector<10240x32xf32>
    %add3A_20 = arith.addf %mul3A_15, %add3A_19 : vector<10240x32xf32>
    %max3A = arith.constant 0.000000e+00 : f32
    %max3A_21 = vector.broadcast %max3A : f32 to vector<10240x32xf32>
    %max3A_22 = arith.maximumf %add3A_20, %max3A_21 : vector<10240x32xf32>
    %slice3A = vector.extract_strided_slice %max3A_22 {offsets = [0, 0], sizes = [10000, 32], strides = [1, 1]} : vector<10240x32xf32> to vector<10000x32xf32>
    %reduce_sum3A = arith.constant dense<0.000000e+00> : vector<32xf32>
    %reduce_sum3A_23 = vector.multi_reduction <add>, %slice3A, %reduce_sum3A [0] : vector<10000x32xf32> to vector<32xf32>
    %broadcast_in_dim3A = vector.shape_cast %reduce_sum3A_23 : vector<32xf32> to vector<1x32xf32>
    %mul3A_24 = arith.constant 9.99999974E-5 : f32
    %mul3A_25 = vector.broadcast %mul3A_24 : f32 to vector<1x32xf32>
    %mul3A_26 = arith.mulf %broadcast_in_dim3A, %mul3A_25 : vector<1x32xf32>
    %swap3A = arith.constant 0 : index
    %swap3A_27 = arith.constant 0 : index
    %swap3A_28 = vector.load %arg4[%swap3A, %swap3A_27] : memref<1x32xf32, #tpu.memory_space<vmem>>, vector<1x32xf32>
    tpu.vector_store %arg4[%swap3A, %swap3A_27], %mul3A_26 {strides = array<i32>} : memref<1x32xf32, #tpu.memory_space<vmem>>, vector<1x32xf32>,
    return
  }
}

</mosaic_0001>

<sc_bundles>
// kernel: kernel.11.cloned.1.call-start
scs
__scs_entry_jumppad:
0x0: {  	(pc) =	sbr.rel $0x88, $3  }
0x1: {  	(tag) =	ssettag $0x0;
	lr =	simm.s32 $0x1  }
0x2: {  	[smem:$0x3F98] =	sst lr;
	_ =	strace $0xD0000000  }
0x3: {  	_ = 	snop  }
0x4: {  	_ = 	snop  }
0x5: {  	_ = 	snop  }
0x6: {  	_ = 	snop  }
0x7: {  	_ = 	snop  }
__scs_overlays_trampoline_lowered:
0x8: {  	[smem:$0x3FA7] =	sst s0  }
0x9: {  	[smem:$0x3FA8] =	sst s1  }
0xa: {  	[smem:$0x3FA9] =	sst s2  }
0xb: {  	[smem:$0x3FAA] =	sst s3  }
0xc: {  	[smem:$0x3FAB] =	sst s4  }
0xd: {  	[smem:$0x3FAC] =	sst s5  }
0xe: {  	[smem:$0x3FAD] =	sst s6  }
0xf: {  	[smem:$0x3FAE] =	sst s7  }
0x10: {  	[smem:$0x3FAF] =	sst s8  }
0x11: {  	[smem:$0x3FB0] =	sst s9;
	s0 =	simm.s32 @!p0 $0x0  }
0x12: {  	s1 =	sld [smem:$0x3F96];
	s0 =	simm.s32 @p0 $0x1  }
0x13: {  	[smem:$0x3FB1] =	sst s0;
	s0 =	simm.s32 @!p1 $0x0  }
0x14: {  	s2 =	sld [smem:$0x3F95];
	s0 =	simm.s32 @p1 $0x1  }
0x15: {  	[smem:$0x3FB2] =	sst s0;
	s0 =	simm.s32 @!p2 $0x0  }
0x16: {  	s3 =	sld [smem:$0x3FDB];
	s0 =	simm.s32 @p2 $0x1  }
0x17: {  	s4 =	simm.s32 $0x1BF5;
	[smem:$0x3FB4] =	sst s0  }
0x18: {  	s0 =	sld [smem:$0x3F97];
	_ =	swait.ge [sflag:s4], $0x0  }
0x19: {  	s7 =	sld [smem:$0x3F98]  }
0x1a: {  	s8 =	sadd.s32 $0xFFFFE003, lr  }
0x1b: {  	s9 =	sadd.s32 $0xFFFFFEF7, lr;
	s5 =	simm.s32 $0xFFFFFFFF;
	p2 =	slt.u32 s8, $0xFFFFF086  }
0x1c: {  	p1 =	slt.u32 s9, $0xF7A;
	s5 =	simm.s32 @!p2 $0x0  }
0x1d: {  	s5 =	simm.s32 @p1 $0x1;
	p0 =	seq.s32 s7, s2  }
0x1e: {  	s7 =	smul.u32 @!p0 $0xF7A, s2;
	p2 =	seq.s32 @!p0 s5, $0x0  }
0x1f: {  	s9 =	smul.u32 $0xF7A, s1;
	s8 =	simm.s32 @!p0 $0x1BF5;
	p2 =	por !p2, p0  }
0x20: {  	[sflag:s8] =	ssyncset.s32 @!p0 $0xFFFFF086;
	s6 =	sadd.s32 @!p0 s3, s7;
	s7 =	simm.s32 @!p0 $0x108  }
0x21: {  	s3 =	sadd.s32 s3, s9;
	s6 =	sadd.s32 @!p0 $0x88, s6;
	s7 =	simm.s32 @p2 $0x1082  }
0x22: {  	[simem:s7], [sflag:s8] =	dma.local @!p0 [hbm:s6], $0xF7A  }
0x23: {  	s9 =	sor.u32 $0xD0000000, s2;
	s6 =	simm.s32 $0x108;
	_ =	swait.ge @!p0 [sflag:s8], $0x0  }
0x24: {  	s3 =	sadd.s32 $0x88, s3;
	s6 =	simm.s32 @!p1 $0x1082;
	[sflag:s4] =	ssyncset.s32 $0xFFFFF086  }
0x25: {  	[simem:s6], [sflag:s4] =	dma.local [hbm:s3], $0xF7A  }
0x26: {  	[smem:$0x3F98] =	sst s1;
	(tag) =	ssettag s2;
	_ =	strace s9  }
0x27: {  	s1 =	sld [smem:$0x3FA8]  }
0x28: {  	s2 =	sld [smem:$0x3FA9]  }
0x29: {  	s4 =	sld [smem:$0x3FAB]  }
0x2a: {  	p0 =	seq.s32 s5, $0x0;
	s5 =	sld [smem:$0x3FAC]  }
0x2b: {  	s6 =	sld [smem:$0x3FAD]  }
0x2c: {  	s7 =	sld [smem:$0x3FAE]  }
0x2d: {  	s3 =	simm.s32 $0x108;
	s8 =	sld [smem:$0x3FAF]  }
0x2e: {  	s3 =	simm.s32 @!p0 $0x1082;
	s9 =	sld [smem:$0x3FB0]  }
0x2f: {  	lr =	sadd.s32 s0, s3;
	s0 =	sld [smem:$0x3FA7]  }
0x30: {  	s3 =	sld [smem:$0x3FAA]  }
0x31: {  	[smem:$0x3FB3] =	sst s10  }
0x32: {  	s10 =	sld [smem:$0x3FB1];
	_ =	sdelay $0x3  }
0x33: {  	p0 =	seq.s32 s10, $0x1;
	s10 =	sld [smem:$0x3FB3];
	_ =	sdelay $0x3  }
0x34: {  	[smem:$0x3FB3] =	sst s10  }
0x35: {  	s10 =	sld [smem:$0x3FB2];
	_ =	sdelay $0x3  }
0x36: {  	p1 =	seq.s32 s10, $0x1;
	s10 =	sld [smem:$0x3FB3];
	_ =	sdelay $0x3  }
0x37: {  	[smem:$0x3FB3] =	sst s10  }
0x38: {  	s10 =	sld [smem:$0x3FB4]  }
0x39: {  	_ = 	snop;
	(pc) =	sbr.ind lr, $3  }
0x3a: {  	_ = 	snop  }
0x3b: {  	_ = 	snop  }
0x3c: {  	p2 =	seq.s32 s10, $0x1;
	s10 =	sld [smem:$0x3FB3]  }
0x3d: {  	_ =	shalt  }
0x3e: {  	_ =	shalt  }
0x3f: {  	_ =	shalt  }
0x40: {  	_ =	shalt  }
0x41: {  	_ =	shalt  }
0x42: {  	_ =	shalt  }
0x43: {  	_ =	shalt  }
0x44: {  	_ =	shalt  }
0x45: {  	_ =	shalt  }
0x46: {  	_ =	shalt  }
0x47: {  	_ =	shalt  }
0x48: {  	_ =	shalt  }
0x49: {  	_ =	shalt  }
0x4a: {  	_ =	shalt  }
0x4b: {  	_ =	shalt  }
0x4c: {  	_ =	shalt  }
0x4d: {  	_ =	shalt  }
0x4e: {  	_ =	shalt  }
0x4f: {  	_ =	shalt  }
0x50: {  	_ =	shalt  }
0x51: {  	_ =	shalt  }
0x52: {  	_ =	shalt  }
0x53: {  	_ =	shalt  }
0x54: {  	_ =	shalt  }
0x55: {  	_ =	shalt  }
0x56: {  	_ =	shalt  }
0x57: {  	_ =	shalt  }
0x58: {  	_ =	shalt  }
0x59: {  	_ =	shalt  }
0x5a: {  	_ =	shalt  }
0x5b: {  	_ =	shalt  }
0x5c: {  	_ =	shalt  }
0x5d: {  	_ =	shalt  }
0x5e: {  	_ =	shalt  }
0x5f: {  	_ =	shalt  }
0x60: {  	_ =	shalt  }
0x61: {  	_ =	shalt  }
0x62: {  	_ =	shalt  }
0x63: {  	_ =	shalt  }
0x64: {  	_ =	shalt  }
0x65: {  	_ =	shalt  }
0x66: {  	_ =	shalt  }
0x67: {  	_ =	shalt  }
0x68: {  	_ =	shalt  }
0x69: {  	_ =	shalt  }
0x6a: {  	_ =	shalt  }
0x6b: {  	_ =	shalt  }
0x6c: {  	_ =	shalt  }
0x6d: {  	_ =	shalt  }
0x6e: {  	_ =	shalt  }
0x6f: {  	_ =	shalt  }
0x70: {  	_ =	shalt  }
0x71: {  	_ =	shalt  }
0x72: {  	_ =	shalt  }
0x73: {  	_ =	shalt  }
0x74: {  	_ =	shalt  }
0x75: {  	_ =	shalt  }
0x76: {  	_ =	shalt  }
0x77: {  	_ =	shalt  }
0x78: {  	_ =	shalt  }
0x79: {  	_ =	shalt  }
0x7a: {  	_ =	shalt  }
0x7b: {  	_ =	shalt  }
0x7c: {  	_ =	shalt  }
0x7d: {  	_ =	shalt  }
0x7e: {  	_ =	shalt  }
0x7f: {  	_ =	shalt  }
0x80: {  	_ =	shalt  }
0x81: {  	_ =	shalt  }
0x82: {  	_ =	shalt  }
0x83: {  	_ =	shalt  }
0x84: {  	_ =	shalt  }
0x85: {  	_ =	shalt  }
0x86: {  	_ =	shalt  }
0x87: {  	_ =	shalt  }
.Lfunc_end0:
.L_simem_size_0:
called_computation_lowered:
.L_overlay_start_0:
0x88: {  	s2 =	sld [smem:$0x3FD9]  }
0x89: {  	s3 =	sld [smem:$0x3FFE];
	_ =	sdelay $0x1  }
0x8a: {  	s1 =	srdreg.scid  }
0x8b: {  	s0 =	sand.u32 $0x1, s1  }
0x8c: {  	s16 =	sshll.u32 s0, $0xA;
	s2 =	sadd.s32 s3, s2  }
0x8d: {  	s2 =	sadd.s32 s2, s16  }
0x8e: {  	[smem:$0x3FBF] =	sst s2  }
0x8f: {  	_ = 	snop  }
0x90: {  	(tm) =	ssettm $0x1  }
0x91: {  	s17 =	sld [smem:$0x3FFB];
	_ =	sdelay $0x3  }
0x92: {  	_ =	strace s17  }
0x93: {  	s2 =	sld [smem:$0x3FFC];
	_ =	sdelay $0x3  }
0x94: {  	_ =	strace s2  }
0x95: {  	s2 =	sld [smem:$0x3FFD];
	_ =	sdelay $0x3  }
0x96: {  	_ =	strace s2  }
0x97: {  	_ =	strace $0x8FFFFFFF  }
0x98: {  	s18 =	sld [smem:$0x3FDB];
	_ =	sdelay $0x1  }
0x99: {  	s19 =	simm.s32 $_scs_section_size  }
0x9a: {  	s4 =	simm.s32 $_size__tile_overlayer_lowered;
	s5 =	simm.s32 $_tile_overlayer_lowered  }
0x9b: {  	s22 =	simm.s32 $0x1BFF;
	s21 =	sshll.u32 s5, $0x1;
	s2 =	sadd.s32 s19, s18  }
0x9c: {  	s6 =	simm.s32 $0x0;
	s20 =	sshll.u32 s4, $0x1;
	s4 =	sadd.s32 s21, s2  }
0x9d: {  	[timem:s6], [sflag:s22] =	dma.local [hbm:s4], s20  }
0x9e: {  	_ =	swait.ge [sflag:s22], s20  }
0x9f: {  	s3 =	ssub.s32 $0x0, s20;
	[sflag:s22] =	ssyncset.done $0x0  }
0xa0: {  	[sflag:s22] =	ssyncadd.s32 s3;
	_ =	sdelay $0x1  }
0xa1: {  	s23 =	simm.s32 $0x1B8B  }
0xa2: {  	_ =	swait.ge [sflag:s23], $0x1  }
0xa3: {  	[sflag:s23] =	ssyncset.done $0x0  }
0xa4: {  	s25 =	simm.s32 $0x1B8E;
	s24 =	sld [smem:$0x3FFE];
	[sflag:s23] =	ssyncadd.s32 $0xFFFFFFFF  }
0xa5: {  	s26 =	simm.s32 $execute0_lowered;
	[smem:$0x3FD2] =	sst s25  }
0xa6: {  	s4 =	sshll.u32 s26, $0x1;
	_ =	strace $0x80000046;
	[dreg:$0x1] =	wrdreg $0xFFFFFFFF  }
0xa7: {  	s28 =	simm.s32 $_size_execute0_lowered;
	s2 =	sadd.s32 s2, s4;
	[dreg:$0x0] =	wrdreg $0x0  }
0xa8: {  	s4 =	sshll.u32 s28, $0x1;
	[dreg:$0x2] =	wrdreg s2  }
0xa9: {  	[dreg:$0x3] =	wrdreg s4  }
0xaa: {  	[dreg:$0x4] =	wrdreg $0xC0  }
0xab: {  	_ =	task [dreg:s6], $0x5FFFF  }
0xac: {  	[dreg:$0x1] =	wrdreg $0xFFFFFFFF  }
0xad: {  	[dreg:$0x0] =	wrdreg $0x60  }
0xae: {  	[dreg:$0x2] =	wrdreg s24  }
0xaf: {  	[dreg:$0x3] =	wrdreg $0x58000  }
0xb0: {  	[dreg:$0x4] =	wrdreg $0x9  }
0xb1: {  	_ =	task.clear_ibuf [dreg:s6], $0x5FFFF;
	_ =	strace $0x90000046  }
0xb2: {  	s29 =	simm.s32 $0x9;
	_ =	strace $0x80000048  }
0xb3: {  	_ =	swait.ge [sflag:s29], $0x1  }
0xb4: {  	[sflag:s29] =	ssyncadd.s32 $0xFFFFFFFF  }
0xb5: {  	_ =	strace $0x90000048  }
0xb6: {  	_ =	sfence  }
0xb7: {  	s30 =	sld [smem:$0x0];
	_ =	sdelay $0x2  }
0xb8: {  	s31 =	sshll.u32 s1, $0xD;
	s1 =	sshrl.u32 s1, $0x2  }
0xb9: {  	s3 =	sand.u32 $0x4000, s31;
	s1 =	sadd.s32 s1, s30  }
0xba: {  	s0 =	sor.u32 s3, s0;
	s1 =	sshll.u32 s1, $0x11  }
0xbb: {  	s0 =	sor.u32 s1, s0  }
0xbc: {  	s0 =	sadd.s32 $0x8F2B, s0  }
0xbd: {  	[sflag:s0] =	ssyncadd.remote.s32 $0x1  }
0xbe: {  	_ =	sfence.sel $0xFFFF  }
0xbf: {  	[dreg:$0x0] =	wrdreg $0xFFFFFFFF;
	(pc) =	sbr.abs _section_cstart, $3  }
0xc0: {  	[dreg:$0x1] =	wrdreg $0xFFFFFFFF  }
0xc1: {  	_ =	task.clear_ibuf [dreg:s6], $0x2FFFF;
	_ =	strace $0x9FFFFFFF  }
0xc2: {  	(tm) =	ssettm $0x7FFFFFFF  }
0xc3: {  	_ =	shalt  }
tec
execute0_lowered:
.L_overlay_start_1:
0x0: {  	(tag) =	ssettag $0x1  }
0x1: {  	s1 =	srdreg.scid;
	s5 =	rddreg [dreg:$0x0]  }
0x2: {  	s0 =	stileid.u32;
	s2 =	rddreg [dreg:$0x1];
	s3 =	simm.s32 $0x0  }
0x3: {  	s11 =	simm.s32 $0x80;
	s12 =	simm.s32 $0x5000;
	s13 =	simm.s32 $0x0  }
0x4: {  	s4 =	sand.u32 $0x1, s1;
	s6 =	smul.u32 $0x2800, s0;
	s1 =	rddreg [dreg:$0x2]  }
0x5: {  	[smem:$0x7FF] =	sst s3;
	s7 =	sshll.u32 s4, $0x4;
	s8 =	smul.u32 $0x28000, s4  }
0x6: {  	_ =	strace $0x80000047;
	s4 =	ssub.s32 $0x2, s4;
	s9 =	sor.u32 s0, s7  }
0x7: {  	s10 =	sshrl.u32 s4, $0x1;
	s7 =	smul.u32 $0x500, s9;
	s8 =	sadd.s32 s6, s8  }
0x8: {  	s10 =	ssub.s32 s4, s10;
	s6 =	sadd.s32 s6, s2;
	p0 =	seq.s32 s9, $0x1F  }
0x9: {  	s9 =	simm.s32 $0x2800;
	s8 =	sshrl.u32 s8, $0x3;
	s7 =	sadd.s32 s7, s5  }
0xa: {  	s8 =	sadd.s32 s8, s5;
	s5 =	sadd.s32 $0xBB00, s5;
	s4 =	sadd.s32 $0x2000, s7  }
0xb: {  	v0 =	vimm.f32 $1.000000000e+00;
	s7 =	sadd.s32 $0x15C00, s8;
	s8 =	smax.u32 s10, $0x1;
	s10 =	simm.s32 $0x1  }
.LBB2_1:
0xc: {  	s14 =	simm.s32 @p0 $0x0  }
0xd: {  	[tilespmem:s14], [sflag:$0x1] =	stream.linear.gather @p0 [hbm4b:s5+s14], $0xA00, $0x38;
	[tilespmem:$0x8000] =	vst v63  }
0xe: {  	s14 =	simm.s32 @p0 $0x1  }
0xf: {  	_ =	swait.ge @p0 [sflag:s14], $0xA00  }
0x10: {  	[sflag:s14] =	ssyncset.done @p0 $0x0  }
0x11: {  	s15 =	simm.s32 @!p0 $0x1;
	[sflag:s14] =	ssyncadd.s32 @p0 $0xFFFFF600;
	s14 =	simm.s32 @!p0 $0x0  }
0x12: {  	[tilespmem:s14], [sflag:$0x1] =	stream.linear.gather @!p0 [hbm4b:s4+s14], $0x2800, $0x38;
	[tilespmem:$0x8000] =	vst v63  }
0x13: {  	_ =	swait.ge @!p0 [sflag:s15], $0x2800  }
0x14: {  	s14 =	simm.s32 @!p0 $0x50;
	[sflag:s15] =	ssyncset.done @!p0 $0x0  }
0x15: {  	s14 =	simm.s32 @p0 $0x14;
	[sflag:s15] =	ssyncadd.s32 @!p0 $0xFFFFD800;
	s15 =	simm.s32 $0x0  }
.LBB2_2:
0x16: {  	p1 =	sne.s32 s15, $0x9FC0  }
.Ltmp0:
0x17: {  	_ = 	snop;
	(pc) =	sbr.rel @p1 .LBB2_2-.Ltmp0, $3  }
0x18: {  	_ =	sdelay $0x1  }
0x19: {  	s16 =	sshra.s32 s15, $0x2  }
0x1a: {  	s15 =	sadd.s32 $0x40, s15;
	[tilespmem:s16+$0x2800] =	vst v0  }
0x1b: {  	s15 =	simm.s32 $0x40;
	s16 =	simm.s32 $0x0  }
.LBB2_4:
0x1c: {  	p1 =	sne.s32 s15, $0x1FC0;
	[tilespmem:s16+$0x5000] =	vst v0;
	s16 =	smov.u32 s15;
	s15 =	sadd.s32 $0x40, s15  }
.Ltmp1:
0x1d: {  	(pc) =	sbr.rel @p1 .LBB2_4-.Ltmp1, $2  }
0x1e: {  	_ =	sdelay $0x2  }
0x1f: {  	s16 =	sshra.s32 s16, $0x2  }
0x20: {  	[tilespmem:s16+$0x5000] =	vst v0  }
0x21: {  	[spmem:s6] =	stream.linear.scatter [tilespmem:s9], [sflag:$0x1], $0x2800, $0x38;
	[tilespmem:$0x8000] =	vst v63  }
0x22: {  	_ =	swait.ge [sflag:s10], $0x2800  }
0x23: {  	p1 =	sne.s32 s14, $0x1;
	[sflag:s10] =	ssyncset.done $0x0  }
.Ltmp2:
0x24: {  	[sflag:s10] =	ssyncadd.s32 $0xFFFFD800;
	(pc) =	sbr.rel @!p1 .LBB2_7-.Ltmp2, $4  }
0x25: {  	s15 =	simm.s32 $0x0;
	[bflag:$0x0] =	sbarrier.arrive $0xFFFF  }
0x26: {  	[spmem:s2] =	stream.indirect.scatter.add.f32 [tilespmem:s12], [sflag:$0x1], $0x10, s15, s11, $0xb8;
	[tilespmem:$0x8000] =	vst v63  }
0x27: {  	_ =	swait.ge [sflag:s10], $0x800  }
0x28: {  	s14 =	sadd.s32 $0xFFFFFFFF, s14;
	[sflag:s10] =	ssyncset.done $0x0  }
.LBB2_6:
0x29: {  	p1 =	sne.s32 s14, $0x1;
	[sflag:s10] =	ssyncadd.s32 $0xFFFFF800;
	s15 =	sadd.s32 $0x80, s15  }
.Ltmp3:
0x2a: {  	s14 =	sadd.s32 $0xFFFFFFFF, s14;
	(pc) =	sbr.rel @p1 .LBB2_6-.Ltmp3, $4  }
0x2b: {  	_ = 	snop  }
0x2c: {  	[spmem:s2] =	stream.indirect.scatter.add.f32 [tilespmem:s12], [sflag:$0x1], $0x10, s15, s11, $0xb8;
	[tilespmem:$0x8000] =	vst v63  }
0x2d: {  	_ =	swait.ge [sflag:s10], $0x800  }
0x2e: {  	[sflag:s10] =	ssyncset.done $0x0  }
.LBB2_7:
0x2f: {  	[sflag:s10] =	ssyncadd.s32 $0xFFFFF800  }
0x30: {  	[bflag:$0x0] =	sbarrier.arrive $0xFFFF  }
0x31: {  	[tilespmem:s9], [sflag:$0x1] =	stream.linear.gather [spmem:s6], $0x2800, $0x38;
	[tilespmem:$0x8000] =	vst v63  }
0x32: {  	s13 =	sadd.s32 $0x1, s13;
	_ =	swait.ge [sflag:s10], $0x2800  }
0x33: {  	p1 =	sne.s32 s13, s8;
	[sflag:s10] =	ssyncset.done $0x0  }
.Ltmp4:
0x34: {  	[sflag:s10] =	ssyncadd.s32 $0xFFFFD800;
	(pc) =	sbr.rel @p1 .LBB2_1-.Ltmp4, $4  }
0x35: {  	[hbm4b:s7+s3] =	stream.linear.scatter [tilespmem:s9], [sflag:$0x1], $0x2800, $0x38;
	[tilespmem:$0x8000] =	vst v63  }
0x36: {  	_ =	swait.ge [sflag:s10], $0x2800  }
0x37: {  	[sflag:s10] =	ssyncset.done $0x0  }
0x38: {  	[sflag:s10] =	ssyncadd.s32 $0xFFFFD800  }
0x39: {  	_ =	sfence.sel $0x180000  }
0x3a: {  	[bflag:$0x0] =	sbarrier.arrive $0xFFFF  }
0x3b: {  	p0 =	sne.s32 s0, $0x0;
	_ =	strace $0x90000047  }
0x3c: {  	s0 =	sadd.s32 @!p0 $0x100000, s1;
	[bflag:$0x2] =	sbarrier.arrive $0xFFFF  }
0x3d: {  	[sflag:s0] =	ssyncadd.tile.s32 @!p0 $0x1;
	_ =	shalt  }
.Lfunc_end2:
_tile_overlayer_lowered:
.L_overlay_start_2:
0x3e: {  	(tag) =	ssettag $0x2  }
0x3f: {  	s0 =	rddreg [dreg:$0x0];
	s2 =	stileid.u32  }
0x40: {  	s1 =	rddreg [dreg:$0x1];
	p0 =	sne.s32 s2, $0x0  }
0x41: {  	s3 =	rddreg [dreg:$0x2];
	[bflag:$0x3] =	sbarrier.arrive $0xFFFF;
	s2 =	simm.s32 @!p0 $0x1C01  }
0x42: {  	[timem:s3], [sflag:s2] =	dma.local @!p0 [hbm:s0], s1  }
0x43: {  	s0 =	simm.s32 @!p0 $0x1  }
0x44: {  	_ =	swait.ge @!p0 [sflag:s0], s1  }
0x45: {  	s1 =	ssub.s32 @!p0 $0x0, s1;
	[sflag:s0] =	ssyncset.done @!p0 $0x0  }
0x46: {  	[sflag:s0] =	ssyncadd.s32 @!p0 s1  }
0x47: {  	[bflag:$0x3] =	sbarrier.arrive $0xFFFF  }
0x48: {  	_ =	shalt  }

// kernel: kernel.14.cloned.1.call-start
scs
__scs_entry_jumppad:
0x0: {  	(pc) =	sbr.rel $0x88, $3  }
0x1: {  	(tag) =	ssettag $0x0;
	lr =	simm.s32 $0x1  }
0x2: {  	[smem:$0x3F98] =	sst lr;
	_ =	strace $0xD0000000  }
0x3: {  	_ = 	snop  }
0x4: {  	_ = 	snop  }
0x5: {  	_ = 	snop  }
0x6: {  	_ = 	snop  }
0x7: {  	_ = 	snop  }
__scs_overlays_trampoline_lowered:
0x8: {  	[smem:$0x3FA7] =	sst s0  }
0x9: {  	[smem:$0x3FA8] =	sst s1  }
0xa: {  	[smem:$0x3FA9] =	sst s2  }
0xb: {  	[smem:$0x3FAA] =	sst s3  }
0xc: {  	[smem:$0x3FAB] =	sst s4  }
0xd: {  	[smem:$0x3FAC] =	sst s5  }
0xe: {  	[smem:$0x3FAD] =	sst s6  }
0xf: {  	[smem:$0x3FAE] =	sst s7  }
0x10: {  	[smem:$0x3FAF] =	sst s8  }
0x11: {  	[smem:$0x3FB0] =	sst s9;
	s0 =	simm.s32 @!p0 $0x0  }
0x12: {  	s1 =	sld [smem:$0x3F96];
	s0 =	simm.s32 @p0 $0x1  }
0x13: {  	[smem:$0x3FB1] =	sst s0;
	s0 =	simm.s32 @!p1 $0x0  }
0x14: {  	s2 =	sld [smem:$0x3F95];
	s0 =	simm.s32 @p1 $0x1  }
0x15: {  	[smem:$0x3FB2] =	sst s0;
	s0 =	simm.s32 @!p2 $0x0  }
0x16: {  	s3 =	sld [smem:$0x3FDB];
	s0 =	simm.s32 @p2 $0x1  }
0x17: {  	s4 =	simm.s32 $0x1BF5;
	[smem:$0x3FB4] =	sst s0  }
0x18: {  	s0 =	sld [smem:$0x3F97];
	_ =	swait.ge [sflag:s4], $0x0  }
0x19: {  	s7 =	sld [smem:$0x3F98]  }
0x1a: {  	s8 =	sadd.s32 $0xFFFFE003, lr  }
0x1b: {  	s9 =	sadd.s32 $0xFFFFFEF7, lr;
	s5 =	simm.s32 $0xFFFFFFFF;
	p2 =	slt.u32 s8, $0xFFFFF086  }
0x1c: {  	p1 =	slt.u32 s9, $0xF7A;
	s5 =	simm.s32 @!p2 $0x0  }
0x1d: {  	s5 =	simm.s32 @p1 $0x1;
	p0 =	seq.s32 s7, s2  }
0x1e: {  	s7 =	smul.u32 @!p0 $0xF7A, s2;
	p2 =	seq.s32 @!p0 s5, $0x0  }
0x1f: {  	s9 =	smul.u32 $0xF7A, s1;
	s8 =	simm.s32 @!p0 $0x1BF5;
	p2 =	por !p2, p0  }
0x20: {  	[sflag:s8] =	ssyncset.s32 @!p0 $0xFFFFF086;
	s6 =	sadd.s32 @!p0 s3, s7;
	s7 =	simm.s32 @!p0 $0x108  }
0x21: {  	s3 =	sadd.s32 s3, s9;
	s6 =	sadd.s32 @!p0 $0x88, s6;
	s7 =	simm.s32 @p2 $0x1082  }
0x22: {  	[simem:s7], [sflag:s8] =	dma.local @!p0 [hbm:s6], $0xF7A  }
0x23: {  	s9 =	sor.u32 $0xD0000000, s2;
	s6 =	simm.s32 $0x108;
	_ =	swait.ge @!p0 [sflag:s8], $0x0  }
0x24: {  	s3 =	sadd.s32 $0x88, s3;
	s6 =	simm.s32 @!p1 $0x1082;
	[sflag:s4] =	ssyncset.s32 $0xFFFFF086  }
0x25: {  	[simem:s6], [sflag:s4] =	dma.local [hbm:s3], $0xF7A  }
0x26: {  	[smem:$0x3F98] =	sst s1;
	(tag) =	ssettag s2;
	_ =	strace s9  }
0x27: {  	s1 =	sld [smem:$0x3FA8]  }
0x28: {  	s2 =	sld [smem:$0x3FA9]  }
0x29: {  	s4 =	sld [smem:$0x3FAB]  }
0x2a: {  	p0 =	seq.s32 s5, $0x0;
	s5 =	sld [smem:$0x3FAC]  }
0x2b: {  	s6 =	sld [smem:$0x3FAD]  }
0x2c: {  	s7 =	sld [smem:$0x3FAE]  }
0x2d: {  	s3 =	simm.s32 $0x108;
	s8 =	sld [smem:$0x3FAF]  }
0x2e: {  	s3 =	simm.s32 @!p0 $0x1082;
	s9 =	sld [smem:$0x3FB0]  }
0x2f: {  	lr =	sadd.s32 s0, s3;
	s0 =	sld [smem:$0x3FA7]  }
0x30: {  	s3 =	sld [smem:$0x3FAA]  }
0x31: {  	[smem:$0x3FB3] =	sst s10  }
0x32: {  	s10 =	sld [smem:$0x3FB1];
	_ =	sdelay $0x3  }
0x33: {  	p0 =	seq.s32 s10, $0x1;
	s10 =	sld [smem:$0x3FB3];
	_ =	sdelay $0x3  }
0x34: {  	[smem:$0x3FB3] =	sst s10  }
0x35: {  	s10 =	sld [smem:$0x3FB2];
	_ =	sdelay $0x3  }
0x36: {  	p1 =	seq.s32 s10, $0x1;
	s10 =	sld [smem:$0x3FB3];
	_ =	sdelay $0x3  }
0x37: {  	[smem:$0x3FB3] =	sst s10  }
0x38: {  	s10 =	sld [smem:$0x3FB4]  }
0x39: {  	_ = 	snop;
	(pc) =	sbr.ind lr, $3  }
0x3a: {  	_ = 	snop  }
0x3b: {  	_ = 	snop  }
0x3c: {  	p2 =	seq.s32 s10, $0x1;
	s10 =	sld [smem:$0x3FB3]  }
0x3d: {  	_ =	shalt  }
0x3e: {  	_ =	shalt  }
0x3f: {  	_ =	shalt  }
0x40: {  	_ =	shalt  }
0x41: {  	_ =	shalt  }
0x42: {  	_ =	shalt  }
0x43: {  	_ =	shalt  }
0x44: {  	_ =	shalt  }
0x45: {  	_ =	shalt  }
0x46: {  	_ =	shalt  }
0x47: {  	_ =	shalt  }
0x48: {  	_ =	shalt  }
0x49: {  	_ =	shalt  }
0x4a: {  	_ =	shalt  }
0x4b: {  	_ =	shalt  }
0x4c: {  	_ =	shalt  }
0x4d: {  	_ =	shalt  }
0x4e: {  	_ =	shalt  }
0x4f: {  	_ =	shalt  }
0x50: {  	_ =	shalt  }
0x51: {  	_ =	shalt  }
0x52: {  	_ =	shalt  }
0x53: {  	_ =	shalt  }
0x54: {  	_ =	shalt  }
0x55: {  	_ =	shalt  }
0x56: {  	_ =	shalt  }
0x57: {  	_ =	shalt  }
0x58: {  	_ =	shalt  }
0x59: {  	_ =	shalt  }
0x5a: {  	_ =	shalt  }
0x5b: {  	_ =	shalt  }
0x5c: {  	_ =	shalt  }
0x5d: {  	_ =	shalt  }
0x5e: {  	_ =	shalt  }
0x5f: {  	_ =	shalt  }
0x60: {  	_ =	shalt  }
0x61: {  	_ =	shalt  }
0x62: {  	_ =	shalt  }
0x63: {  	_ =	shalt  }
0x64: {  	_ =	shalt  }
0x65: {  	_ =	shalt  }
0x66: {  	_ =	shalt  }
0x67: {  	_ =	shalt  }
0x68: {  	_ =	shalt  }
0x69: {  	_ =	shalt  }
0x6a: {  	_ =	shalt  }
0x6b: {  	_ =	shalt  }
0x6c: {  	_ =	shalt  }
0x6d: {  	_ =	shalt  }
0x6e: {  	_ =	shalt  }
0x6f: {  	_ =	shalt  }
0x70: {  	_ =	shalt  }
0x71: {  	_ =	shalt  }
0x72: {  	_ =	shalt  }
0x73: {  	_ =	shalt  }
0x74: {  	_ =	shalt  }
0x75: {  	_ =	shalt  }
0x76: {  	_ =	shalt  }
0x77: {  	_ =	shalt  }
0x78: {  	_ =	shalt  }
0x79: {  	_ =	shalt  }
0x7a: {  	_ =	shalt  }
0x7b: {  	_ =	shalt  }
0x7c: {  	_ =	shalt  }
0x7d: {  	_ =	shalt  }
0x7e: {  	_ =	shalt  }
0x7f: {  	_ =	shalt  }
0x80: {  	_ =	shalt  }
0x81: {  	_ =	shalt  }
0x82: {  	_ =	shalt  }
0x83: {  	_ =	shalt  }
0x84: {  	_ =	shalt  }
0x85: {  	_ =	shalt  }
0x86: {  	_ =	shalt  }
0x87: {  	_ =	shalt  }
.Lfunc_end0:
.L_simem_size_0:
called_computation.1_lowered:
.L_overlay_start_0:
0x88: {  	s2 =	sld [smem:$0x3FD9]  }
0x89: {  	s3 =	sld [smem:$0x3FFE];
	_ =	sdelay $0x1  }
0x8a: {  	s1 =	srdreg.scid  }
0x8b: {  	s0 =	sand.u32 $0x1, s1  }
0x8c: {  	s16 =	sshll.u32 s0, $0xA;
	s2 =	sadd.s32 s3, s2  }
0x8d: {  	s2 =	sadd.s32 s2, s16  }
0x8e: {  	[smem:$0x3FBF] =	sst s2  }
0x8f: {  	_ = 	snop  }
0x90: {  	(tm) =	ssettm $0x1  }
0x91: {  	s17 =	sld [smem:$0x3FFB];
	_ =	sdelay $0x3  }
0x92: {  	_ =	strace s17  }
0x93: {  	s2 =	sld [smem:$0x3FFC];
	_ =	sdelay $0x3  }
0x94: {  	_ =	strace s2  }
0x95: {  	s2 =	sld [smem:$0x3FFD];
	_ =	sdelay $0x3  }
0x96: {  	_ =	strace s2  }
0x97: {  	_ =	strace $0x8FFFFFFF  }
0x98: {  	s18 =	sld [smem:$0x3FDB];
	_ =	sdelay $0x1  }
0x99: {  	s19 =	simm.s32 $_scs_section_size  }
0x9a: {  	s4 =	simm.s32 $_size__tile_overlayer_lowered;
	s5 =	simm.s32 $_tile_overlayer_lowered  }
0x9b: {  	s22 =	simm.s32 $0x1BFF;
	s21 =	sshll.u32 s5, $0x1;
	s2 =	sadd.s32 s19, s18  }
0x9c: {  	s6 =	simm.s32 $0x0;
	s20 =	sshll.u32 s4, $0x1;
	s4 =	sadd.s32 s21, s2  }
0x9d: {  	[timem:s6], [sflag:s22] =	dma.local [hbm:s4], s20  }
0x9e: {  	_ =	swait.ge [sflag:s22], s20  }
0x9f: {  	s3 =	ssub.s32 $0x0, s20;
	[sflag:s22] =	ssyncset.done $0x0  }
0xa0: {  	[sflag:s22] =	ssyncadd.s32 s3;
	_ =	sdelay $0x1  }
0xa1: {  	s23 =	simm.s32 $0x1B8B  }
0xa2: {  	_ =	swait.ge [sflag:s23], $0x1  }
0xa3: {  	[sflag:s23] =	ssyncset.done $0x0  }
0xa4: {  	s25 =	simm.s32 $0x1B8E;
	s24 =	sld [smem:$0x3FFE];
	[sflag:s23] =	ssyncadd.s32 $0xFFFFFFFF  }
0xa5: {  	s26 =	simm.s32 $execute0_lowered;
	[smem:$0x3FD2] =	sst s25  }
0xa6: {  	s4 =	sshll.u32 s26, $0x1;
	_ =	strace $0x80000049;
	[dreg:$0x1] =	wrdreg $0xFFFFFFFF  }
0xa7: {  	s28 =	simm.s32 $_size_execute0_lowered;
	s2 =	sadd.s32 s2, s4;
	[dreg:$0x0] =	wrdreg $0x0  }
0xa8: {  	s4 =	sshll.u32 s28, $0x1;
	[dreg:$0x2] =	wrdreg s2  }
0xa9: {  	[dreg:$0x3] =	wrdreg s4  }
0xaa: {  	[dreg:$0x4] =	wrdreg $0xC0  }
0xab: {  	_ =	task [dreg:s6], $0x5FFFF  }
0xac: {  	[dreg:$0x1] =	wrdreg $0xFFFFFFFF  }
0xad: {  	[dreg:$0x0] =	wrdreg $0x60  }
0xae: {  	[dreg:$0x2] =	wrdreg s24  }
0xaf: {  	[dreg:$0x3] =	wrdreg $0xD0000  }
0xb0: {  	[dreg:$0x4] =	wrdreg $0x9  }
0xb1: {  	_ =	task.clear_ibuf [dreg:s6], $0x5FFFF;
	_ =	strace $0x90000049  }
0xb2: {  	s29 =	simm.s32 $0x9;
	_ =	strace $0x8000004B  }
0xb3: {  	_ =	swait.ge [sflag:s29], $0x1  }
0xb4: {  	[sflag:s29] =	ssyncadd.s32 $0xFFFFFFFF  }
0xb5: {  	_ =	strace $0x9000004B  }
0xb6: {  	_ =	sfence  }
0xb7: {  	s30 =	sld [smem:$0x0];
	_ =	sdelay $0x2  }
0xb8: {  	s31 =	sshll.u32 s1, $0xD;
	s1 =	sshrl.u32 s1, $0x2  }
0xb9: {  	s3 =	sand.u32 $0x4000, s31;
	s1 =	sadd.s32 s1, s30  }
0xba: {  	s0 =	sor.u32 s3, s0;
	s1 =	sshll.u32 s1, $0x11  }
0xbb: {  	s0 =	sor.u32 s1, s0  }
0xbc: {  	s0 =	sadd.s32 $0x8F2B, s0  }
0xbd: {  	[sflag:s0] =	ssyncadd.remote.s32 $0x1  }
0xbe: {  	_ =	sfence.sel $0xFFFF  }
0xbf: {  	[dreg:$0x0] =	wrdreg $0xFFFFFFFF;
	(pc) =	sbr.abs _section_cstart, $3  }
0xc0: {  	[dreg:$0x1] =	wrdreg $0xFFFFFFFF  }
0xc1: {  	_ =	task.clear_ibuf [dreg:s6], $0x2FFFF;
	_ =	strace $0x9FFFFFFF  }
0xc2: {  	(tm) =	ssettm $0x7FFFFFFF  }
0xc3: {  	_ =	shalt  }
tec
execute0_lowered:
.L_overlay_start_1:
0x0: {  	(tag) =	ssettag $0x1  }
0x1: {  	s0 =	rddreg [dreg:$0x0];
	s1 =	srdreg.scid  }
0x2: {  	s2 =	rddreg [dreg:$0x1];
	s12 =	stileid.u32;
	s5 =	simm.s32 $0x0  }
0x3: {  	s13 =	simm.s32 $0x5000;
	s16 =	simm.s32 $0x9;
	s18 =	simm.s32 $0x7000  }
0x4: {  	s19 =	simm.s32 $0x2;
	s22 =	simm.s32 $0x9000;
	s28 =	simm.s32 $0x4  }
0x5: {  	s29 =	simm.s32 $0x5;
	s17 =	simm.s32 $0x8;
	s20 =	simm.s32 $0x0  }
0x6: {  	s1 =	sand.u32 $0x1, s1;
	s9 =	smul.u32 $0xA000, s12;
	[smem:$0x7FF] =	sst s5  }
0x7: {  	s7 =	sadd.s32 $0x15900, s0;
	s8 =	sadd.s32 $0xBB00, s0;
	s31 =	sshll.u32 s12, $0x6  }
0x8: {  	s3 =	sshll.u32 s1, $0x4;
	s4 =	smul.u32 $0xA0000, s1;
	_ =	strace $0x8000004A  }
0x9: {  	s1 =	ssub.s32 $0x2, s1;
	s14 =	sor.u32 $0x1C09, s31;
	s3 =	sor.u32 s12, s3  }
0xa: {  	s25 =	sshrl.u32 s1, $0x1;
	s30 =	sshrl.u32 s9, $0x3;
	s15 =	sadd.s32 s9, s2  }
0xb: {  	s12 =	simm.s32 $0x80;
	s23 =	smul.u32 $0x500, s3;
	s4 =	sadd.s32 s9, s4  }
0xc: {  	s1 =	ssub.s32 s1, s25;
	p0 =	seq.s32 s3, $0x1F;
	s15 =	sshrl.u32 s15, $0x3  }
0xd: {  	s3 =	simm.s32 $0x7;
	s24 =	sshrl.u32 s4, $0x3;
	s4 =	sadd.s32 $0x15C00, s0  }
0xe: {  	s11 =	smax.u32 s1, $0x1;
	s1 =	simm.s32 $0x6;
	s6 =	sadd.s32 s23, s0  }
0xf: {  	s10 =	sadd.s32 s24, s0;
	s9 =	sadd.s32 s4, s30;
	s23 =	simm.s32 $0x3  }
0x10: {  	s0 =	simm.s32 $0x1;
	s26 =	sadd.s32 $0xBE00, s6;
	s6 =	sadd.s32 $0x2000, s6  }
0x11: {  	s10 =	sadd.s32 $0x29C00, s10;
	[dreg:$0x3] =	wrdreg s26;
	s26 =	simm.s32 $0xB000  }
.LBB2_1:
0x12: {  	s21 =	simm.s32 @p0 $0x0;
	s24 =	simm.s32 @p0 $0x9  }
0x13: {  	[tilespmem:s21], [sflag:$0x9] =	stream.linear.gather @p0 [hbm4b:s7+s21], $0xA00, $0x38;
	[tilespmem:$0x17000] =	vst v63  }
0x14: {  	_ =	swait.ge @p0 [sflag:s24], $0xA00  }
0x15: {  	[sflag:s24] =	ssyncset.done @p0 $0x0  }
0x16: {  	s25 =	simm.s32 @p0 $0x2800;
	[sflag:s24] =	ssyncadd.s32 @p0 $0xFFFFF600  }
0x17: {  	[tilespmem:s25], [sflag:$0x9] =	stream.linear.gather @p0 [hbm4b:s8+s21], $0xA00, $0x38;
	[tilespmem:$0x17000] =	vst v63  }
0x18: {  	_ =	swait.ge @p0 [sflag:s24], $0xA00  }
0x19: {  	s21 =	simm.s32 @!p0 $0x0;
	[sflag:s24] =	ssyncset.done @p0 $0x0  }
0x1a: {  	s5 =	rddreg [dreg:$0x3];
	[sflag:s24] =	ssyncadd.s32 @p0 $0xFFFFF600;
	s24 =	simm.s32 @!p0 $0x9  }
0x1b: {  	[tilespmem:s21], [sflag:$0x9] =	stream.linear.gather @!p0 [hbm4b:s5+s21], $0x2800, $0x38;
	[tilespmem:$0x17000] =	vst v63  }
0x1c: {  	_ =	swait.ge @!p0 [sflag:s24], $0x2800  }
0x1d: {  	[sflag:s24] =	ssyncset.done @!p0 $0x0  }
0x1e: {  	s25 =	simm.s32 @!p0 $0x2800;
	[sflag:s24] =	ssyncadd.s32 @!p0 $0xFFFFD800  }
0x1f: {  	[tilespmem:s25], [sflag:$0x9] =	stream.linear.gather @!p0 [hbm4b:s6+s21], $0x2800, $0x38;
	[tilespmem:$0x17000] =	vst v63  }
0x20: {  	_ =	swait.ge @!p0 [sflag:s24], $0x2800  }
0x21: {  	[sflag:s24] =	ssyncset.done @!p0 $0x0  }
0x22: {  	[sflag:s24] =	ssyncadd.s32 @!p0 $0xFFFFD800;
	s24 =	simm.s32 $0x0  }
0x23: {  	[tilespmem:s13], [sflag:$0x1] =	stream.indirect.gather [hbm4b:s4+s12], $0x40, s24, s12, $0xb8;
	[tilespmem:$0x17000] =	vst v63  }
0x24: {  	[spmem:s15], [sflag:s14] =	dma.local [hbm:s9], $0x1400  }
0x25: {  	_ =	swait.ge [sflag:s16], $0x1400  }
0x26: {  	[sflag:s16] =	ssyncset.done $0x0  }
0x27: {  	[sflag:s16] =	ssyncadd.s32 $0xFFFFEC00  }
0x28: {  	[bflag:$0x0] =	sbarrier.arrive $0xFFFF  }
0x29: {  	_ =	swait.ge [sflag:s0], $0x2000  }
0x2a: {  	[sflag:s0] =	ssyncset.done $0x0  }
0x2b: {  	s25 =	simm.s32 $0x2800;
	[sflag:s0] =	ssyncadd.s32 $0xFFFFE000  }
0x2c: {  	[spmem:s2] =	stream.indirect.scatter.add.f32 [tilespmem:s13], [sflag:$0x5], $0x40, s25, s12, $0xb8;
	[tilespmem:$0x17000] =	vst v63  }
0x2d: {  	_ = 	snop  }
0x2e: {  	[tilespmem:s18], [sflag:$0x2] =	stream.indirect.gather [hbm4b:s4+s12], $0x40, s12, s12, $0xb8;
	[tilespmem:$0x17000] =	vst v63  }
0x2f: {  	_ =	swait.ge [sflag:s19], $0x2000  }
0x30: {  	[sflag:s19] =	ssyncset.done $0x0  }
0x31: {  	s21 =	simm.s32 $0x2880;
	[sflag:s19] =	ssyncadd.s32 $0xFFFFE000  }
0x32: {  	[spmem:s2] =	stream.indirect.scatter.add.f32 [tilespmem:s18], [sflag:$0x6], $0x40, s21, s12, $0xb8;
	[tilespmem:$0x17000] =	vst v63  }
0x33: {  	s24 =	simm.s32 $0x100  }
0x34: {  	[tilespmem:s22], [sflag:$0x3] =	stream.indirect.gather [hbm4b:s4+s12], $0x40, s24, s12, $0xb8;
	[tilespmem:$0x17000] =	vst v63  }
0x35: {  	_ =	swait.ge [sflag:s23], $0x2000  }
0x36: {  	[sflag:s23] =	ssyncset.done $0x0  }
0x37: {  	s25 =	simm.s32 $0x2900;
	[sflag:s23] =	ssyncadd.s32 $0xFFFFE000  }
0x38: {  	[spmem:s2] =	stream.indirect.scatter.add.f32 [tilespmem:s22], [sflag:$0x7], $0x40, s25, s12, $0xb8;
	[tilespmem:$0x17000] =	vst v63  }
0x39: {  	s21 =	simm.s32 $0x180  }
0x3a: {  	[tilespmem:s26], [sflag:$0x4] =	stream.indirect.gather [hbm4b:s4+s12], $0x40, s21, s12, $0xb8;
	[tilespmem:$0x17000] =	vst v63  }
0x3b: {  	_ =	swait.ge [sflag:s28], $0x2000  }
0x3c: {  	[sflag:s28] =	ssyncset.done $0x0  }
0x3d: {  	[sflag:s28] =	ssyncadd.s32 $0xFFFFE000  }
0x3e: {  	_ =	swait.ge [sflag:s29], $0x2000  }
0x3f: {  	[sflag:s29] =	ssyncset.done $0x0  }
0x40: {  	s24 =	simm.s32 $0x2980;
	[sflag:s29] =	ssyncadd.s32 $0xFFFFE000  }
0x41: {  	[spmem:s2] =	stream.indirect.scatter.add.f32 [tilespmem:s26], [sflag:$0x8], $0x40, s24, s12, $0xb8;
	[tilespmem:$0x17000] =	vst v63  }
0x42: {  	s25 =	simm.s32 $0x200  }
0x43: {  	[tilespmem:s13], [sflag:$0x1] =	stream.indirect.gather [hbm4b:s4+s12], $0x40, s25, s12, $0xb8;
	[tilespmem:$0x17000] =	vst v63  }
0x44: {  	_ =	swait.ge [sflag:s0], $0x2000  }
0x45: {  	[sflag:s0] =	ssyncset.done $0x0  }
0x46: {  	[sflag:s0] =	ssyncadd.s32 $0xFFFFE000  }
0x47: {  	_ =	swait.ge [sflag:s1], $0x2000  }
0x48: {  	[sflag:s1] =	ssyncset.done $0x0  }
0x49: {  	s5 =	simm.s32 $0x2A00;
	[sflag:s1] =	ssyncadd.s32 $0xFFFFE000  }
0x4a: {  	[spmem:s2] =	stream.indirect.scatter.add.f32 [tilespmem:s13], [sflag:$0x5], $0x40, s5, s12, $0xb8;
	[tilespmem:$0x17000] =	vst v63  }
0x4b: {  	s24 =	simm.s32 $0x280  }
0x4c: {  	[tilespmem:s18], [sflag:$0x2] =	stream.indirect.gather [hbm4b:s4+s12], $0x40, s24, s12, $0xb8;
	[tilespmem:$0x17000] =	vst v63  }
0x4d: {  	_ =	swait.ge [sflag:s19], $0x2000  }
0x4e: {  	[sflag:s19] =	ssyncset.done $0x0  }
0x4f: {  	[sflag:s19] =	ssyncadd.s32 $0xFFFFE000  }
0x50: {  	_ =	swait.ge [sflag:s3], $0x2000  }
0x51: {  	[sflag:s3] =	ssyncset.done $0x0  }
0x52: {  	s25 =	simm.s32 $0x2A80;
	[sflag:s3] =	ssyncadd.s32 $0xFFFFE000  }
0x53: {  	[spmem:s2] =	stream.indirect.scatter.add.f32 [tilespmem:s18], [sflag:$0x6], $0x40, s25, s12, $0xb8;
	[tilespmem:$0x17000] =	vst v63  }
0x54: {  	s5 =	simm.s32 $0x300  }
0x55: {  	[tilespmem:s22], [sflag:$0x3] =	stream.indirect.gather [hbm4b:s4+s12], $0x40, s5, s12, $0xb8;
	[tilespmem:$0x17000] =	vst v63  }
0x56: {  	_ =	swait.ge [sflag:s23], $0x2000  }
0x57: {  	[sflag:s23] =	ssyncset.done $0x0  }
0x58: {  	[sflag:s23] =	ssyncadd.s32 $0xFFFFE000  }
0x59: {  	_ =	swait.ge [sflag:s17], $0x2000  }
0x5a: {  	[sflag:s17] =	ssyncset.done $0x0  }
0x5b: {  	s21 =	simm.s32 @!p0 $0x14;
	s24 =	simm.s32 $0x2B00;
	[sflag:s17] =	ssyncadd.s32 $0xFFFFE000  }
0x5c: {  	[spmem:s2] =	stream.indirect.scatter.add.f32 [tilespmem:s22], [sflag:$0x7], $0x40, s24, s12, $0xb8;
	[tilespmem:$0x17000] =	vst v63  }
0x5d: {  	s21 =	simm.s32 @p0 $0x5;
	s25 =	simm.s32 $0x380  }
0x5e: {  	[tilespmem:s26], [sflag:$0x4] =	stream.indirect.gather [hbm4b:s4+s12], $0x40, s25, s12, $0xb8;
	[tilespmem:$0x17000] =	vst v63  }
0x5f: {  	s5 =	sshll.u32 s21, $0xB;
	_ =	swait.ge [sflag:s28], $0x2000  }
0x60: {  	s30 =	sadd.s32 $0xFFFFF000, s5;
	[sflag:s28] =	ssyncset.done $0x0  }
0x61: {  	p1 =	sne.s32 s30, $0x800;
	[sflag:s28] =	ssyncadd.s32 $0xFFFFE000  }
.Ltmp0:
0x62: {  	_ =	swait.ge [sflag:s29], $0x2000;
	(pc) =	sbr.rel @!p1 .LBB2_3-.Ltmp0, $4  }
0x63: {  	[sflag:s29] =	ssyncset.done $0x0  }
0x64: {  	s31 =	simm.s32 $0x400;
	s25 =	simm.s32 $0x2B80;
	[sflag:s29] =	ssyncadd.s32 $0xFFFFE000  }
0x65: {  	[spmem:s2] =	stream.indirect.scatter.add.f32 [tilespmem:s26], [sflag:$0x8], $0x40, s25, s12, $0xb8;
	[tilespmem:$0x17000] =	vst v63  }
0x66: {  	s21 =	sadd.s32 $0xFFFFFFFF, s21;
	s24 =	simm.s32 $0x800;
	s25 =	simm.s32 $0x2  }
.LBB2_2:
0x67: {  	[tilespmem:s13], [sflag:$0x1] =	stream.indirect.gather [hbm4b:s4+s12], $0x40, s31, s12, $0xb8;
	[tilespmem:$0x17000] =	vst v63  }
0x68: {  	s31 =	smov.u32 s24;
	s24 =	sadd.s32 $0x800, s24;
	_ =	swait.ge [sflag:s0], $0x2000  }
0x69: {  	p1 =	sne.s32 s30, s24;
	[sflag:s0] =	ssyncset.done $0x0  }
0x6a: {  	[sflag:s0] =	ssyncadd.s32 $0xFFFFE000  }
0x6b: {  	_ =	swait.ge [sflag:s1], $0x2000  }
0x6c: {  	s31 =	sshra.s32 s31, $0x2;
	[sflag:s1] =	ssyncset.done $0x0  }
0x6d: {  	s5 =	sadd.s32 $0x2A00, s31;
	[sflag:s1] =	ssyncadd.s32 $0xFFFFE000  }
0x6e: {  	[spmem:s2] =	stream.indirect.scatter.add.f32 [tilespmem:s13], [sflag:$0x5], $0x40, s5, s12, $0xb8;
	[tilespmem:$0x17000] =	vst v63  }
0x6f: {  	s5 =	sadd.s32 $0x280, s31  }
0x70: {  	[tilespmem:s18], [sflag:$0x2] =	stream.indirect.gather [hbm4b:s4+s12], $0x40, s5, s12, $0xb8;
	[tilespmem:$0x17000] =	vst v63  }
0x71: {  	_ =	swait.ge [sflag:s19], $0x2000  }
0x72: {  	[sflag:s19] =	ssyncset.done $0x0  }
0x73: {  	[sflag:s19] =	ssyncadd.s32 $0xFFFFE000  }
0x74: {  	_ =	swait.ge [sflag:s3], $0x2000  }
0x75: {  	[sflag:s3] =	ssyncset.done $0x0  }
0x76: {  	s5 =	sadd.s32 $0x2A80, s31;
	[sflag:s3] =	ssyncadd.s32 $0xFFFFE000  }
0x77: {  	[spmem:s2] =	stream.indirect.scatter.add.f32 [tilespmem:s18], [sflag:$0x6], $0x40, s5, s12, $0xb8;
	[tilespmem:$0x17000] =	vst v63  }
0x78: {  	s5 =	sadd.s32 $0x300, s31  }
0x79: {  	[tilespmem:s22], [sflag:$0x3] =	stream.indirect.gather [hbm4b:s4+s12], $0x40, s5, s12, $0xb8;
	[tilespmem:$0x17000] =	vst v63  }
0x7a: {  	_ =	swait.ge [sflag:s23], $0x2000  }
0x7b: {  	[sflag:s23] =	ssyncset.done $0x0  }
0x7c: {  	[sflag:s23] =	ssyncadd.s32 $0xFFFFE000  }
0x7d: {  	_ =	swait.ge [sflag:s17], $0x2000  }
0x7e: {  	[sflag:s17] =	ssyncset.done $0x0  }
0x7f: {  	s5 =	sadd.s32 $0x2B00, s31;
	[sflag:s17] =	ssyncadd.s32 $0xFFFFE000  }
0x80: {  	[spmem:s2] =	stream.indirect.scatter.add.f32 [tilespmem:s22], [sflag:$0x7], $0x40, s5, s12, $0xb8;
	[tilespmem:$0x17000] =	vst v63  }
0x81: {  	s5 =	sadd.s32 $0x380, s31  }
0x82: {  	[tilespmem:s26], [sflag:$0x4] =	stream.indirect.gather [hbm4b:s4+s12], $0x40, s5, s12, $0xb8;
	[tilespmem:$0x17000] =	vst v63  }
0x83: {  	_ =	swait.ge [sflag:s28], $0x2000  }
0x84: {  	[sflag:s28] =	ssyncset.done $0x0  }
0x85: {  	[sflag:s28] =	ssyncadd.s32 $0xFFFFE000  }
.Ltmp1:
0x86: {  	_ =	swait.ge [sflag:s29], $0x2000;
	(pc) =	sbr.rel @p1 .LBB2_2-.Ltmp1, $4  }
0x87: {  	[sflag:s29] =	ssyncset.done $0x0  }
0x88: {  	s5 =	sadd.s32 $0x2B80, s31;
	[sflag:s29] =	ssyncadd.s32 $0xFFFFE000  }
0x89: {  	[spmem:s2] =	stream.indirect.scatter.add.f32 [tilespmem:s26], [sflag:$0x8], $0x40, s5, s12, $0xb8;
	[tilespmem:$0x17000] =	vst v63  }
0x8a: {  	s25 =	sadd.s32 $0x1, s25;
	s31 =	sadd.s32 $0x400, s31  }
.LBB2_3:
0x8b: {  	[tilespmem:s13], [sflag:$0x1] =	stream.indirect.gather [hbm4b:s4+s12], $0x40, s31, s12, $0xb8;
	[tilespmem:$0x17000] =	vst v63  }
0x8c: {  	_ =	swait.ge [sflag:s0], $0x2000  }
0x8d: {  	[sflag:s0] =	ssyncset.done $0x0  }
0x8e: {  	[sflag:s0] =	ssyncadd.s32 $0xFFFFE000  }
0x8f: {  	_ =	swait.ge [sflag:s1], $0x2000  }
0x90: {  	s5 =	sshra.s32 s24, $0x2;
	[sflag:s1] =	ssyncset.done $0x0  }
0x91: {  	s30 =	sadd.s32 $0x2A00, s5;
	[sflag:s1] =	ssyncadd.s32 $0xFFFFE000  }
0x92: {  	[spmem:s2] =	stream.indirect.scatter.add.f32 [tilespmem:s13], [sflag:$0x5], $0x40, s30, s12, $0xb8;
	[tilespmem:$0x17000] =	vst v63  }
0x93: {  	s31 =	sadd.s32 $0x280, s5  }
0x94: {  	[tilespmem:s18], [sflag:$0x2] =	stream.indirect.gather [hbm4b:s4+s12], $0x40, s31, s12, $0xb8;
	[tilespmem:$0x17000] =	vst v63  }
0x95: {  	_ =	swait.ge [sflag:s19], $0x2000  }
0x96: {  	[sflag:s19] =	ssyncset.done $0x0  }
0x97: {  	[sflag:s19] =	ssyncadd.s32 $0xFFFFE000  }
0x98: {  	_ =	swait.ge [sflag:s3], $0x2000  }
0x99: {  	[sflag:s3] =	ssyncset.done $0x0  }
0x9a: {  	s31 =	sadd.s32 $0x2A80, s5;
	[sflag:s3] =	ssyncadd.s32 $0xFFFFE000  }
0x9b: {  	[spmem:s2] =	stream.indirect.scatter.add.f32 [tilespmem:s18], [sflag:$0x6], $0x40, s31, s12, $0xb8;
	[tilespmem:$0x17000] =	vst v63  }
0x9c: {  	s31 =	sadd.s32 $0x300, s5  }
0x9d: {  	[tilespmem:s22], [sflag:$0x3] =	stream.indirect.gather [hbm4b:s4+s12], $0x40, s31, s12, $0xb8;
	[tilespmem:$0x17000] =	vst v63  }
0x9e: {  	_ =	swait.ge [sflag:s23], $0x2000  }
0x9f: {  	[sflag:s23] =	ssyncset.done $0x0  }
0xa0: {  	[sflag:s23] =	ssyncadd.s32 $0xFFFFE000  }
0xa1: {  	_ =	swait.ge [sflag:s17], $0x2000  }
0xa2: {  	[sflag:s17] =	ssyncset.done $0x0  }
0xa3: {  	s31 =	sadd.s32 $0x2B00, s5;
	[sflag:s17] =	ssyncadd.s32 $0xFFFFE000  }
0xa4: {  	[spmem:s2] =	stream.indirect.scatter.add.f32 [tilespmem:s22], [sflag:$0x7], $0x40, s31, s12, $0xb8;
	[tilespmem:$0x17000] =	vst v63  }
0xa5: {  	s31 =	sadd.s32 $0x380, s5  }
0xa6: {  	[tilespmem:s26], [sflag:$0x4] =	stream.indirect.gather [hbm4b:s4+s12], $0x40, s31, s12, $0xb8;
	[tilespmem:$0x17000] =	vst v63  }
0xa7: {  	_ =	swait.ge [sflag:s28], $0x2000  }
0xa8: {  	[sflag:s28] =	ssyncset.done $0x0  }
0xa9: {  	[sflag:s28] =	ssyncadd.s32 $0xFFFFE000  }
0xaa: {  	_ =	swait.ge [sflag:s29], $0x2000  }
0xab: {  	[sflag:s29] =	ssyncset.done $0x0  }
0xac: {  	p1 =	sge.u32 s25, s21;
	s5 =	sadd.s32 $0x2B80, s5;
	[sflag:s29] =	ssyncadd.s32 $0xFFFFE000  }
0xad: {  	[spmem:s2] =	stream.indirect.scatter.add.f32 [tilespmem:s26], [sflag:$0x8], $0x40, s5, s12, $0xb8;
	[tilespmem:$0x17000] =	vst v63  }
0xae: {  	s5 =	sshra.s32 @!p1 s24, $0x2  }
0xaf: {  	s21 =	simm.s32 @!p1 $0x80;
	s24 =	simm.s32 @!p1 $0x5000;
	s5 =	sadd.s32 @!p1 $0x400, s5  }
0xb0: {  	[tilespmem:s24], [sflag:$0x1] =	stream.indirect.gather @!p1 [hbm4b:s4+s21], $0x40, s5, s21, $0xb8;
	[tilespmem:$0x17000] =	vst v63  }
0xb1: {  	_ =	swait.ge [sflag:s1], $0x2000  }
0xb2: {  	[sflag:s1] =	ssyncset.done $0x0  }
0xb3: {  	[sflag:s1] =	ssyncadd.s32 $0xFFFFE000  }
0xb4: {  	_ =	swait.ge [sflag:s3], $0x2000  }
0xb5: {  	[sflag:s3] =	ssyncset.done $0x0  }
0xb6: {  	[sflag:s3] =	ssyncadd.s32 $0xFFFFE000  }
0xb7: {  	_ =	swait.ge [sflag:s17], $0x2000  }
0xb8: {  	s20 =	sadd.s32 $0x1, s20;
	[sflag:s17] =	ssyncset.done $0x0  }
0xb9: {  	p1 =	sne.s32 s20, s11;
	[sflag:s17] =	ssyncadd.s32 $0xFFFFE000  }
.Ltmp2:
0xba: {  	[bflag:$0x0] =	sbarrier.arrive $0xFFFF;
	(pc) =	sbr.rel @p1 .LBB2_1-.Ltmp2, $4  }
0xbb: {  	[hbm:s10], [sflag:s14] =	dma.local [spmem:s15], $0x1400  }
0xbc: {  	_ =	swait.ge [sflag:s16], $0x1400  }
0xbd: {  	[sflag:s16] =	ssyncset.done $0x0  }
0xbe: {  	[sflag:s16] =	ssyncadd.s32 $0xFFFFEC00  }
0xbf: {  	_ =	sfence.sel $0x180000  }
0xc0: {  	[bflag:$0x0] =	sbarrier.arrive $0xFFFF  }
0xc1: {  	_ =	strace $0x9000004A  }
0xc2: {  	s0 =	stileid.u32;
	[bflag:$0x2] =	sbarrier.arrive $0xFFFF  }
0xc3: {  	p0 =	sne.s32 s0, $0x0;
	s0 =	rddreg [dreg:$0x2]  }
0xc4: {  	s0 =	sadd.s32 @!p0 $0x100000, s0  }
0xc5: {  	[sflag:s0] =	ssyncadd.tile.s32 @!p0 $0x1;
	_ =	shalt  }
.Lfunc_end2:
_tile_overlayer_lowered:
.L_overlay_start_2:
0xc6: {  	(tag) =	ssettag $0x2  }
0xc7: {  	s0 =	rddreg [dreg:$0x0];
	s2 =	stileid.u32  }
0xc8: {  	s1 =	rddreg [dreg:$0x1];
	p0 =	sne.s32 s2, $0x0  }
0xc9: {  	s3 =	rddreg [dreg:$0x2];
	[bflag:$0x3] =	sbarrier.arrive $0xFFFF;
	s2 =	simm.s32 @!p0 $0x1C09  }
0xca: {  	[timem:s3], [sflag:s2] =	dma.local @!p0 [hbm:s0], s1  }
0xcb: {  	s0 =	simm.s32 @!p0 $0x9  }
0xcc: {  	_ =	swait.ge @!p0 [sflag:s0], s1  }
0xcd: {  	s1 =	ssub.s32 @!p0 $0x0, s1;
	[sflag:s0] =	ssyncset.done @!p0 $0x0  }
0xce: {  	[sflag:s0] =	ssyncadd.s32 @!p0 s1  }
0xcf: {  	[bflag:$0x3] =	sbarrier.arrive $0xFFFF  }
0xd0: {  	_ =	shalt  }

// kernel: kernel.17.cloned.1.call-start
scs
__scs_entry_jumppad:
0x0: {  	(pc) =	sbr.rel $0x88, $3  }
0x1: {  	(tag) =	ssettag $0x0;
	lr =	simm.s32 $0x1  }
0x2: {  	[smem:$0x3F98] =	sst lr;
	_ =	strace $0xD0000000  }
0x3: {  	_ = 	snop  }
0x4: {  	_ = 	snop  }
0x5: {  	_ = 	snop  }
0x6: {  	_ = 	snop  }
0x7: {  	_ = 	snop  }
__scs_overlays_trampoline_lowered:
0x8: {  	[smem:$0x3FA7] =	sst s0  }
0x9: {  	[smem:$0x3FA8] =	sst s1  }
0xa: {  	[smem:$0x3FA9] =	sst s2  }
0xb: {  	[smem:$0x3FAA] =	sst s3  }
0xc: {  	[smem:$0x3FAB] =	sst s4  }
0xd: {  	[smem:$0x3FAC] =	sst s5  }
0xe: {  	[smem:$0x3FAD] =	sst s6  }
0xf: {  	[smem:$0x3FAE] =	sst s7  }
0x10: {  	[smem:$0x3FAF] =	sst s8  }
0x11: {  	[smem:$0x3FB0] =	sst s9;
	s0 =	simm.s32 @!p0 $0x0  }
0x12: {  	s1 =	sld [smem:$0x3F96];
	s0 =	simm.s32 @p0 $0x1  }
0x13: {  	[smem:$0x3FB1] =	sst s0;
	s0 =	simm.s32 @!p1 $0x0  }
0x14: {  	s2 =	sld [smem:$0x3F95];
	s0 =	simm.s32 @p1 $0x1  }
0x15: {  	[smem:$0x3FB2] =	sst s0;
	s0 =	simm.s32 @!p2 $0x0  }
0x16: {  	s3 =	sld [smem:$0x3FDB];
	s0 =	simm.s32 @p2 $0x1  }
0x17: {  	s4 =	simm.s32 $0x1BF5;
	[smem:$0x3FB4] =	sst s0  }
0x18: {  	s0 =	sld [smem:$0x3F97];
	_ =	swait.ge [sflag:s4], $0x0  }
0x19: {  	s7 =	sld [smem:$0x3F98]  }
0x1a: {  	s8 =	sadd.s32 $0xFFFFE003, lr  }
0x1b: {  	s9 =	sadd.s32 $0xFFFFFEF7, lr;
	s5 =	simm.s32 $0xFFFFFFFF;
	p2 =	slt.u32 s8, $0xFFFFF086  }
0x1c: {  	p1 =	slt.u32 s9, $0xF7A;
	s5 =	simm.s32 @!p2 $0x0  }
0x1d: {  	s5 =	simm.s32 @p1 $0x1;
	p0 =	seq.s32 s7, s2  }
0x1e: {  	s7 =	smul.u32 @!p0 $0xF7A, s2;
	p2 =	seq.s32 @!p0 s5, $0x0  }
0x1f: {  	s9 =	smul.u32 $0xF7A, s1;
	s8 =	simm.s32 @!p0 $0x1BF5;
	p2 =	por !p2, p0  }
0x20: {  	[sflag:s8] =	ssyncset.s32 @!p0 $0xFFFFF086;
	s6 =	sadd.s32 @!p0 s3, s7;
	s7 =	simm.s32 @!p0 $0x108  }
0x21: {  	s3 =	sadd.s32 s3, s9;
	s6 =	sadd.s32 @!p0 $0x88, s6;
	s7 =	simm.s32 @p2 $0x1082  }
0x22: {  	[simem:s7], [sflag:s8] =	dma.local @!p0 [hbm:s6], $0xF7A  }
0x23: {  	s9 =	sor.u32 $0xD0000000, s2;
	s6 =	simm.s32 $0x108;
	_ =	swait.ge @!p0 [sflag:s8], $0x0  }
0x24: {  	s3 =	sadd.s32 $0x88, s3;
	s6 =	simm.s32 @!p1 $0x1082;
	[sflag:s4] =	ssyncset.s32 $0xFFFFF086  }
0x25: {  	[simem:s6], [sflag:s4] =	dma.local [hbm:s3], $0xF7A  }
0x26: {  	[smem:$0x3F98] =	sst s1;
	(tag) =	ssettag s2;
	_ =	strace s9  }
0x27: {  	s1 =	sld [smem:$0x3FA8]  }
0x28: {  	s2 =	sld [smem:$0x3FA9]  }
0x29: {  	s4 =	sld [smem:$0x3FAB]  }
0x2a: {  	p0 =	seq.s32 s5, $0x0;
	s5 =	sld [smem:$0x3FAC]  }
0x2b: {  	s6 =	sld [smem:$0x3FAD]  }
0x2c: {  	s7 =	sld [smem:$0x3FAE]  }
0x2d: {  	s3 =	simm.s32 $0x108;
	s8 =	sld [smem:$0x3FAF]  }
0x2e: {  	s3 =	simm.s32 @!p0 $0x1082;
	s9 =	sld [smem:$0x3FB0]  }
0x2f: {  	lr =	sadd.s32 s0, s3;
	s0 =	sld [smem:$0x3FA7]  }
0x30: {  	s3 =	sld [smem:$0x3FAA]  }
0x31: {  	[smem:$0x3FB3] =	sst s10  }
0x32: {  	s10 =	sld [smem:$0x3FB1];
	_ =	sdelay $0x3  }
0x33: {  	p0 =	seq.s32 s10, $0x1;
	s10 =	sld [smem:$0x3FB3];
	_ =	sdelay $0x3  }
0x34: {  	[smem:$0x3FB3] =	sst s10  }
0x35: {  	s10 =	sld [smem:$0x3FB2];
	_ =	sdelay $0x3  }
0x36: {  	p1 =	seq.s32 s10, $0x1;
	s10 =	sld [smem:$0x3FB3];
	_ =	sdelay $0x3  }
0x37: {  	[smem:$0x3FB3] =	sst s10  }
0x38: {  	s10 =	sld [smem:$0x3FB4]  }
0x39: {  	_ = 	snop;
	(pc) =	sbr.ind lr, $3  }
0x3a: {  	_ = 	snop  }
0x3b: {  	_ = 	snop  }
0x3c: {  	p2 =	seq.s32 s10, $0x1;
	s10 =	sld [smem:$0x3FB3]  }
0x3d: {  	_ =	shalt  }
0x3e: {  	_ =	shalt  }
0x3f: {  	_ =	shalt  }
0x40: {  	_ =	shalt  }
0x41: {  	_ =	shalt  }
0x42: {  	_ =	shalt  }
0x43: {  	_ =	shalt  }
0x44: {  	_ =	shalt  }
0x45: {  	_ =	shalt  }
0x46: {  	_ =	shalt  }
0x47: {  	_ =	shalt  }
0x48: {  	_ =	shalt  }
0x49: {  	_ =	shalt  }
0x4a: {  	_ =	shalt  }
0x4b: {  	_ =	shalt  }
0x4c: {  	_ =	shalt  }
0x4d: {  	_ =	shalt  }
0x4e: {  	_ =	shalt  }
0x4f: {  	_ =	shalt  }
0x50: {  	_ =	shalt  }
0x51: {  	_ =	shalt  }
0x52: {  	_ =	shalt  }
0x53: {  	_ =	shalt  }
0x54: {  	_ =	shalt  }
0x55: {  	_ =	shalt  }
0x56: {  	_ =	shalt  }
0x57: {  	_ =	shalt  }
0x58: {  	_ =	shalt  }
0x59: {  	_ =	shalt  }
0x5a: {  	_ =	shalt  }
0x5b: {  	_ =	shalt  }
0x5c: {  	_ =	shalt  }
0x5d: {  	_ =	shalt  }
0x5e: {  	_ =	shalt  }
0x5f: {  	_ =	shalt  }
0x60: {  	_ =	shalt  }
0x61: {  	_ =	shalt  }
0x62: {  	_ =	shalt  }
0x63: {  	_ =	shalt  }
0x64: {  	_ =	shalt  }
0x65: {  	_ =	shalt  }
0x66: {  	_ =	shalt  }
0x67: {  	_ =	shalt  }
0x68: {  	_ =	shalt  }
0x69: {  	_ =	shalt  }
0x6a: {  	_ =	shalt  }
0x6b: {  	_ =	shalt  }
0x6c: {  	_ =	shalt  }
0x6d: {  	_ =	shalt  }
0x6e: {  	_ =	shalt  }
0x6f: {  	_ =	shalt  }
0x70: {  	_ =	shalt  }
0x71: {  	_ =	shalt  }
0x72: {  	_ =	shalt  }
0x73: {  	_ =	shalt  }
0x74: {  	_ =	shalt  }
0x75: {  	_ =	shalt  }
0x76: {  	_ =	shalt  }
0x77: {  	_ =	shalt  }
0x78: {  	_ =	shalt  }
0x79: {  	_ =	shalt  }
0x7a: {  	_ =	shalt  }
0x7b: {  	_ =	shalt  }
0x7c: {  	_ =	shalt  }
0x7d: {  	_ =	shalt  }
0x7e: {  	_ =	shalt  }
0x7f: {  	_ =	shalt  }
0x80: {  	_ =	shalt  }
0x81: {  	_ =	shalt  }
0x82: {  	_ =	shalt  }
0x83: {  	_ =	shalt  }
0x84: {  	_ =	shalt  }
0x85: {  	_ =	shalt  }
0x86: {  	_ =	shalt  }
0x87: {  	_ =	shalt  }
.Lfunc_end0:
.L_simem_size_0:
called_computation.2_lowered:
.L_overlay_start_0:
0x88: {  	s2 =	sld [smem:$0x3FD9]  }
0x89: {  	s3 =	sld [smem:$0x3FFE];
	_ =	sdelay $0x1  }
0x8a: {  	s1 =	srdreg.scid  }
0x8b: {  	s0 =	sand.u32 $0x1, s1  }
0x8c: {  	s16 =	sshll.u32 s0, $0xA;
	s2 =	sadd.s32 s3, s2  }
0x8d: {  	s2 =	sadd.s32 s2, s16  }
0x8e: {  	[smem:$0x3FBF] =	sst s2  }
0x8f: {  	_ = 	snop  }
0x90: {  	(tm) =	ssettm $0x1  }
0x91: {  	s17 =	sld [smem:$0x3FFB];
	_ =	sdelay $0x3  }
0x92: {  	_ =	strace s17  }
0x93: {  	s2 =	sld [smem:$0x3FFC];
	_ =	sdelay $0x3  }
0x94: {  	_ =	strace s2  }
0x95: {  	s2 =	sld [smem:$0x3FFD];
	_ =	sdelay $0x3  }
0x96: {  	_ =	strace s2  }
0x97: {  	_ =	strace $0x8FFFFFFF  }
0x98: {  	s18 =	sld [smem:$0x3FDB];
	_ =	sdelay $0x1  }
0x99: {  	s19 =	simm.s32 $_scs_section_size  }
0x9a: {  	s4 =	simm.s32 $_size__tile_overlayer_lowered;
	s5 =	simm.s32 $_tile_overlayer_lowered  }
0x9b: {  	s22 =	simm.s32 $0x1BFF;
	s21 =	sshll.u32 s5, $0x1;
	s2 =	sadd.s32 s19, s18  }
0x9c: {  	s6 =	simm.s32 $0x0;
	s20 =	sshll.u32 s4, $0x1;
	s4 =	sadd.s32 s21, s2  }
0x9d: {  	[timem:s6], [sflag:s22] =	dma.local [hbm:s4], s20  }
0x9e: {  	_ =	swait.ge [sflag:s22], s20  }
0x9f: {  	s3 =	ssub.s32 $0x0, s20;
	[sflag:s22] =	ssyncset.done $0x0  }
0xa0: {  	[sflag:s22] =	ssyncadd.s32 s3;
	_ =	sdelay $0x1  }
0xa1: {  	s23 =	simm.s32 $0x1B8B  }
0xa2: {  	_ =	swait.ge [sflag:s23], $0x1  }
0xa3: {  	[sflag:s23] =	ssyncset.done $0x0  }
0xa4: {  	s25 =	simm.s32 $0x1B8E;
	s24 =	sld [smem:$0x3FFE];
	[sflag:s23] =	ssyncadd.s32 $0xFFFFFFFF  }
0xa5: {  	s26 =	simm.s32 $execute0_lowered;
	[smem:$0x3FD2] =	sst s25  }
0xa6: {  	s4 =	sshll.u32 s26, $0x1;
	_ =	strace $0x8000004C;
	[dreg:$0x1] =	wrdreg $0xFFFFFFFF  }
0xa7: {  	s28 =	simm.s32 $_size_execute0_lowered;
	s2 =	sadd.s32 s2, s4;
	[dreg:$0x0] =	wrdreg $0x0  }
0xa8: {  	s4 =	sshll.u32 s28, $0x1;
	[dreg:$0x2] =	wrdreg s2  }
0xa9: {  	[dreg:$0x3] =	wrdreg s4  }
0xaa: {  	[dreg:$0x4] =	wrdreg $0xC0  }
0xab: {  	_ =	task [dreg:s6], $0x5FFFF  }
0xac: {  	[dreg:$0x1] =	wrdreg $0xFFFFFFFF  }
0xad: {  	[dreg:$0x0] =	wrdreg $0x60  }
0xae: {  	[dreg:$0x2] =	wrdreg s24  }
0xaf: {  	[dreg:$0x3] =	wrdreg $0xD0000  }
0xb0: {  	[dreg:$0x4] =	wrdreg $0x9  }
0xb1: {  	_ =	task.clear_ibuf [dreg:s6], $0x5FFFF;
	_ =	strace $0x9000004C  }
0xb2: {  	s29 =	simm.s32 $0x9;
	_ =	strace $0x8000004E  }
0xb3: {  	_ =	swait.ge [sflag:s29], $0x1  }
0xb4: {  	[sflag:s29] =	ssyncadd.s32 $0xFFFFFFFF  }
0xb5: {  	_ =	strace $0x9000004E  }
0xb6: {  	_ =	sfence  }
0xb7: {  	s30 =	sld [smem:$0x0];
	_ =	sdelay $0x2  }
0xb8: {  	s31 =	sshll.u32 s1, $0xD;
	s1 =	sshrl.u32 s1, $0x2  }
0xb9: {  	s3 =	sand.u32 $0x4000, s31;
	s1 =	sadd.s32 s1, s30  }
0xba: {  	s0 =	sor.u32 s3, s0;
	s1 =	sshll.u32 s1, $0x11  }
0xbb: {  	s0 =	sor.u32 s1, s0  }
0xbc: {  	s0 =	sadd.s32 $0x8F2B, s0  }
0xbd: {  	[sflag:s0] =	ssyncadd.remote.s32 $0x1  }
0xbe: {  	_ =	sfence.sel $0xFFFF  }
0xbf: {  	[dreg:$0x0] =	wrdreg $0xFFFFFFFF;
	(pc) =	sbr.abs _section_cstart, $3  }
0xc0: {  	[dreg:$0x1] =	wrdreg $0xFFFFFFFF  }
0xc1: {  	_ =	task.clear_ibuf [dreg:s6], $0x2FFFF;
	_ =	strace $0x9FFFFFFF  }
0xc2: {  	(tm) =	ssettm $0x7FFFFFFF  }
0xc3: {  	_ =	shalt  }
tec
execute0_lowered:
.L_overlay_start_1:
0x0: {  	(tag) =	ssettag $0x1  }
0x1: {  	s0 =	rddreg [dreg:$0x0];
	s1 =	srdreg.scid  }
0x2: {  	s2 =	rddreg [dreg:$0x1];
	s12 =	stileid.u32;
	s5 =	simm.s32 $0x0  }
0x3: {  	s13 =	simm.s32 $0x5000;
	s16 =	simm.s32 $0x9;
	s18 =	simm.s32 $0x7000  }
0x4: {  	s19 =	simm.s32 $0x2;
	s22 =	simm.s32 $0x9000;
	s28 =	simm.s32 $0x4  }
0x5: {  	s29 =	simm.s32 $0x5;
	s17 =	simm.s32 $0x8;
	s20 =	simm.s32 $0x0  }
0x6: {  	s1 =	sand.u32 $0x1, s1;
	s9 =	smul.u32 $0xA000, s12;
	[smem:$0x7FF] =	sst s5  }
0x7: {  	s7 =	sadd.s32 $0x15900, s0;
	s8 =	sadd.s32 $0xBB00, s0;
	s31 =	sshll.u32 s12, $0x6  }
0x8: {  	s3 =	sshll.u32 s1, $0x4;
	s4 =	smul.u32 $0xA0000, s1;
	_ =	strace $0x8000004D  }
0x9: {  	s1 =	ssub.s32 $0x2, s1;
	s14 =	sor.u32 $0x1C09, s31;
	s3 =	sor.u32 s12, s3  }
0xa: {  	s25 =	sshrl.u32 s1, $0x1;
	s30 =	sshrl.u32 s9, $0x3;
	s15 =	sadd.s32 s9, s2  }
0xb: {  	s12 =	simm.s32 $0x80;
	s23 =	smul.u32 $0x500, s3;
	s4 =	sadd.s32 s9, s4  }
0xc: {  	s1 =	ssub.s32 s1, s25;
	p0 =	seq.s32 s3, $0x1F;
	s15 =	sshrl.u32 s15, $0x3  }
0xd: {  	s3 =	simm.s32 $0x7;
	s24 =	sshrl.u32 s4, $0x3;
	s4 =	sadd.s32 $0x15C00, s0  }
0xe: {  	s11 =	smax.u32 s1, $0x1;
	s1 =	simm.s32 $0x6;
	s6 =	sadd.s32 s23, s0  }
0xf: {  	s10 =	sadd.s32 s24, s0;
	s9 =	sadd.s32 s4, s30;
	s23 =	simm.s32 $0x3  }
0x10: {  	s0 =	simm.s32 $0x1;
	s26 =	sadd.s32 $0xBE00, s6;
	s6 =	sadd.s32 $0x2000, s6  }
0x11: {  	s10 =	sadd.s32 $0x29C00, s10;
	[dreg:$0x3] =	wrdreg s26;
	s26 =	simm.s32 $0xB000  }
.LBB2_1:
0x12: {  	s21 =	simm.s32 @p0 $0x0;
	s24 =	simm.s32 @p0 $0x9  }
0x13: {  	[tilespmem:s21], [sflag:$0x9] =	stream.linear.gather @p0 [hbm4b:s7+s21], $0xA00, $0x38;
	[tilespmem:$0x17000] =	vst v63  }
0x14: {  	_ =	swait.ge @p0 [sflag:s24], $0xA00  }
0x15: {  	[sflag:s24] =	ssyncset.done @p0 $0x0  }
0x16: {  	s25 =	simm.s32 @p0 $0x2800;
	[sflag:s24] =	ssyncadd.s32 @p0 $0xFFFFF600  }
0x17: {  	[tilespmem:s25], [sflag:$0x9] =	stream.linear.gather @p0 [hbm4b:s8+s21], $0xA00, $0x38;
	[tilespmem:$0x17000] =	vst v63  }
0x18: {  	_ =	swait.ge @p0 [sflag:s24], $0xA00  }
0x19: {  	s21 =	simm.s32 @!p0 $0x0;
	[sflag:s24] =	ssyncset.done @p0 $0x0  }
0x1a: {  	s5 =	rddreg [dreg:$0x3];
	[sflag:s24] =	ssyncadd.s32 @p0 $0xFFFFF600;
	s24 =	simm.s32 @!p0 $0x9  }
0x1b: {  	[tilespmem:s21], [sflag:$0x9] =	stream.linear.gather @!p0 [hbm4b:s5+s21], $0x2800, $0x38;
	[tilespmem:$0x17000] =	vst v63  }
0x1c: {  	_ =	swait.ge @!p0 [sflag:s24], $0x2800  }
0x1d: {  	[sflag:s24] =	ssyncset.done @!p0 $0x0  }
0x1e: {  	s25 =	simm.s32 @!p0 $0x2800;
	[sflag:s24] =	ssyncadd.s32 @!p0 $0xFFFFD800  }
0x1f: {  	[tilespmem:s25], [sflag:$0x9] =	stream.linear.gather @!p0 [hbm4b:s6+s21], $0x2800, $0x38;
	[tilespmem:$0x17000] =	vst v63  }
0x20: {  	_ =	swait.ge @!p0 [sflag:s24], $0x2800  }
0x21: {  	[sflag:s24] =	ssyncset.done @!p0 $0x0  }
0x22: {  	[sflag:s24] =	ssyncadd.s32 @!p0 $0xFFFFD800;
	s24 =	simm.s32 $0x0  }
0x23: {  	[tilespmem:s13], [sflag:$0x1] =	stream.indirect.gather [hbm4b:s4+s12], $0x40, s24, s12, $0xb8;
	[tilespmem:$0x17000] =	vst v63  }
0x24: {  	[spmem:s15], [sflag:s14] =	dma.local [hbm:s9], $0x1400  }
0x25: {  	_ =	swait.ge [sflag:s16], $0x1400  }
0x26: {  	[sflag:s16] =	ssyncset.done $0x0  }
0x27: {  	[sflag:s16] =	ssyncadd.s32 $0xFFFFEC00  }
0x28: {  	[bflag:$0x0] =	sbarrier.arrive $0xFFFF  }
0x29: {  	_ =	swait.ge [sflag:s0], $0x2000  }
0x2a: {  	[sflag:s0] =	ssyncset.done $0x0  }
0x2b: {  	s25 =	simm.s32 $0x2800;
	[sflag:s0] =	ssyncadd.s32 $0xFFFFE000  }
0x2c: {  	[spmem:s2] =	stream.indirect.scatter.add.f32 [tilespmem:s13], [sflag:$0x5], $0x40, s25, s12, $0xb8;
	[tilespmem:$0x17000] =	vst v63  }
0x2d: {  	_ = 	snop  }
0x2e: {  	[tilespmem:s18], [sflag:$0x2] =	stream.indirect.gather [hbm4b:s4+s12], $0x40, s12, s12, $0xb8;
	[tilespmem:$0x17000] =	vst v63  }
0x2f: {  	_ =	swait.ge [sflag:s19], $0x2000  }
0x30: {  	[sflag:s19] =	ssyncset.done $0x0  }
0x31: {  	s21 =	simm.s32 $0x2880;
	[sflag:s19] =	ssyncadd.s32 $0xFFFFE000  }
0x32: {  	[spmem:s2] =	stream.indirect.scatter.add.f32 [tilespmem:s18], [sflag:$0x6], $0x40, s21, s12, $0xb8;
	[tilespmem:$0x17000] =	vst v63  }
0x33: {  	s24 =	simm.s32 $0x100  }
0x34: {  	[tilespmem:s22], [sflag:$0x3] =	stream.indirect.gather [hbm4b:s4+s12], $0x40, s24, s12, $0xb8;
	[tilespmem:$0x17000] =	vst v63  }
0x35: {  	_ =	swait.ge [sflag:s23], $0x2000  }
0x36: {  	[sflag:s23] =	ssyncset.done $0x0  }
0x37: {  	s25 =	simm.s32 $0x2900;
	[sflag:s23] =	ssyncadd.s32 $0xFFFFE000  }
0x38: {  	[spmem:s2] =	stream.indirect.scatter.add.f32 [tilespmem:s22], [sflag:$0x7], $0x40, s25, s12, $0xb8;
	[tilespmem:$0x17000] =	vst v63  }
0x39: {  	s21 =	simm.s32 $0x180  }
0x3a: {  	[tilespmem:s26], [sflag:$0x4] =	stream.indirect.gather [hbm4b:s4+s12], $0x40, s21, s12, $0xb8;
	[tilespmem:$0x17000] =	vst v63  }
0x3b: {  	_ =	swait.ge [sflag:s28], $0x2000  }
0x3c: {  	[sflag:s28] =	ssyncset.done $0x0  }
0x3d: {  	[sflag:s28] =	ssyncadd.s32 $0xFFFFE000  }
0x3e: {  	_ =	swait.ge [sflag:s29], $0x2000  }
0x3f: {  	[sflag:s29] =	ssyncset.done $0x0  }
0x40: {  	s24 =	simm.s32 $0x2980;
	[sflag:s29] =	ssyncadd.s32 $0xFFFFE000  }
0x41: {  	[spmem:s2] =	stream.indirect.scatter.add.f32 [tilespmem:s26], [sflag:$0x8], $0x40, s24, s12, $0xb8;
	[tilespmem:$0x17000] =	vst v63  }
0x42: {  	s25 =	simm.s32 $0x200  }
0x43: {  	[tilespmem:s13], [sflag:$0x1] =	stream.indirect.gather [hbm4b:s4+s12], $0x40, s25, s12, $0xb8;
	[tilespmem:$0x17000] =	vst v63  }
0x44: {  	_ =	swait.ge [sflag:s0], $0x2000  }
0x45: {  	[sflag:s0] =	ssyncset.done $0x0  }
0x46: {  	[sflag:s0] =	ssyncadd.s32 $0xFFFFE000  }
0x47: {  	_ =	swait.ge [sflag:s1], $0x2000  }
0x48: {  	[sflag:s1] =	ssyncset.done $0x0  }
0x49: {  	s5 =	simm.s32 $0x2A00;
	[sflag:s1] =	ssyncadd.s32 $0xFFFFE000  }
0x4a: {  	[spmem:s2] =	stream.indirect.scatter.add.f32 [tilespmem:s13], [sflag:$0x5], $0x40, s5, s12, $0xb8;
	[tilespmem:$0x17000] =	vst v63  }
0x4b: {  	s24 =	simm.s32 $0x280  }
0x4c: {  	[tilespmem:s18], [sflag:$0x2] =	stream.indirect.gather [hbm4b:s4+s12], $0x40, s24, s12, $0xb8;
	[tilespmem:$0x17000] =	vst v63  }
0x4d: {  	_ =	swait.ge [sflag:s19], $0x2000  }
0x4e: {  	[sflag:s19] =	ssyncset.done $0x0  }
0x4f: {  	[sflag:s19] =	ssyncadd.s32 $0xFFFFE000  }
0x50: {  	_ =	swait.ge [sflag:s3], $0x2000  }
0x51: {  	[sflag:s3] =	ssyncset.done $0x0  }
0x52: {  	s25 =	simm.s32 $0x2A80;
	[sflag:s3] =	ssyncadd.s32 $0xFFFFE000  }
0x53: {  	[spmem:s2] =	stream.indirect.scatter.add.f32 [tilespmem:s18], [sflag:$0x6], $0x40, s25, s12, $0xb8;
	[tilespmem:$0x17000] =	vst v63  }
0x54: {  	s5 =	simm.s32 $0x300  }
0x55: {  	[tilespmem:s22], [sflag:$0x3] =	stream.indirect.gather [hbm4b:s4+s12], $0x40, s5, s12, $0xb8;
	[tilespmem:$0x17000] =	vst v63  }
0x56: {  	_ =	swait.ge [sflag:s23], $0x2000  }
0x57: {  	[sflag:s23] =	ssyncset.done $0x0  }
0x58: {  	[sflag:s23] =	ssyncadd.s32 $0xFFFFE000  }
0x59: {  	_ =	swait.ge [sflag:s17], $0x2000  }
0x5a: {  	[sflag:s17] =	ssyncset.done $0x0  }
0x5b: {  	s21 =	simm.s32 @!p0 $0x14;
	s24 =	simm.s32 $0x2B00;
	[sflag:s17] =	ssyncadd.s32 $0xFFFFE000  }
0x5c: {  	[spmem:s2] =	stream.indirect.scatter.add.f32 [tilespmem:s22], [sflag:$0x7], $0x40, s24, s12, $0xb8;
	[tilespmem:$0x17000] =	vst v63  }
0x5d: {  	s21 =	simm.s32 @p0 $0x5;
	s25 =	simm.s32 $0x380  }
0x5e: {  	[tilespmem:s26], [sflag:$0x4] =	stream.indirect.gather [hbm4b:s4+s12], $0x40, s25, s12, $0xb8;
	[tilespmem:$0x17000] =	vst v63  }
0x5f: {  	s5 =	sshll.u32 s21, $0xB;
	_ =	swait.ge [sflag:s28], $0x2000  }
0x60: {  	s30 =	sadd.s32 $0xFFFFF000, s5;
	[sflag:s28] =	ssyncset.done $0x0  }
0x61: {  	p1 =	sne.s32 s30, $0x800;
	[sflag:s28] =	ssyncadd.s32 $0xFFFFE000  }
.Ltmp0:
0x62: {  	_ =	swait.ge [sflag:s29], $0x2000;
	(pc) =	sbr.rel @!p1 .LBB2_3-.Ltmp0, $4  }
0x63: {  	[sflag:s29] =	ssyncset.done $0x0  }
0x64: {  	s31 =	simm.s32 $0x400;
	s25 =	simm.s32 $0x2B80;
	[sflag:s29] =	ssyncadd.s32 $0xFFFFE000  }
0x65: {  	[spmem:s2] =	stream.indirect.scatter.add.f32 [tilespmem:s26], [sflag:$0x8], $0x40, s25, s12, $0xb8;
	[tilespmem:$0x17000] =	vst v63  }
0x66: {  	s21 =	sadd.s32 $0xFFFFFFFF, s21;
	s24 =	simm.s32 $0x800;
	s25 =	simm.s32 $0x2  }
.LBB2_2:
0x67: {  	[tilespmem:s13], [sflag:$0x1] =	stream.indirect.gather [hbm4b:s4+s12], $0x40, s31, s12, $0xb8;
	[tilespmem:$0x17000] =	vst v63  }
0x68: {  	s31 =	smov.u32 s24;
	s24 =	sadd.s32 $0x800, s24;
	_ =	swait.ge [sflag:s0], $0x2000  }
0x69: {  	p1 =	sne.s32 s30, s24;
	[sflag:s0] =	ssyncset.done $0x0  }
0x6a: {  	[sflag:s0] =	ssyncadd.s32 $0xFFFFE000  }
0x6b: {  	_ =	swait.ge [sflag:s1], $0x2000  }
0x6c: {  	s31 =	sshra.s32 s31, $0x2;
	[sflag:s1] =	ssyncset.done $0x0  }
0x6d: {  	s5 =	sadd.s32 $0x2A00, s31;
	[sflag:s1] =	ssyncadd.s32 $0xFFFFE000  }
0x6e: {  	[spmem:s2] =	stream.indirect.scatter.add.f32 [tilespmem:s13], [sflag:$0x5], $0x40, s5, s12, $0xb8;
	[tilespmem:$0x17000] =	vst v63  }
0x6f: {  	s5 =	sadd.s32 $0x280, s31  }
0x70: {  	[tilespmem:s18], [sflag:$0x2] =	stream.indirect.gather [hbm4b:s4+s12], $0x40, s5, s12, $0xb8;
	[tilespmem:$0x17000] =	vst v63  }
0x71: {  	_ =	swait.ge [sflag:s19], $0x2000  }
0x72: {  	[sflag:s19] =	ssyncset.done $0x0  }
0x73: {  	[sflag:s19] =	ssyncadd.s32 $0xFFFFE000  }
0x74: {  	_ =	swait.ge [sflag:s3], $0x2000  }
0x75: {  	[sflag:s3] =	ssyncset.done $0x0  }
0x76: {  	s5 =	sadd.s32 $0x2A80, s31;
	[sflag:s3] =	ssyncadd.s32 $0xFFFFE000  }
0x77: {  	[spmem:s2] =	stream.indirect.scatter.add.f32 [tilespmem:s18], [sflag:$0x6], $0x40, s5, s12, $0xb8;
	[tilespmem:$0x17000] =	vst v63  }
0x78: {  	s5 =	sadd.s32 $0x300, s31  }
0x79: {  	[tilespmem:s22], [sflag:$0x3] =	stream.indirect.gather [hbm4b:s4+s12], $0x40, s5, s12, $0xb8;
	[tilespmem:$0x17000] =	vst v63  }
0x7a: {  	_ =	swait.ge [sflag:s23], $0x2000  }
0x7b: {  	[sflag:s23] =	ssyncset.done $0x0  }
0x7c: {  	[sflag:s23] =	ssyncadd.s32 $0xFFFFE000  }
0x7d: {  	_ =	swait.ge [sflag:s17], $0x2000  }
0x7e: {  	[sflag:s17] =	ssyncset.done $0x0  }
0x7f: {  	s5 =	sadd.s32 $0x2B00, s31;
	[sflag:s17] =	ssyncadd.s32 $0xFFFFE000  }
0x80: {  	[spmem:s2] =	stream.indirect.scatter.add.f32 [tilespmem:s22], [sflag:$0x7], $0x40, s5, s12, $0xb8;
	[tilespmem:$0x17000] =	vst v63  }
0x81: {  	s5 =	sadd.s32 $0x380, s31  }
0x82: {  	[tilespmem:s26], [sflag:$0x4] =	stream.indirect.gather [hbm4b:s4+s12], $0x40, s5, s12, $0xb8;
	[tilespmem:$0x17000] =	vst v63  }
0x83: {  	_ =	swait.ge [sflag:s28], $0x2000  }
0x84: {  	[sflag:s28] =	ssyncset.done $0x0  }
0x85: {  	[sflag:s28] =	ssyncadd.s32 $0xFFFFE000  }
.Ltmp1:
0x86: {  	_ =	swait.ge [sflag:s29], $0x2000;
	(pc) =	sbr.rel @p1 .LBB2_2-.Ltmp1, $4  }
0x87: {  	[sflag:s29] =	ssyncset.done $0x0  }
0x88: {  	s5 =	sadd.s32 $0x2B80, s31;
	[sflag:s29] =	ssyncadd.s32 $0xFFFFE000  }
0x89: {  	[spmem:s2] =	stream.indirect.scatter.add.f32 [tilespmem:s26], [sflag:$0x8], $0x40, s5, s12, $0xb8;
	[tilespmem:$0x17000] =	vst v63  }
0x8a: {  	s25 =	sadd.s32 $0x1, s25;
	s31 =	sadd.s32 $0x400, s31  }
.LBB2_3:
0x8b: {  	[tilespmem:s13], [sflag:$0x1] =	stream.indirect.gather [hbm4b:s4+s12], $0x40, s31, s12, $0xb8;
	[tilespmem:$0x17000] =	vst v63  }
0x8c: {  	_ =	swait.ge [sflag:s0], $0x2000  }
0x8d: {  	[sflag:s0] =	ssyncset.done $0x0  }
0x8e: {  	[sflag:s0] =	ssyncadd.s32 $0xFFFFE000  }
0x8f: {  	_ =	swait.ge [sflag:s1], $0x2000  }
0x90: {  	s5 =	sshra.s32 s24, $0x2;
	[sflag:s1] =	ssyncset.done $0x0  }
0x91: {  	s30 =	sadd.s32 $0x2A00, s5;
	[sflag:s1] =	ssyncadd.s32 $0xFFFFE000  }
0x92: {  	[spmem:s2] =	stream.indirect.scatter.add.f32 [tilespmem:s13], [sflag:$0x5], $0x40, s30, s12, $0xb8;
	[tilespmem:$0x17000] =	vst v63  }
0x93: {  	s31 =	sadd.s32 $0x280, s5  }
0x94: {  	[tilespmem:s18], [sflag:$0x2] =	stream.indirect.gather [hbm4b:s4+s12], $0x40, s31, s12, $0xb8;
	[tilespmem:$0x17000] =	vst v63  }
0x95: {  	_ =	swait.ge [sflag:s19], $0x2000  }
0x96: {  	[sflag:s19] =	ssyncset.done $0x0  }
0x97: {  	[sflag:s19] =	ssyncadd.s32 $0xFFFFE000  }
0x98: {  	_ =	swait.ge [sflag:s3], $0x2000  }
0x99: {  	[sflag:s3] =	ssyncset.done $0x0  }
0x9a: {  	s31 =	sadd.s32 $0x2A80, s5;
	[sflag:s3] =	ssyncadd.s32 $0xFFFFE000  }
0x9b: {  	[spmem:s2] =	stream.indirect.scatter.add.f32 [tilespmem:s18], [sflag:$0x6], $0x40, s31, s12, $0xb8;
	[tilespmem:$0x17000] =	vst v63  }
0x9c: {  	s31 =	sadd.s32 $0x300, s5  }
0x9d: {  	[tilespmem:s22], [sflag:$0x3] =	stream.indirect.gather [hbm4b:s4+s12], $0x40, s31, s12, $0xb8;
	[tilespmem:$0x17000] =	vst v63  }
0x9e: {  	_ =	swait.ge [sflag:s23], $0x2000  }
0x9f: {  	[sflag:s23] =	ssyncset.done $0x0  }
0xa0: {  	[sflag:s23] =	ssyncadd.s32 $0xFFFFE000  }
0xa1: {  	_ =	swait.ge [sflag:s17], $0x2000  }
0xa2: {  	[sflag:s17] =	ssyncset.done $0x0  }
0xa3: {  	s31 =	sadd.s32 $0x2B00, s5;
	[sflag:s17] =	ssyncadd.s32 $0xFFFFE000  }
0xa4: {  	[spmem:s2] =	stream.indirect.scatter.add.f32 [tilespmem:s22], [sflag:$0x7], $0x40, s31, s12, $0xb8;
	[tilespmem:$0x17000] =	vst v63  }
0xa5: {  	s31 =	sadd.s32 $0x380, s5  }
0xa6: {  	[tilespmem:s26], [sflag:$0x4] =	stream.indirect.gather [hbm4b:s4+s12], $0x40, s31, s12, $0xb8;
	[tilespmem:$0x17000] =	vst v63  }
0xa7: {  	_ =	swait.ge [sflag:s28], $0x2000  }
0xa8: {  	[sflag:s28] =	ssyncset.done $0x0  }
0xa9: {  	[sflag:s28] =	ssyncadd.s32 $0xFFFFE000  }
0xaa: {  	_ =	swait.ge [sflag:s29], $0x2000  }
0xab: {  	[sflag:s29] =	ssyncset.done $0x0  }
0xac: {  	p1 =	sge.u32 s25, s21;
	s5 =	sadd.s32 $0x2B80, s5;
	[sflag:s29] =	ssyncadd.s32 $0xFFFFE000  }
0xad: {  	[spmem:s2] =	stream.indirect.scatter.add.f32 [tilespmem:s26], [sflag:$0x8], $0x40, s5, s12, $0xb8;
	[tilespmem:$0x17000] =	vst v63  }
0xae: {  	s5 =	sshra.s32 @!p1 s24, $0x2  }
0xaf: {  	s21 =	simm.s32 @!p1 $0x80;
	s24 =	simm.s32 @!p1 $0x5000;
	s5 =	sadd.s32 @!p1 $0x400, s5  }
0xb0: {  	[tilespmem:s24], [sflag:$0x1] =	stream.indirect.gather @!p1 [hbm4b:s4+s21], $0x40, s5, s21, $0xb8;
	[tilespmem:$0x17000] =	vst v63  }
0xb1: {  	_ =	swait.ge [sflag:s1], $0x2000  }
0xb2: {  	[sflag:s1] =	ssyncset.done $0x0  }
0xb3: {  	[sflag:s1] =	ssyncadd.s32 $0xFFFFE000  }
0xb4: {  	_ =	swait.ge [sflag:s3], $0x2000  }
0xb5: {  	[sflag:s3] =	ssyncset.done $0x0  }
0xb6: {  	[sflag:s3] =	ssyncadd.s32 $0xFFFFE000  }
0xb7: {  	_ =	swait.ge [sflag:s17], $0x2000  }
0xb8: {  	s20 =	sadd.s32 $0x1, s20;
	[sflag:s17] =	ssyncset.done $0x0  }
0xb9: {  	p1 =	sne.s32 s20, s11;
	[sflag:s17] =	ssyncadd.s32 $0xFFFFE000  }
.Ltmp2:
0xba: {  	[bflag:$0x0] =	sbarrier.arrive $0xFFFF;
	(pc) =	sbr.rel @p1 .LBB2_1-.Ltmp2, $4  }
0xbb: {  	[hbm:s10], [sflag:s14] =	dma.local [spmem:s15], $0x1400  }
0xbc: {  	_ =	swait.ge [sflag:s16], $0x1400  }
0xbd: {  	[sflag:s16] =	ssyncset.done $0x0  }
0xbe: {  	[sflag:s16] =	ssyncadd.s32 $0xFFFFEC00  }
0xbf: {  	_ =	sfence.sel $0x180000  }
0xc0: {  	[bflag:$0x0] =	sbarrier.arrive $0xFFFF  }
0xc1: {  	_ =	strace $0x9000004D  }
0xc2: {  	s0 =	stileid.u32;
	[bflag:$0x2] =	sbarrier.arrive $0xFFFF  }
0xc3: {  	p0 =	sne.s32 s0, $0x0;
	s0 =	rddreg [dreg:$0x2]  }
0xc4: {  	s0 =	sadd.s32 @!p0 $0x100000, s0  }
0xc5: {  	[sflag:s0] =	ssyncadd.tile.s32 @!p0 $0x1;
	_ =	shalt  }
.Lfunc_end2:
_tile_overlayer_lowered:
.L_overlay_start_2:
0xc6: {  	(tag) =	ssettag $0x2  }
0xc7: {  	s0 =	rddreg [dreg:$0x0];
	s2 =	stileid.u32  }
0xc8: {  	s1 =	rddreg [dreg:$0x1];
	p0 =	sne.s32 s2, $0x0  }
0xc9: {  	s3 =	rddreg [dreg:$0x2];
	[bflag:$0x3] =	sbarrier.arrive $0xFFFF;
	s2 =	simm.s32 @!p0 $0x1C09  }
0xca: {  	[timem:s3], [sflag:s2] =	dma.local @!p0 [hbm:s0], s1  }
0xcb: {  	s0 =	simm.s32 @!p0 $0x9  }
0xcc: {  	_ =	swait.ge @!p0 [sflag:s0], s1  }
0xcd: {  	s1 =	ssub.s32 @!p0 $0x0, s1;
	[sflag:s0] =	ssyncset.done @!p0 $0x0  }
0xce: {  	[sflag:s0] =	ssyncadd.s32 @!p0 s1  }
0xcf: {  	[bflag:$0x3] =	sbarrier.arrive $0xFFFF  }
0xd0: {  	_ =	shalt  }

// kernel: kernel.20.cloned.1.call-start
scs
__scs_entry_jumppad:
0x0: {  	(pc) =	sbr.rel $0x88, $3  }
0x1: {  	(tag) =	ssettag $0x0;
	lr =	simm.s32 $0x1  }
0x2: {  	[smem:$0x3F98] =	sst lr;
	_ =	strace $0xD0000000  }
0x3: {  	_ = 	snop  }
0x4: {  	_ = 	snop  }
0x5: {  	_ = 	snop  }
0x6: {  	_ = 	snop  }
0x7: {  	_ = 	snop  }
__scs_overlays_trampoline_lowered:
0x8: {  	[smem:$0x3FA7] =	sst s0  }
0x9: {  	[smem:$0x3FA8] =	sst s1  }
0xa: {  	[smem:$0x3FA9] =	sst s2  }
0xb: {  	[smem:$0x3FAA] =	sst s3  }
0xc: {  	[smem:$0x3FAB] =	sst s4  }
0xd: {  	[smem:$0x3FAC] =	sst s5  }
0xe: {  	[smem:$0x3FAD] =	sst s6  }
0xf: {  	[smem:$0x3FAE] =	sst s7  }
0x10: {  	[smem:$0x3FAF] =	sst s8  }
0x11: {  	[smem:$0x3FB0] =	sst s9;
	s0 =	simm.s32 @!p0 $0x0  }
0x12: {  	s1 =	sld [smem:$0x3F96];
	s0 =	simm.s32 @p0 $0x1  }
0x13: {  	[smem:$0x3FB1] =	sst s0;
	s0 =	simm.s32 @!p1 $0x0  }
0x14: {  	s2 =	sld [smem:$0x3F95];
	s0 =	simm.s32 @p1 $0x1  }
0x15: {  	[smem:$0x3FB2] =	sst s0;
	s0 =	simm.s32 @!p2 $0x0  }
0x16: {  	s3 =	sld [smem:$0x3FDB];
	s0 =	simm.s32 @p2 $0x1  }
0x17: {  	s4 =	simm.s32 $0x1BF5;
	[smem:$0x3FB4] =	sst s0  }
0x18: {  	s0 =	sld [smem:$0x3F97];
	_ =	swait.ge [sflag:s4], $0x0  }
0x19: {  	s7 =	sld [smem:$0x3F98]  }
0x1a: {  	s8 =	sadd.s32 $0xFFFFE003, lr  }
0x1b: {  	s9 =	sadd.s32 $0xFFFFFEF7, lr;
	s5 =	simm.s32 $0xFFFFFFFF;
	p2 =	slt.u32 s8, $0xFFFFF086  }
0x1c: {  	p1 =	slt.u32 s9, $0xF7A;
	s5 =	simm.s32 @!p2 $0x0  }
0x1d: {  	s5 =	simm.s32 @p1 $0x1;
	p0 =	seq.s32 s7, s2  }
0x1e: {  	s7 =	smul.u32 @!p0 $0xF7A, s2;
	p2 =	seq.s32 @!p0 s5, $0x0  }
0x1f: {  	s9 =	smul.u32 $0xF7A, s1;
	s8 =	simm.s32 @!p0 $0x1BF5;
	p2 =	por !p2, p0  }
0x20: {  	[sflag:s8] =	ssyncset.s32 @!p0 $0xFFFFF086;
	s6 =	sadd.s32 @!p0 s3, s7;
	s7 =	simm.s32 @!p0 $0x108  }
0x21: {  	s3 =	sadd.s32 s3, s9;
	s6 =	sadd.s32 @!p0 $0x88, s6;
	s7 =	simm.s32 @p2 $0x1082  }
0x22: {  	[simem:s7], [sflag:s8] =	dma.local @!p0 [hbm:s6], $0xF7A  }
0x23: {  	s9 =	sor.u32 $0xD0000000, s2;
	s6 =	simm.s32 $0x108;
	_ =	swait.ge @!p0 [sflag:s8], $0x0  }
0x24: {  	s3 =	sadd.s32 $0x88, s3;
	s6 =	simm.s32 @!p1 $0x1082;
	[sflag:s4] =	ssyncset.s32 $0xFFFFF086  }
0x25: {  	[simem:s6], [sflag:s4] =	dma.local [hbm:s3], $0xF7A  }
0x26: {  	[smem:$0x3F98] =	sst s1;
	(tag) =	ssettag s2;
	_ =	strace s9  }
0x27: {  	s1 =	sld [smem:$0x3FA8]  }
0x28: {  	s2 =	sld [smem:$0x3FA9]  }
0x29: {  	s4 =	sld [smem:$0x3FAB]  }
0x2a: {  	p0 =	seq.s32 s5, $0x0;
	s5 =	sld [smem:$0x3FAC]  }
0x2b: {  	s6 =	sld [smem:$0x3FAD]  }
0x2c: {  	s7 =	sld [smem:$0x3FAE]  }
0x2d: {  	s3 =	simm.s32 $0x108;
	s8 =	sld [smem:$0x3FAF]  }
0x2e: {  	s3 =	simm.s32 @!p0 $0x1082;
	s9 =	sld [smem:$0x3FB0]  }
0x2f: {  	lr =	sadd.s32 s0, s3;
	s0 =	sld [smem:$0x3FA7]  }
0x30: {  	s3 =	sld [smem:$0x3FAA]  }
0x31: {  	[smem:$0x3FB3] =	sst s10  }
0x32: {  	s10 =	sld [smem:$0x3FB1];
	_ =	sdelay $0x3  }
0x33: {  	p0 =	seq.s32 s10, $0x1;
	s10 =	sld [smem:$0x3FB3];
	_ =	sdelay $0x3  }
0x34: {  	[smem:$0x3FB3] =	sst s10  }
0x35: {  	s10 =	sld [smem:$0x3FB2];
	_ =	sdelay $0x3  }
0x36: {  	p1 =	seq.s32 s10, $0x1;
	s10 =	sld [smem:$0x3FB3];
	_ =	sdelay $0x3  }
0x37: {  	[smem:$0x3FB3] =	sst s10  }
0x38: {  	s10 =	sld [smem:$0x3FB4]  }
0x39: {  	_ = 	snop;
	(pc) =	sbr.ind lr, $3  }
0x3a: {  	_ = 	snop  }
0x3b: {  	_ = 	snop  }
0x3c: {  	p2 =	seq.s32 s10, $0x1;
	s10 =	sld [smem:$0x3FB3]  }
0x3d: {  	_ =	shalt  }
0x3e: {  	_ =	shalt  }
0x3f: {  	_ =	shalt  }
0x40: {  	_ =	shalt  }
0x41: {  	_ =	shalt  }
0x42: {  	_ =	shalt  }
0x43: {  	_ =	shalt  }
0x44: {  	_ =	shalt  }
0x45: {  	_ =	shalt  }
0x46: {  	_ =	shalt  }
0x47: {  	_ =	shalt  }
0x48: {  	_ =	shalt  }
0x49: {  	_ =	shalt  }
0x4a: {  	_ =	shalt  }
0x4b: {  	_ =	shalt  }
0x4c: {  	_ =	shalt  }
0x4d: {  	_ =	shalt  }
0x4e: {  	_ =	shalt  }
0x4f: {  	_ =	shalt  }
0x50: {  	_ =	shalt  }
0x51: {  	_ =	shalt  }
0x52: {  	_ =	shalt  }
0x53: {  	_ =	shalt  }
0x54: {  	_ =	shalt  }
0x55: {  	_ =	shalt  }
0x56: {  	_ =	shalt  }
0x57: {  	_ =	shalt  }
0x58: {  	_ =	shalt  }
0x59: {  	_ =	shalt  }
0x5a: {  	_ =	shalt  }
0x5b: {  	_ =	shalt  }
0x5c: {  	_ =	shalt  }
0x5d: {  	_ =	shalt  }
0x5e: {  	_ =	shalt  }
0x5f: {  	_ =	shalt  }
0x60: {  	_ =	shalt  }
0x61: {  	_ =	shalt  }
0x62: {  	_ =	shalt  }
0x63: {  	_ =	shalt  }
0x64: {  	_ =	shalt  }
0x65: {  	_ =	shalt  }
0x66: {  	_ =	shalt  }
0x67: {  	_ =	shalt  }
0x68: {  	_ =	shalt  }
0x69: {  	_ =	shalt  }
0x6a: {  	_ =	shalt  }
0x6b: {  	_ =	shalt  }
0x6c: {  	_ =	shalt  }
0x6d: {  	_ =	shalt  }
0x6e: {  	_ =	shalt  }
0x6f: {  	_ =	shalt  }
0x70: {  	_ =	shalt  }
0x71: {  	_ =	shalt  }
0x72: {  	_ =	shalt  }
0x73: {  	_ =	shalt  }
0x74: {  	_ =	shalt  }
0x75: {  	_ =	shalt  }
0x76: {  	_ =	shalt  }
0x77: {  	_ =	shalt  }
0x78: {  	_ =	shalt  }
0x79: {  	_ =	shalt  }
0x7a: {  	_ =	shalt  }
0x7b: {  	_ =	shalt  }
0x7c: {  	_ =	shalt  }
0x7d: {  	_ =	shalt  }
0x7e: {  	_ =	shalt  }
0x7f: {  	_ =	shalt  }
0x80: {  	_ =	shalt  }
0x81: {  	_ =	shalt  }
0x82: {  	_ =	shalt  }
0x83: {  	_ =	shalt  }
0x84: {  	_ =	shalt  }
0x85: {  	_ =	shalt  }
0x86: {  	_ =	shalt  }
0x87: {  	_ =	shalt  }
.Lfunc_end0:
.L_simem_size_0:
called_computation.3_lowered:
.L_overlay_start_0:
0x88: {  	s2 =	sld [smem:$0x3FD9]  }
0x89: {  	s3 =	sld [smem:$0x3FFE];
	_ =	sdelay $0x1  }
0x8a: {  	s1 =	srdreg.scid  }
0x8b: {  	s0 =	sand.u32 $0x1, s1  }
0x8c: {  	s16 =	sshll.u32 s0, $0xA;
	s2 =	sadd.s32 s3, s2  }
0x8d: {  	s2 =	sadd.s32 s2, s16  }
0x8e: {  	[smem:$0x3FBF] =	sst s2  }
0x8f: {  	_ = 	snop  }
0x90: {  	(tm) =	ssettm $0x1  }
0x91: {  	s17 =	sld [smem:$0x3FFB];
	_ =	sdelay $0x3  }
0x92: {  	_ =	strace s17  }
0x93: {  	s2 =	sld [smem:$0x3FFC];
	_ =	sdelay $0x3  }
0x94: {  	_ =	strace s2  }
0x95: {  	s2 =	sld [smem:$0x3FFD];
	_ =	sdelay $0x3  }
0x96: {  	_ =	strace s2  }
0x97: {  	_ =	strace $0x8FFFFFFF  }
0x98: {  	s18 =	sld [smem:$0x3FDB];
	_ =	sdelay $0x1  }
0x99: {  	s19 =	simm.s32 $_scs_section_size  }
0x9a: {  	s4 =	simm.s32 $_size__tile_overlayer_lowered;
	s5 =	simm.s32 $_tile_overlayer_lowered  }
0x9b: {  	s22 =	simm.s32 $0x1BFF;
	s21 =	sshll.u32 s5, $0x1;
	s2 =	sadd.s32 s19, s18  }
0x9c: {  	s6 =	simm.s32 $0x0;
	s20 =	sshll.u32 s4, $0x1;
	s4 =	sadd.s32 s21, s2  }
0x9d: {  	[timem:s6], [sflag:s22] =	dma.local [hbm:s4], s20  }
0x9e: {  	_ =	swait.ge [sflag:s22], s20  }
0x9f: {  	s3 =	ssub.s32 $0x0, s20;
	[sflag:s22] =	ssyncset.done $0x0  }
0xa0: {  	[sflag:s22] =	ssyncadd.s32 s3;
	_ =	sdelay $0x1  }
0xa1: {  	s23 =	simm.s32 $0x1B8B  }
0xa2: {  	_ =	swait.ge [sflag:s23], $0x1  }
0xa3: {  	[sflag:s23] =	ssyncset.done $0x0  }
0xa4: {  	s25 =	simm.s32 $0x1B8E;
	s24 =	sld [smem:$0x3FFE];
	[sflag:s23] =	ssyncadd.s32 $0xFFFFFFFF  }
0xa5: {  	s26 =	simm.s32 $execute0_lowered;
	[smem:$0x3FD2] =	sst s25  }
0xa6: {  	s4 =	sshll.u32 s26, $0x1;
	_ =	strace $0x8000004F;
	[dreg:$0x1] =	wrdreg $0xFFFFFFFF  }
0xa7: {  	s28 =	simm.s32 $_size_execute0_lowered;
	s2 =	sadd.s32 s2, s4;
	[dreg:$0x0] =	wrdreg $0x0  }
0xa8: {  	s4 =	sshll.u32 s28, $0x1;
	[dreg:$0x2] =	wrdreg s2  }
0xa9: {  	[dreg:$0x3] =	wrdreg s4  }
0xaa: {  	[dreg:$0x4] =	wrdreg $0xC0  }
0xab: {  	_ =	task [dreg:s6], $0x5FFFF  }
0xac: {  	[dreg:$0x1] =	wrdreg $0xFFFFFFFF  }
0xad: {  	[dreg:$0x0] =	wrdreg $0x60  }
0xae: {  	[dreg:$0x2] =	wrdreg s24  }
0xaf: {  	[dreg:$0x3] =	wrdreg $0x90000  }
0xb0: {  	[dreg:$0x4] =	wrdreg $0x9  }
0xb1: {  	_ =	task.clear_ibuf [dreg:s6], $0x5FFFF;
	_ =	strace $0x9000004F  }
0xb2: {  	s29 =	simm.s32 $0x9;
	_ =	strace $0x80000051  }
0xb3: {  	_ =	swait.ge [sflag:s29], $0x1  }
0xb4: {  	[sflag:s29] =	ssyncadd.s32 $0xFFFFFFFF  }
0xb5: {  	_ =	strace $0x90000051  }
0xb6: {  	_ =	sfence  }
0xb7: {  	s30 =	sld [smem:$0x0];
	_ =	sdelay $0x2  }
0xb8: {  	s31 =	sshll.u32 s1, $0xD;
	s1 =	sshrl.u32 s1, $0x2  }
0xb9: {  	s3 =	sand.u32 $0x4000, s31;
	s1 =	sadd.s32 s1, s30  }
0xba: {  	s0 =	sor.u32 s3, s0;
	s1 =	sshll.u32 s1, $0x11  }
0xbb: {  	s0 =	sor.u32 s1, s0  }
0xbc: {  	s0 =	sadd.s32 $0x8F2B, s0  }
0xbd: {  	[sflag:s0] =	ssyncadd.remote.s32 $0x1  }
0xbe: {  	_ =	sfence.sel $0xFFFF  }
0xbf: {  	[dreg:$0x0] =	wrdreg $0xFFFFFFFF;
	(pc) =	sbr.abs _section_cstart, $3  }
0xc0: {  	[dreg:$0x1] =	wrdreg $0xFFFFFFFF  }
0xc1: {  	_ =	task.clear_ibuf [dreg:s6], $0x2FFFF;
	_ =	strace $0x9FFFFFFF  }
0xc2: {  	(tm) =	ssettm $0x7FFFFFFF  }
0xc3: {  	_ =	shalt  }
tec
execute0_lowered:
.L_overlay_start_1:
0x0: {  	(tag) =	ssettag $0x1  }
0x1: {  	s0 =	rddreg [dreg:$0x0];
	s1 =	srdreg.scid  }
0x2: {  	s2 =	rddreg [dreg:$0x1];
	s12 =	stileid.u32;
	s5 =	simm.s32 $0x0  }
0x3: {  	s13 =	simm.s32 $0x5000;
	s16 =	simm.s32 $0x9;
	s18 =	simm.s32 $0x6000  }
0x4: {  	s19 =	simm.s32 $0x2;
	s22 =	simm.s32 $0x7000;
	s28 =	simm.s32 $0x4  }
0x5: {  	s29 =	simm.s32 $0x5;
	s17 =	simm.s32 $0x8;
	s20 =	simm.s32 $0x0  }
0x6: {  	s1 =	sand.u32 $0x1, s1;
	s9 =	smul.u32 $0x5000, s12;
	[smem:$0x7FF] =	sst s5  }
0x7: {  	s7 =	sadd.s32 $0x15900, s0;
	s8 =	sadd.s32 $0xBB00, s0;
	s31 =	sshll.u32 s12, $0x6  }
0x8: {  	s3 =	sshll.u32 s1, $0x4;
	s4 =	smul.u32 $0x50000, s1;
	_ =	strace $0x80000050  }
0x9: {  	s1 =	ssub.s32 $0x2, s1;
	s14 =	sor.u32 $0x1C09, s31;
	s3 =	sor.u32 s12, s3  }
0xa: {  	s25 =	sshrl.u32 s1, $0x1;
	s30 =	sshrl.u32 s9, $0x3;
	s15 =	sadd.s32 s9, s2  }
0xb: {  	s12 =	simm.s32 $0x80;
	s23 =	smul.u32 $0x500, s3;
	s4 =	sadd.s32 s9, s4  }
0xc: {  	s1 =	ssub.s32 s1, s25;
	p0 =	seq.s32 s3, $0x1F;
	s15 =	sshrl.u32 s15, $0x3  }
0xd: {  	s3 =	simm.s32 $0x7;
	s24 =	sshrl.u32 s4, $0x3;
	s4 =	sadd.s32 $0x15C00, s0  }
0xe: {  	s11 =	smax.u32 s1, $0x1;
	s1 =	simm.s32 $0x6;
	s6 =	sadd.s32 s23, s0  }
0xf: {  	s10 =	sadd.s32 s24, s0;
	s9 =	sadd.s32 s4, s30;
	s23 =	simm.s32 $0x3  }
0x10: {  	s0 =	simm.s32 $0x1;
	s26 =	sadd.s32 $0xBE00, s6;
	s6 =	sadd.s32 $0x2000, s6  }
0x11: {  	s10 =	sadd.s32 $0x1FC00, s10;
	[dreg:$0x3] =	wrdreg s26;
	s26 =	simm.s32 $0x8000  }
.LBB2_1:
0x12: {  	s21 =	simm.s32 @p0 $0x0;
	s24 =	simm.s32 @p0 $0x9  }
0x13: {  	[tilespmem:s21], [sflag:$0x9] =	stream.linear.gather @p0 [hbm4b:s7+s21], $0xA00, $0x38;
	[tilespmem:$0xE000] =	vst v63  }
0x14: {  	_ =	swait.ge @p0 [sflag:s24], $0xA00  }
0x15: {  	[sflag:s24] =	ssyncset.done @p0 $0x0  }
0x16: {  	s25 =	simm.s32 @p0 $0x2800;
	[sflag:s24] =	ssyncadd.s32 @p0 $0xFFFFF600  }
0x17: {  	[tilespmem:s25], [sflag:$0x9] =	stream.linear.gather @p0 [hbm4b:s8+s21], $0xA00, $0x38;
	[tilespmem:$0xE000] =	vst v63  }
0x18: {  	_ =	swait.ge @p0 [sflag:s24], $0xA00  }
0x19: {  	s21 =	simm.s32 @!p0 $0x0;
	[sflag:s24] =	ssyncset.done @p0 $0x0  }
0x1a: {  	s5 =	rddreg [dreg:$0x3];
	[sflag:s24] =	ssyncadd.s32 @p0 $0xFFFFF600;
	s24 =	simm.s32 @!p0 $0x9  }
0x1b: {  	[tilespmem:s21], [sflag:$0x9] =	stream.linear.gather @!p0 [hbm4b:s5+s21], $0x2800, $0x38;
	[tilespmem:$0xE000] =	vst v63  }
0x1c: {  	_ =	swait.ge @!p0 [sflag:s24], $0x2800  }
0x1d: {  	[sflag:s24] =	ssyncset.done @!p0 $0x0  }
0x1e: {  	s25 =	simm.s32 @!p0 $0x2800;
	[sflag:s24] =	ssyncadd.s32 @!p0 $0xFFFFD800  }
0x1f: {  	[tilespmem:s25], [sflag:$0x9] =	stream.linear.gather @!p0 [hbm4b:s6+s21], $0x2800, $0x38;
	[tilespmem:$0xE000] =	vst v63  }
0x20: {  	_ =	swait.ge @!p0 [sflag:s24], $0x2800  }
0x21: {  	[sflag:s24] =	ssyncset.done @!p0 $0x0  }
0x22: {  	[sflag:s24] =	ssyncadd.s32 @!p0 $0xFFFFD800;
	s24 =	simm.s32 $0x0  }
0x23: {  	[tilespmem:s13], [sflag:$0x1] =	stream.indirect.gather [hbm4b:s4+s12], $0x20, s24, s12, $0xb8;
	[tilespmem:$0xE000] =	vst v63  }
0x24: {  	[spmem:s15], [sflag:s14] =	dma.local [hbm:s9], $0xA00  }
0x25: {  	_ =	swait.ge [sflag:s16], $0xA00  }
0x26: {  	[sflag:s16] =	ssyncset.done $0x0  }
0x27: {  	[sflag:s16] =	ssyncadd.s32 $0xFFFFF600  }
0x28: {  	[bflag:$0x0] =	sbarrier.arrive $0xFFFF  }
0x29: {  	_ =	swait.ge [sflag:s0], $0x1000  }
0x2a: {  	[sflag:s0] =	ssyncset.done $0x0  }
0x2b: {  	s25 =	simm.s32 $0x2800;
	[sflag:s0] =	ssyncadd.s32 $0xFFFFF000  }
0x2c: {  	[spmem:s2] =	stream.indirect.scatter.add.f32 [tilespmem:s13], [sflag:$0x5], $0x20, s25, s12, $0xb8;
	[tilespmem:$0xE000] =	vst v63  }
0x2d: {  	_ = 	snop  }
0x2e: {  	[tilespmem:s18], [sflag:$0x2] =	stream.indirect.gather [hbm4b:s4+s12], $0x20, s12, s12, $0xb8;
	[tilespmem:$0xE000] =	vst v63  }
0x2f: {  	_ =	swait.ge [sflag:s19], $0x1000  }
0x30: {  	[sflag:s19] =	ssyncset.done $0x0  }
0x31: {  	s21 =	simm.s32 $0x2880;
	[sflag:s19] =	ssyncadd.s32 $0xFFFFF000  }
0x32: {  	[spmem:s2] =	stream.indirect.scatter.add.f32 [tilespmem:s18], [sflag:$0x6], $0x20, s21, s12, $0xb8;
	[tilespmem:$0xE000] =	vst v63  }
0x33: {  	s24 =	simm.s32 $0x100  }
0x34: {  	[tilespmem:s22], [sflag:$0x3] =	stream.indirect.gather [hbm4b:s4+s12], $0x20, s24, s12, $0xb8;
	[tilespmem:$0xE000] =	vst v63  }
0x35: {  	_ =	swait.ge [sflag:s23], $0x1000  }
0x36: {  	[sflag:s23] =	ssyncset.done $0x0  }
0x37: {  	s25 =	simm.s32 $0x2900;
	[sflag:s23] =	ssyncadd.s32 $0xFFFFF000  }
0x38: {  	[spmem:s2] =	stream.indirect.scatter.add.f32 [tilespmem:s22], [sflag:$0x7], $0x20, s25, s12, $0xb8;
	[tilespmem:$0xE000] =	vst v63  }
0x39: {  	s21 =	simm.s32 $0x180  }
0x3a: {  	[tilespmem:s26], [sflag:$0x4] =	stream.indirect.gather [hbm4b:s4+s12], $0x20, s21, s12, $0xb8;
	[tilespmem:$0xE000] =	vst v63  }
0x3b: {  	_ =	swait.ge [sflag:s28], $0x1000  }
0x3c: {  	[sflag:s28] =	ssyncset.done $0x0  }
0x3d: {  	[sflag:s28] =	ssyncadd.s32 $0xFFFFF000  }
0x3e: {  	_ =	swait.ge [sflag:s29], $0x1000  }
0x3f: {  	[sflag:s29] =	ssyncset.done $0x0  }
0x40: {  	s24 =	simm.s32 $0x2980;
	[sflag:s29] =	ssyncadd.s32 $0xFFFFF000  }
0x41: {  	[spmem:s2] =	stream.indirect.scatter.add.f32 [tilespmem:s26], [sflag:$0x8], $0x20, s24, s12, $0xb8;
	[tilespmem:$0xE000] =	vst v63  }
0x42: {  	s25 =	simm.s32 $0x200  }
0x43: {  	[tilespmem:s13], [sflag:$0x1] =	stream.indirect.gather [hbm4b:s4+s12], $0x20, s25, s12, $0xb8;
	[tilespmem:$0xE000] =	vst v63  }
0x44: {  	_ =	swait.ge [sflag:s0], $0x1000  }
0x45: {  	[sflag:s0] =	ssyncset.done $0x0  }
0x46: {  	[sflag:s0] =	ssyncadd.s32 $0xFFFFF000  }
0x47: {  	_ =	swait.ge [sflag:s1], $0x1000  }
0x48: {  	[sflag:s1] =	ssyncset.done $0x0  }
0x49: {  	s5 =	simm.s32 $0x2A00;
	[sflag:s1] =	ssyncadd.s32 $0xFFFFF000  }
0x4a: {  	[spmem:s2] =	stream.indirect.scatter.add.f32 [tilespmem:s13], [sflag:$0x5], $0x20, s5, s12, $0xb8;
	[tilespmem:$0xE000] =	vst v63  }
0x4b: {  	s24 =	simm.s32 $0x280  }
0x4c: {  	[tilespmem:s18], [sflag:$0x2] =	stream.indirect.gather [hbm4b:s4+s12], $0x20, s24, s12, $0xb8;
	[tilespmem:$0xE000] =	vst v63  }
0x4d: {  	_ =	swait.ge [sflag:s19], $0x1000  }
0x4e: {  	[sflag:s19] =	ssyncset.done $0x0  }
0x4f: {  	[sflag:s19] =	ssyncadd.s32 $0xFFFFF000  }
0x50: {  	_ =	swait.ge [sflag:s3], $0x1000  }
0x51: {  	[sflag:s3] =	ssyncset.done $0x0  }
0x52: {  	s25 =	simm.s32 $0x2A80;
	[sflag:s3] =	ssyncadd.s32 $0xFFFFF000  }
0x53: {  	[spmem:s2] =	stream.indirect.scatter.add.f32 [tilespmem:s18], [sflag:$0x6], $0x20, s25, s12, $0xb8;
	[tilespmem:$0xE000] =	vst v63  }
0x54: {  	s5 =	simm.s32 $0x300  }
0x55: {  	[tilespmem:s22], [sflag:$0x3] =	stream.indirect.gather [hbm4b:s4+s12], $0x20, s5, s12, $0xb8;
	[tilespmem:$0xE000] =	vst v63  }
0x56: {  	_ =	swait.ge [sflag:s23], $0x1000  }
0x57: {  	[sflag:s23] =	ssyncset.done $0x0  }
0x58: {  	[sflag:s23] =	ssyncadd.s32 $0xFFFFF000  }
0x59: {  	_ =	swait.ge [sflag:s17], $0x1000  }
0x5a: {  	[sflag:s17] =	ssyncset.done $0x0  }
0x5b: {  	s21 =	simm.s32 @!p0 $0x14;
	s24 =	simm.s32 $0x2B00;
	[sflag:s17] =	ssyncadd.s32 $0xFFFFF000  }
0x5c: {  	[spmem:s2] =	stream.indirect.scatter.add.f32 [tilespmem:s22], [sflag:$0x7], $0x20, s24, s12, $0xb8;
	[tilespmem:$0xE000] =	vst v63  }
0x5d: {  	s21 =	simm.s32 @p0 $0x5;
	s25 =	simm.s32 $0x380  }
0x5e: {  	[tilespmem:s26], [sflag:$0x4] =	stream.indirect.gather [hbm4b:s4+s12], $0x20, s25, s12, $0xb8;
	[tilespmem:$0xE000] =	vst v63  }
0x5f: {  	s5 =	sshll.u32 s21, $0xB;
	_ =	swait.ge [sflag:s28], $0x1000  }
0x60: {  	s30 =	sadd.s32 $0xFFFFF000, s5;
	[sflag:s28] =	ssyncset.done $0x0  }
0x61: {  	p1 =	sne.s32 s30, $0x800;
	[sflag:s28] =	ssyncadd.s32 $0xFFFFF000  }
.Ltmp0:
0x62: {  	_ =	swait.ge [sflag:s29], $0x1000;
	(pc) =	sbr.rel @!p1 .LBB2_3-.Ltmp0, $4  }
0x63: {  	[sflag:s29] =	ssyncset.done $0x0  }
0x64: {  	s31 =	simm.s32 $0x400;
	s25 =	simm.s32 $0x2B80;
	[sflag:s29] =	ssyncadd.s32 $0xFFFFF000  }
0x65: {  	[spmem:s2] =	stream.indirect.scatter.add.f32 [tilespmem:s26], [sflag:$0x8], $0x20, s25, s12, $0xb8;
	[tilespmem:$0xE000] =	vst v63  }
0x66: {  	s21 =	sadd.s32 $0xFFFFFFFF, s21;
	s24 =	simm.s32 $0x800;
	s25 =	simm.s32 $0x2  }
.LBB2_2:
0x67: {  	[tilespmem:s13], [sflag:$0x1] =	stream.indirect.gather [hbm4b:s4+s12], $0x20, s31, s12, $0xb8;
	[tilespmem:$0xE000] =	vst v63  }
0x68: {  	s31 =	smov.u32 s24;
	s24 =	sadd.s32 $0x800, s24;
	_ =	swait.ge [sflag:s0], $0x1000  }
0x69: {  	p1 =	sne.s32 s30, s24;
	[sflag:s0] =	ssyncset.done $0x0  }
0x6a: {  	[sflag:s0] =	ssyncadd.s32 $0xFFFFF000  }
0x6b: {  	_ =	swait.ge [sflag:s1], $0x1000  }
0x6c: {  	s31 =	sshra.s32 s31, $0x2;
	[sflag:s1] =	ssyncset.done $0x0  }
0x6d: {  	s5 =	sadd.s32 $0x2A00, s31;
	[sflag:s1] =	ssyncadd.s32 $0xFFFFF000  }
0x6e: {  	[spmem:s2] =	stream.indirect.scatter.add.f32 [tilespmem:s13], [sflag:$0x5], $0x20, s5, s12, $0xb8;
	[tilespmem:$0xE000] =	vst v63  }
0x6f: {  	s5 =	sadd.s32 $0x280, s31  }
0x70: {  	[tilespmem:s18], [sflag:$0x2] =	stream.indirect.gather [hbm4b:s4+s12], $0x20, s5, s12, $0xb8;
	[tilespmem:$0xE000] =	vst v63  }
0x71: {  	_ =	swait.ge [sflag:s19], $0x1000  }
0x72: {  	[sflag:s19] =	ssyncset.done $0x0  }
0x73: {  	[sflag:s19] =	ssyncadd.s32 $0xFFFFF000  }
0x74: {  	_ =	swait.ge [sflag:s3], $0x1000  }
0x75: {  	[sflag:s3] =	ssyncset.done $0x0  }
0x76: {  	s5 =	sadd.s32 $0x2A80, s31;
	[sflag:s3] =	ssyncadd.s32 $0xFFFFF000  }
0x77: {  	[spmem:s2] =	stream.indirect.scatter.add.f32 [tilespmem:s18], [sflag:$0x6], $0x20, s5, s12, $0xb8;
	[tilespmem:$0xE000] =	vst v63  }
0x78: {  	s5 =	sadd.s32 $0x300, s31  }
0x79: {  	[tilespmem:s22], [sflag:$0x3] =	stream.indirect.gather [hbm4b:s4+s12], $0x20, s5, s12, $0xb8;
	[tilespmem:$0xE000] =	vst v63  }
0x7a: {  	_ =	swait.ge [sflag:s23], $0x1000  }
0x7b: {  	[sflag:s23] =	ssyncset.done $0x0  }
0x7c: {  	[sflag:s23] =	ssyncadd.s32 $0xFFFFF000  }
0x7d: {  	_ =	swait.ge [sflag:s17], $0x1000  }
0x7e: {  	[sflag:s17] =	ssyncset.done $0x0  }
0x7f: {  	s5 =	sadd.s32 $0x2B00, s31;
	[sflag:s17] =	ssyncadd.s32 $0xFFFFF000  }
0x80: {  	[spmem:s2] =	stream.indirect.scatter.add.f32 [tilespmem:s22], [sflag:$0x7], $0x20, s5, s12, $0xb8;
	[tilespmem:$0xE000] =	vst v63  }
0x81: {  	s5 =	sadd.s32 $0x380, s31  }
0x82: {  	[tilespmem:s26], [sflag:$0x4] =	stream.indirect.gather [hbm4b:s4+s12], $0x20, s5, s12, $0xb8;
	[tilespmem:$0xE000] =	vst v63  }
0x83: {  	_ =	swait.ge [sflag:s28], $0x1000  }
0x84: {  	[sflag:s28] =	ssyncset.done $0x0  }
0x85: {  	[sflag:s28] =	ssyncadd.s32 $0xFFFFF000  }
.Ltmp1:
0x86: {  	_ =	swait.ge [sflag:s29], $0x1000;
	(pc) =	sbr.rel @p1 .LBB2_2-.Ltmp1, $4  }
0x87: {  	[sflag:s29] =	ssyncset.done $0x0  }
0x88: {  	s5 =	sadd.s32 $0x2B80, s31;
	[sflag:s29] =	ssyncadd.s32 $0xFFFFF000  }
0x89: {  	[spmem:s2] =	stream.indirect.scatter.add.f32 [tilespmem:s26], [sflag:$0x8], $0x20, s5, s12, $0xb8;
	[tilespmem:$0xE000] =	vst v63  }
0x8a: {  	s25 =	sadd.s32 $0x1, s25;
	s31 =	sadd.s32 $0x400, s31  }
.LBB2_3:
0x8b: {  	[tilespmem:s13], [sflag:$0x1] =	stream.indirect.gather [hbm4b:s4+s12], $0x20, s31, s12, $0xb8;
	[tilespmem:$0xE000] =	vst v63  }
0x8c: {  	_ =	swait.ge [sflag:s0], $0x1000  }
0x8d: {  	[sflag:s0] =	ssyncset.done $0x0  }
0x8e: {  	[sflag:s0] =	ssyncadd.s32 $0xFFFFF000  }
0x8f: {  	_ =	swait.ge [sflag:s1], $0x1000  }
0x90: {  	s5 =	sshra.s32 s24, $0x2;
	[sflag:s1] =	ssyncset.done $0x0  }
0x91: {  	s30 =	sadd.s32 $0x2A00, s5;
	[sflag:s1] =	ssyncadd.s32 $0xFFFFF000  }
0x92: {  	[spmem:s2] =	stream.indirect.scatter.add.f32 [tilespmem:s13], [sflag:$0x5], $0x20, s30, s12, $0xb8;
	[tilespmem:$0xE000] =	vst v63  }
0x93: {  	s31 =	sadd.s32 $0x280, s5  }
0x94: {  	[tilespmem:s18], [sflag:$0x2] =	stream.indirect.gather [hbm4b:s4+s12], $0x20, s31, s12, $0xb8;
	[tilespmem:$0xE000] =	vst v63  }
0x95: {  	_ =	swait.ge [sflag:s19], $0x1000  }
0x96: {  	[sflag:s19] =	ssyncset.done $0x0  }
0x97: {  	[sflag:s19] =	ssyncadd.s32 $0xFFFFF000  }
0x98: {  	_ =	swait.ge [sflag:s3], $0x1000  }
0x99: {  	[sflag:s3] =	ssyncset.done $0x0  }
0x9a: {  	s31 =	sadd.s32 $0x2A80, s5;
	[sflag:s3] =	ssyncadd.s32 $0xFFFFF000  }
0x9b: {  	[spmem:s2] =	stream.indirect.scatter.add.f32 [tilespmem:s18], [sflag:$0x6], $0x20, s31, s12, $0xb8;
	[tilespmem:$0xE000] =	vst v63  }
0x9c: {  	s31 =	sadd.s32 $0x300, s5  }
0x9d: {  	[tilespmem:s22], [sflag:$0x3] =	stream.indirect.gather [hbm4b:s4+s12], $0x20, s31, s12, $0xb8;
	[tilespmem:$0xE000] =	vst v63  }
0x9e: {  	_ =	swait.ge [sflag:s23], $0x1000  }
0x9f: {  	[sflag:s23] =	ssyncset.done $0x0  }
0xa0: {  	[sflag:s23] =	ssyncadd.s32 $0xFFFFF000  }
0xa1: {  	_ =	swait.ge [sflag:s17], $0x1000  }
0xa2: {  	[sflag:s17] =	ssyncset.done $0x0  }
0xa3: {  	s31 =	sadd.s32 $0x2B00, s5;
	[sflag:s17] =	ssyncadd.s32 $0xFFFFF000  }
0xa4: {  	[spmem:s2] =	stream.indirect.scatter.add.f32 [tilespmem:s22], [sflag:$0x7], $0x20, s31, s12, $0xb8;
	[tilespmem:$0xE000] =	vst v63  }
0xa5: {  	s31 =	sadd.s32 $0x380, s5  }
0xa6: {  	[tilespmem:s26], [sflag:$0x4] =	stream.indirect.gather [hbm4b:s4+s12], $0x20, s31, s12, $0xb8;
	[tilespmem:$0xE000] =	vst v63  }
0xa7: {  	_ =	swait.ge [sflag:s28], $0x1000  }
0xa8: {  	[sflag:s28] =	ssyncset.done $0x0  }
0xa9: {  	[sflag:s28] =	ssyncadd.s32 $0xFFFFF000  }
0xaa: {  	_ =	swait.ge [sflag:s29], $0x1000  }
0xab: {  	[sflag:s29] =	ssyncset.done $0x0  }
0xac: {  	p1 =	sge.u32 s25, s21;
	s5 =	sadd.s32 $0x2B80, s5;
	[sflag:s29] =	ssyncadd.s32 $0xFFFFF000  }
0xad: {  	[spmem:s2] =	stream.indirect.scatter.add.f32 [tilespmem:s26], [sflag:$0x8], $0x20, s5, s12, $0xb8;
	[tilespmem:$0xE000] =	vst v63  }
0xae: {  	s5 =	sshra.s32 @!p1 s24, $0x2  }
0xaf: {  	s21 =	simm.s32 @!p1 $0x80;
	s24 =	simm.s32 @!p1 $0x5000;
	s5 =	sadd.s32 @!p1 $0x400, s5  }
0xb0: {  	[tilespmem:s24], [sflag:$0x1] =	stream.indirect.gather @!p1 [hbm4b:s4+s21], $0x20, s5, s21, $0xb8;
	[tilespmem:$0xE000] =	vst v63  }
0xb1: {  	_ =	swait.ge [sflag:s1], $0x1000  }
0xb2: {  	[sflag:s1] =	ssyncset.done $0x0  }
0xb3: {  	[sflag:s1] =	ssyncadd.s32 $0xFFFFF000  }
0xb4: {  	_ =	swait.ge [sflag:s3], $0x1000  }
0xb5: {  	[sflag:s3] =	ssyncset.done $0x0  }
0xb6: {  	[sflag:s3] =	ssyncadd.s32 $0xFFFFF000  }
0xb7: {  	_ =	swait.ge [sflag:s17], $0x1000  }
0xb8: {  	s20 =	sadd.s32 $0x1, s20;
	[sflag:s17] =	ssyncset.done $0x0  }
0xb9: {  	p1 =	sne.s32 s20, s11;
	[sflag:s17] =	ssyncadd.s32 $0xFFFFF000  }
.Ltmp2:
0xba: {  	[bflag:$0x0] =	sbarrier.arrive $0xFFFF;
	(pc) =	sbr.rel @p1 .LBB2_1-.Ltmp2, $4  }
0xbb: {  	[hbm:s10], [sflag:s14] =	dma.local [spmem:s15], $0xA00  }
0xbc: {  	_ =	swait.ge [sflag:s16], $0xA00  }
0xbd: {  	[sflag:s16] =	ssyncset.done $0x0  }
0xbe: {  	[sflag:s16] =	ssyncadd.s32 $0xFFFFF600  }
0xbf: {  	_ =	sfence.sel $0x180000  }
0xc0: {  	[bflag:$0x0] =	sbarrier.arrive $0xFFFF  }
0xc1: {  	_ =	strace $0x90000050  }
0xc2: {  	s0 =	stileid.u32;
	[bflag:$0x2] =	sbarrier.arrive $0xFFFF  }
0xc3: {  	p0 =	sne.s32 s0, $0x0;
	s0 =	rddreg [dreg:$0x2]  }
0xc4: {  	s0 =	sadd.s32 @!p0 $0x100000, s0  }
0xc5: {  	[sflag:s0] =	ssyncadd.tile.s32 @!p0 $0x1;
	_ =	shalt  }
.Lfunc_end2:
_tile_overlayer_lowered:
.L_overlay_start_2:
0xc6: {  	(tag) =	ssettag $0x2  }
0xc7: {  	s0 =	rddreg [dreg:$0x0];
	s2 =	stileid.u32  }
0xc8: {  	s1 =	rddreg [dreg:$0x1];
	p0 =	sne.s32 s2, $0x0  }
0xc9: {  	s3 =	rddreg [dreg:$0x2];
	[bflag:$0x3] =	sbarrier.arrive $0xFFFF;
	s2 =	simm.s32 @!p0 $0x1C09  }
0xca: {  	[timem:s3], [sflag:s2] =	dma.local @!p0 [hbm:s0], s1  }
0xcb: {  	s0 =	simm.s32 @!p0 $0x9  }
0xcc: {  	_ =	swait.ge @!p0 [sflag:s0], s1  }
0xcd: {  	s1 =	ssub.s32 @!p0 $0x0, s1;
	[sflag:s0] =	ssyncset.done @!p0 $0x0  }
0xce: {  	[sflag:s0] =	ssyncadd.s32 @!p0 s1  }
0xcf: {  	[bflag:$0x3] =	sbarrier.arrive $0xFFFF  }
0xd0: {  	_ =	shalt  }

</sc_bundles>
